<compile_context>
chip_gen: v7x
topology: tpu7x:2x2x1
jax: 0.10.2.dev20260603
libtpu: 0.0.44.dev20260713+nightly
codegen_flags: <defaults>
</compile_context>

<pallas_src>
import dataclasses
import functools

import jax
import jax.numpy as jnp
from jax import lax
from jax.experimental import pallas as pl
from jax.experimental.pallas import tpu as pltpu
from jax.experimental.pallas import tpu_sc as plsc

N = 10000
E = 320000
D = 128
NC = 2
NS = 16
NW = NC * NS
EW = E // NW
G = 100
GP = 112
NG = EW // G
NCH = 10
GCH = NG // NCH
NPAIR = GCH // 2
DPAD = 10240
TB = 1000



def _proj_body(h_ref, w_ref, av_ref, z_ref, s_ref):
    z = jnp.dot(h_ref[...], w_ref[...], preferred_element_type=jnp.float32)
    z_ref[...] = z
    s_ref[...] = jnp.dot(z, av_ref[...], preferred_element_type=jnp.float32)


def _proj(h, w, av):
    return pl.pallas_call(
        _proj_body,
        grid=(N // TB,),
        in_specs=[
            pl.BlockSpec((TB, D), lambda i: (i, 0)),
            pl.BlockSpec((D, D), lambda i: (0, 0)),
            pl.BlockSpec((D, 2), lambda i: (0, 0)),
        ],
        out_specs=[
            pl.BlockSpec((TB, D), lambda i: (i, 0)),
            pl.BlockSpec((TB, 2), lambda i: (i, 0)),
        ],
        out_shape=[
            jax.ShapeDtypeStruct((N, D), jnp.float32),
            jax.ShapeDtypeStruct((N, 2), jnp.float32),
        ],
    )(h, w, av)


def _mid_body(acc_ref, den_ref, w_ref, av_ref, z_ref, s_ref):
    acc = acc_ref[0] + acc_ref[1]
    d = den_ref[...]
    den = d[0, 0, 0] + d[1, 0, 0] + 1e-9
    h = jnp.maximum(acc / den[:, None], 0.0)
    z = jnp.dot(h, w_ref[...], preferred_element_type=jnp.float32)
    z_ref[...] = z
    s_ref[...] = jnp.dot(z, av_ref[...], preferred_element_type=jnp.float32)


def _mid(acc, den, w, av):
    return pl.pallas_call(
        _mid_body,
        grid=(N // TB,),
        in_specs=[
            pl.BlockSpec((NC, TB, D), lambda i: (0, i, 0)),
            pl.BlockSpec((NC, 1, 1, TB), lambda i: (0, i, 0, 0)),
            pl.BlockSpec((D, D), lambda i: (0, 0)),
            pl.BlockSpec((D, 2), lambda i: (0, 0)),
        ],
        out_specs=[
            pl.BlockSpec((TB, D), lambda i: (i, 0)),
            pl.BlockSpec((TB, 2), lambda i: (i, 0)),
        ],
        out_shape=[
            jax.ShapeDtypeStruct((N, D), jnp.float32),
            jax.ShapeDtypeStruct((N, 2), jnp.float32),
        ],
    )(acc, den, w, av)


def _fin_body(acc_ref, den_ref, out_ref):
    acc = acc_ref[0] + acc_ref[1]
    d = den_ref[...]
    den = d[0, 0, 0] + d[1, 0, 0] + 1e-9
    out_ref[...] = acc / den[:, None]


def _fin(acc, den):
    return pl.pallas_call(
        _fin_body,
        grid=(N // TB,),
        in_specs=[
            pl.BlockSpec((NC, TB, D), lambda i: (0, i, 0)),
            pl.BlockSpec((NC, 1, 1, TB), lambda i: (0, i, 0, 0)),
        ],
        out_specs=pl.BlockSpec((TB, D), lambda i: (i, 0)),
        out_shape=jax.ShapeDtypeStruct((N, D), jnp.float32),
    )(acc, den)



def _sc_body(z_hbm, s1_hbm, s2_hbm, src_hbm, dst_hbm,
             accum_hbm, denom_hbm,
             src_c, dst_c, s1a, s2a, wa, rows_a, s1b, s2b, wb, rows_b,
             accum_sh, denom_sh, sem_ga, sem_gb, sem_sa, sem_sb):
    c = lax.axis_index("c")
    s = lax.axis_index("s")
    wid = c * NS + s

    @pl.loop(0, G)
    def _(i):
        for j in range(D // 16):
            rows_a[i, pl.ds(j * 16, 16)] = jnp.zeros((16,), jnp.float32)

    for l in range(GP // 16):
        wa[pl.ds(l * 16, 16)] = jnp.zeros((16,), jnp.float32)

    @pl.loop(0, 8)
    def _(k):
        pltpu.sync_copy(rows_a.at[pl.ds(0, 80)],
                        accum_sh.at[pl.ds(s * 640 + k * 80, 80)])
        pltpu.sync_copy(wa.at[pl.ds(0, 80)],
                        denom_sh.at[pl.ds(s * 640 + k * 80, 80)])

    plsc.subcore_barrier()

    def _issue_gather(g, s1x, s2x, rowsx, sem):
        pltpu.async_copy(s1_hbm.at[src_c.at[g]], s1x.at[pl.ds(0, G)], sem)
        pltpu.async_copy(s2_hbm.at[dst_c.at[g]], s2x.at[pl.ds(0, G)], sem)
        pltpu.async_copy(z_hbm.at[src_c.at[g]], rowsx, sem)

    def _wait_gather(g, s1x, s2x, rowsx, sem):
        pltpu.make_async_copy(s1_hbm.at[src_c.at[g]],
                              s1x.at[pl.ds(0, G)], sem).wait()
        pltpu.make_async_copy(s2_hbm.at[dst_c.at[g]],
                              s2x.at[pl.ds(0, G)], sem).wait()
        pltpu.make_async_copy(z_hbm.at[src_c.at[g]], rowsx, sem).wait()

    def _compute_w(s1x, s2x, wx):
        for l in range(GP // 16):
            sl = pl.ds(l * 16, 16)
            e = s1x[sl] + s2x[sl]
            e = jnp.maximum(e, e * 0.2)
            wx[pl.ds(l * 16, 16)] = jnp.exp(e)

    def _scale_rows(wx, rowsx):
        @pl.loop(0, G // 16)
        def _(t):
            wv = wx[pl.ds(t * 16, 16)]
            for i in range(16):
                ws = wv[i]
                for j in range(D // 16):
                    sl2 = (t * 16 + i, pl.ds(j * 16, 16))
                    rowsx[sl2] = rowsx[sl2] * ws

        wv = wx[pl.ds((G // 16) * 16, 16)]
        for i in range(G - (G // 16) * 16):
            ws = wv[i]
            for j in range(D // 16):
                sl2 = ((G // 16) * 16 + i, pl.ds(j * 16, 16))
                rowsx[sl2] = rowsx[sl2] * ws

    def _issue_scatter_w(g, wx, sem):
        pltpu.async_copy(wx.at[pl.ds(0, G)], denom_sh.at[dst_c.at[g]],
                         sem, add=True)

    def _issue_scatter_rows(g, rowsx, sem):
        pltpu.async_copy(rowsx, accum_sh.at[dst_c.at[g]], sem, add=True)

    def _wait_scatter(g, rowsx, wx, sem):
        pltpu.make_async_copy(rowsx, accum_sh.at[dst_c.at[g]], sem).wait()
        pltpu.make_async_copy(wx.at[pl.ds(0, G)],
                              denom_sh.at[dst_c.at[g]], sem).wait()

    @pl.loop(0, NCH)
    def _(cc):
        pltpu.sync_copy(src_hbm.at[wid, cc], src_c)
        pltpu.sync_copy(dst_hbm.at[wid, cc], dst_c)
        _issue_gather(0, s1a, s2a, rows_a, sem_ga)

        @pl.loop(0, NPAIR)
        def _(k):
            g0 = 2 * k
            g1 = g0 + 1
            _issue_gather(g1, s1b, s2b, rows_b, sem_gb)
            _wait_gather(g0, s1a, s2a, rows_a, sem_ga)
            _compute_w(s1a, s2a, wa)
            _scale_rows(wa, rows_a)
            _issue_scatter_rows(g0, rows_a, sem_sa)
            _issue_scatter_w(g0, wa, sem_sa)
            _wait_gather(g1, s1b, s2b, rows_b, sem_gb)
            _compute_w(s1b, s2b, wb)
            _scale_rows(wb, rows_b)
            _issue_scatter_rows(g1, rows_b, sem_sb)
            _issue_scatter_w(g1, wb, sem_sb)
            _wait_scatter(g0, rows_a, wa, sem_sa)

            @pl.when(k < NPAIR - 1)
            def _():
                _issue_gather(g0 + 2, s1a, s2a, rows_a, sem_ga)

            _wait_scatter(g1, rows_b, wb, sem_sb)

    plsc.subcore_barrier()

    pltpu.sync_copy(accum_sh.at[pl.ds(s * 640, 640)],
                    accum_hbm.at[c, pl.ds(s * 640, 640)])
    pltpu.sync_copy(denom_sh.at[pl.ds(s * 640, 640)],
                    denom_hbm.at[c, pl.ds(s * 640, 640)])


@jax.jit
def _sc_edge(z, s1, s2, src3, dst3):
    mesh = plsc.VectorSubcoreMesh(core_axis_name="c", subcore_axis_name="s")
    cp = pltpu.CompilerParams()
    if "needs_layout_passes" in pltpu.CompilerParams.__dataclass_fields__:
        cp = dataclasses.replace(cp, needs_layout_passes=False)
    k = pl.kernel(
        _sc_body,
        out_type=[
            jax.ShapeDtypeStruct((NC, DPAD, D), jnp.float32),
            jax.ShapeDtypeStruct((NC, DPAD), jnp.float32),
        ],
        mesh=mesh,
        scratch_types=[
            pltpu.VMEM((GCH, G), jnp.int32),
            pltpu.VMEM((GCH, G), jnp.int32),
            pltpu.VMEM((GP,), jnp.float32),
            pltpu.VMEM((GP,), jnp.float32),
            pltpu.VMEM((GP,), jnp.float32),
            pltpu.VMEM((G, D), jnp.float32),
            pltpu.VMEM((GP,), jnp.float32),
            pltpu.VMEM((GP,), jnp.float32),
            pltpu.VMEM((GP,), jnp.float32),
            pltpu.VMEM((G, D), jnp.float32),
            pltpu.VMEM_SHARED((DPAD, D), jnp.float32),
            pltpu.VMEM_SHARED((DPAD,), jnp.float32),
            pltpu.SemaphoreType.DMA,
            pltpu.SemaphoreType.DMA,
            pltpu.SemaphoreType.DMA,
            pltpu.SemaphoreType.DMA,
        ],
        compiler_params=cp,
    )
    return k(z, s1, s2, src3, dst3)



def kernel(feature, edge_index, W1, a1, W2, a2):
    src3 = edge_index[0].astype(jnp.int32).reshape(NW, NCH, GCH, G)
    dst3 = edge_index[1].astype(jnp.int32).reshape(NW, NCH, GCH, G)
    av1 = jnp.stack([a1[:D], a1[D:]], axis=1)
    av2 = jnp.stack([a2[:D], a2[D:]], axis=1)

    z1, s1 = _proj(feature, W1, av1)
    acc1, den1 = _sc_edge(z1, s1[:, 0] + 0.0,
                          s1[:, 1] + 0.0, src3, dst3)
    z2, s2 = _mid(acc1, den1[:, :N].reshape(NC, N // TB, 1, TB), W2, av2)
    acc2, den2 = _sc_edge(z2, s2[:, 0] + 0.0,
                          s2[:, 1] + 0.0, src3, dst3)
    return _fin(acc2, den2[:, :N].reshape(NC, N // TB, 1, TB))

# --- scband reference (transcript-rebuilt; emitter-appended) ---
"""Pipeline reference for scband-gratv2-27642409517706 (READ-ONLY COPY).

The authoritative reference and input builder live on the scoring server;
editing this copy changes nothing except your own understanding.
"""

import jax, jax.numpy as jnp
import numpy as np

N_NODES = 10000
N_EDGES = 320000
D_IN = 128
D_HID = 128
D_OUT = 128


def setup_inputs(seed: int = 0) -> dict:
    key = jax.random.key(seed)
    k1, k2, k3, k4, k5, k6 = jax.random.split(key, 6)
    feature = jax.random.normal(k1, (N_NODES, D_IN), dtype=jnp.float32)
    edge_index = jax.random.randint(k2, (2, N_EDGES), 0, N_NODES, dtype=jnp.int64)
    # GRAT layer 1 params: linear projection + attention vector over [z_src || z_dst]
    W1 = jax.random.normal(k3, (D_IN, D_HID), dtype=jnp.float32) * (1.0 / np.sqrt(D_IN))
    a1 = jax.random.normal(k4, (2 * D_HID,), dtype=jnp.float32) * (1.0 / np.sqrt(2 * D_HID))
    # GRAT layer 2 params
    W2 = jax.random.normal(k5, (D_HID, D_OUT), dtype=jnp.float32) * (1.0 / np.sqrt(D_HID))
    a2 = jax.random.normal(k6, (2 * D_OUT,), dtype=jnp.float32) * (1.0 / np.sqrt(2 * D_OUT))
    return {"feature": feature, "edge_index": edge_index, "W1": W1, "a1": a1, "W2": W2, "a2": a2}


def _grat_layer(h, src, dst, W, a):
    # GAT-style graph attention layer: project, score edges, edge-softmax over dst, aggregate.
    z = h @ W                                   # [N, D]
    z_src = z[src]                              # gather [E, D]
    z_dst = z[dst]                              # gather [E, D]
    e = jnp.concatenate([z_src, z_dst], axis=1) @ a   # [E]
    e = jax.nn.leaky_relu(e, negative_slope=0.2)
    # numerically-stable softmax per destination node
    m = jax.ops.segment_max(e, dst, num_segments=N_NODES)
    m = jnp.where(jnp.isfinite(m), m, 0.0)
    e_exp = jnp.exp(e - jax.lax.stop_gradient(m)[dst])
    denom = jax.ops.segment_sum(e_exp, dst, num_segments=N_NODES)
    alpha = e_exp / (denom[dst] + 1e-9)         # [E]
    out = jax.ops.segment_sum(alpha[:, None] * z_src, dst, num_segments=N_NODES)
    return out


def reference(feature, edge_index, W1, a1, W2, a2):
    src = edge_index[0]
    dst = edge_index[1]
    h = jax.nn.relu(_grat_layer(feature, src, dst, W1, a1))
    h = _grat_layer(h, src, dst, W2, a2)
    return h

if __name__ == "__main__":
    import jax
    _d = setup_inputs()
    print(jax.jit(kernel)(*tuple(_d.values())))

</pallas_src>

<mosaic_0001>
#map = affine_map<(d0, d1) -> (0, 0)>
#map1 = affine_map<(d0, d1) -> (0)>
#map2 = affine_map<(d0, d1) -> (0, 0, 0, 0)>
#map3 = affine_map<(d0, d1) -> (0, 0, 0)>
module attributes {stable_mosaic.version = 14 : i64} {
  func.func @_sc_body(%arg0: i32, %arg1: i32, %arg2: memref<10000x128xf32, #tpu.memory_space<hbm>>, %arg3: memref<10000xf32, #tpu.memory_space<hbm>>, %arg4: memref<10000xf32, #tpu.memory_space<hbm>>, %arg5: memref<32x10x10x100xi32, #tpu.memory_space<hbm>>, %arg6: memref<32x10x10x100xi32, #tpu.memory_space<hbm>>, %arg7: memref<2x10240x128xf32, #tpu.memory_space<hbm>>, %arg8: memref<2x10240xf32, #tpu.memory_space<hbm>>, %arg9: memref<10x100xi32, #tpu.memory_space<vmem>>, %arg10: memref<10x100xi32, #tpu.memory_space<vmem>>, %arg11: memref<112xf32, #tpu.memory_space<vmem>>, %arg12: memref<112xf32, #tpu.memory_space<vmem>>, %arg13: memref<112xf32, #tpu.memory_space<vmem>>, %arg14: memref<100x128xf32, #tpu.memory_space<vmem>>, %arg15: memref<112xf32, #tpu.memory_space<vmem>>, %arg16: memref<112xf32, #tpu.memory_space<vmem>>, %arg17: memref<112xf32, #tpu.memory_space<vmem>>, %arg18: memref<100x128xf32, #tpu.memory_space<vmem>>, %arg19: memref<10240x128xf32, #tpu.memory_space<vmem_shared>>, %arg20: memref<10240xf32, #tpu.memory_space<vmem_shared>>, %arg21: memref<!tpu.dma_semaphore, #tpu.memory_space<semaphore_mem>>, %arg22: memref<!tpu.dma_semaphore, #tpu.memory_space<semaphore_mem>>, %arg23: memref<!tpu.dma_semaphore, #tpu.memory_space<semaphore_mem>>, %arg24: memref<!tpu.dma_semaphore, #tpu.memory_space<semaphore_mem>>) attributes {dimension_semantics = [#tpu.dimension_semantics<core_parallel>, #tpu.dimension_semantics<subcore_parallel>], iteration_bounds = array<i64: 2, 16>, scalar_prefetch = 0 : i64, scratch_operands = 16 : i64, tpu.core_type = #tpu.core_type<sc_vector_subcore>, window_params = [{transform_indices = #map}, {transform_indices = #map1}, {transform_indices = #map1}, {transform_indices = #map2}, {transform_indices = #map2}, {transform_indices = #map3}, {transform_indices = #map}]} {
    %mul3A = arith.constant 16 : i32
    %mul3A_0 = arith.muli %arg0, %mul3A : i32
    %add3A = arith.addi %mul3A_0, %arg1 : i32
    %scan3A = arith.constant 0 : i32
    %scan3A_1 = arith.constant 100 : i32
    %scan3A_2 = arith.addi %scan3A, %scan3A_1 : i32
    %scan3A_3 = arith.constant 1 : i32
    scf.for %scan3A_50 = %scan3A to %scan3A_2 step %scan3A_3  : i32 {
      %mul3A_51 = arith.constant 1 : i32
      %mul3A_52 = arith.muli %scan3A_50, %mul3A_51 : i32
      %add3A_53 = arith.constant 0 : i32
      %add3A_54 = arith.addi %add3A_53, %mul3A_52 : i32
      %broadcast_in_dim3A_55 = arith.constant 0.000000e+00 : f32
      %broadcast_in_dim3A_56 = vector.broadcast %broadcast_in_dim3A_55 : f32 to vector<16xf32>
      %swap3A_57 = arith.index_cast %add3A_54 : i32 to index
      %swap3A_58 = arith.constant 0 : index
      %swap3A_59 = tpu.vector_load %arg14[%swap3A_57, %swap3A_58] {strides = array<i32>} : memref<100x128xf32, #tpu.memory_space<vmem>>, vector<16xf32>,
      tpu.vector_store %arg14[%swap3A_57, %swap3A_58], %broadcast_in_dim3A_56 {strides = array<i32>} : memref<100x128xf32, #tpu.memory_space<vmem>>, vector<16xf32>,
      %broadcast_in_dim3A_60 = arith.constant 0.000000e+00 : f32
      %broadcast_in_dim3A_61 = vector.broadcast %broadcast_in_dim3A_60 : f32 to vector<16xf32>
      %swap3A_62 = arith.index_cast %add3A_54 : i32 to index
      %swap3A_63 = arith.constant 16 : index
      %swap3A_64 = tpu.vector_load %arg14[%swap3A_62, %swap3A_63] {strides = array<i32>} : memref<100x128xf32, #tpu.memory_space<vmem>>, vector<16xf32>,
      tpu.vector_store %arg14[%swap3A_62, %swap3A_63], %broadcast_in_dim3A_61 {strides = array<i32>} : memref<100x128xf32, #tpu.memory_space<vmem>>, vector<16xf32>,
      %broadcast_in_dim3A_65 = arith.constant 0.000000e+00 : f32
      %broadcast_in_dim3A_66 = vector.broadcast %broadcast_in_dim3A_65 : f32 to vector<16xf32>
      %swap3A_67 = arith.index_cast %add3A_54 : i32 to index
      %swap3A_68 = arith.constant 32 : index
      %swap3A_69 = tpu.vector_load %arg14[%swap3A_67, %swap3A_68] {strides = array<i32>} : memref<100x128xf32, #tpu.memory_space<vmem>>, vector<16xf32>,
      tpu.vector_store %arg14[%swap3A_67, %swap3A_68], %broadcast_in_dim3A_66 {strides = array<i32>} : memref<100x128xf32, #tpu.memory_space<vmem>>, vector<16xf32>,
      %broadcast_in_dim3A_70 = arith.constant 0.000000e+00 : f32
      %broadcast_in_dim3A_71 = vector.broadcast %broadcast_in_dim3A_70 : f32 to vector<16xf32>
      %swap3A_72 = arith.index_cast %add3A_54 : i32 to index
      %swap3A_73 = arith.constant 48 : index
      %swap3A_74 = tpu.vector_load %arg14[%swap3A_72, %swap3A_73] {strides = array<i32>} : memref<100x128xf32, #tpu.memory_space<vmem>>, vector<16xf32>,
      tpu.vector_store %arg14[%swap3A_72, %swap3A_73], %broadcast_in_dim3A_71 {strides = array<i32>} : memref<100x128xf32, #tpu.memory_space<vmem>>, vector<16xf32>,
      %broadcast_in_dim3A_75 = arith.constant 0.000000e+00 : f32
      %broadcast_in_dim3A_76 = vector.broadcast %broadcast_in_dim3A_75 : f32 to vector<16xf32>
      %swap3A_77 = arith.index_cast %add3A_54 : i32 to index
      %swap3A_78 = arith.constant 64 : index
      %swap3A_79 = tpu.vector_load %arg14[%swap3A_77, %swap3A_78] {strides = array<i32>} : memref<100x128xf32, #tpu.memory_space<vmem>>, vector<16xf32>,
      tpu.vector_store %arg14[%swap3A_77, %swap3A_78], %broadcast_in_dim3A_76 {strides = array<i32>} : memref<100x128xf32, #tpu.memory_space<vmem>>, vector<16xf32>,
      %broadcast_in_dim3A_80 = arith.constant 0.000000e+00 : f32
      %broadcast_in_dim3A_81 = vector.broadcast %broadcast_in_dim3A_80 : f32 to vector<16xf32>
      %swap3A_82 = arith.index_cast %add3A_54 : i32 to index
      %swap3A_83 = arith.constant 80 : index
      %swap3A_84 = tpu.vector_load %arg14[%swap3A_82, %swap3A_83] {strides = array<i32>} : memref<100x128xf32, #tpu.memory_space<vmem>>, vector<16xf32>,
      tpu.vector_store %arg14[%swap3A_82, %swap3A_83], %broadcast_in_dim3A_81 {strides = array<i32>} : memref<100x128xf32, #tpu.memory_space<vmem>>, vector<16xf32>,
      %broadcast_in_dim3A_85 = arith.constant 0.000000e+00 : f32
      %broadcast_in_dim3A_86 = vector.broadcast %broadcast_in_dim3A_85 : f32 to vector<16xf32>
      %swap3A_87 = arith.index_cast %add3A_54 : i32 to index
      %swap3A_88 = arith.constant 96 : index
      %swap3A_89 = tpu.vector_load %arg14[%swap3A_87, %swap3A_88] {strides = array<i32>} : memref<100x128xf32, #tpu.memory_space<vmem>>, vector<16xf32>,
      tpu.vector_store %arg14[%swap3A_87, %swap3A_88], %broadcast_in_dim3A_86 {strides = array<i32>} : memref<100x128xf32, #tpu.memory_space<vmem>>, vector<16xf32>,
      %broadcast_in_dim3A_90 = arith.constant 0.000000e+00 : f32
      %broadcast_in_dim3A_91 = vector.broadcast %broadcast_in_dim3A_90 : f32 to vector<16xf32>
      %swap3A_92 = arith.index_cast %add3A_54 : i32 to index
      %swap3A_93 = arith.constant 112 : index
      %swap3A_94 = tpu.vector_load %arg14[%swap3A_92, %swap3A_93] {strides = array<i32>} : memref<100x128xf32, #tpu.memory_space<vmem>>, vector<16xf32>,
      tpu.vector_store %arg14[%swap3A_92, %swap3A_93], %broadcast_in_dim3A_91 {strides = array<i32>} : memref<100x128xf32, #tpu.memory_space<vmem>>, vector<16xf32>,
    }
    %scan3A_4 = arith.constant 100 : i32
    %broadcast_in_dim3A = arith.constant 0.000000e+00 : f32
    %broadcast_in_dim3A_5 = vector.broadcast %broadcast_in_dim3A : f32 to vector<16xf32>
    %swap3A = arith.constant 0 : index
    %swap3A_6 = tpu.vector_load %arg13[%swap3A] {strides = array<i32>} : memref<112xf32, #tpu.memory_space<vmem>>, vector<16xf32>,
    tpu.vector_store %arg13[%swap3A], %broadcast_in_dim3A_5 {strides = array<i32>} : memref<112xf32, #tpu.memory_space<vmem>>, vector<16xf32>,
    %broadcast_in_dim3A_7 = arith.constant 0.000000e+00 : f32
    %broadcast_in_dim3A_8 = vector.broadcast %broadcast_in_dim3A_7 : f32 to vector<16xf32>
    %swap3A_9 = arith.constant 16 : index
    %swap3A_10 = tpu.vector_load %arg13[%swap3A_9] {strides = array<i32>} : memref<112xf32, #tpu.memory_space<vmem>>, vector<16xf32>,
    tpu.vector_store %arg13[%swap3A_9], %broadcast_in_dim3A_8 {strides = array<i32>} : memref<112xf32, #tpu.memory_space<vmem>>, vector<16xf32>,
    %broadcast_in_dim3A_11 = arith.constant 0.000000e+00 : f32
    %broadcast_in_dim3A_12 = vector.broadcast %broadcast_in_dim3A_11 : f32 to vector<16xf32>
    %swap3A_13 = arith.constant 32 : index
    %swap3A_14 = tpu.vector_load %arg13[%swap3A_13] {strides = array<i32>} : memref<112xf32, #tpu.memory_space<vmem>>, vector<16xf32>,
    tpu.vector_store %arg13[%swap3A_13], %broadcast_in_dim3A_12 {strides = array<i32>} : memref<112xf32, #tpu.memory_space<vmem>>, vector<16xf32>,
    %broadcast_in_dim3A_15 = arith.constant 0.000000e+00 : f32
    %broadcast_in_dim3A_16 = vector.broadcast %broadcast_in_dim3A_15 : f32 to vector<16xf32>
    %swap3A_17 = arith.constant 48 : index
    %swap3A_18 = tpu.vector_load %arg13[%swap3A_17] {strides = array<i32>} : memref<112xf32, #tpu.memory_space<vmem>>, vector<16xf32>,
    tpu.vector_store %arg13[%swap3A_17], %broadcast_in_dim3A_16 {strides = array<i32>} : memref<112xf32, #tpu.memory_space<vmem>>, vector<16xf32>,
    %broadcast_in_dim3A_19 = arith.constant 0.000000e+00 : f32
    %broadcast_in_dim3A_20 = vector.broadcast %broadcast_in_dim3A_19 : f32 to vector<16xf32>
    %swap3A_21 = arith.constant 64 : index
    %swap3A_22 = tpu.vector_load %arg13[%swap3A_21] {strides = array<i32>} : memref<112xf32, #tpu.memory_space<vmem>>, vector<16xf32>,
    tpu.vector_store %arg13[%swap3A_21], %broadcast_in_dim3A_20 {strides = array<i32>} : memref<112xf32, #tpu.memory_space<vmem>>, vector<16xf32>,
    %broadcast_in_dim3A_23 = arith.constant 0.000000e+00 : f32
    %broadcast_in_dim3A_24 = vector.broadcast %broadcast_in_dim3A_23 : f32 to vector<16xf32>
    %swap3A_25 = arith.constant 80 : index
    %swap3A_26 = tpu.vector_load %arg13[%swap3A_25] {strides = array<i32>} : memref<112xf32, #tpu.memory_space<vmem>>, vector<16xf32>,
    tpu.vector_store %arg13[%swap3A_25], %broadcast_in_dim3A_24 {strides = array<i32>} : memref<112xf32, #tpu.memory_space<vmem>>, vector<16xf32>,
    %broadcast_in_dim3A_27 = arith.constant 0.000000e+00 : f32
    %broadcast_in_dim3A_28 = vector.broadcast %broadcast_in_dim3A_27 : f32 to vector<16xf32>
    %swap3A_29 = arith.constant 96 : index
    %swap3A_30 = tpu.vector_load %arg13[%swap3A_29] {strides = array<i32>} : memref<112xf32, #tpu.memory_space<vmem>>, vector<16xf32>,
    tpu.vector_store %arg13[%swap3A_29], %broadcast_in_dim3A_28 {strides = array<i32>} : memref<112xf32, #tpu.memory_space<vmem>>, vector<16xf32>,
    %scan3A_31 = arith.constant 0 : i32
    %scan3A_32 = arith.constant 8 : i32
    %scan3A_33 = arith.addi %scan3A_31, %scan3A_32 : i32
    %scan3A_34 = arith.constant 1 : i32
    scf.for %scan3A_50 = %scan3A_31 to %scan3A_33 step %scan3A_34  : i32 {
      %mul3A_51 = arith.constant 1 : i32
      %mul3A_52 = arith.muli %scan3A_50, %mul3A_51 : i32
      %add3A_53 = arith.constant 0 : i32
      %add3A_54 = arith.addi %add3A_53, %mul3A_52 : i32
      %mul3A_55 = arith.constant 640 : i32
      %mul3A_56 = arith.muli %arg1, %mul3A_55 : i32
      %mul3A_57 = arith.constant 80 : i32
      %mul3A_58 = arith.muli %add3A_54, %mul3A_57 : i32
      %add3A_59 = arith.addi %mul3A_56, %mul3A_58 : i32
      "tpu.region"() ({
        %run_scoped3A = tpu.sem_alloc : memref<!tpu.dma_semaphore, #tpu.memory_space<semaphore_mem>>
        %dma_start3A = arith.constant 0 : i32
        %dma_start3A_65 = arith.constant 0 : i32
        %dma_start3A_66 = tpu.memref_slice %arg14[%dma_start3A, %dma_start3A_65] : memref<100x128xf32, #tpu.memory_space<vmem>> -> memref<80x128xf32, #tpu.memory_space<vmem>>
        %dma_start3A_67 = arith.constant 0 : i32
        %dma_start3A_68 = tpu.memref_slice %arg19[%add3A_59, %dma_start3A_67] : memref<10240x128xf32, #tpu.memory_space<vmem_shared>> -> memref<80x128xf32, #tpu.memory_space<vmem_shared>>
        %dma_start3A_69 = arith.constant 0 : i32
        %dma_start3A_70 = tpu.memref_slice %arg19[%add3A_59, %dma_start3A_69] : memref<10240x128xf32, #tpu.memory_space<vmem_shared>> -> memref<80x128xf32, #tpu.memory_space<vmem_shared>>
        %dma_start3A_71 = arith.constant 0 : i32
        %dma_start3A_72 = arith.constant 0 : i32
        %dma_start3A_73 = tpu.memref_slice %arg14[%dma_start3A_71, %dma_start3A_72] : memref<100x128xf32, #tpu.memory_space<vmem>> -> memref<80x128xf32, #tpu.memory_space<vmem>>
        tpu.enqueue_dma source(%dma_start3A_73 : memref<80x128xf32, #tpu.memory_space<vmem>>) target(%dma_start3A_70 : memref<80x128xf32, #tpu.memory_space<vmem_shared>>) target_semaphore(%run_scoped3A : memref<!tpu.dma_semaphore, #tpu.memory_space<semaphore_mem>>)
        %dma_wait3A = arith.constant 0 : i32
        %dma_wait3A_74 = arith.constant 0 : i32
        %dma_wait3A_75 = tpu.memref_slice %arg14[%dma_wait3A, %dma_wait3A_74] : memref<100x128xf32, #tpu.memory_space<vmem>> -> memref<80x128xf32, #tpu.memory_space<vmem>>
        %dma_wait3A_76 = arith.constant 0 : i32
        %dma_wait3A_77 = tpu.memref_slice %arg19[%add3A_59, %dma_wait3A_76] : memref<10240x128xf32, #tpu.memory_space<vmem_shared>> -> memref<80x128xf32, #tpu.memory_space<vmem_shared>>
        %dma_wait3A_78 = arith.constant 0 : i32
        %dma_wait3A_79 = tpu.memref_slice %arg19[%add3A_59, %dma_wait3A_78] : memref<10240x128xf32, #tpu.memory_space<vmem_shared>> -> memref<80x128xf32, #tpu.memory_space<vmem_shared>>
        %dma_wait3A_80 = arith.constant 0 : i32
        %dma_wait3A_81 = arith.constant 0 : i32
        %dma_wait3A_82 = tpu.memref_slice %arg14[%dma_wait3A_80, %dma_wait3A_81] : memref<100x128xf32, #tpu.memory_space<vmem>> -> memref<80x128xf32, #tpu.memory_space<vmem>>
        tpu.wait_dma2 semaphore(%run_scoped3A : memref<!tpu.dma_semaphore, #tpu.memory_space<semaphore_mem>>) src(%dma_wait3A_82 : memref<80x128xf32, #tpu.memory_space<vmem>>) dst(%dma_wait3A_79 : memref<80x128xf32, #tpu.memory_space<vmem_shared>>)
        tpu.yield
      }) : () -> ()
      %mul3A_60 = arith.constant 640 : i32
      %mul3A_61 = arith.muli %arg1, %mul3A_60 : i32
      %mul3A_62 = arith.constant 80 : i32
      %mul3A_63 = arith.muli %add3A_54, %mul3A_62 : i32
      %add3A_64 = arith.addi %mul3A_61, %mul3A_63 : i32
      "tpu.region"() ({
        %run_scoped3A = tpu.sem_alloc : memref<!tpu.dma_semaphore, #tpu.memory_space<semaphore_mem>>
        %dma_start3A = arith.constant 0 : i32
        %dma_start3A_65 = tpu.memref_slice %arg13[%dma_start3A] : memref<112xf32, #tpu.memory_space<vmem>> -> memref<80xf32, #tpu.memory_space<vmem>>
        %dma_start3A_66 = tpu.memref_slice %arg20[%add3A_64] : memref<10240xf32, #tpu.memory_space<vmem_shared>> -> memref<80xf32, #tpu.memory_space<vmem_shared>>
        %dma_start3A_67 = tpu.memref_slice %arg20[%add3A_64] : memref<10240xf32, #tpu.memory_space<vmem_shared>> -> memref<80xf32, #tpu.memory_space<vmem_shared>>
        %dma_start3A_68 = arith.constant 0 : i32
        %dma_start3A_69 = tpu.memref_slice %arg13[%dma_start3A_68] : memref<112xf32, #tpu.memory_space<vmem>> -> memref<80xf32, #tpu.memory_space<vmem>>
        tpu.enqueue_dma source(%dma_start3A_69 : memref<80xf32, #tpu.memory_space<vmem>>) target(%dma_start3A_67 : memref<80xf32, #tpu.memory_space<vmem_shared>>) target_semaphore(%run_scoped3A : memref<!tpu.dma_semaphore, #tpu.memory_space<semaphore_mem>>)
        %dma_wait3A = arith.constant 0 : i32
        %dma_wait3A_70 = tpu.memref_slice %arg13[%dma_wait3A] : memref<112xf32, #tpu.memory_space<vmem>> -> memref<80xf32, #tpu.memory_space<vmem>>
        %dma_wait3A_71 = tpu.memref_slice %arg20[%add3A_64] : memref<10240xf32, #tpu.memory_space<vmem_shared>> -> memref<80xf32, #tpu.memory_space<vmem_shared>>
        %dma_wait3A_72 = tpu.memref_slice %arg20[%add3A_64] : memref<10240xf32, #tpu.memory_space<vmem_shared>> -> memref<80xf32, #tpu.memory_space<vmem_shared>>
        %dma_wait3A_73 = arith.constant 0 : i32
        %dma_wait3A_74 = tpu.memref_slice %arg13[%dma_wait3A_73] : memref<112xf32, #tpu.memory_space<vmem>> -> memref<80xf32, #tpu.memory_space<vmem>>
        tpu.wait_dma2 semaphore(%run_scoped3A : memref<!tpu.dma_semaphore, #tpu.memory_space<semaphore_mem>>) src(%dma_wait3A_74 : memref<80xf32, #tpu.memory_space<vmem>>) dst(%dma_wait3A_72 : memref<80xf32, #tpu.memory_space<vmem_shared>>)
        tpu.yield
      }) : () -> ()
    }
    %scan3A_35 = arith.constant 8 : i32
    %barrier3A = arith.constant 0 : index
    tpu.barrier barrier_id(%barrier3A)
    %scan3A_36 = arith.constant 0 : i32
    %scan3A_37 = arith.constant 10 : i32
    %scan3A_38 = arith.addi %scan3A_36, %scan3A_37 : i32
    %scan3A_39 = arith.constant 1 : i32
    scf.for %scan3A_50 = %scan3A_36 to %scan3A_38 step %scan3A_39  : i32 {
      %mul3A_51 = arith.constant 1 : i32
      %mul3A_52 = arith.muli %scan3A_50, %mul3A_51 : i32
      %add3A_53 = arith.constant 0 : i32
      %add3A_54 = arith.addi %add3A_53, %mul3A_52 : i32
      "tpu.region"() ({
        %run_scoped3A = tpu.sem_alloc : memref<!tpu.dma_semaphore, #tpu.memory_space<semaphore_mem>>
        %dma_start3A_82 = arith.constant 0 : i32
        %dma_start3A_83 = arith.constant 0 : i32
        %dma_start3A_84 = tpu.memref_slice %arg5[%add3A, %add3A_54, %dma_start3A_82, %dma_start3A_83] : memref<32x10x10x100xi32, #tpu.memory_space<hbm>> -> memref<1x1x10x100xi32, #tpu.memory_space<hbm>>
        %dma_start3A_85 = tpu.memref_squeeze %dma_start3A_84 : memref<1x1x10x100xi32, #tpu.memory_space<hbm>> -> memref<10x100xi32, #tpu.memory_space<hbm>>
        %dma_start3A_86 = arith.constant 0 : i32
        %dma_start3A_87 = arith.constant 0 : i32
        %dma_start3A_88 = tpu.memref_slice %arg5[%add3A, %add3A_54, %dma_start3A_86, %dma_start3A_87] : memref<32x10x10x100xi32, #tpu.memory_space<hbm>> -> memref<1x1x10x100xi32, #tpu.memory_space<hbm>>
        %dma_start3A_89 = tpu.memref_squeeze %dma_start3A_88 : memref<1x1x10x100xi32, #tpu.memory_space<hbm>> -> memref<10x100xi32, #tpu.memory_space<hbm>>
        tpu.enqueue_dma source(%dma_start3A_89 : memref<10x100xi32, #tpu.memory_space<hbm>>) target(%arg9 : memref<10x100xi32, #tpu.memory_space<vmem>>) target_semaphore(%run_scoped3A : memref<!tpu.dma_semaphore, #tpu.memory_space<semaphore_mem>>)
        %dma_wait3A = arith.constant 0 : i32
        %dma_wait3A_90 = arith.constant 0 : i32
        %dma_wait3A_91 = tpu.memref_slice %arg5[%add3A, %add3A_54, %dma_wait3A, %dma_wait3A_90] : memref<32x10x10x100xi32, #tpu.memory_space<hbm>> -> memref<1x1x10x100xi32, #tpu.memory_space<hbm>>
        %dma_wait3A_92 = tpu.memref_squeeze %dma_wait3A_91 : memref<1x1x10x100xi32, #tpu.memory_space<hbm>> -> memref<10x100xi32, #tpu.memory_space<hbm>>
        %dma_wait3A_93 = arith.constant 0 : i32
        %dma_wait3A_94 = arith.constant 0 : i32
        %dma_wait3A_95 = tpu.memref_slice %arg5[%add3A, %add3A_54, %dma_wait3A_93, %dma_wait3A_94] : memref<32x10x10x100xi32, #tpu.memory_space<hbm>> -> memref<1x1x10x100xi32, #tpu.memory_space<hbm>>
        %dma_wait3A_96 = tpu.memref_squeeze %dma_wait3A_95 : memref<1x1x10x100xi32, #tpu.memory_space<hbm>> -> memref<10x100xi32, #tpu.memory_space<hbm>>
        tpu.wait_dma2 semaphore(%run_scoped3A : memref<!tpu.dma_semaphore, #tpu.memory_space<semaphore_mem>>) src(%dma_wait3A_96 : memref<10x100xi32, #tpu.memory_space<hbm>>) dst(%arg9 : memref<10x100xi32, #tpu.memory_space<vmem>>)
        tpu.yield
      }) : () -> ()
      "tpu.region"() ({
        %run_scoped3A = tpu.sem_alloc : memref<!tpu.dma_semaphore, #tpu.memory_space<semaphore_mem>>
        %dma_start3A_82 = arith.constant 0 : i32
        %dma_start3A_83 = arith.constant 0 : i32
        %dma_start3A_84 = tpu.memref_slice %arg6[%add3A, %add3A_54, %dma_start3A_82, %dma_start3A_83] : memref<32x10x10x100xi32, #tpu.memory_space<hbm>> -> memref<1x1x10x100xi32, #tpu.memory_space<hbm>>
        %dma_start3A_85 = tpu.memref_squeeze %dma_start3A_84 : memref<1x1x10x100xi32, #tpu.memory_space<hbm>> -> memref<10x100xi32, #tpu.memory_space<hbm>>
        %dma_start3A_86 = arith.constant 0 : i32
        %dma_start3A_87 = arith.constant 0 : i32
        %dma_start3A_88 = tpu.memref_slice %arg6[%add3A, %add3A_54, %dma_start3A_86, %dma_start3A_87] : memref<32x10x10x100xi32, #tpu.memory_space<hbm>> -> memref<1x1x10x100xi32, #tpu.memory_space<hbm>>
        %dma_start3A_89 = tpu.memref_squeeze %dma_start3A_88 : memref<1x1x10x100xi32, #tpu.memory_space<hbm>> -> memref<10x100xi32, #tpu.memory_space<hbm>>
        tpu.enqueue_dma source(%dma_start3A_89 : memref<10x100xi32, #tpu.memory_space<hbm>>) target(%arg10 : memref<10x100xi32, #tpu.memory_space<vmem>>) target_semaphore(%run_scoped3A : memref<!tpu.dma_semaphore, #tpu.memory_space<semaphore_mem>>)
        %dma_wait3A = arith.constant 0 : i32
        %dma_wait3A_90 = arith.constant 0 : i32
        %dma_wait3A_91 = tpu.memref_slice %arg6[%add3A, %add3A_54, %dma_wait3A, %dma_wait3A_90] : memref<32x10x10x100xi32, #tpu.memory_space<hbm>> -> memref<1x1x10x100xi32, #tpu.memory_space<hbm>>
        %dma_wait3A_92 = tpu.memref_squeeze %dma_wait3A_91 : memref<1x1x10x100xi32, #tpu.memory_space<hbm>> -> memref<10x100xi32, #tpu.memory_space<hbm>>
        %dma_wait3A_93 = arith.constant 0 : i32
        %dma_wait3A_94 = arith.constant 0 : i32
        %dma_wait3A_95 = tpu.memref_slice %arg6[%add3A, %add3A_54, %dma_wait3A_93, %dma_wait3A_94] : memref<32x10x10x100xi32, #tpu.memory_space<hbm>> -> memref<1x1x10x100xi32, #tpu.memory_space<hbm>>
        %dma_wait3A_96 = tpu.memref_squeeze %dma_wait3A_95 : memref<1x1x10x100xi32, #tpu.memory_space<hbm>> -> memref<10x100xi32, #tpu.memory_space<hbm>>
        tpu.wait_dma2 semaphore(%run_scoped3A : memref<!tpu.dma_semaphore, #tpu.memory_space<semaphore_mem>>) src(%dma_wait3A_96 : memref<10x100xi32, #tpu.memory_space<hbm>>) dst(%arg10 : memref<10x100xi32, #tpu.memory_space<vmem>>)
        tpu.yield
      }) : () -> ()
      %dma_start3A = arith.constant 0 : i32
      %dma_start3A_55 = arith.constant 0 : i32
      %dma_start3A_56 = tpu.memref_slice %arg11[%dma_start3A_55] : memref<112xf32, #tpu.memory_space<vmem>> -> memref<100xf32, #tpu.memory_space<vmem>>
      %dma_start3A_57 = arith.constant 0 : i32
      %dma_start3A_58 = tpu.memref_slice %arg9[%dma_start3A, %dma_start3A_57] : memref<10x100xi32, #tpu.memory_space<vmem>> -> memref<1x100xi32, #tpu.memory_space<vmem>>
      %dma_start3A_59 = tpu.memref_squeeze %dma_start3A_58 : memref<1x100xi32, #tpu.memory_space<vmem>> -> memref<100xi32, #tpu.memory_space<vmem>>
      %dma_start3A_60 = arith.constant 0 : i32
      %dma_start3A_61 = tpu.memref_slice %arg3[%dma_start3A_60] : memref<10000xf32, #tpu.memory_space<hbm>> -> memref<10000xf32, #tpu.memory_space<hbm>>
      tpu.enqueue_indirect_dma source(%dma_start3A_61 : memref<10000xf32, #tpu.memory_space<hbm>>) target(%dma_start3A_56 : memref<100xf32, #tpu.memory_space<vmem>>) offsets(%dma_start3A_59 : memref<100xi32, #tpu.memory_space<vmem>>) semaphore(%arg21 : memref<!tpu.dma_semaphore, #tpu.memory_space<semaphore_mem>>)
      %dma_start3A_62 = arith.constant 0 : i32
      %dma_start3A_63 = arith.constant 0 : i32
      %dma_start3A_64 = tpu.memref_slice %arg12[%dma_start3A_63] : memref<112xf32, #tpu.memory_space<vmem>> -> memref<100xf32, #tpu.memory_space<vmem>>
      %dma_start3A_65 = arith.constant 0 : i32
      %dma_start3A_66 = tpu.memref_slice %arg10[%dma_start3A_62, %dma_start3A_65] : memref<10x100xi32, #tpu.memory_space<vmem>> -> memref<1x100xi32, #tpu.memory_space<vmem>>
      %dma_start3A_67 = tpu.memref_squeeze %dma_start3A_66 : memref<1x100xi32, #tpu.memory_space<vmem>> -> memref<100xi32, #tpu.memory_space<vmem>>
      %dma_start3A_68 = arith.constant 0 : i32
      %dma_start3A_69 = tpu.memref_slice %arg4[%dma_start3A_68] : memref<10000xf32, #tpu.memory_space<hbm>> -> memref<10000xf32, #tpu.memory_space<hbm>>
      tpu.enqueue_indirect_dma source(%dma_start3A_69 : memref<10000xf32, #tpu.memory_space<hbm>>) target(%dma_start3A_64 : memref<100xf32, #tpu.memory_space<vmem>>) offsets(%dma_start3A_67 : memref<100xi32, #tpu.memory_space<vmem>>) semaphore(%arg21 : memref<!tpu.dma_semaphore, #tpu.memory_space<semaphore_mem>>)
      %dma_start3A_70 = arith.constant 0 : i32
      %dma_start3A_71 = arith.constant 0 : i32
      %dma_start3A_72 = tpu.memref_slice %arg9[%dma_start3A_70, %dma_start3A_71] : memref<10x100xi32, #tpu.memory_space<vmem>> -> memref<1x100xi32, #tpu.memory_space<vmem>>
      %dma_start3A_73 = tpu.memref_squeeze %dma_start3A_72 : memref<1x100xi32, #tpu.memory_space<vmem>> -> memref<100xi32, #tpu.memory_space<vmem>>
      %dma_start3A_74 = arith.constant 0 : i32
      %dma_start3A_75 = arith.constant 0 : i32
      %dma_start3A_76 = tpu.memref_slice %arg2[%dma_start3A_74, %dma_start3A_75] : memref<10000x128xf32, #tpu.memory_space<hbm>> -> memref<10000x128xf32, #tpu.memory_space<hbm>>
      tpu.enqueue_indirect_dma source(%dma_start3A_76 : memref<10000x128xf32, #tpu.memory_space<hbm>>) target(%arg14 : memref<100x128xf32, #tpu.memory_space<vmem>>) offsets(%dma_start3A_73 : memref<100xi32, #tpu.memory_space<vmem>>) semaphore(%arg21 : memref<!tpu.dma_semaphore, #tpu.memory_space<semaphore_mem>>)
      %scan3A_77 = arith.constant 0 : i32
      %scan3A_78 = arith.constant 5 : i32
      %scan3A_79 = arith.addi %scan3A_77, %scan3A_78 : i32
      %scan3A_80 = arith.constant 1 : i32
      scf.for %scan3A_82 = %scan3A_77 to %scan3A_79 step %scan3A_80  : i32 {
        %mul3A_83 = arith.constant 1 : i32
        %mul3A_84 = arith.muli %scan3A_82, %mul3A_83 : i32
        %add3A_85 = arith.constant 0 : i32
        %add3A_86 = arith.addi %add3A_85, %mul3A_84 : i32
        %mul3A_87 = arith.constant 2 : i32
        %mul3A_88 = arith.muli %mul3A_87, %add3A_86 : i32
        %add3A_89 = arith.constant 1 : i32
        %add3A_90 = arith.addi %mul3A_88, %add3A_89 : i32
        %dma_start3A_91 = arith.constant 0 : i32
        %dma_start3A_92 = tpu.memref_slice %arg15[%dma_start3A_91] : memref<112xf32, #tpu.memory_space<vmem>> -> memref<100xf32, #tpu.memory_space<vmem>>
        %dma_start3A_93 = arith.constant 0 : i32
        %dma_start3A_94 = tpu.memref_slice %arg9[%add3A_90, %dma_start3A_93] : memref<10x100xi32, #tpu.memory_space<vmem>> -> memref<1x100xi32, #tpu.memory_space<vmem>>
        %dma_start3A_95 = tpu.memref_squeeze %dma_start3A_94 : memref<1x100xi32, #tpu.memory_space<vmem>> -> memref<100xi32, #tpu.memory_space<vmem>>
        %dma_start3A_96 = arith.constant 0 : i32
        %dma_start3A_97 = tpu.memref_slice %arg3[%dma_start3A_96] : memref<10000xf32, #tpu.memory_space<hbm>> -> memref<10000xf32, #tpu.memory_space<hbm>>
        tpu.enqueue_indirect_dma source(%dma_start3A_97 : memref<10000xf32, #tpu.memory_space<hbm>>) target(%dma_start3A_92 : memref<100xf32, #tpu.memory_space<vmem>>) offsets(%dma_start3A_95 : memref<100xi32, #tpu.memory_space<vmem>>) semaphore(%arg22 : memref<!tpu.dma_semaphore, #tpu.memory_space<semaphore_mem>>)
        %dma_start3A_98 = arith.constant 0 : i32
        %dma_start3A_99 = tpu.memref_slice %arg16[%dma_start3A_98] : memref<112xf32, #tpu.memory_space<vmem>> -> memref<100xf32, #tpu.memory_space<vmem>>
        %dma_start3A_100 = arith.constant 0 : i32
        %dma_start3A_101 = tpu.memref_slice %arg10[%add3A_90, %dma_start3A_100] : memref<10x100xi32, #tpu.memory_space<vmem>> -> memref<1x100xi32, #tpu.memory_space<vmem>>
        %dma_start3A_102 = tpu.memref_squeeze %dma_start3A_101 : memref<1x100xi32, #tpu.memory_space<vmem>> -> memref<100xi32, #tpu.memory_space<vmem>>
        %dma_start3A_103 = arith.constant 0 : i32
        %dma_start3A_104 = tpu.memref_slice %arg4[%dma_start3A_103] : memref<10000xf32, #tpu.memory_space<hbm>> -> memref<10000xf32, #tpu.memory_space<hbm>>
        tpu.enqueue_indirect_dma source(%dma_start3A_104 : memref<10000xf32, #tpu.memory_space<hbm>>) target(%dma_start3A_99 : memref<100xf32, #tpu.memory_space<vmem>>) offsets(%dma_start3A_102 : memref<100xi32, #tpu.memory_space<vmem>>) semaphore(%arg22 : memref<!tpu.dma_semaphore, #tpu.memory_space<semaphore_mem>>)
        %dma_start3A_105 = arith.constant 0 : i32
        %dma_start3A_106 = tpu.memref_slice %arg9[%add3A_90, %dma_start3A_105] : memref<10x100xi32, #tpu.memory_space<vmem>> -> memref<1x100xi32, #tpu.memory_space<vmem>>
        %dma_start3A_107 = tpu.memref_squeeze %dma_start3A_106 : memref<1x100xi32, #tpu.memory_space<vmem>> -> memref<100xi32, #tpu.memory_space<vmem>>
        %dma_start3A_108 = arith.constant 0 : i32
        %dma_start3A_109 = arith.constant 0 : i32
        %dma_start3A_110 = tpu.memref_slice %arg2[%dma_start3A_108, %dma_start3A_109] : memref<10000x128xf32, #tpu.memory_space<hbm>> -> memref<10000x128xf32, #tpu.memory_space<hbm>>
        tpu.enqueue_indirect_dma source(%dma_start3A_110 : memref<10000x128xf32, #tpu.memory_space<hbm>>) target(%arg18 : memref<100x128xf32, #tpu.memory_space<vmem>>) offsets(%dma_start3A_107 : memref<100xi32, #tpu.memory_space<vmem>>) semaphore(%arg22 : memref<!tpu.dma_semaphore, #tpu.memory_space<semaphore_mem>>)
        %dma_wait3A = arith.constant 0 : i32
        %dma_wait3A_111 = tpu.memref_slice %arg11[%dma_wait3A] : memref<112xf32, #tpu.memory_space<vmem>> -> memref<100xf32, #tpu.memory_space<vmem>>
        %dma_wait3A_112 = arith.constant 0 : i32
        %dma_wait3A_113 = tpu.memref_slice %arg9[%mul3A_88, %dma_wait3A_112] : memref<10x100xi32, #tpu.memory_space<vmem>> -> memref<1x100xi32, #tpu.memory_space<vmem>>
        %dma_wait3A_114 = tpu.memref_squeeze %dma_wait3A_113 : memref<1x100xi32, #tpu.memory_space<vmem>> -> memref<100xi32, #tpu.memory_space<vmem>>
        %dma_wait3A_115 = arith.constant 0 : i32
        %dma_wait3A_116 = tpu.memref_slice %arg3[%dma_wait3A_115] : memref<10000xf32, #tpu.memory_space<hbm>> -> memref<10000xf32, #tpu.memory_space<hbm>>
        tpu.wait_indirect_dma semaphore(%arg21 : memref<!tpu.dma_semaphore, #tpu.memory_space<semaphore_mem>>) src(%dma_wait3A_116 : memref<10000xf32, #tpu.memory_space<hbm>>) dst(%dma_wait3A_111 : memref<100xf32, #tpu.memory_space<vmem>>)
        %dma_wait3A_117 = arith.constant 0 : i32
        %dma_wait3A_118 = tpu.memref_slice %arg12[%dma_wait3A_117] : memref<112xf32, #tpu.memory_space<vmem>> -> memref<100xf32, #tpu.memory_space<vmem>>
        %dma_wait3A_119 = arith.constant 0 : i32
        %dma_wait3A_120 = tpu.memref_slice %arg10[%mul3A_88, %dma_wait3A_119] : memref<10x100xi32, #tpu.memory_space<vmem>> -> memref<1x100xi32, #tpu.memory_space<vmem>>
        %dma_wait3A_121 = tpu.memref_squeeze %dma_wait3A_120 : memref<1x100xi32, #tpu.memory_space<vmem>> -> memref<100xi32, #tpu.memory_space<vmem>>
        %dma_wait3A_122 = arith.constant 0 : i32
        %dma_wait3A_123 = tpu.memref_slice %arg4[%dma_wait3A_122] : memref<10000xf32, #tpu.memory_space<hbm>> -> memref<10000xf32, #tpu.memory_space<hbm>>
        tpu.wait_indirect_dma semaphore(%arg21 : memref<!tpu.dma_semaphore, #tpu.memory_space<semaphore_mem>>) src(%dma_wait3A_123 : memref<10000xf32, #tpu.memory_space<hbm>>) dst(%dma_wait3A_118 : memref<100xf32, #tpu.memory_space<vmem>>)
        %dma_wait3A_124 = arith.constant 0 : i32
        %dma_wait3A_125 = tpu.memref_slice %arg9[%mul3A_88, %dma_wait3A_124] : memref<10x100xi32, #tpu.memory_space<vmem>> -> memref<1x100xi32, #tpu.memory_space<vmem>>
        %dma_wait3A_126 = tpu.memref_squeeze %dma_wait3A_125 : memref<1x100xi32, #tpu.memory_space<vmem>> -> memref<100xi32, #tpu.memory_space<vmem>>
        %dma_wait3A_127 = arith.constant 0 : i32
        %dma_wait3A_128 = arith.constant 0 : i32
        %dma_wait3A_129 = tpu.memref_slice %arg2[%dma_wait3A_127, %dma_wait3A_128] : memref<10000x128xf32, #tpu.memory_space<hbm>> -> memref<10000x128xf32, #tpu.memory_space<hbm>>
        tpu.wait_indirect_dma semaphore(%arg21 : memref<!tpu.dma_semaphore, #tpu.memory_space<semaphore_mem>>) src(%dma_wait3A_129 : memref<10000x128xf32, #tpu.memory_space<hbm>>) dst(%arg14 : memref<100x128xf32, #tpu.memory_space<vmem>>)
        %get3A = arith.constant 0 : index
        %get3A_130 = tpu.vector_load %arg11[%get3A] {strides = array<i32>} : memref<112xf32, #tpu.memory_space<vmem>>, vector<16xf32>,
        %get3A_131 = arith.constant 0 : index
        %get3A_132 = tpu.vector_load %arg12[%get3A_131] {strides = array<i32>} : memref<112xf32, #tpu.memory_space<vmem>>, vector<16xf32>,
        %add3A_133 = arith.addf %get3A_130, %get3A_132 : vector<16xf32>
        %mul3A_134 = arith.constant 2.000000e-01 : f32
        %mul3A_135 = vector.broadcast %mul3A_134 : f32 to vector<16xf32>
        %mul3A_136 = arith.mulf %add3A_133, %mul3A_135 : vector<16xf32>
        %max3A = arith.maximumf %add3A_133, %mul3A_136 : vector<16xf32>
        %exp3A = math.exp %max3A : vector<16xf32>
        %swap3A_137 = arith.constant 0 : index
        %swap3A_138 = tpu.vector_load %arg13[%swap3A_137] {strides = array<i32>} : memref<112xf32, #tpu.memory_space<vmem>>, vector<16xf32>,
        tpu.vector_store %arg13[%swap3A_137], %exp3A {strides = array<i32>} : memref<112xf32, #tpu.memory_space<vmem>>, vector<16xf32>,
        %get3A_139 = arith.constant 16 : index
        %get3A_140 = tpu.vector_load %arg11[%get3A_139] {strides = array<i32>} : memref<112xf32, #tpu.memory_space<vmem>>, vector<16xf32>,
        %get3A_141 = arith.constant 16 : index
        %get3A_142 = tpu.vector_load %arg12[%get3A_141] {strides = array<i32>} : memref<112xf32, #tpu.memory_space<vmem>>, vector<16xf32>,
        %add3A_143 = arith.addf %get3A_140, %get3A_142 : vector<16xf32>
        %mul3A_144 = arith.constant 2.000000e-01 : f32
        %mul3A_145 = vector.broadcast %mul3A_144 : f32 to vector<16xf32>
        %mul3A_146 = arith.mulf %add3A_143, %mul3A_145 : vector<16xf32>
        %max3A_147 = arith.maximumf %add3A_143, %mul3A_146 : vector<16xf32>
        %exp3A_148 = math.exp %max3A_147 : vector<16xf32>
        %swap3A_149 = arith.constant 16 : index
        %swap3A_150 = tpu.vector_load %arg13[%swap3A_149] {strides = array<i32>} : memref<112xf32, #tpu.memory_space<vmem>>, vector<16xf32>,
        tpu.vector_store %arg13[%swap3A_149], %exp3A_148 {strides = array<i32>} : memref<112xf32, #tpu.memory_space<vmem>>, vector<16xf32>,
        %get3A_151 = arith.constant 32 : index
        %get3A_152 = tpu.vector_load %arg11[%get3A_151] {strides = array<i32>} : memref<112xf32, #tpu.memory_space<vmem>>, vector<16xf32>,
        %get3A_153 = arith.constant 32 : index
        %get3A_154 = tpu.vector_load %arg12[%get3A_153] {strides = array<i32>} : memref<112xf32, #tpu.memory_space<vmem>>, vector<16xf32>,
        %add3A_155 = arith.addf %get3A_152, %get3A_154 : vector<16xf32>
        %mul3A_156 = arith.constant 2.000000e-01 : f32
        %mul3A_157 = vector.broadcast %mul3A_156 : f32 to vector<16xf32>
        %mul3A_158 = arith.mulf %add3A_155, %mul3A_157 : vector<16xf32>
        %max3A_159 = arith.maximumf %add3A_155, %mul3A_158 : vector<16xf32>
        %exp3A_160 = math.exp %max3A_159 : vector<16xf32>
        %swap3A_161 = arith.constant 32 : index
        %swap3A_162 = tpu.vector_load %arg13[%swap3A_161] {strides = array<i32>} : memref<112xf32, #tpu.memory_space<vmem>>, vector<16xf32>,
        tpu.vector_store %arg13[%swap3A_161], %exp3A_160 {strides = array<i32>} : memref<112xf32, #tpu.memory_space<vmem>>, vector<16xf32>,
        %get3A_163 = arith.constant 48 : index
        %get3A_164 = tpu.vector_load %arg11[%get3A_163] {strides = array<i32>} : memref<112xf32, #tpu.memory_space<vmem>>, vector<16xf32>,
        %get3A_165 = arith.constant 48 : index
        %get3A_166 = tpu.vector_load %arg12[%get3A_165] {strides = array<i32>} : memref<112xf32, #tpu.memory_space<vmem>>, vector<16xf32>,
        %add3A_167 = arith.addf %get3A_164, %get3A_166 : vector<16xf32>
        %mul3A_168 = arith.constant 2.000000e-01 : f32
        %mul3A_169 = vector.broadcast %mul3A_168 : f32 to vector<16xf32>
        %mul3A_170 = arith.mulf %add3A_167, %mul3A_169 : vector<16xf32>
        %max3A_171 = arith.maximumf %add3A_167, %mul3A_170 : vector<16xf32>
        %exp3A_172 = math.exp %max3A_171 : vector<16xf32>
        %swap3A_173 = arith.constant 48 : index
        %swap3A_174 = tpu.vector_load %arg13[%swap3A_173] {strides = array<i32>} : memref<112xf32, #tpu.memory_space<vmem>>, vector<16xf32>,
        tpu.vector_store %arg13[%swap3A_173], %exp3A_172 {strides = array<i32>} : memref<112xf32, #tpu.memory_space<vmem>>, vector<16xf32>,
        %get3A_175 = arith.constant 64 : index
        %get3A_176 = tpu.vector_load %arg11[%get3A_175] {strides = array<i32>} : memref<112xf32, #tpu.memory_space<vmem>>, vector<16xf32>,
        %get3A_177 = arith.constant 64 : index
        %get3A_178 = tpu.vector_load %arg12[%get3A_177] {strides = array<i32>} : memref<112xf32, #tpu.memory_space<vmem>>, vector<16xf32>,
        %add3A_179 = arith.addf %get3A_176, %get3A_178 : vector<16xf32>
        %mul3A_180 = arith.constant 2.000000e-01 : f32
        %mul3A_181 = vector.broadcast %mul3A_180 : f32 to vector<16xf32>
        %mul3A_182 = arith.mulf %add3A_179, %mul3A_181 : vector<16xf32>
        %max3A_183 = arith.maximumf %add3A_179, %mul3A_182 : vector<16xf32>
        %exp3A_184 = math.exp %max3A_183 : vector<16xf32>
        %swap3A_185 = arith.constant 64 : index
        %swap3A_186 = tpu.vector_load %arg13[%swap3A_185] {strides = array<i32>} : memref<112xf32, #tpu.memory_space<vmem>>, vector<16xf32>,
        tpu.vector_store %arg13[%swap3A_185], %exp3A_184 {strides = array<i32>} : memref<112xf32, #tpu.memory_space<vmem>>, vector<16xf32>,
        %get3A_187 = arith.constant 80 : index
        %get3A_188 = tpu.vector_load %arg11[%get3A_187] {strides = array<i32>} : memref<112xf32, #tpu.memory_space<vmem>>, vector<16xf32>,
        %get3A_189 = arith.constant 80 : index
        %get3A_190 = tpu.vector_load %arg12[%get3A_189] {strides = array<i32>} : memref<112xf32, #tpu.memory_space<vmem>>, vector<16xf32>,
        %add3A_191 = arith.addf %get3A_188, %get3A_190 : vector<16xf32>
        %mul3A_192 = arith.constant 2.000000e-01 : f32
        %mul3A_193 = vector.broadcast %mul3A_192 : f32 to vector<16xf32>
        %mul3A_194 = arith.mulf %add3A_191, %mul3A_193 : vector<16xf32>
        %max3A_195 = arith.maximumf %add3A_191, %mul3A_194 : vector<16xf32>
        %exp3A_196 = math.exp %max3A_195 : vector<16xf32>
        %swap3A_197 = arith.constant 80 : index
        %swap3A_198 = tpu.vector_load %arg13[%swap3A_197] {strides = array<i32>} : memref<112xf32, #tpu.memory_space<vmem>>, vector<16xf32>,
        tpu.vector_store %arg13[%swap3A_197], %exp3A_196 {strides = array<i32>} : memref<112xf32, #tpu.memory_space<vmem>>, vector<16xf32>,
        %get3A_199 = arith.constant 96 : index
        %get3A_200 = tpu.vector_load %arg11[%get3A_199] {strides = array<i32>} : memref<112xf32, #tpu.memory_space<vmem>>, vector<16xf32>,
        %get3A_201 = arith.constant 96 : index
        %get3A_202 = tpu.vector_load %arg12[%get3A_201] {strides = array<i32>} : memref<112xf32, #tpu.memory_space<vmem>>, vector<16xf32>,
        %add3A_203 = arith.addf %get3A_200, %get3A_202 : vector<16xf32>
        %mul3A_204 = arith.constant 2.000000e-01 : f32
        %mul3A_205 = vector.broadcast %mul3A_204 : f32 to vector<16xf32>
        %mul3A_206 = arith.mulf %add3A_203, %mul3A_205 : vector<16xf32>
        %max3A_207 = arith.maximumf %add3A_203, %mul3A_206 : vector<16xf32>
        %exp3A_208 = math.exp %max3A_207 : vector<16xf32>
        %swap3A_209 = arith.constant 96 : index
        %swap3A_210 = tpu.vector_load %arg13[%swap3A_209] {strides = array<i32>} : memref<112xf32, #tpu.memory_space<vmem>>, vector<16xf32>,
        tpu.vector_store %arg13[%swap3A_209], %exp3A_208 {strides = array<i32>} : memref<112xf32, #tpu.memory_space<vmem>>, vector<16xf32>,
        %scan3A_211 = arith.constant 0 : i32
        %scan3A_212 = arith.constant 6 : i32
        %scan3A_213 = arith.addi %scan3A_211, %scan3A_212 : i32
        %scan3A_214 = arith.constant 1 : i32
        scf.for %scan3A_1037 = %scan3A_211 to %scan3A_213 step %scan3A_214  : i32 {
          %mul3A_1038 = arith.constant 1 : i32
          %mul3A_1039 = arith.muli %scan3A_1037, %mul3A_1038 : i32
          %add3A_1040 = arith.constant 0 : i32
          %add3A_1041 = arith.addi %add3A_1040, %mul3A_1039 : i32
          %mul3A_1042 = arith.constant 16 : i32
          %mul3A_1043 = arith.muli %add3A_1041, %mul3A_1042 : i32
          %get3A_1044 = arith.index_cast %mul3A_1043 : i32 to index
          %get3A_1045 = tpu.vector_load %arg13[%get3A_1044] {strides = array<i32>} : memref<112xf32, #tpu.memory_space<vmem>>, vector<16xf32>,
          %slice3A_1046 = vector.extract_strided_slice %get3A_1045 {offsets = [0], sizes = [1], strides = [1]} : vector<16xf32> to vector<1xf32>
          %squeeze3A_1047 = vector.extract %slice3A_1046[0] : f32 from vector<1xf32>
          %mul3A_1048 = arith.constant 16 : i32
          %mul3A_1049 = arith.muli %add3A_1041, %mul3A_1048 : i32
          %add3A_1050 = arith.constant 0 : i32
          %add3A_1051 = arith.addi %mul3A_1049, %add3A_1050 : i32
          %get3A_1052 = arith.index_cast %add3A_1051 : i32 to index
          %get3A_1053 = arith.constant 0 : index
          %get3A_1054 = tpu.vector_load %arg14[%get3A_1052, %get3A_1053] {strides = array<i32>} : memref<100x128xf32, #tpu.memory_space<vmem>>, vector<16xf32>,
          %mul3A_1055 = vector.broadcast %squeeze3A_1047 : f32 to vector<16xf32>
          %mul3A_1056 = arith.mulf %get3A_1054, %mul3A_1055 : vector<16xf32>
          %swap3A_1057 = arith.index_cast %add3A_1051 : i32 to index
          %swap3A_1058 = arith.constant 0 : index
          %swap3A_1059 = tpu.vector_load %arg14[%swap3A_1057, %swap3A_1058] {strides = array<i32>} : memref<100x128xf32, #tpu.memory_space<vmem>>, vector<16xf32>,
          tpu.vector_store %arg14[%swap3A_1057, %swap3A_1058], %mul3A_1056 {strides = array<i32>} : memref<100x128xf32, #tpu.memory_space<vmem>>, vector<16xf32>,
          %mul3A_1060 = arith.constant 16 : i32
          %mul3A_1061 = arith.muli %add3A_1041, %mul3A_1060 : i32
          %add3A_1062 = arith.constant 0 : i32
          %add3A_1063 = arith.addi %mul3A_1061, %add3A_1062 : i32
          %get3A_1064 = arith.index_cast %add3A_1063 : i32 to index
          %get3A_1065 = arith.constant 16 : index
          %get3A_1066 = tpu.vector_load %arg14[%get3A_1064, %get3A_1065] {strides = array<i32>} : memref<100x128xf32, #tpu.memory_space<vmem>>, vector<16xf32>,
          %mul3A_1067 = vector.broadcast %squeeze3A_1047 : f32 to vector<16xf32>
          %mul3A_1068 = arith.mulf %get3A_1066, %mul3A_1067 : vector<16xf32>
          %swap3A_1069 = arith.index_cast %add3A_1063 : i32 to index
          %swap3A_1070 = arith.constant 16 : index
          %swap3A_1071 = tpu.vector_load %arg14[%swap3A_1069, %swap3A_1070] {strides = array<i32>} : memref<100x128xf32, #tpu.memory_space<vmem>>, vector<16xf32>,
          tpu.vector_store %arg14[%swap3A_1069, %swap3A_1070], %mul3A_1068 {strides = array<i32>} : memref<100x128xf32, #tpu.memory_space<vmem>>, vector<16xf32>,
          %mul3A_1072 = arith.constant 16 : i32
          %mul3A_1073 = arith.muli %add3A_1041, %mul3A_1072 : i32
          %add3A_1074 = arith.constant 0 : i32
          %add3A_1075 = arith.addi %mul3A_1073, %add3A_1074 : i32
          %get3A_1076 = arith.index_cast %add3A_1075 : i32 to index
          %get3A_1077 = arith.constant 32 : index
          %get3A_1078 = tpu.vector_load %arg14[%get3A_1076, %get3A_1077] {strides = array<i32>} : memref<100x128xf32, #tpu.memory_space<vmem>>, vector<16xf32>,
          %mul3A_1079 = vector.broadcast %squeeze3A_1047 : f32 to vector<16xf32>
          %mul3A_1080 = arith.mulf %get3A_1078, %mul3A_1079 : vector<16xf32>
          %swap3A_1081 = arith.index_cast %add3A_1075 : i32 to index
          %swap3A_1082 = arith.constant 32 : index
          %swap3A_1083 = tpu.vector_load %arg14[%swap3A_1081, %swap3A_1082] {strides = array<i32>} : memref<100x128xf32, #tpu.memory_space<vmem>>, vector<16xf32>,
          tpu.vector_store %arg14[%swap3A_1081, %swap3A_1082], %mul3A_1080 {strides = array<i32>} : memref<100x128xf32, #tpu.memory_space<vmem>>, vector<16xf32>,
          %mul3A_1084 = arith.constant 16 : i32
          %mul3A_1085 = arith.muli %add3A_1041, %mul3A_1084 : i32
          %add3A_1086 = arith.constant 0 : i32
          %add3A_1087 = arith.addi %mul3A_1085, %add3A_1086 : i32
          %get3A_1088 = arith.index_cast %add3A_1087 : i32 to index
          %get3A_1089 = arith.constant 48 : index
          %get3A_1090 = tpu.vector_load %arg14[%get3A_1088, %get3A_1089] {strides = array<i32>} : memref<100x128xf32, #tpu.memory_space<vmem>>, vector<16xf32>,
          %mul3A_1091 = vector.broadcast %squeeze3A_1047 : f32 to vector<16xf32>
          %mul3A_1092 = arith.mulf %get3A_1090, %mul3A_1091 : vector<16xf32>
          %swap3A_1093 = arith.index_cast %add3A_1087 : i32 to index
          %swap3A_1094 = arith.constant 48 : index
          %swap3A_1095 = tpu.vector_load %arg14[%swap3A_1093, %swap3A_1094] {strides = array<i32>} : memref<100x128xf32, #tpu.memory_space<vmem>>, vector<16xf32>,
          tpu.vector_store %arg14[%swap3A_1093, %swap3A_1094], %mul3A_1092 {strides = array<i32>} : memref<100x128xf32, #tpu.memory_space<vmem>>, vector<16xf32>,
          %mul3A_1096 = arith.constant 16 : i32
          %mul3A_1097 = arith.muli %add3A_1041, %mul3A_1096 : i32
          %add3A_1098 = arith.constant 0 : i32
          %add3A_1099 = arith.addi %mul3A_1097, %add3A_1098 : i32
          %get3A_1100 = arith.index_cast %add3A_1099 : i32 to index
          %get3A_1101 = arith.constant 64 : index
          %get3A_1102 = tpu.vector_load %arg14[%get3A_1100, %get3A_1101] {strides = array<i32>} : memref<100x128xf32, #tpu.memory_space<vmem>>, vector<16xf32>,
          %mul3A_1103 = vector.broadcast %squeeze3A_1047 : f32 to vector<16xf32>
          %mul3A_1104 = arith.mulf %get3A_1102, %mul3A_1103 : vector<16xf32>
          %swap3A_1105 = arith.index_cast %add3A_1099 : i32 to index
          %swap3A_1106 = arith.constant 64 : index
          %swap3A_1107 = tpu.vector_load %arg14[%swap3A_1105, %swap3A_1106] {strides = array<i32>} : memref<100x128xf32, #tpu.memory_space<vmem>>, vector<16xf32>,
          tpu.vector_store %arg14[%swap3A_1105, %swap3A_1106], %mul3A_1104 {strides = array<i32>} : memref<100x128xf32, #tpu.memory_space<vmem>>, vector<16xf32>,
          %mul3A_1108 = arith.constant 16 : i32
          %mul3A_1109 = arith.muli %add3A_1041, %mul3A_1108 : i32
          %add3A_1110 = arith.constant 0 : i32
          %add3A_1111 = arith.addi %mul3A_1109, %add3A_1110 : i32
          %get3A_1112 = arith.index_cast %add3A_1111 : i32 to index
          %get3A_1113 = arith.constant 80 : index
          %get3A_1114 = tpu.vector_load %arg14[%get3A_1112, %get3A_1113] {strides = array<i32>} : memref<100x128xf32, #tpu.memory_space<vmem>>, vector<16xf32>,
          %mul3A_1115 = vector.broadcast %squeeze3A_1047 : f32 to vector<16xf32>
          %mul3A_1116 = arith.mulf %get3A_1114, %mul3A_1115 : vector<16xf32>
          %swap3A_1117 = arith.index_cast %add3A_1111 : i32 to index
          %swap3A_1118 = arith.constant 80 : index
          %swap3A_1119 = tpu.vector_load %arg14[%swap3A_1117, %swap3A_1118] {strides = array<i32>} : memref<100x128xf32, #tpu.memory_space<vmem>>, vector<16xf32>,
          tpu.vector_store %arg14[%swap3A_1117, %swap3A_1118], %mul3A_1116 {strides = array<i32>} : memref<100x128xf32, #tpu.memory_space<vmem>>, vector<16xf32>,
          %mul3A_1120 = arith.constant 16 : i32
          %mul3A_1121 = arith.muli %add3A_1041, %mul3A_1120 : i32
          %add3A_1122 = arith.constant 0 : i32
          %add3A_1123 = arith.addi %mul3A_1121, %add3A_1122 : i32
          %get3A_1124 = arith.index_cast %add3A_1123 : i32 to index
          %get3A_1125 = arith.constant 96 : index
          %get3A_1126 = tpu.vector_load %arg14[%get3A_1124, %get3A_1125] {strides = array<i32>} : memref<100x128xf32, #tpu.memory_space<vmem>>, vector<16xf32>,
          %mul3A_1127 = vector.broadcast %squeeze3A_1047 : f32 to vector<16xf32>
          %mul3A_1128 = arith.mulf %get3A_1126, %mul3A_1127 : vector<16xf32>
          %swap3A_1129 = arith.index_cast %add3A_1123 : i32 to index
          %swap3A_1130 = arith.constant 96 : index
          %swap3A_1131 = tpu.vector_load %arg14[%swap3A_1129, %swap3A_1130] {strides = array<i32>} : memref<100x128xf32, #tpu.memory_space<vmem>>, vector<16xf32>,
          tpu.vector_store %arg14[%swap3A_1129, %swap3A_1130], %mul3A_1128 {strides = array<i32>} : memref<100x128xf32, #tpu.memory_space<vmem>>, vector<16xf32>,
          %mul3A_1132 = arith.constant 16 : i32
          %mul3A_1133 = arith.muli %add3A_1041, %mul3A_1132 : i32
          %add3A_1134 = arith.constant 0 : i32
          %add3A_1135 = arith.addi %mul3A_1133, %add3A_1134 : i32
          %get3A_1136 = arith.index_cast %add3A_1135 : i32 to index
          %get3A_1137 = arith.constant 112 : index
          %get3A_1138 = tpu.vector_load %arg14[%get3A_1136, %get3A_1137] {strides = array<i32>} : memref<100x128xf32, #tpu.memory_space<vmem>>, vector<16xf32>,
          %mul3A_1139 = vector.broadcast %squeeze3A_1047 : f32 to vector<16xf32>
          %mul3A_1140 = arith.mulf %get3A_1138, %mul3A_1139 : vector<16xf32>
          %swap3A_1141 = arith.index_cast %add3A_1135 : i32 to index
          %swap3A_1142 = arith.constant 112 : index
          %swap3A_1143 = tpu.vector_load %arg14[%swap3A_1141, %swap3A_1142] {strides = array<i32>} : memref<100x128xf32, #tpu.memory_space<vmem>>, vector<16xf32>,
          tpu.vector_store %arg14[%swap3A_1141, %swap3A_1142], %mul3A_1140 {strides = array<i32>} : memref<100x128xf32, #tpu.memory_space<vmem>>, vector<16xf32>,
          %slice3A_1144 = vector.extract_strided_slice %get3A_1045 {offsets = [1], sizes = [1], strides = [1]} : vector<16xf32> to vector<1xf32>
          %squeeze3A_1145 = vector.extract %slice3A_1144[0] : f32 from vector<1xf32>
          %mul3A_1146 = arith.constant 16 : i32
          %mul3A_1147 = arith.muli %add3A_1041, %mul3A_1146 : i32
          %add3A_1148 = arith.constant 1 : i32
          %add3A_1149 = arith.addi %mul3A_1147, %add3A_1148 : i32
          %get3A_1150 = arith.index_cast %add3A_1149 : i32 to index
          %get3A_1151 = arith.constant 0 : index
          %get3A_1152 = tpu.vector_load %arg14[%get3A_1150, %get3A_1151] {strides = array<i32>} : memref<100x128xf32, #tpu.memory_space<vmem>>, vector<16xf32>,
          %mul3A_1153 = vector.broadcast %squeeze3A_1145 : f32 to vector<16xf32>
          %mul3A_1154 = arith.mulf %get3A_1152, %mul3A_1153 : vector<16xf32>
          %swap3A_1155 = arith.index_cast %add3A_1149 : i32 to index
          %swap3A_1156 = arith.constant 0 : index
          %swap3A_1157 = tpu.vector_load %arg14[%swap3A_1155, %swap3A_1156] {strides = array<i32>} : memref<100x128xf32, #tpu.memory_space<vmem>>, vector<16xf32>,
          tpu.vector_store %arg14[%swap3A_1155, %swap3A_1156], %mul3A_1154 {strides = array<i32>} : memref<100x128xf32, #tpu.memory_space<vmem>>, vector<16xf32>,
          %mul3A_1158 = arith.constant 16 : i32
          %mul3A_1159 = arith.muli %add3A_1041, %mul3A_1158 : i32
          %add3A_1160 = arith.constant 1 : i32
          %add3A_1161 = arith.addi %mul3A_1159, %add3A_1160 : i32
          %get3A_1162 = arith.index_cast %add3A_1161 : i32 to index
          %get3A_1163 = arith.constant 16 : index
          %get3A_1164 = tpu.vector_load %arg14[%get3A_1162, %get3A_1163] {strides = array<i32>} : memref<100x128xf32, #tpu.memory_space<vmem>>, vector<16xf32>,
          %mul3A_1165 = vector.broadcast %squeeze3A_1145 : f32 to vector<16xf32>
          %mul3A_1166 = arith.mulf %get3A_1164, %mul3A_1165 : vector<16xf32>
          %swap3A_1167 = arith.index_cast %add3A_1161 : i32 to index
          %swap3A_1168 = arith.constant 16 : index
          %swap3A_1169 = tpu.vector_load %arg14[%swap3A_1167, %swap3A_1168] {strides = array<i32>} : memref<100x128xf32, #tpu.memory_space<vmem>>, vector<16xf32>,
          tpu.vector_store %arg14[%swap3A_1167, %swap3A_1168], %mul3A_1166 {strides = array<i32>} : memref<100x128xf32, #tpu.memory_space<vmem>>, vector<16xf32>,
          %mul3A_1170 = arith.constant 16 : i32
          %mul3A_1171 = arith.muli %add3A_1041, %mul3A_1170 : i32
          %add3A_1172 = arith.constant 1 : i32
          %add3A_1173 = arith.addi %mul3A_1171, %add3A_1172 : i32
          %get3A_1174 = arith.index_cast %add3A_1173 : i32 to index
          %get3A_1175 = arith.constant 32 : index
          %get3A_1176 = tpu.vector_load %arg14[%get3A_1174, %get3A_1175] {strides = array<i32>} : memref<100x128xf32, #tpu.memory_space<vmem>>, vector<16xf32>,
          %mul3A_1177 = vector.broadcast %squeeze3A_1145 : f32 to vector<16xf32>
          %mul3A_1178 = arith.mulf %get3A_1176, %mul3A_1177 : vector<16xf32>
          %swap3A_1179 = arith.index_cast %add3A_1173 : i32 to index
          %swap3A_1180 = arith.constant 32 : index
          %swap3A_1181 = tpu.vector_load %arg14[%swap3A_1179, %swap3A_1180] {strides = array<i32>} : memref<100x128xf32, #tpu.memory_space<vmem>>, vector<16xf32>,
          tpu.vector_store %arg14[%swap3A_1179, %swap3A_1180], %mul3A_1178 {strides = array<i32>} : memref<100x128xf32, #tpu.memory_space<vmem>>, vector<16xf32>,
          %mul3A_1182 = arith.constant 16 : i32
          %mul3A_1183 = arith.muli %add3A_1041, %mul3A_1182 : i32
          %add3A_1184 = arith.constant 1 : i32
          %add3A_1185 = arith.addi %mul3A_1183, %add3A_1184 : i32
          %get3A_1186 = arith.index_cast %add3A_1185 : i32 to index
          %get3A_1187 = arith.constant 48 : index
          %get3A_1188 = tpu.vector_load %arg14[%get3A_1186, %get3A_1187] {strides = array<i32>} : memref<100x128xf32, #tpu.memory_space<vmem>>, vector<16xf32>,
          %mul3A_1189 = vector.broadcast %squeeze3A_1145 : f32 to vector<16xf32>
          %mul3A_1190 = arith.mulf %get3A_1188, %mul3A_1189 : vector<16xf32>
          %swap3A_1191 = arith.index_cast %add3A_1185 : i32 to index
          %swap3A_1192 = arith.constant 48 : index
          %swap3A_1193 = tpu.vector_load %arg14[%swap3A_1191, %swap3A_1192] {strides = array<i32>} : memref<100x128xf32, #tpu.memory_space<vmem>>, vector<16xf32>,
          tpu.vector_store %arg14[%swap3A_1191, %swap3A_1192], %mul3A_1190 {strides = array<i32>} : memref<100x128xf32, #tpu.memory_space<vmem>>, vector<16xf32>,
          %mul3A_1194 = arith.constant 16 : i32
          %mul3A_1195 = arith.muli %add3A_1041, %mul3A_1194 : i32
          %add3A_1196 = arith.constant 1 : i32
          %add3A_1197 = arith.addi %mul3A_1195, %add3A_1196 : i32
          %get3A_1198 = arith.index_cast %add3A_1197 : i32 to index
          %get3A_1199 = arith.constant 64 : index
          %get3A_1200 = tpu.vector_load %arg14[%get3A_1198, %get3A_1199] {strides = array<i32>} : memref<100x128xf32, #tpu.memory_space<vmem>>, vector<16xf32>,
          %mul3A_1201 = vector.broadcast %squeeze3A_1145 : f32 to vector<16xf32>
          %mul3A_1202 = arith.mulf %get3A_1200, %mul3A_1201 : vector<16xf32>
          %swap3A_1203 = arith.index_cast %add3A_1197 : i32 to index
          %swap3A_1204 = arith.constant 64 : index
          %swap3A_1205 = tpu.vector_load %arg14[%swap3A_1203, %swap3A_1204] {strides = array<i32>} : memref<100x128xf32, #tpu.memory_space<vmem>>, vector<16xf32>,
          tpu.vector_store %arg14[%swap3A_1203, %swap3A_1204], %mul3A_1202 {strides = array<i32>} : memref<100x128xf32, #tpu.memory_space<vmem>>, vector<16xf32>,
          %mul3A_1206 = arith.constant 16 : i32
          %mul3A_1207 = arith.muli %add3A_1041, %mul3A_1206 : i32
          %add3A_1208 = arith.constant 1 : i32
          %add3A_1209 = arith.addi %mul3A_1207, %add3A_1208 : i32
          %get3A_1210 = arith.index_cast %add3A_1209 : i32 to index
          %get3A_1211 = arith.constant 80 : index
          %get3A_1212 = tpu.vector_load %arg14[%get3A_1210, %get3A_1211] {strides = array<i32>} : memref<100x128xf32, #tpu.memory_space<vmem>>, vector<16xf32>,
          %mul3A_1213 = vector.broadcast %squeeze3A_1145 : f32 to vector<16xf32>
          %mul3A_1214 = arith.mulf %get3A_1212, %mul3A_1213 : vector<16xf32>
          %swap3A_1215 = arith.index_cast %add3A_1209 : i32 to index
          %swap3A_1216 = arith.constant 80 : index
          %swap3A_1217 = tpu.vector_load %arg14[%swap3A_1215, %swap3A_1216] {strides = array<i32>} : memref<100x128xf32, #tpu.memory_space<vmem>>, vector<16xf32>,
          tpu.vector_store %arg14[%swap3A_1215, %swap3A_1216], %mul3A_1214 {strides = array<i32>} : memref<100x128xf32, #tpu.memory_space<vmem>>, vector<16xf32>,
          %mul3A_1218 = arith.constant 16 : i32
          %mul3A_1219 = arith.muli %add3A_1041, %mul3A_1218 : i32
          %add3A_1220 = arith.constant 1 : i32
          %add3A_1221 = arith.addi %mul3A_1219, %add3A_1220 : i32
          %get3A_1222 = arith.index_cast %add3A_1221 : i32 to index
          %get3A_1223 = arith.constant 96 : index
          %get3A_1224 = tpu.vector_load %arg14[%get3A_1222, %get3A_1223] {strides = array<i32>} : memref<100x128xf32, #tpu.memory_space<vmem>>, vector<16xf32>,
          %mul3A_1225 = vector.broadcast %squeeze3A_1145 : f32 to vector<16xf32>
          %mul3A_1226 = arith.mulf %get3A_1224, %mul3A_1225 : vector<16xf32>
          %swap3A_1227 = arith.index_cast %add3A_1221 : i32 to index
          %swap3A_1228 = arith.constant 96 : index
          %swap3A_1229 = tpu.vector_load %arg14[%swap3A_1227, %swap3A_1228] {strides = array<i32>} : memref<100x128xf32, #tpu.memory_space<vmem>>, vector<16xf32>,
          tpu.vector_store %arg14[%swap3A_1227, %swap3A_1228], %mul3A_1226 {strides = array<i32>} : memref<100x128xf32, #tpu.memory_space<vmem>>, vector<16xf32>,
          %mul3A_1230 = arith.constant 16 : i32
          %mul3A_1231 = arith.muli %add3A_1041, %mul3A_1230 : i32
          %add3A_1232 = arith.constant 1 : i32
          %add3A_1233 = arith.addi %mul3A_1231, %add3A_1232 : i32
          %get3A_1234 = arith.index_cast %add3A_1233 : i32 to index
          %get3A_1235 = arith.constant 112 : index
          %get3A_1236 = tpu.vector_load %arg14[%get3A_1234, %get3A_1235] {strides = array<i32>} : memref<100x128xf32, #tpu.memory_space<vmem>>, vector<16xf32>,
          %mul3A_1237 = vector.broadcast %squeeze3A_1145 : f32 to vector<16xf32>
          %mul3A_1238 = arith.mulf %get3A_1236, %mul3A_1237 : vector<16xf32>
          %swap3A_1239 = arith.index_cast %add3A_1233 : i32 to index
          %swap3A_1240 = arith.constant 112 : index
          %swap3A_1241 = tpu.vector_load %arg14[%swap3A_1239, %swap3A_1240] {strides = array<i32>} : memref<100x128xf32, #tpu.memory_space<vmem>>, vector<16xf32>,
          tpu.vector_store %arg14[%swap3A_1239, %swap3A_1240], %mul3A_1238 {strides = array<i32>} : memref<100x128xf32, #tpu.memory_space<vmem>>, vector<16xf32>,
          %slice3A_1242 = vector.extract_strided_slice %get3A_1045 {offsets = [2], sizes = [1], strides = [1]} : vector<16xf32> to vector<1xf32>
          %squeeze3A_1243 = vector.extract %slice3A_1242[0] : f32 from vector<1xf32>
          %mul3A_1244 = arith.constant 16 : i32
          %mul3A_1245 = arith.muli %add3A_1041, %mul3A_1244 : i32
          %add3A_1246 = arith.constant 2 : i32
          %add3A_1247 = arith.addi %mul3A_1245, %add3A_1246 : i32
          %get3A_1248 = arith.index_cast %add3A_1247 : i32 to index
          %get3A_1249 = arith.constant 0 : index
          %get3A_1250 = tpu.vector_load %arg14[%get3A_1248, %get3A_1249] {strides = array<i32>} : memref<100x128xf32, #tpu.memory_space<vmem>>, vector<16xf32>,
          %mul3A_1251 = vector.broadcast %squeeze3A_1243 : f32 to vector<16xf32>
          %mul3A_1252 = arith.mulf %get3A_1250, %mul3A_1251 : vector<16xf32>
          %swap3A_1253 = arith.index_cast %add3A_1247 : i32 to index
          %swap3A_1254 = arith.constant 0 : index
          %swap3A_1255 = tpu.vector_load %arg14[%swap3A_1253, %swap3A_1254] {strides = array<i32>} : memref<100x128xf32, #tpu.memory_space<vmem>>, vector<16xf32>,
          tpu.vector_store %arg14[%swap3A_1253, %swap3A_1254], %mul3A_1252 {strides = array<i32>} : memref<100x128xf32, #tpu.memory_space<vmem>>, vector<16xf32>,
          %mul3A_1256 = arith.constant 16 : i32
          %mul3A_1257 = arith.muli %add3A_1041, %mul3A_1256 : i32
          %add3A_1258 = arith.constant 2 : i32
          %add3A_1259 = arith.addi %mul3A_1257, %add3A_1258 : i32
          %get3A_1260 = arith.index_cast %add3A_1259 : i32 to index
          %get3A_1261 = arith.constant 16 : index
          %get3A_1262 = tpu.vector_load %arg14[%get3A_1260, %get3A_1261] {strides = array<i32>} : memref<100x128xf32, #tpu.memory_space<vmem>>, vector<16xf32>,
          %mul3A_1263 = vector.broadcast %squeeze3A_1243 : f32 to vector<16xf32>
          %mul3A_1264 = arith.mulf %get3A_1262, %mul3A_1263 : vector<16xf32>
          %swap3A_1265 = arith.index_cast %add3A_1259 : i32 to index
          %swap3A_1266 = arith.constant 16 : index
          %swap3A_1267 = tpu.vector_load %arg14[%swap3A_1265, %swap3A_1266] {strides = array<i32>} : memref<100x128xf32, #tpu.memory_space<vmem>>, vector<16xf32>,
          tpu.vector_store %arg14[%swap3A_1265, %swap3A_1266], %mul3A_1264 {strides = array<i32>} : memref<100x128xf32, #tpu.memory_space<vmem>>, vector<16xf32>,
          %mul3A_1268 = arith.constant 16 : i32
          %mul3A_1269 = arith.muli %add3A_1041, %mul3A_1268 : i32
          %add3A_1270 = arith.constant 2 : i32
          %add3A_1271 = arith.addi %mul3A_1269, %add3A_1270 : i32
          %get3A_1272 = arith.index_cast %add3A_1271 : i32 to index
          %get3A_1273 = arith.constant 32 : index
          %get3A_1274 = tpu.vector_load %arg14[%get3A_1272, %get3A_1273] {strides = array<i32>} : memref<100x128xf32, #tpu.memory_space<vmem>>, vector<16xf32>,
          %mul3A_1275 = vector.broadcast %squeeze3A_1243 : f32 to vector<16xf32>
          %mul3A_1276 = arith.mulf %get3A_1274, %mul3A_1275 : vector<16xf32>
          %swap3A_1277 = arith.index_cast %add3A_1271 : i32 to index
          %swap3A_1278 = arith.constant 32 : index
          %swap3A_1279 = tpu.vector_load %arg14[%swap3A_1277, %swap3A_1278] {strides = array<i32>} : memref<100x128xf32, #tpu.memory_space<vmem>>, vector<16xf32>,
          tpu.vector_store %arg14[%swap3A_1277, %swap3A_1278], %mul3A_1276 {strides = array<i32>} : memref<100x128xf32, #tpu.memory_space<vmem>>, vector<16xf32>,
          %mul3A_1280 = arith.constant 16 : i32
          %mul3A_1281 = arith.muli %add3A_1041, %mul3A_1280 : i32
          %add3A_1282 = arith.constant 2 : i32
          %add3A_1283 = arith.addi %mul3A_1281, %add3A_1282 : i32
          %get3A_1284 = arith.index_cast %add3A_1283 : i32 to index
          %get3A_1285 = arith.constant 48 : index
          %get3A_1286 = tpu.vector_load %arg14[%get3A_1284, %get3A_1285] {strides = array<i32>} : memref<100x128xf32, #tpu.memory_space<vmem>>, vector<16xf32>,
          %mul3A_1287 = vector.broadcast %squeeze3A_1243 : f32 to vector<16xf32>
          %mul3A_1288 = arith.mulf %get3A_1286, %mul3A_1287 : vector<16xf32>
          %swap3A_1289 = arith.index_cast %add3A_1283 : i32 to index
          %swap3A_1290 = arith.constant 48 : index
          %swap3A_1291 = tpu.vector_load %arg14[%swap3A_1289, %swap3A_1290] {strides = array<i32>} : memref<100x128xf32, #tpu.memory_space<vmem>>, vector<16xf32>,
          tpu.vector_store %arg14[%swap3A_1289, %swap3A_1290], %mul3A_1288 {strides = array<i32>} : memref<100x128xf32, #tpu.memory_space<vmem>>, vector<16xf32>,
          %mul3A_1292 = arith.constant 16 : i32
          %mul3A_1293 = arith.muli %add3A_1041, %mul3A_1292 : i32
          %add3A_1294 = arith.constant 2 : i32
          %add3A_1295 = arith.addi %mul3A_1293, %add3A_1294 : i32
          %get3A_1296 = arith.index_cast %add3A_1295 : i32 to index
          %get3A_1297 = arith.constant 64 : index
          %get3A_1298 = tpu.vector_load %arg14[%get3A_1296, %get3A_1297] {strides = array<i32>} : memref<100x128xf32, #tpu.memory_space<vmem>>, vector<16xf32>,
          %mul3A_1299 = vector.broadcast %squeeze3A_1243 : f32 to vector<16xf32>
          %mul3A_1300 = arith.mulf %get3A_1298, %mul3A_1299 : vector<16xf32>
          %swap3A_1301 = arith.index_cast %add3A_1295 : i32 to index
          %swap3A_1302 = arith.constant 64 : index
          %swap3A_1303 = tpu.vector_load %arg14[%swap3A_1301, %swap3A_1302] {strides = array<i32>} : memref<100x128xf32, #tpu.memory_space<vmem>>, vector<16xf32>,
          tpu.vector_store %arg14[%swap3A_1301, %swap3A_1302], %mul3A_1300 {strides = array<i32>} : memref<100x128xf32, #tpu.memory_space<vmem>>, vector<16xf32>,
          %mul3A_1304 = arith.constant 16 : i32
          %mul3A_1305 = arith.muli %add3A_1041, %mul3A_1304 : i32
          %add3A_1306 = arith.constant 2 : i32
          %add3A_1307 = arith.addi %mul3A_1305, %add3A_1306 : i32
          %get3A_1308 = arith.index_cast %add3A_1307 : i32 to index
          %get3A_1309 = arith.constant 80 : index
          %get3A_1310 = tpu.vector_load %arg14[%get3A_1308, %get3A_1309] {strides = array<i32>} : memref<100x128xf32, #tpu.memory_space<vmem>>, vector<16xf32>,
          %mul3A_1311 = vector.broadcast %squeeze3A_1243 : f32 to vector<16xf32>
          %mul3A_1312 = arith.mulf %get3A_1310, %mul3A_1311 : vector<16xf32>
          %swap3A_1313 = arith.index_cast %add3A_1307 : i32 to index
          %swap3A_1314 = arith.constant 80 : index
          %swap3A_1315 = tpu.vector_load %arg14[%swap3A_1313, %swap3A_1314] {strides = array<i32>} : memref<100x128xf32, #tpu.memory_space<vmem>>, vector<16xf32>,
          tpu.vector_store %arg14[%swap3A_1313, %swap3A_1314], %mul3A_1312 {strides = array<i32>} : memref<100x128xf32, #tpu.memory_space<vmem>>, vector<16xf32>,
          %mul3A_1316 = arith.constant 16 : i32
          %mul3A_1317 = arith.muli %add3A_1041, %mul3A_1316 : i32
          %add3A_1318 = arith.constant 2 : i32
          %add3A_1319 = arith.addi %mul3A_1317, %add3A_1318 : i32
          %get3A_1320 = arith.index_cast %add3A_1319 : i32 to index
          %get3A_1321 = arith.constant 96 : index
          %get3A_1322 = tpu.vector_load %arg14[%get3A_1320, %get3A_1321] {strides = array<i32>} : memref<100x128xf32, #tpu.memory_space<vmem>>, vector<16xf32>,
          %mul3A_1323 = vector.broadcast %squeeze3A_1243 : f32 to vector<16xf32>
          %mul3A_1324 = arith.mulf %get3A_1322, %mul3A_1323 : vector<16xf32>
          %swap3A_1325 = arith.index_cast %add3A_1319 : i32 to index
          %swap3A_1326 = arith.constant 96 : index
          %swap3A_1327 = tpu.vector_load %arg14[%swap3A_1325, %swap3A_1326] {strides = array<i32>} : memref<100x128xf32, #tpu.memory_space<vmem>>, vector<16xf32>,
          tpu.vector_store %arg14[%swap3A_1325, %swap3A_1326], %mul3A_1324 {strides = array<i32>} : memref<100x128xf32, #tpu.memory_space<vmem>>, vector<16xf32>,
          %mul3A_1328 = arith.constant 16 : i32
          %mul3A_1329 = arith.muli %add3A_1041, %mul3A_1328 : i32
          %add3A_1330 = arith.constant 2 : i32
          %add3A_1331 = arith.addi %mul3A_1329, %add3A_1330 : i32
          %get3A_1332 = arith.index_cast %add3A_1331 : i32 to index
          %get3A_1333 = arith.constant 112 : index
          %get3A_1334 = tpu.vector_load %arg14[%get3A_1332, %get3A_1333] {strides = array<i32>} : memref<100x128xf32, #tpu.memory_space<vmem>>, vector<16xf32>,
          %mul3A_1335 = vector.broadcast %squeeze3A_1243 : f32 to vector<16xf32>
          %mul3A_1336 = arith.mulf %get3A_1334, %mul3A_1335 : vector<16xf32>
          %swap3A_1337 = arith.index_cast %add3A_1331 : i32 to index
          %swap3A_1338 = arith.constant 112 : index
          %swap3A_1339 = tpu.vector_load %arg14[%swap3A_1337, %swap3A_1338] {strides = array<i32>} : memref<100x128xf32, #tpu.memory_space<vmem>>, vector<16xf32>,
          tpu.vector_store %arg14[%swap3A_1337, %swap3A_1338], %mul3A_1336 {strides = array<i32>} : memref<100x128xf32, #tpu.memory_space<vmem>>, vector<16xf32>,
          %slice3A_1340 = vector.extract_strided_slice %get3A_1045 {offsets = [3], sizes = [1], strides = [1]} : vector<16xf32> to vector<1xf32>
          %squeeze3A_1341 = vector.extract %slice3A_1340[0] : f32 from vector<1xf32>
          %mul3A_1342 = arith.constant 16 : i32
          %mul3A_1343 = arith.muli %add3A_1041, %mul3A_1342 : i32
          %add3A_1344 = arith.constant 3 : i32
          %add3A_1345 = arith.addi %mul3A_1343, %add3A_1344 : i32
          %get3A_1346 = arith.index_cast %add3A_1345 : i32 to index
          %get3A_1347 = arith.constant 0 : index
          %get3A_1348 = tpu.vector_load %arg14[%get3A_1346, %get3A_1347] {strides = array<i32>} : memref<100x128xf32, #tpu.memory_space<vmem>>, vector<16xf32>,
          %mul3A_1349 = vector.broadcast %squeeze3A_1341 : f32 to vector<16xf32>
          %mul3A_1350 = arith.mulf %get3A_1348, %mul3A_1349 : vector<16xf32>
          %swap3A_1351 = arith.index_cast %add3A_1345 : i32 to index
          %swap3A_1352 = arith.constant 0 : index
          %swap3A_1353 = tpu.vector_load %arg14[%swap3A_1351, %swap3A_1352] {strides = array<i32>} : memref<100x128xf32, #tpu.memory_space<vmem>>, vector<16xf32>,
          tpu.vector_store %arg14[%swap3A_1351, %swap3A_1352], %mul3A_1350 {strides = array<i32>} : memref<100x128xf32, #tpu.memory_space<vmem>>, vector<16xf32>,
          %mul3A_1354 = arith.constant 16 : i32
          %mul3A_1355 = arith.muli %add3A_1041, %mul3A_1354 : i32
          %add3A_1356 = arith.constant 3 : i32
          %add3A_1357 = arith.addi %mul3A_1355, %add3A_1356 : i32
          %get3A_1358 = arith.index_cast %add3A_1357 : i32 to index
          %get3A_1359 = arith.constant 16 : index
          %get3A_1360 = tpu.vector_load %arg14[%get3A_1358, %get3A_1359] {strides = array<i32>} : memref<100x128xf32, #tpu.memory_space<vmem>>, vector<16xf32>,
          %mul3A_1361 = vector.broadcast %squeeze3A_1341 : f32 to vector<16xf32>
          %mul3A_1362 = arith.mulf %get3A_1360, %mul3A_1361 : vector<16xf32>
          %swap3A_1363 = arith.index_cast %add3A_1357 : i32 to index
          %swap3A_1364 = arith.constant 16 : index
          %swap3A_1365 = tpu.vector_load %arg14[%swap3A_1363, %swap3A_1364] {strides = array<i32>} : memref<100x128xf32, #tpu.memory_space<vmem>>, vector<16xf32>,
          tpu.vector_store %arg14[%swap3A_1363, %swap3A_1364], %mul3A_1362 {strides = array<i32>} : memref<100x128xf32, #tpu.memory_space<vmem>>, vector<16xf32>,
          %mul3A_1366 = arith.constant 16 : i32
          %mul3A_1367 = arith.muli %add3A_1041, %mul3A_1366 : i32
          %add3A_1368 = arith.constant 3 : i32
          %add3A_1369 = arith.addi %mul3A_1367, %add3A_1368 : i32
          %get3A_1370 = arith.index_cast %add3A_1369 : i32 to index
          %get3A_1371 = arith.constant 32 : index
          %get3A_1372 = tpu.vector_load %arg14[%get3A_1370, %get3A_1371] {strides = array<i32>} : memref<100x128xf32, #tpu.memory_space<vmem>>, vector<16xf32>,
          %mul3A_1373 = vector.broadcast %squeeze3A_1341 : f32 to vector<16xf32>
          %mul3A_1374 = arith.mulf %get3A_1372, %mul3A_1373 : vector<16xf32>
          %swap3A_1375 = arith.index_cast %add3A_1369 : i32 to index
          %swap3A_1376 = arith.constant 32 : index
          %swap3A_1377 = tpu.vector_load %arg14[%swap3A_1375, %swap3A_1376] {strides = array<i32>} : memref<100x128xf32, #tpu.memory_space<vmem>>, vector<16xf32>,
          tpu.vector_store %arg14[%swap3A_1375, %swap3A_1376], %mul3A_1374 {strides = array<i32>} : memref<100x128xf32, #tpu.memory_space<vmem>>, vector<16xf32>,
          %mul3A_1378 = arith.constant 16 : i32
          %mul3A_1379 = arith.muli %add3A_1041, %mul3A_1378 : i32
          %add3A_1380 = arith.constant 3 : i32
          %add3A_1381 = arith.addi %mul3A_1379, %add3A_1380 : i32
          %get3A_1382 = arith.index_cast %add3A_1381 : i32 to index
          %get3A_1383 = arith.constant 48 : index
          %get3A_1384 = tpu.vector_load %arg14[%get3A_1382, %get3A_1383] {strides = array<i32>} : memref<100x128xf32, #tpu.memory_space<vmem>>, vector<16xf32>,
          %mul3A_1385 = vector.broadcast %squeeze3A_1341 : f32 to vector<16xf32>
          %mul3A_1386 = arith.mulf %get3A_1384, %mul3A_1385 : vector<16xf32>
          %swap3A_1387 = arith.index_cast %add3A_1381 : i32 to index
          %swap3A_1388 = arith.constant 48 : index
          %swap3A_1389 = tpu.vector_load %arg14[%swap3A_1387, %swap3A_1388] {strides = array<i32>} : memref<100x128xf32, #tpu.memory_space<vmem>>, vector<16xf32>,
          tpu.vector_store %arg14[%swap3A_1387, %swap3A_1388], %mul3A_1386 {strides = array<i32>} : memref<100x128xf32, #tpu.memory_space<vmem>>, vector<16xf32>,
          %mul3A_1390 = arith.constant 16 : i32
          %mul3A_1391 = arith.muli %add3A_1041, %mul3A_1390 : i32
          %add3A_1392 = arith.constant 3 : i32
          %add3A_1393 = arith.addi %mul3A_1391, %add3A_1392 : i32
          %get3A_1394 = arith.index_cast %add3A_1393 : i32 to index
          %get3A_1395 = arith.constant 64 : index
          %get3A_1396 = tpu.vector_load %arg14[%get3A_1394, %get3A_1395] {strides = array<i32>} : memref<100x128xf32, #tpu.memory_space<vmem>>, vector<16xf32>,
          %mul3A_1397 = vector.broadcast %squeeze3A_1341 : f32 to vector<16xf32>
          %mul3A_1398 = arith.mulf %get3A_1396, %mul3A_1397 : vector<16xf32>
          %swap3A_1399 = arith.index_cast %add3A_1393 : i32 to index
          %swap3A_1400 = arith.constant 64 : index
          %swap3A_1401 = tpu.vector_load %arg14[%swap3A_1399, %swap3A_1400] {strides = array<i32>} : memref<100x128xf32, #tpu.memory_space<vmem>>, vector<16xf32>,
          tpu.vector_store %arg14[%swap3A_1399, %swap3A_1400], %mul3A_1398 {strides = array<i32>} : memref<100x128xf32, #tpu.memory_space<vmem>>, vector<16xf32>,
          %mul3A_1402 = arith.constant 16 : i32
          %mul3A_1403 = arith.muli %add3A_1041, %mul3A_1402 : i32
          %add3A_1404 = arith.constant 3 : i32
          %add3A_1405 = arith.addi %mul3A_1403, %add3A_1404 : i32
          %get3A_1406 = arith.index_cast %add3A_1405 : i32 to index
          %get3A_1407 = arith.constant 80 : index
          %get3A_1408 = tpu.vector_load %arg14[%get3A_1406, %get3A_1407] {strides = array<i32>} : memref<100x128xf32, #tpu.memory_space<vmem>>, vector<16xf32>,
          %mul3A_1409 = vector.broadcast %squeeze3A_1341 : f32 to vector<16xf32>
          %mul3A_1410 = arith.mulf %get3A_1408, %mul3A_1409 : vector<16xf32>
          %swap3A_1411 = arith.index_cast %add3A_1405 : i32 to index
          %swap3A_1412 = arith.constant 80 : index
          %swap3A_1413 = tpu.vector_load %arg14[%swap3A_1411, %swap3A_1412] {strides = array<i32>} : memref<100x128xf32, #tpu.memory_space<vmem>>, vector<16xf32>,
          tpu.vector_store %arg14[%swap3A_1411, %swap3A_1412], %mul3A_1410 {strides = array<i32>} : memref<100x128xf32, #tpu.memory_space<vmem>>, vector<16xf32>,
          %mul3A_1414 = arith.constant 16 : i32
          %mul3A_1415 = arith.muli %add3A_1041, %mul3A_1414 : i32
          %add3A_1416 = arith.constant 3 : i32
          %add3A_1417 = arith.addi %mul3A_1415, %add3A_1416 : i32
          %get3A_1418 = arith.index_cast %add3A_1417 : i32 to index
          %get3A_1419 = arith.constant 96 : index
          %get3A_1420 = tpu.vector_load %arg14[%get3A_1418, %get3A_1419] {strides = array<i32>} : memref<100x128xf32, #tpu.memory_space<vmem>>, vector<16xf32>,
          %mul3A_1421 = vector.broadcast %squeeze3A_1341 : f32 to vector<16xf32>
          %mul3A_1422 = arith.mulf %get3A_1420, %mul3A_1421 : vector<16xf32>
          %swap3A_1423 = arith.index_cast %add3A_1417 : i32 to index
          %swap3A_1424 = arith.constant 96 : index
          %swap3A_1425 = tpu.vector_load %arg14[%swap3A_1423, %swap3A_1424] {strides = array<i32>} : memref<100x128xf32, #tpu.memory_space<vmem>>, vector<16xf32>,
          tpu.vector_store %arg14[%swap3A_1423, %swap3A_1424], %mul3A_1422 {strides = array<i32>} : memref<100x128xf32, #tpu.memory_space<vmem>>, vector<16xf32>,
          %mul3A_1426 = arith.constant 16 : i32
          %mul3A_1427 = arith.muli %add3A_1041, %mul3A_1426 : i32
          %add3A_1428 = arith.constant 3 : i32
          %add3A_1429 = arith.addi %mul3A_1427, %add3A_1428 : i32
          %get3A_1430 = arith.index_cast %add3A_1429 : i32 to index
          %get3A_1431 = arith.constant 112 : index
          %get3A_1432 = tpu.vector_load %arg14[%get3A_1430, %get3A_1431] {strides = array<i32>} : memref<100x128xf32, #tpu.memory_space<vmem>>, vector<16xf32>,
          %mul3A_1433 = vector.broadcast %squeeze3A_1341 : f32 to vector<16xf32>
          %mul3A_1434 = arith.mulf %get3A_1432, %mul3A_1433 : vector<16xf32>
          %swap3A_1435 = arith.index_cast %add3A_1429 : i32 to index
          %swap3A_1436 = arith.constant 112 : index
          %swap3A_1437 = tpu.vector_load %arg14[%swap3A_1435, %swap3A_1436] {strides = array<i32>} : memref<100x128xf32, #tpu.memory_space<vmem>>, vector<16xf32>,
          tpu.vector_store %arg14[%swap3A_1435, %swap3A_1436], %mul3A_1434 {strides = array<i32>} : memref<100x128xf32, #tpu.memory_space<vmem>>, vector<16xf32>,
          %slice3A_1438 = vector.extract_strided_slice %get3A_1045 {offsets = [4], sizes = [1], strides = [1]} : vector<16xf32> to vector<1xf32>
          %squeeze3A_1439 = vector.extract %slice3A_1438[0] : f32 from vector<1xf32>
          %mul3A_1440 = arith.constant 16 : i32
          %mul3A_1441 = arith.muli %add3A_1041, %mul3A_1440 : i32
          %add3A_1442 = arith.constant 4 : i32
          %add3A_1443 = arith.addi %mul3A_1441, %add3A_1442 : i32
          %get3A_1444 = arith.index_cast %add3A_1443 : i32 to index
          %get3A_1445 = arith.constant 0 : index
          %get3A_1446 = tpu.vector_load %arg14[%get3A_1444, %get3A_1445] {strides = array<i32>} : memref<100x128xf32, #tpu.memory_space<vmem>>, vector<16xf32>,
          %mul3A_1447 = vector.broadcast %squeeze3A_1439 : f32 to vector<16xf32>
          %mul3A_1448 = arith.mulf %get3A_1446, %mul3A_1447 : vector<16xf32>
          %swap3A_1449 = arith.index_cast %add3A_1443 : i32 to index
          %swap3A_1450 = arith.constant 0 : index
          %swap3A_1451 = tpu.vector_load %arg14[%swap3A_1449, %swap3A_1450] {strides = array<i32>} : memref<100x128xf32, #tpu.memory_space<vmem>>, vector<16xf32>,
          tpu.vector_store %arg14[%swap3A_1449, %swap3A_1450], %mul3A_1448 {strides = array<i32>} : memref<100x128xf32, #tpu.memory_space<vmem>>, vector<16xf32>,
          %mul3A_1452 = arith.constant 16 : i32
          %mul3A_1453 = arith.muli %add3A_1041, %mul3A_1452 : i32
          %add3A_1454 = arith.constant 4 : i32
          %add3A_1455 = arith.addi %mul3A_1453, %add3A_1454 : i32
          %get3A_1456 = arith.index_cast %add3A_1455 : i32 to index
          %get3A_1457 = arith.constant 16 : index
          %get3A_1458 = tpu.vector_load %arg14[%get3A_1456, %get3A_1457] {strides = array<i32>} : memref<100x128xf32, #tpu.memory_space<vmem>>, vector<16xf32>,
          %mul3A_1459 = vector.broadcast %squeeze3A_1439 : f32 to vector<16xf32>
          %mul3A_1460 = arith.mulf %get3A_1458, %mul3A_1459 : vector<16xf32>
          %swap3A_1461 = arith.index_cast %add3A_1455 : i32 to index
          %swap3A_1462 = arith.constant 16 : index
          %swap3A_1463 = tpu.vector_load %arg14[%swap3A_1461, %swap3A_1462] {strides = array<i32>} : memref<100x128xf32, #tpu.memory_space<vmem>>, vector<16xf32>,
          tpu.vector_store %arg14[%swap3A_1461, %swap3A_1462], %mul3A_1460 {strides = array<i32>} : memref<100x128xf32, #tpu.memory_space<vmem>>, vector<16xf32>,
          %mul3A_1464 = arith.constant 16 : i32
          %mul3A_1465 = arith.muli %add3A_1041, %mul3A_1464 : i32
          %add3A_1466 = arith.constant 4 : i32
          %add3A_1467 = arith.addi %mul3A_1465, %add3A_1466 : i32
          %get3A_1468 = arith.index_cast %add3A_1467 : i32 to index
          %get3A_1469 = arith.constant 32 : index
          %get3A_1470 = tpu.vector_load %arg14[%get3A_1468, %get3A_1469] {strides = array<i32>} : memref<100x128xf32, #tpu.memory_space<vmem>>, vector<16xf32>,
          %mul3A_1471 = vector.broadcast %squeeze3A_1439 : f32 to vector<16xf32>
          %mul3A_1472 = arith.mulf %get3A_1470, %mul3A_1471 : vector<16xf32>
          %swap3A_1473 = arith.index_cast %add3A_1467 : i32 to index
          %swap3A_1474 = arith.constant 32 : index
          %swap3A_1475 = tpu.vector_load %arg14[%swap3A_1473, %swap3A_1474] {strides = array<i32>} : memref<100x128xf32, #tpu.memory_space<vmem>>, vector<16xf32>,
          tpu.vector_store %arg14[%swap3A_1473, %swap3A_1474], %mul3A_1472 {strides = array<i32>} : memref<100x128xf32, #tpu.memory_space<vmem>>, vector<16xf32>,
          %mul3A_1476 = arith.constant 16 : i32
          %mul3A_1477 = arith.muli %add3A_1041, %mul3A_1476 : i32
          %add3A_1478 = arith.constant 4 : i32
          %add3A_1479 = arith.addi %mul3A_1477, %add3A_1478 : i32
          %get3A_1480 = arith.index_cast %add3A_1479 : i32 to index
          %get3A_1481 = arith.constant 48 : index
          %get3A_1482 = tpu.vector_load %arg14[%get3A_1480, %get3A_1481] {strides = array<i32>} : memref<100x128xf32, #tpu.memory_space<vmem>>, vector<16xf32>,
          %mul3A_1483 = vector.broadcast %squeeze3A_1439 : f32 to vector<16xf32>
          %mul3A_1484 = arith.mulf %get3A_1482, %mul3A_1483 : vector<16xf32>
          %swap3A_1485 = arith.index_cast %add3A_1479 : i32 to index
          %swap3A_1486 = arith.constant 48 : index
          %swap3A_1487 = tpu.vector_load %arg14[%swap3A_1485, %swap3A_1486] {strides = array<i32>} : memref<100x128xf32, #tpu.memory_space<vmem>>, vector<16xf32>,
          tpu.vector_store %arg14[%swap3A_1485, %swap3A_1486], %mul3A_1484 {strides = array<i32>} : memref<100x128xf32, #tpu.memory_space<vmem>>, vector<16xf32>,
          %mul3A_1488 = arith.constant 16 : i32
          %mul3A_1489 = arith.muli %add3A_1041, %mul3A_1488 : i32
          %add3A_1490 = arith.constant 4 : i32
          %add3A_1491 = arith.addi %mul3A_1489, %add3A_1490 : i32
          %get3A_1492 = arith.index_cast %add3A_1491 : i32 to index
          %get3A_1493 = arith.constant 64 : index
          %get3A_1494 = tpu.vector_load %arg14[%get3A_1492, %get3A_1493] {strides = array<i32>} : memref<100x128xf32, #tpu.memory_space<vmem>>, vector<16xf32>,
          %mul3A_1495 = vector.broadcast %squeeze3A_1439 : f32 to vector<16xf32>
          %mul3A_1496 = arith.mulf %get3A_1494, %mul3A_1495 : vector<16xf32>
          %swap3A_1497 = arith.index_cast %add3A_1491 : i32 to index
          %swap3A_1498 = arith.constant 64 : index
          %swap3A_1499 = tpu.vector_load %arg14[%swap3A_1497, %swap3A_1498] {strides = array<i32>} : memref<100x128xf32, #tpu.memory_space<vmem>>, vector<16xf32>,
          tpu.vector_store %arg14[%swap3A_1497, %swap3A_1498], %mul3A_1496 {strides = array<i32>} : memref<100x128xf32, #tpu.memory_space<vmem>>, vector<16xf32>,
          %mul3A_1500 = arith.constant 16 : i32
          %mul3A_1501 = arith.muli %add3A_1041, %mul3A_1500 : i32
          %add3A_1502 = arith.constant 4 : i32
          %add3A_1503 = arith.addi %mul3A_1501, %add3A_1502 : i32
          %get3A_1504 = arith.index_cast %add3A_1503 : i32 to index
          %get3A_1505 = arith.constant 80 : index
          %get3A_1506 = tpu.vector_load %arg14[%get3A_1504, %get3A_1505] {strides = array<i32>} : memref<100x128xf32, #tpu.memory_space<vmem>>, vector<16xf32>,
          %mul3A_1507 = vector.broadcast %squeeze3A_1439 : f32 to vector<16xf32>
          %mul3A_1508 = arith.mulf %get3A_1506, %mul3A_1507 : vector<16xf32>
          %swap3A_1509 = arith.index_cast %add3A_1503 : i32 to index
          %swap3A_1510 = arith.constant 80 : index
          %swap3A_1511 = tpu.vector_load %arg14[%swap3A_1509, %swap3A_1510] {strides = array<i32>} : memref<100x128xf32, #tpu.memory_space<vmem>>, vector<16xf32>,
          tpu.vector_store %arg14[%swap3A_1509, %swap3A_1510], %mul3A_1508 {strides = array<i32>} : memref<100x128xf32, #tpu.memory_space<vmem>>, vector<16xf32>,
          %mul3A_1512 = arith.constant 16 : i32
          %mul3A_1513 = arith.muli %add3A_1041, %mul3A_1512 : i32
          %add3A_1514 = arith.constant 4 : i32
          %add3A_1515 = arith.addi %mul3A_1513, %add3A_1514 : i32
          %get3A_1516 = arith.index_cast %add3A_1515 : i32 to index
          %get3A_1517 = arith.constant 96 : index
          %get3A_1518 = tpu.vector_load %arg14[%get3A_1516, %get3A_1517] {strides = array<i32>} : memref<100x128xf32, #tpu.memory_space<vmem>>, vector<16xf32>,
          %mul3A_1519 = vector.broadcast %squeeze3A_1439 : f32 to vector<16xf32>
          %mul3A_1520 = arith.mulf %get3A_1518, %mul3A_1519 : vector<16xf32>
          %swap3A_1521 = arith.index_cast %add3A_1515 : i32 to index
          %swap3A_1522 = arith.constant 96 : index
          %swap3A_1523 = tpu.vector_load %arg14[%swap3A_1521, %swap3A_1522] {strides = array<i32>} : memref<100x128xf32, #tpu.memory_space<vmem>>, vector<16xf32>,
          tpu.vector_store %arg14[%swap3A_1521, %swap3A_1522], %mul3A_1520 {strides = array<i32>} : memref<100x128xf32, #tpu.memory_space<vmem>>, vector<16xf32>,
          %mul3A_1524 = arith.constant 16 : i32
          %mul3A_1525 = arith.muli %add3A_1041, %mul3A_1524 : i32
          %add3A_1526 = arith.constant 4 : i32
          %add3A_1527 = arith.addi %mul3A_1525, %add3A_1526 : i32
          %get3A_1528 = arith.index_cast %add3A_1527 : i32 to index
          %get3A_1529 = arith.constant 112 : index
          %get3A_1530 = tpu.vector_load %arg14[%get3A_1528, %get3A_1529] {strides = array<i32>} : memref<100x128xf32, #tpu.memory_space<vmem>>, vector<16xf32>,
          %mul3A_1531 = vector.broadcast %squeeze3A_1439 : f32 to vector<16xf32>
          %mul3A_1532 = arith.mulf %get3A_1530, %mul3A_1531 : vector<16xf32>
          %swap3A_1533 = arith.index_cast %add3A_1527 : i32 to index
          %swap3A_1534 = arith.constant 112 : index
          %swap3A_1535 = tpu.vector_load %arg14[%swap3A_1533, %swap3A_1534] {strides = array<i32>} : memref<100x128xf32, #tpu.memory_space<vmem>>, vector<16xf32>,
          tpu.vector_store %arg14[%swap3A_1533, %swap3A_1534], %mul3A_1532 {strides = array<i32>} : memref<100x128xf32, #tpu.memory_space<vmem>>, vector<16xf32>,
          %slice3A_1536 = vector.extract_strided_slice %get3A_1045 {offsets = [5], sizes = [1], strides = [1]} : vector<16xf32> to vector<1xf32>
          %squeeze3A_1537 = vector.extract %slice3A_1536[0] : f32 from vector<1xf32>
          %mul3A_1538 = arith.constant 16 : i32
          %mul3A_1539 = arith.muli %add3A_1041, %mul3A_1538 : i32
          %add3A_1540 = arith.constant 5 : i32
          %add3A_1541 = arith.addi %mul3A_1539, %add3A_1540 : i32
          %get3A_1542 = arith.index_cast %add3A_1541 : i32 to index
          %get3A_1543 = arith.constant 0 : index
          %get3A_1544 = tpu.vector_load %arg14[%get3A_1542, %get3A_1543] {strides = array<i32>} : memref<100x128xf32, #tpu.memory_space<vmem>>, vector<16xf32>,
          %mul3A_1545 = vector.broadcast %squeeze3A_1537 : f32 to vector<16xf32>
          %mul3A_1546 = arith.mulf %get3A_1544, %mul3A_1545 : vector<16xf32>
          %swap3A_1547 = arith.index_cast %add3A_1541 : i32 to index
          %swap3A_1548 = arith.constant 0 : index
          %swap3A_1549 = tpu.vector_load %arg14[%swap3A_1547, %swap3A_1548] {strides = array<i32>} : memref<100x128xf32, #tpu.memory_space<vmem>>, vector<16xf32>,
          tpu.vector_store %arg14[%swap3A_1547, %swap3A_1548], %mul3A_1546 {strides = array<i32>} : memref<100x128xf32, #tpu.memory_space<vmem>>, vector<16xf32>,
          %mul3A_1550 = arith.constant 16 : i32
          %mul3A_1551 = arith.muli %add3A_1041, %mul3A_1550 : i32
          %add3A_1552 = arith.constant 5 : i32
          %add3A_1553 = arith.addi %mul3A_1551, %add3A_1552 : i32
          %get3A_1554 = arith.index_cast %add3A_1553 : i32 to index
          %get3A_1555 = arith.constant 16 : index
          %get3A_1556 = tpu.vector_load %arg14[%get3A_1554, %get3A_1555] {strides = array<i32>} : memref<100x128xf32, #tpu.memory_space<vmem>>, vector<16xf32>,
          %mul3A_1557 = vector.broadcast %squeeze3A_1537 : f32 to vector<16xf32>
          %mul3A_1558 = arith.mulf %get3A_1556, %mul3A_1557 : vector<16xf32>
          %swap3A_1559 = arith.index_cast %add3A_1553 : i32 to index
          %swap3A_1560 = arith.constant 16 : index
          %swap3A_1561 = tpu.vector_load %arg14[%swap3A_1559, %swap3A_1560] {strides = array<i32>} : memref<100x128xf32, #tpu.memory_space<vmem>>, vector<16xf32>,
          tpu.vector_store %arg14[%swap3A_1559, %swap3A_1560], %mul3A_1558 {strides = array<i32>} : memref<100x128xf32, #tpu.memory_space<vmem>>, vector<16xf32>,
          %mul3A_1562 = arith.constant 16 : i32
          %mul3A_1563 = arith.muli %add3A_1041, %mul3A_1562 : i32
          %add3A_1564 = arith.constant 5 : i32
          %add3A_1565 = arith.addi %mul3A_1563, %add3A_1564 : i32
          %get3A_1566 = arith.index_cast %add3A_1565 : i32 to index
          %get3A_1567 = arith.constant 32 : index
          %get3A_1568 = tpu.vector_load %arg14[%get3A_1566, %get3A_1567] {strides = array<i32>} : memref<100x128xf32, #tpu.memory_space<vmem>>, vector<16xf32>,
          %mul3A_1569 = vector.broadcast %squeeze3A_1537 : f32 to vector<16xf32>
          %mul3A_1570 = arith.mulf %get3A_1568, %mul3A_1569 : vector<16xf32>
          %swap3A_1571 = arith.index_cast %add3A_1565 : i32 to index
          %swap3A_1572 = arith.constant 32 : index
          %swap3A_1573 = tpu.vector_load %arg14[%swap3A_1571, %swap3A_1572] {strides = array<i32>} : memref<100x128xf32, #tpu.memory_space<vmem>>, vector<16xf32>,
          tpu.vector_store %arg14[%swap3A_1571, %swap3A_1572], %mul3A_1570 {strides = array<i32>} : memref<100x128xf32, #tpu.memory_space<vmem>>, vector<16xf32>,
          %mul3A_1574 = arith.constant 16 : i32
          %mul3A_1575 = arith.muli %add3A_1041, %mul3A_1574 : i32
          %add3A_1576 = arith.constant 5 : i32
          %add3A_1577 = arith.addi %mul3A_1575, %add3A_1576 : i32
          %get3A_1578 = arith.index_cast %add3A_1577 : i32 to index
          %get3A_1579 = arith.constant 48 : index
          %get3A_1580 = tpu.vector_load %arg14[%get3A_1578, %get3A_1579] {strides = array<i32>} : memref<100x128xf32, #tpu.memory_space<vmem>>, vector<16xf32>,
          %mul3A_1581 = vector.broadcast %squeeze3A_1537 : f32 to vector<16xf32>
          %mul3A_1582 = arith.mulf %get3A_1580, %mul3A_1581 : vector<16xf32>
          %swap3A_1583 = arith.index_cast %add3A_1577 : i32 to index
          %swap3A_1584 = arith.constant 48 : index
          %swap3A_1585 = tpu.vector_load %arg14[%swap3A_1583, %swap3A_1584] {strides = array<i32>} : memref<100x128xf32, #tpu.memory_space<vmem>>, vector<16xf32>,
          tpu.vector_store %arg14[%swap3A_1583, %swap3A_1584], %mul3A_1582 {strides = array<i32>} : memref<100x128xf32, #tpu.memory_space<vmem>>, vector<16xf32>,
          %mul3A_1586 = arith.constant 16 : i32
          %mul3A_1587 = arith.muli %add3A_1041, %mul3A_1586 : i32
          %add3A_1588 = arith.constant 5 : i32
          %add3A_1589 = arith.addi %mul3A_1587, %add3A_1588 : i32
          %get3A_1590 = arith.index_cast %add3A_1589 : i32 to index
          %get3A_1591 = arith.constant 64 : index
          %get3A_1592 = tpu.vector_load %arg14[%get3A_1590, %get3A_1591] {strides = array<i32>} : memref<100x128xf32, #tpu.memory_space<vmem>>, vector<16xf32>,
          %mul3A_1593 = vector.broadcast %squeeze3A_1537 : f32 to vector<16xf32>
          %mul3A_1594 = arith.mulf %get3A_1592, %mul3A_1593 : vector<16xf32>
          %swap3A_1595 = arith.index_cast %add3A_1589 : i32 to index
          %swap3A_1596 = arith.constant 64 : index
          %swap3A_1597 = tpu.vector_load %arg14[%swap3A_1595, %swap3A_1596] {strides = array<i32>} : memref<100x128xf32, #tpu.memory_space<vmem>>, vector<16xf32>,
          tpu.vector_store %arg14[%swap3A_1595, %swap3A_1596], %mul3A_1594 {strides = array<i32>} : memref<100x128xf32, #tpu.memory_space<vmem>>, vector<16xf32>,
          %mul3A_1598 = arith.constant 16 : i32
          %mul3A_1599 = arith.muli %add3A_1041, %mul3A_1598 : i32
          %add3A_1600 = arith.constant 5 : i32
          %add3A_1601 = arith.addi %mul3A_1599, %add3A_1600 : i32
          %get3A_1602 = arith.index_cast %add3A_1601 : i32 to index
          %get3A_1603 = arith.constant 80 : index
          %get3A_1604 = tpu.vector_load %arg14[%get3A_1602, %get3A_1603] {strides = array<i32>} : memref<100x128xf32, #tpu.memory_space<vmem>>, vector<16xf32>,
          %mul3A_1605 = vector.broadcast %squeeze3A_1537 : f32 to vector<16xf32>
          %mul3A_1606 = arith.mulf %get3A_1604, %mul3A_1605 : vector<16xf32>
          %swap3A_1607 = arith.index_cast %add3A_1601 : i32 to index
          %swap3A_1608 = arith.constant 80 : index
          %swap3A_1609 = tpu.vector_load %arg14[%swap3A_1607, %swap3A_1608] {strides = array<i32>} : memref<100x128xf32, #tpu.memory_space<vmem>>, vector<16xf32>,
          tpu.vector_store %arg14[%swap3A_1607, %swap3A_1608], %mul3A_1606 {strides = array<i32>} : memref<100x128xf32, #tpu.memory_space<vmem>>, vector<16xf32>,
          %mul3A_1610 = arith.constant 16 : i32
          %mul3A_1611 = arith.muli %add3A_1041, %mul3A_1610 : i32
          %add3A_1612 = arith.constant 5 : i32
          %add3A_1613 = arith.addi %mul3A_1611, %add3A_1612 : i32
          %get3A_1614 = arith.index_cast %add3A_1613 : i32 to index
          %get3A_1615 = arith.constant 96 : index
          %get3A_1616 = tpu.vector_load %arg14[%get3A_1614, %get3A_1615] {strides = array<i32>} : memref<100x128xf32, #tpu.memory_space<vmem>>, vector<16xf32>,
          %mul3A_1617 = vector.broadcast %squeeze3A_1537 : f32 to vector<16xf32>
          %mul3A_1618 = arith.mulf %get3A_1616, %mul3A_1617 : vector<16xf32>
          %swap3A_1619 = arith.index_cast %add3A_1613 : i32 to index
          %swap3A_1620 = arith.constant 96 : index
          %swap3A_1621 = tpu.vector_load %arg14[%swap3A_1619, %swap3A_1620] {strides = array<i32>} : memref<100x128xf32, #tpu.memory_space<vmem>>, vector<16xf32>,
          tpu.vector_store %arg14[%swap3A_1619, %swap3A_1620], %mul3A_1618 {strides = array<i32>} : memref<100x128xf32, #tpu.memory_space<vmem>>, vector<16xf32>,
          %mul3A_1622 = arith.constant 16 : i32
          %mul3A_1623 = arith.muli %add3A_1041, %mul3A_1622 : i32
          %add3A_1624 = arith.constant 5 : i32
          %add3A_1625 = arith.addi %mul3A_1623, %add3A_1624 : i32
          %get3A_1626 = arith.index_cast %add3A_1625 : i32 to index
          %get3A_1627 = arith.constant 112 : index
          %get3A_1628 = tpu.vector_load %arg14[%get3A_1626, %get3A_1627] {strides = array<i32>} : memref<100x128xf32, #tpu.memory_space<vmem>>, vector<16xf32>,
          %mul3A_1629 = vector.broadcast %squeeze3A_1537 : f32 to vector<16xf32>
          %mul3A_1630 = arith.mulf %get3A_1628, %mul3A_1629 : vector<16xf32>
          %swap3A_1631 = arith.index_cast %add3A_1625 : i32 to index
          %swap3A_1632 = arith.constant 112 : index
          %swap3A_1633 = tpu.vector_load %arg14[%swap3A_1631, %swap3A_1632] {strides = array<i32>} : memref<100x128xf32, #tpu.memory_space<vmem>>, vector<16xf32>,
          tpu.vector_store %arg14[%swap3A_1631, %swap3A_1632], %mul3A_1630 {strides = array<i32>} : memref<100x128xf32, #tpu.memory_space<vmem>>, vector<16xf32>,
          %slice3A_1634 = vector.extract_strided_slice %get3A_1045 {offsets = [6], sizes = [1], strides = [1]} : vector<16xf32> to vector<1xf32>
          %squeeze3A_1635 = vector.extract %slice3A_1634[0] : f32 from vector<1xf32>
          %mul3A_1636 = arith.constant 16 : i32
          %mul3A_1637 = arith.muli %add3A_1041, %mul3A_1636 : i32
          %add3A_1638 = arith.constant 6 : i32
          %add3A_1639 = arith.addi %mul3A_1637, %add3A_1638 : i32
          %get3A_1640 = arith.index_cast %add3A_1639 : i32 to index
          %get3A_1641 = arith.constant 0 : index
          %get3A_1642 = tpu.vector_load %arg14[%get3A_1640, %get3A_1641] {strides = array<i32>} : memref<100x128xf32, #tpu.memory_space<vmem>>, vector<16xf32>,
          %mul3A_1643 = vector.broadcast %squeeze3A_1635 : f32 to vector<16xf32>
          %mul3A_1644 = arith.mulf %get3A_1642, %mul3A_1643 : vector<16xf32>
          %swap3A_1645 = arith.index_cast %add3A_1639 : i32 to index
          %swap3A_1646 = arith.constant 0 : index
          %swap3A_1647 = tpu.vector_load %arg14[%swap3A_1645, %swap3A_1646] {strides = array<i32>} : memref<100x128xf32, #tpu.memory_space<vmem>>, vector<16xf32>,
          tpu.vector_store %arg14[%swap3A_1645, %swap3A_1646], %mul3A_1644 {strides = array<i32>} : memref<100x128xf32, #tpu.memory_space<vmem>>, vector<16xf32>,
          %mul3A_1648 = arith.constant 16 : i32
          %mul3A_1649 = arith.muli %add3A_1041, %mul3A_1648 : i32
          %add3A_1650 = arith.constant 6 : i32
          %add3A_1651 = arith.addi %mul3A_1649, %add3A_1650 : i32
          %get3A_1652 = arith.index_cast %add3A_1651 : i32 to index
          %get3A_1653 = arith.constant 16 : index
          %get3A_1654 = tpu.vector_load %arg14[%get3A_1652, %get3A_1653] {strides = array<i32>} : memref<100x128xf32, #tpu.memory_space<vmem>>, vector<16xf32>,
          %mul3A_1655 = vector.broadcast %squeeze3A_1635 : f32 to vector<16xf32>
          %mul3A_1656 = arith.mulf %get3A_1654, %mul3A_1655 : vector<16xf32>
          %swap3A_1657 = arith.index_cast %add3A_1651 : i32 to index
          %swap3A_1658 = arith.constant 16 : index
          %swap3A_1659 = tpu.vector_load %arg14[%swap3A_1657, %swap3A_1658] {strides = array<i32>} : memref<100x128xf32, #tpu.memory_space<vmem>>, vector<16xf32>,
          tpu.vector_store %arg14[%swap3A_1657, %swap3A_1658], %mul3A_1656 {strides = array<i32>} : memref<100x128xf32, #tpu.memory_space<vmem>>, vector<16xf32>,
          %mul3A_1660 = arith.constant 16 : i32
          %mul3A_1661 = arith.muli %add3A_1041, %mul3A_1660 : i32
          %add3A_1662 = arith.constant 6 : i32
          %add3A_1663 = arith.addi %mul3A_1661, %add3A_1662 : i32
          %get3A_1664 = arith.index_cast %add3A_1663 : i32 to index
          %get3A_1665 = arith.constant 32 : index
          %get3A_1666 = tpu.vector_load %arg14[%get3A_1664, %get3A_1665] {strides = array<i32>} : memref<100x128xf32, #tpu.memory_space<vmem>>, vector<16xf32>,
          %mul3A_1667 = vector.broadcast %squeeze3A_1635 : f32 to vector<16xf32>
          %mul3A_1668 = arith.mulf %get3A_1666, %mul3A_1667 : vector<16xf32>
          %swap3A_1669 = arith.index_cast %add3A_1663 : i32 to index
          %swap3A_1670 = arith.constant 32 : index
          %swap3A_1671 = tpu.vector_load %arg14[%swap3A_1669, %swap3A_1670] {strides = array<i32>} : memref<100x128xf32, #tpu.memory_space<vmem>>, vector<16xf32>,
          tpu.vector_store %arg14[%swap3A_1669, %swap3A_1670], %mul3A_1668 {strides = array<i32>} : memref<100x128xf32, #tpu.memory_space<vmem>>, vector<16xf32>,
          %mul3A_1672 = arith.constant 16 : i32
          %mul3A_1673 = arith.muli %add3A_1041, %mul3A_1672 : i32
          %add3A_1674 = arith.constant 6 : i32
          %add3A_1675 = arith.addi %mul3A_1673, %add3A_1674 : i32
          %get3A_1676 = arith.index_cast %add3A_1675 : i32 to index
          %get3A_1677 = arith.constant 48 : index
          %get3A_1678 = tpu.vector_load %arg14[%get3A_1676, %get3A_1677] {strides = array<i32>} : memref<100x128xf32, #tpu.memory_space<vmem>>, vector<16xf32>,
          %mul3A_1679 = vector.broadcast %squeeze3A_1635 : f32 to vector<16xf32>
          %mul3A_1680 = arith.mulf %get3A_1678, %mul3A_1679 : vector<16xf32>
          %swap3A_1681 = arith.index_cast %add3A_1675 : i32 to index
          %swap3A_1682 = arith.constant 48 : index
          %swap3A_1683 = tpu.vector_load %arg14[%swap3A_1681, %swap3A_1682] {strides = array<i32>} : memref<100x128xf32, #tpu.memory_space<vmem>>, vector<16xf32>,
          tpu.vector_store %arg14[%swap3A_1681, %swap3A_1682], %mul3A_1680 {strides = array<i32>} : memref<100x128xf32, #tpu.memory_space<vmem>>, vector<16xf32>,
          %mul3A_1684 = arith.constant 16 : i32
          %mul3A_1685 = arith.muli %add3A_1041, %mul3A_1684 : i32
          %add3A_1686 = arith.constant 6 : i32
          %add3A_1687 = arith.addi %mul3A_1685, %add3A_1686 : i32
          %get3A_1688 = arith.index_cast %add3A_1687 : i32 to index
          %get3A_1689 = arith.constant 64 : index
          %get3A_1690 = tpu.vector_load %arg14[%get3A_1688, %get3A_1689] {strides = array<i32>} : memref<100x128xf32, #tpu.memory_space<vmem>>, vector<16xf32>,
          %mul3A_1691 = vector.broadcast %squeeze3A_1635 : f32 to vector<16xf32>
          %mul3A_1692 = arith.mulf %get3A_1690, %mul3A_1691 : vector<16xf32>
          %swap3A_1693 = arith.index_cast %add3A_1687 : i32 to index
          %swap3A_1694 = arith.constant 64 : index
          %swap3A_1695 = tpu.vector_load %arg14[%swap3A_1693, %swap3A_1694] {strides = array<i32>} : memref<100x128xf32, #tpu.memory_space<vmem>>, vector<16xf32>,
          tpu.vector_store %arg14[%swap3A_1693, %swap3A_1694], %mul3A_1692 {strides = array<i32>} : memref<100x128xf32, #tpu.memory_space<vmem>>, vector<16xf32>,
          %mul3A_1696 = arith.constant 16 : i32
          %mul3A_1697 = arith.muli %add3A_1041, %mul3A_1696 : i32
          %add3A_1698 = arith.constant 6 : i32
          %add3A_1699 = arith.addi %mul3A_1697, %add3A_1698 : i32
          %get3A_1700 = arith.index_cast %add3A_1699 : i32 to index
          %get3A_1701 = arith.constant 80 : index
          %get3A_1702 = tpu.vector_load %arg14[%get3A_1700, %get3A_1701] {strides = array<i32>} : memref<100x128xf32, #tpu.memory_space<vmem>>, vector<16xf32>,
          %mul3A_1703 = vector.broadcast %squeeze3A_1635 : f32 to vector<16xf32>
          %mul3A_1704 = arith.mulf %get3A_1702, %mul3A_1703 : vector<16xf32>
          %swap3A_1705 = arith.index_cast %add3A_1699 : i32 to index
          %swap3A_1706 = arith.constant 80 : index
          %swap3A_1707 = tpu.vector_load %arg14[%swap3A_1705, %swap3A_1706] {strides = array<i32>} : memref<100x128xf32, #tpu.memory_space<vmem>>, vector<16xf32>,
          tpu.vector_store %arg14[%swap3A_1705, %swap3A_1706], %mul3A_1704 {strides = array<i32>} : memref<100x128xf32, #tpu.memory_space<vmem>>, vector<16xf32>,
          %mul3A_1708 = arith.constant 16 : i32
          %mul3A_1709 = arith.muli %add3A_1041, %mul3A_1708 : i32
          %add3A_1710 = arith.constant 6 : i32
          %add3A_1711 = arith.addi %mul3A_1709, %add3A_1710 : i32
          %get3A_1712 = arith.index_cast %add3A_1711 : i32 to index
          %get3A_1713 = arith.constant 96 : index
          %get3A_1714 = tpu.vector_load %arg14[%get3A_1712, %get3A_1713] {strides = array<i32>} : memref<100x128xf32, #tpu.memory_space<vmem>>, vector<16xf32>,
          %mul3A_1715 = vector.broadcast %squeeze3A_1635 : f32 to vector<16xf32>
          %mul3A_1716 = arith.mulf %get3A_1714, %mul3A_1715 : vector<16xf32>
          %swap3A_1717 = arith.index_cast %add3A_1711 : i32 to index
          %swap3A_1718 = arith.constant 96 : index
          %swap3A_1719 = tpu.vector_load %arg14[%swap3A_1717, %swap3A_1718] {strides = array<i32>} : memref<100x128xf32, #tpu.memory_space<vmem>>, vector<16xf32>,
          tpu.vector_store %arg14[%swap3A_1717, %swap3A_1718], %mul3A_1716 {strides = array<i32>} : memref<100x128xf32, #tpu.memory_space<vmem>>, vector<16xf32>,
          %mul3A_1720 = arith.constant 16 : i32
          %mul3A_1721 = arith.muli %add3A_1041, %mul3A_1720 : i32
          %add3A_1722 = arith.constant 6 : i32
          %add3A_1723 = arith.addi %mul3A_1721, %add3A_1722 : i32
          %get3A_1724 = arith.index_cast %add3A_1723 : i32 to index
          %get3A_1725 = arith.constant 112 : index
          %get3A_1726 = tpu.vector_load %arg14[%get3A_1724, %get3A_1725] {strides = array<i32>} : memref<100x128xf32, #tpu.memory_space<vmem>>, vector<16xf32>,
          %mul3A_1727 = vector.broadcast %squeeze3A_1635 : f32 to vector<16xf32>
          %mul3A_1728 = arith.mulf %get3A_1726, %mul3A_1727 : vector<16xf32>
          %swap3A_1729 = arith.index_cast %add3A_1723 : i32 to index
          %swap3A_1730 = arith.constant 112 : index
          %swap3A_1731 = tpu.vector_load %arg14[%swap3A_1729, %swap3A_1730] {strides = array<i32>} : memref<100x128xf32, #tpu.memory_space<vmem>>, vector<16xf32>,
          tpu.vector_store %arg14[%swap3A_1729, %swap3A_1730], %mul3A_1728 {strides = array<i32>} : memref<100x128xf32, #tpu.memory_space<vmem>>, vector<16xf32>,
          %slice3A_1732 = vector.extract_strided_slice %get3A_1045 {offsets = [7], sizes = [1], strides = [1]} : vector<16xf32> to vector<1xf32>
          %squeeze3A_1733 = vector.extract %slice3A_1732[0] : f32 from vector<1xf32>
          %mul3A_1734 = arith.constant 16 : i32
          %mul3A_1735 = arith.muli %add3A_1041, %mul3A_1734 : i32
          %add3A_1736 = arith.constant 7 : i32
          %add3A_1737 = arith.addi %mul3A_1735, %add3A_1736 : i32
          %get3A_1738 = arith.index_cast %add3A_1737 : i32 to index
          %get3A_1739 = arith.constant 0 : index
          %get3A_1740 = tpu.vector_load %arg14[%get3A_1738, %get3A_1739] {strides = array<i32>} : memref<100x128xf32, #tpu.memory_space<vmem>>, vector<16xf32>,
          %mul3A_1741 = vector.broadcast %squeeze3A_1733 : f32 to vector<16xf32>
          %mul3A_1742 = arith.mulf %get3A_1740, %mul3A_1741 : vector<16xf32>
          %swap3A_1743 = arith.index_cast %add3A_1737 : i32 to index
          %swap3A_1744 = arith.constant 0 : index
          %swap3A_1745 = tpu.vector_load %arg14[%swap3A_1743, %swap3A_1744] {strides = array<i32>} : memref<100x128xf32, #tpu.memory_space<vmem>>, vector<16xf32>,
          tpu.vector_store %arg14[%swap3A_1743, %swap3A_1744], %mul3A_1742 {strides = array<i32>} : memref<100x128xf32, #tpu.memory_space<vmem>>, vector<16xf32>,
          %mul3A_1746 = arith.constant 16 : i32
          %mul3A_1747 = arith.muli %add3A_1041, %mul3A_1746 : i32
          %add3A_1748 = arith.constant 7 : i32
          %add3A_1749 = arith.addi %mul3A_1747, %add3A_1748 : i32
          %get3A_1750 = arith.index_cast %add3A_1749 : i32 to index
          %get3A_1751 = arith.constant 16 : index
          %get3A_1752 = tpu.vector_load %arg14[%get3A_1750, %get3A_1751] {strides = array<i32>} : memref<100x128xf32, #tpu.memory_space<vmem>>, vector<16xf32>,
          %mul3A_1753 = vector.broadcast %squeeze3A_1733 : f32 to vector<16xf32>
          %mul3A_1754 = arith.mulf %get3A_1752, %mul3A_1753 : vector<16xf32>
          %swap3A_1755 = arith.index_cast %add3A_1749 : i32 to index
          %swap3A_1756 = arith.constant 16 : index
          %swap3A_1757 = tpu.vector_load %arg14[%swap3A_1755, %swap3A_1756] {strides = array<i32>} : memref<100x128xf32, #tpu.memory_space<vmem>>, vector<16xf32>,
          tpu.vector_store %arg14[%swap3A_1755, %swap3A_1756], %mul3A_1754 {strides = array<i32>} : memref<100x128xf32, #tpu.memory_space<vmem>>, vector<16xf32>,
          %mul3A_1758 = arith.constant 16 : i32
          %mul3A_1759 = arith.muli %add3A_1041, %mul3A_1758 : i32
          %add3A_1760 = arith.constant 7 : i32
          %add3A_1761 = arith.addi %mul3A_1759, %add3A_1760 : i32
          %get3A_1762 = arith.index_cast %add3A_1761 : i32 to index
          %get3A_1763 = arith.constant 32 : index
          %get3A_1764 = tpu.vector_load %arg14[%get3A_1762, %get3A_1763] {strides = array<i32>} : memref<100x128xf32, #tpu.memory_space<vmem>>, vector<16xf32>,
          %mul3A_1765 = vector.broadcast %squeeze3A_1733 : f32 to vector<16xf32>
          %mul3A_1766 = arith.mulf %get3A_1764, %mul3A_1765 : vector<16xf32>
          %swap3A_1767 = arith.index_cast %add3A_1761 : i32 to index
          %swap3A_1768 = arith.constant 32 : index
          %swap3A_1769 = tpu.vector_load %arg14[%swap3A_1767, %swap3A_1768] {strides = array<i32>} : memref<100x128xf32, #tpu.memory_space<vmem>>, vector<16xf32>,
          tpu.vector_store %arg14[%swap3A_1767, %swap3A_1768], %mul3A_1766 {strides = array<i32>} : memref<100x128xf32, #tpu.memory_space<vmem>>, vector<16xf32>,
          %mul3A_1770 = arith.constant 16 : i32
          %mul3A_1771 = arith.muli %add3A_1041, %mul3A_1770 : i32
          %add3A_1772 = arith.constant 7 : i32
          %add3A_1773 = arith.addi %mul3A_1771, %add3A_1772 : i32
          %get3A_1774 = arith.index_cast %add3A_1773 : i32 to index
          %get3A_1775 = arith.constant 48 : index
          %get3A_1776 = tpu.vector_load %arg14[%get3A_1774, %get3A_1775] {strides = array<i32>} : memref<100x128xf32, #tpu.memory_space<vmem>>, vector<16xf32>,
          %mul3A_1777 = vector.broadcast %squeeze3A_1733 : f32 to vector<16xf32>
          %mul3A_1778 = arith.mulf %get3A_1776, %mul3A_1777 : vector<16xf32>
          %swap3A_1779 = arith.index_cast %add3A_1773 : i32 to index
          %swap3A_1780 = arith.constant 48 : index
          %swap3A_1781 = tpu.vector_load %arg14[%swap3A_1779, %swap3A_1780] {strides = array<i32>} : memref<100x128xf32, #tpu.memory_space<vmem>>, vector<16xf32>,
          tpu.vector_store %arg14[%swap3A_1779, %swap3A_1780], %mul3A_1778 {strides = array<i32>} : memref<100x128xf32, #tpu.memory_space<vmem>>, vector<16xf32>,
          %mul3A_1782 = arith.constant 16 : i32
          %mul3A_1783 = arith.muli %add3A_1041, %mul3A_1782 : i32
          %add3A_1784 = arith.constant 7 : i32
          %add3A_1785 = arith.addi %mul3A_1783, %add3A_1784 : i32
          %get3A_1786 = arith.index_cast %add3A_1785 : i32 to index
          %get3A_1787 = arith.constant 64 : index
          %get3A_1788 = tpu.vector_load %arg14[%get3A_1786, %get3A_1787] {strides = array<i32>} : memref<100x128xf32, #tpu.memory_space<vmem>>, vector<16xf32>,
          %mul3A_1789 = vector.broadcast %squeeze3A_1733 : f32 to vector<16xf32>
          %mul3A_1790 = arith.mulf %get3A_1788, %mul3A_1789 : vector<16xf32>
          %swap3A_1791 = arith.index_cast %add3A_1785 : i32 to index
          %swap3A_1792 = arith.constant 64 : index
          %swap3A_1793 = tpu.vector_load %arg14[%swap3A_1791, %swap3A_1792] {strides = array<i32>} : memref<100x128xf32, #tpu.memory_space<vmem>>, vector<16xf32>,
          tpu.vector_store %arg14[%swap3A_1791, %swap3A_1792], %mul3A_1790 {strides = array<i32>} : memref<100x128xf32, #tpu.memory_space<vmem>>, vector<16xf32>,
          %mul3A_1794 = arith.constant 16 : i32
          %mul3A_1795 = arith.muli %add3A_1041, %mul3A_1794 : i32
          %add3A_1796 = arith.constant 7 : i32
          %add3A_1797 = arith.addi %mul3A_1795, %add3A_1796 : i32
          %get3A_1798 = arith.index_cast %add3A_1797 : i32 to index
          %get3A_1799 = arith.constant 80 : index
          %get3A_1800 = tpu.vector_load %arg14[%get3A_1798, %get3A_1799] {strides = array<i32>} : memref<100x128xf32, #tpu.memory_space<vmem>>, vector<16xf32>,
          %mul3A_1801 = vector.broadcast %squeeze3A_1733 : f32 to vector<16xf32>
          %mul3A_1802 = arith.mulf %get3A_1800, %mul3A_1801 : vector<16xf32>
          %swap3A_1803 = arith.index_cast %add3A_1797 : i32 to index
          %swap3A_1804 = arith.constant 80 : index
          %swap3A_1805 = tpu.vector_load %arg14[%swap3A_1803, %swap3A_1804] {strides = array<i32>} : memref<100x128xf32, #tpu.memory_space<vmem>>, vector<16xf32>,
          tpu.vector_store %arg14[%swap3A_1803, %swap3A_1804], %mul3A_1802 {strides = array<i32>} : memref<100x128xf32, #tpu.memory_space<vmem>>, vector<16xf32>,
          %mul3A_1806 = arith.constant 16 : i32
          %mul3A_1807 = arith.muli %add3A_1041, %mul3A_1806 : i32
          %add3A_1808 = arith.constant 7 : i32
          %add3A_1809 = arith.addi %mul3A_1807, %add3A_1808 : i32
          %get3A_1810 = arith.index_cast %add3A_1809 : i32 to index
          %get3A_1811 = arith.constant 96 : index
          %get3A_1812 = tpu.vector_load %arg14[%get3A_1810, %get3A_1811] {strides = array<i32>} : memref<100x128xf32, #tpu.memory_space<vmem>>, vector<16xf32>,
          %mul3A_1813 = vector.broadcast %squeeze3A_1733 : f32 to vector<16xf32>
          %mul3A_1814 = arith.mulf %get3A_1812, %mul3A_1813 : vector<16xf32>
          %swap3A_1815 = arith.index_cast %add3A_1809 : i32 to index
          %swap3A_1816 = arith.constant 96 : index
          %swap3A_1817 = tpu.vector_load %arg14[%swap3A_1815, %swap3A_1816] {strides = array<i32>} : memref<100x128xf32, #tpu.memory_space<vmem>>, vector<16xf32>,
          tpu.vector_store %arg14[%swap3A_1815, %swap3A_1816], %mul3A_1814 {strides = array<i32>} : memref<100x128xf32, #tpu.memory_space<vmem>>, vector<16xf32>,
          %mul3A_1818 = arith.constant 16 : i32
          %mul3A_1819 = arith.muli %add3A_1041, %mul3A_1818 : i32
          %add3A_1820 = arith.constant 7 : i32
          %add3A_1821 = arith.addi %mul3A_1819, %add3A_1820 : i32
          %get3A_1822 = arith.index_cast %add3A_1821 : i32 to index
          %get3A_1823 = arith.constant 112 : index
          %get3A_1824 = tpu.vector_load %arg14[%get3A_1822, %get3A_1823] {strides = array<i32>} : memref<100x128xf32, #tpu.memory_space<vmem>>, vector<16xf32>,
          %mul3A_1825 = vector.broadcast %squeeze3A_1733 : f32 to vector<16xf32>
          %mul3A_1826 = arith.mulf %get3A_1824, %mul3A_1825 : vector<16xf32>
          %swap3A_1827 = arith.index_cast %add3A_1821 : i32 to index
          %swap3A_1828 = arith.constant 112 : index
          %swap3A_1829 = tpu.vector_load %arg14[%swap3A_1827, %swap3A_1828] {strides = array<i32>} : memref<100x128xf32, #tpu.memory_space<vmem>>, vector<16xf32>,
          tpu.vector_store %arg14[%swap3A_1827, %swap3A_1828], %mul3A_1826 {strides = array<i32>} : memref<100x128xf32, #tpu.memory_space<vmem>>, vector<16xf32>,
          %slice3A_1830 = vector.extract_strided_slice %get3A_1045 {offsets = [8], sizes = [1], strides = [1]} : vector<16xf32> to vector<1xf32>
          %squeeze3A_1831 = vector.extract %slice3A_1830[0] : f32 from vector<1xf32>
          %mul3A_1832 = arith.constant 16 : i32
          %mul3A_1833 = arith.muli %add3A_1041, %mul3A_1832 : i32
          %add3A_1834 = arith.constant 8 : i32
          %add3A_1835 = arith.addi %mul3A_1833, %add3A_1834 : i32
          %get3A_1836 = arith.index_cast %add3A_1835 : i32 to index
          %get3A_1837 = arith.constant 0 : index
          %get3A_1838 = tpu.vector_load %arg14[%get3A_1836, %get3A_1837] {strides = array<i32>} : memref<100x128xf32, #tpu.memory_space<vmem>>, vector<16xf32>,
          %mul3A_1839 = vector.broadcast %squeeze3A_1831 : f32 to vector<16xf32>
          %mul3A_1840 = arith.mulf %get3A_1838, %mul3A_1839 : vector<16xf32>
          %swap3A_1841 = arith.index_cast %add3A_1835 : i32 to index
          %swap3A_1842 = arith.constant 0 : index
          %swap3A_1843 = tpu.vector_load %arg14[%swap3A_1841, %swap3A_1842] {strides = array<i32>} : memref<100x128xf32, #tpu.memory_space<vmem>>, vector<16xf32>,
          tpu.vector_store %arg14[%swap3A_1841, %swap3A_1842], %mul3A_1840 {strides = array<i32>} : memref<100x128xf32, #tpu.memory_space<vmem>>, vector<16xf32>,
          %mul3A_1844 = arith.constant 16 : i32
          %mul3A_1845 = arith.muli %add3A_1041, %mul3A_1844 : i32
          %add3A_1846 = arith.constant 8 : i32
          %add3A_1847 = arith.addi %mul3A_1845, %add3A_1846 : i32
          %get3A_1848 = arith.index_cast %add3A_1847 : i32 to index
          %get3A_1849 = arith.constant 16 : index
          %get3A_1850 = tpu.vector_load %arg14[%get3A_1848, %get3A_1849] {strides = array<i32>} : memref<100x128xf32, #tpu.memory_space<vmem>>, vector<16xf32>,
          %mul3A_1851 = vector.broadcast %squeeze3A_1831 : f32 to vector<16xf32>
          %mul3A_1852 = arith.mulf %get3A_1850, %mul3A_1851 : vector<16xf32>
          %swap3A_1853 = arith.index_cast %add3A_1847 : i32 to index
          %swap3A_1854 = arith.constant 16 : index
          %swap3A_1855 = tpu.vector_load %arg14[%swap3A_1853, %swap3A_1854] {strides = array<i32>} : memref<100x128xf32, #tpu.memory_space<vmem>>, vector<16xf32>,
          tpu.vector_store %arg14[%swap3A_1853, %swap3A_1854], %mul3A_1852 {strides = array<i32>} : memref<100x128xf32, #tpu.memory_space<vmem>>, vector<16xf32>,
          %mul3A_1856 = arith.constant 16 : i32
          %mul3A_1857 = arith.muli %add3A_1041, %mul3A_1856 : i32
          %add3A_1858 = arith.constant 8 : i32
          %add3A_1859 = arith.addi %mul3A_1857, %add3A_1858 : i32
          %get3A_1860 = arith.index_cast %add3A_1859 : i32 to index
          %get3A_1861 = arith.constant 32 : index
          %get3A_1862 = tpu.vector_load %arg14[%get3A_1860, %get3A_1861] {strides = array<i32>} : memref<100x128xf32, #tpu.memory_space<vmem>>, vector<16xf32>,
          %mul3A_1863 = vector.broadcast %squeeze3A_1831 : f32 to vector<16xf32>
          %mul3A_1864 = arith.mulf %get3A_1862, %mul3A_1863 : vector<16xf32>
          %swap3A_1865 = arith.index_cast %add3A_1859 : i32 to index
          %swap3A_1866 = arith.constant 32 : index
          %swap3A_1867 = tpu.vector_load %arg14[%swap3A_1865, %swap3A_1866] {strides = array<i32>} : memref<100x128xf32, #tpu.memory_space<vmem>>, vector<16xf32>,
          tpu.vector_store %arg14[%swap3A_1865, %swap3A_1866], %mul3A_1864 {strides = array<i32>} : memref<100x128xf32, #tpu.memory_space<vmem>>, vector<16xf32>,
          %mul3A_1868 = arith.constant 16 : i32
          %mul3A_1869 = arith.muli %add3A_1041, %mul3A_1868 : i32
          %add3A_1870 = arith.constant 8 : i32
          %add3A_1871 = arith.addi %mul3A_1869, %add3A_1870 : i32
          %get3A_1872 = arith.index_cast %add3A_1871 : i32 to index
          %get3A_1873 = arith.constant 48 : index
          %get3A_1874 = tpu.vector_load %arg14[%get3A_1872, %get3A_1873] {strides = array<i32>} : memref<100x128xf32, #tpu.memory_space<vmem>>, vector<16xf32>,
          %mul3A_1875 = vector.broadcast %squeeze3A_1831 : f32 to vector<16xf32>
          %mul3A_1876 = arith.mulf %get3A_1874, %mul3A_1875 : vector<16xf32>
          %swap3A_1877 = arith.index_cast %add3A_1871 : i32 to index
          %swap3A_1878 = arith.constant 48 : index
          %swap3A_1879 = tpu.vector_load %arg14[%swap3A_1877, %swap3A_1878] {strides = array<i32>} : memref<100x128xf32, #tpu.memory_space<vmem>>, vector<16xf32>,
          tpu.vector_store %arg14[%swap3A_1877, %swap3A_1878], %mul3A_1876 {strides = array<i32>} : memref<100x128xf32, #tpu.memory_space<vmem>>, vector<16xf32>,
          %mul3A_1880 = arith.constant 16 : i32
          %mul3A_1881 = arith.muli %add3A_1041, %mul3A_1880 : i32
          %add3A_1882 = arith.constant 8 : i32
          %add3A_1883 = arith.addi %mul3A_1881, %add3A_1882 : i32
          %get3A_1884 = arith.index_cast %add3A_1883 : i32 to index
          %get3A_1885 = arith.constant 64 : index
          %get3A_1886 = tpu.vector_load %arg14[%get3A_1884, %get3A_1885] {strides = array<i32>} : memref<100x128xf32, #tpu.memory_space<vmem>>, vector<16xf32>,
          %mul3A_1887 = vector.broadcast %squeeze3A_1831 : f32 to vector<16xf32>
          %mul3A_1888 = arith.mulf %get3A_1886, %mul3A_1887 : vector<16xf32>
          %swap3A_1889 = arith.index_cast %add3A_1883 : i32 to index
          %swap3A_1890 = arith.constant 64 : index
          %swap3A_1891 = tpu.vector_load %arg14[%swap3A_1889, %swap3A_1890] {strides = array<i32>} : memref<100x128xf32, #tpu.memory_space<vmem>>, vector<16xf32>,
          tpu.vector_store %arg14[%swap3A_1889, %swap3A_1890], %mul3A_1888 {strides = array<i32>} : memref<100x128xf32, #tpu.memory_space<vmem>>, vector<16xf32>,
          %mul3A_1892 = arith.constant 16 : i32
          %mul3A_1893 = arith.muli %add3A_1041, %mul3A_1892 : i32
          %add3A_1894 = arith.constant 8 : i32
          %add3A_1895 = arith.addi %mul3A_1893, %add3A_1894 : i32
          %get3A_1896 = arith.index_cast %add3A_1895 : i32 to index
          %get3A_1897 = arith.constant 80 : index
          %get3A_1898 = tpu.vector_load %arg14[%get3A_1896, %get3A_1897] {strides = array<i32>} : memref<100x128xf32, #tpu.memory_space<vmem>>, vector<16xf32>,
          %mul3A_1899 = vector.broadcast %squeeze3A_1831 : f32 to vector<16xf32>
          %mul3A_1900 = arith.mulf %get3A_1898, %mul3A_1899 : vector<16xf32>
          %swap3A_1901 = arith.index_cast %add3A_1895 : i32 to index
          %swap3A_1902 = arith.constant 80 : index
          %swap3A_1903 = tpu.vector_load %arg14[%swap3A_1901, %swap3A_1902] {strides = array<i32>} : memref<100x128xf32, #tpu.memory_space<vmem>>, vector<16xf32>,
          tpu.vector_store %arg14[%swap3A_1901, %swap3A_1902], %mul3A_1900 {strides = array<i32>} : memref<100x128xf32, #tpu.memory_space<vmem>>, vector<16xf32>,
          %mul3A_1904 = arith.constant 16 : i32
          %mul3A_1905 = arith.muli %add3A_1041, %mul3A_1904 : i32
          %add3A_1906 = arith.constant 8 : i32
          %add3A_1907 = arith.addi %mul3A_1905, %add3A_1906 : i32
          %get3A_1908 = arith.index_cast %add3A_1907 : i32 to index
          %get3A_1909 = arith.constant 96 : index
          %get3A_1910 = tpu.vector_load %arg14[%get3A_1908, %get3A_1909] {strides = array<i32>} : memref<100x128xf32, #tpu.memory_space<vmem>>, vector<16xf32>,
          %mul3A_1911 = vector.broadcast %squeeze3A_1831 : f32 to vector<16xf32>
          %mul3A_1912 = arith.mulf %get3A_1910, %mul3A_1911 : vector<16xf32>
          %swap3A_1913 = arith.index_cast %add3A_1907 : i32 to index
          %swap3A_1914 = arith.constant 96 : index
          %swap3A_1915 = tpu.vector_load %arg14[%swap3A_1913, %swap3A_1914] {strides = array<i32>} : memref<100x128xf32, #tpu.memory_space<vmem>>, vector<16xf32>,
          tpu.vector_store %arg14[%swap3A_1913, %swap3A_1914], %mul3A_1912 {strides = array<i32>} : memref<100x128xf32, #tpu.memory_space<vmem>>, vector<16xf32>,
          %mul3A_1916 = arith.constant 16 : i32
          %mul3A_1917 = arith.muli %add3A_1041, %mul3A_1916 : i32
          %add3A_1918 = arith.constant 8 : i32
          %add3A_1919 = arith.addi %mul3A_1917, %add3A_1918 : i32
          %get3A_1920 = arith.index_cast %add3A_1919 : i32 to index
          %get3A_1921 = arith.constant 112 : index
          %get3A_1922 = tpu.vector_load %arg14[%get3A_1920, %get3A_1921] {strides = array<i32>} : memref<100x128xf32, #tpu.memory_space<vmem>>, vector<16xf32>,
          %mul3A_1923 = vector.broadcast %squeeze3A_1831 : f32 to vector<16xf32>
          %mul3A_1924 = arith.mulf %get3A_1922, %mul3A_1923 : vector<16xf32>
          %swap3A_1925 = arith.index_cast %add3A_1919 : i32 to index
          %swap3A_1926 = arith.constant 112 : index
          %swap3A_1927 = tpu.vector_load %arg14[%swap3A_1925, %swap3A_1926] {strides = array<i32>} : memref<100x128xf32, #tpu.memory_space<vmem>>, vector<16xf32>,
          tpu.vector_store %arg14[%swap3A_1925, %swap3A_1926], %mul3A_1924 {strides = array<i32>} : memref<100x128xf32, #tpu.memory_space<vmem>>, vector<16xf32>,
          %slice3A_1928 = vector.extract_strided_slice %get3A_1045 {offsets = [9], sizes = [1], strides = [1]} : vector<16xf32> to vector<1xf32>
          %squeeze3A_1929 = vector.extract %slice3A_1928[0] : f32 from vector<1xf32>
          %mul3A_1930 = arith.constant 16 : i32
          %mul3A_1931 = arith.muli %add3A_1041, %mul3A_1930 : i32
          %add3A_1932 = arith.constant 9 : i32
          %add3A_1933 = arith.addi %mul3A_1931, %add3A_1932 : i32
          %get3A_1934 = arith.index_cast %add3A_1933 : i32 to index
          %get3A_1935 = arith.constant 0 : index
          %get3A_1936 = tpu.vector_load %arg14[%get3A_1934, %get3A_1935] {strides = array<i32>} : memref<100x128xf32, #tpu.memory_space<vmem>>, vector<16xf32>,
          %mul3A_1937 = vector.broadcast %squeeze3A_1929 : f32 to vector<16xf32>
          %mul3A_1938 = arith.mulf %get3A_1936, %mul3A_1937 : vector<16xf32>
          %swap3A_1939 = arith.index_cast %add3A_1933 : i32 to index
          %swap3A_1940 = arith.constant 0 : index
          %swap3A_1941 = tpu.vector_load %arg14[%swap3A_1939, %swap3A_1940] {strides = array<i32>} : memref<100x128xf32, #tpu.memory_space<vmem>>, vector<16xf32>,
          tpu.vector_store %arg14[%swap3A_1939, %swap3A_1940], %mul3A_1938 {strides = array<i32>} : memref<100x128xf32, #tpu.memory_space<vmem>>, vector<16xf32>,
          %mul3A_1942 = arith.constant 16 : i32
          %mul3A_1943 = arith.muli %add3A_1041, %mul3A_1942 : i32
          %add3A_1944 = arith.constant 9 : i32
          %add3A_1945 = arith.addi %mul3A_1943, %add3A_1944 : i32
          %get3A_1946 = arith.index_cast %add3A_1945 : i32 to index
          %get3A_1947 = arith.constant 16 : index
          %get3A_1948 = tpu.vector_load %arg14[%get3A_1946, %get3A_1947] {strides = array<i32>} : memref<100x128xf32, #tpu.memory_space<vmem>>, vector<16xf32>,
          %mul3A_1949 = vector.broadcast %squeeze3A_1929 : f32 to vector<16xf32>
          %mul3A_1950 = arith.mulf %get3A_1948, %mul3A_1949 : vector<16xf32>
          %swap3A_1951 = arith.index_cast %add3A_1945 : i32 to index
          %swap3A_1952 = arith.constant 16 : index
          %swap3A_1953 = tpu.vector_load %arg14[%swap3A_1951, %swap3A_1952] {strides = array<i32>} : memref<100x128xf32, #tpu.memory_space<vmem>>, vector<16xf32>,
          tpu.vector_store %arg14[%swap3A_1951, %swap3A_1952], %mul3A_1950 {strides = array<i32>} : memref<100x128xf32, #tpu.memory_space<vmem>>, vector<16xf32>,
          %mul3A_1954 = arith.constant 16 : i32
          %mul3A_1955 = arith.muli %add3A_1041, %mul3A_1954 : i32
          %add3A_1956 = arith.constant 9 : i32
          %add3A_1957 = arith.addi %mul3A_1955, %add3A_1956 : i32
          %get3A_1958 = arith.index_cast %add3A_1957 : i32 to index
          %get3A_1959 = arith.constant 32 : index
          %get3A_1960 = tpu.vector_load %arg14[%get3A_1958, %get3A_1959] {strides = array<i32>} : memref<100x128xf32, #tpu.memory_space<vmem>>, vector<16xf32>,
          %mul3A_1961 = vector.broadcast %squeeze3A_1929 : f32 to vector<16xf32>
          %mul3A_1962 = arith.mulf %get3A_1960, %mul3A_1961 : vector<16xf32>
          %swap3A_1963 = arith.index_cast %add3A_1957 : i32 to index
          %swap3A_1964 = arith.constant 32 : index
          %swap3A_1965 = tpu.vector_load %arg14[%swap3A_1963, %swap3A_1964] {strides = array<i32>} : memref<100x128xf32, #tpu.memory_space<vmem>>, vector<16xf32>,
          tpu.vector_store %arg14[%swap3A_1963, %swap3A_1964], %mul3A_1962 {strides = array<i32>} : memref<100x128xf32, #tpu.memory_space<vmem>>, vector<16xf32>,
          %mul3A_1966 = arith.constant 16 : i32
          %mul3A_1967 = arith.muli %add3A_1041, %mul3A_1966 : i32
          %add3A_1968 = arith.constant 9 : i32
          %add3A_1969 = arith.addi %mul3A_1967, %add3A_1968 : i32
          %get3A_1970 = arith.index_cast %add3A_1969 : i32 to index
          %get3A_1971 = arith.constant 48 : index
          %get3A_1972 = tpu.vector_load %arg14[%get3A_1970, %get3A_1971] {strides = array<i32>} : memref<100x128xf32, #tpu.memory_space<vmem>>, vector<16xf32>,
          %mul3A_1973 = vector.broadcast %squeeze3A_1929 : f32 to vector<16xf32>
          %mul3A_1974 = arith.mulf %get3A_1972, %mul3A_1973 : vector<16xf32>
          %swap3A_1975 = arith.index_cast %add3A_1969 : i32 to index
          %swap3A_1976 = arith.constant 48 : index
          %swap3A_1977 = tpu.vector_load %arg14[%swap3A_1975, %swap3A_1976] {strides = array<i32>} : memref<100x128xf32, #tpu.memory_space<vmem>>, vector<16xf32>,
          tpu.vector_store %arg14[%swap3A_1975, %swap3A_1976], %mul3A_1974 {strides = array<i32>} : memref<100x128xf32, #tpu.memory_space<vmem>>, vector<16xf32>,
          %mul3A_1978 = arith.constant 16 : i32
          %mul3A_1979 = arith.muli %add3A_1041, %mul3A_1978 : i32
          %add3A_1980 = arith.constant 9 : i32
          %add3A_1981 = arith.addi %mul3A_1979, %add3A_1980 : i32
          %get3A_1982 = arith.index_cast %add3A_1981 : i32 to index
          %get3A_1983 = arith.constant 64 : index
          %get3A_1984 = tpu.vector_load %arg14[%get3A_1982, %get3A_1983] {strides = array<i32>} : memref<100x128xf32, #tpu.memory_space<vmem>>, vector<16xf32>,
          %mul3A_1985 = vector.broadcast %squeeze3A_1929 : f32 to vector<16xf32>
          %mul3A_1986 = arith.mulf %get3A_1984, %mul3A_1985 : vector<16xf32>
          %swap3A_1987 = arith.index_cast %add3A_1981 : i32 to index
          %swap3A_1988 = arith.constant 64 : index
          %swap3A_1989 = tpu.vector_load %arg14[%swap3A_1987, %swap3A_1988] {strides = array<i32>} : memref<100x128xf32, #tpu.memory_space<vmem>>, vector<16xf32>,
          tpu.vector_store %arg14[%swap3A_1987, %swap3A_1988], %mul3A_1986 {strides = array<i32>} : memref<100x128xf32, #tpu.memory_space<vmem>>, vector<16xf32>,
          %mul3A_1990 = arith.constant 16 : i32
          %mul3A_1991 = arith.muli %add3A_1041, %mul3A_1990 : i32
          %add3A_1992 = arith.constant 9 : i32
          %add3A_1993 = arith.addi %mul3A_1991, %add3A_1992 : i32
          %get3A_1994 = arith.index_cast %add3A_1993 : i32 to index
          %get3A_1995 = arith.constant 80 : index
          %get3A_1996 = tpu.vector_load %arg14[%get3A_1994, %get3A_1995] {strides = array<i32>} : memref<100x128xf32, #tpu.memory_space<vmem>>, vector<16xf32>,
          %mul3A_1997 = vector.broadcast %squeeze3A_1929 : f32 to vector<16xf32>
          %mul3A_1998 = arith.mulf %get3A_1996, %mul3A_1997 : vector<16xf32>
          %swap3A_1999 = arith.index_cast %add3A_1993 : i32 to index
          %swap3A_2000 = arith.constant 80 : index
          %swap3A_2001 = tpu.vector_load %arg14[%swap3A_1999, %swap3A_2000] {strides = array<i32>} : memref<100x128xf32, #tpu.memory_space<vmem>>, vector<16xf32>,
          tpu.vector_store %arg14[%swap3A_1999, %swap3A_2000], %mul3A_1998 {strides = array<i32>} : memref<100x128xf32, #tpu.memory_space<vmem>>, vector<16xf32>,
          %mul3A_2002 = arith.constant 16 : i32
          %mul3A_2003 = arith.muli %add3A_1041, %mul3A_2002 : i32
          %add3A_2004 = arith.constant 9 : i32
          %add3A_2005 = arith.addi %mul3A_2003, %add3A_2004 : i32
          %get3A_2006 = arith.index_cast %add3A_2005 : i32 to index
          %get3A_2007 = arith.constant 96 : index
          %get3A_2008 = tpu.vector_load %arg14[%get3A_2006, %get3A_2007] {strides = array<i32>} : memref<100x128xf32, #tpu.memory_space<vmem>>, vector<16xf32>,
          %mul3A_2009 = vector.broadcast %squeeze3A_1929 : f32 to vector<16xf32>
          %mul3A_2010 = arith.mulf %get3A_2008, %mul3A_2009 : vector<16xf32>
          %swap3A_2011 = arith.index_cast %add3A_2005 : i32 to index
          %swap3A_2012 = arith.constant 96 : index
          %swap3A_2013 = tpu.vector_load %arg14[%swap3A_2011, %swap3A_2012] {strides = array<i32>} : memref<100x128xf32, #tpu.memory_space<vmem>>, vector<16xf32>,
          tpu.vector_store %arg14[%swap3A_2011, %swap3A_2012], %mul3A_2010 {strides = array<i32>} : memref<100x128xf32, #tpu.memory_space<vmem>>, vector<16xf32>,
          %mul3A_2014 = arith.constant 16 : i32
          %mul3A_2015 = arith.muli %add3A_1041, %mul3A_2014 : i32
          %add3A_2016 = arith.constant 9 : i32
          %add3A_2017 = arith.addi %mul3A_2015, %add3A_2016 : i32
          %get3A_2018 = arith.index_cast %add3A_2017 : i32 to index
          %get3A_2019 = arith.constant 112 : index
          %get3A_2020 = tpu.vector_load %arg14[%get3A_2018, %get3A_2019] {strides = array<i32>} : memref<100x128xf32, #tpu.memory_space<vmem>>, vector<16xf32>,
          %mul3A_2021 = vector.broadcast %squeeze3A_1929 : f32 to vector<16xf32>
          %mul3A_2022 = arith.mulf %get3A_2020, %mul3A_2021 : vector<16xf32>
          %swap3A_2023 = arith.index_cast %add3A_2017 : i32 to index
          %swap3A_2024 = arith.constant 112 : index
          %swap3A_2025 = tpu.vector_load %arg14[%swap3A_2023, %swap3A_2024] {strides = array<i32>} : memref<100x128xf32, #tpu.memory_space<vmem>>, vector<16xf32>,
          tpu.vector_store %arg14[%swap3A_2023, %swap3A_2024], %mul3A_2022 {strides = array<i32>} : memref<100x128xf32, #tpu.memory_space<vmem>>, vector<16xf32>,
          %slice3A_2026 = vector.extract_strided_slice %get3A_1045 {offsets = [10], sizes = [1], strides = [1]} : vector<16xf32> to vector<1xf32>
          %squeeze3A_2027 = vector.extract %slice3A_2026[0] : f32 from vector<1xf32>
          %mul3A_2028 = arith.constant 16 : i32
          %mul3A_2029 = arith.muli %add3A_1041, %mul3A_2028 : i32
          %add3A_2030 = arith.constant 10 : i32
          %add3A_2031 = arith.addi %mul3A_2029, %add3A_2030 : i32
          %get3A_2032 = arith.index_cast %add3A_2031 : i32 to index
          %get3A_2033 = arith.constant 0 : index
          %get3A_2034 = tpu.vector_load %arg14[%get3A_2032, %get3A_2033] {strides = array<i32>} : memref<100x128xf32, #tpu.memory_space<vmem>>, vector<16xf32>,
          %mul3A_2035 = vector.broadcast %squeeze3A_2027 : f32 to vector<16xf32>
          %mul3A_2036 = arith.mulf %get3A_2034, %mul3A_2035 : vector<16xf32>
          %swap3A_2037 = arith.index_cast %add3A_2031 : i32 to index
          %swap3A_2038 = arith.constant 0 : index
          %swap3A_2039 = tpu.vector_load %arg14[%swap3A_2037, %swap3A_2038] {strides = array<i32>} : memref<100x128xf32, #tpu.memory_space<vmem>>, vector<16xf32>,
          tpu.vector_store %arg14[%swap3A_2037, %swap3A_2038], %mul3A_2036 {strides = array<i32>} : memref<100x128xf32, #tpu.memory_space<vmem>>, vector<16xf32>,
          %mul3A_2040 = arith.constant 16 : i32
          %mul3A_2041 = arith.muli %add3A_1041, %mul3A_2040 : i32
          %add3A_2042 = arith.constant 10 : i32
          %add3A_2043 = arith.addi %mul3A_2041, %add3A_2042 : i32
          %get3A_2044 = arith.index_cast %add3A_2043 : i32 to index
          %get3A_2045 = arith.constant 16 : index
          %get3A_2046 = tpu.vector_load %arg14[%get3A_2044, %get3A_2045] {strides = array<i32>} : memref<100x128xf32, #tpu.memory_space<vmem>>, vector<16xf32>,
          %mul3A_2047 = vector.broadcast %squeeze3A_2027 : f32 to vector<16xf32>
          %mul3A_2048 = arith.mulf %get3A_2046, %mul3A_2047 : vector<16xf32>
          %swap3A_2049 = arith.index_cast %add3A_2043 : i32 to index
          %swap3A_2050 = arith.constant 16 : index
          %swap3A_2051 = tpu.vector_load %arg14[%swap3A_2049, %swap3A_2050] {strides = array<i32>} : memref<100x128xf32, #tpu.memory_space<vmem>>, vector<16xf32>,
          tpu.vector_store %arg14[%swap3A_2049, %swap3A_2050], %mul3A_2048 {strides = array<i32>} : memref<100x128xf32, #tpu.memory_space<vmem>>, vector<16xf32>,
          %mul3A_2052 = arith.constant 16 : i32
          %mul3A_2053 = arith.muli %add3A_1041, %mul3A_2052 : i32
          %add3A_2054 = arith.constant 10 : i32
          %add3A_2055 = arith.addi %mul3A_2053, %add3A_2054 : i32
          %get3A_2056 = arith.index_cast %add3A_2055 : i32 to index
          %get3A_2057 = arith.constant 32 : index
          %get3A_2058 = tpu.vector_load %arg14[%get3A_2056, %get3A_2057] {strides = array<i32>} : memref<100x128xf32, #tpu.memory_space<vmem>>, vector<16xf32>,
          %mul3A_2059 = vector.broadcast %squeeze3A_2027 : f32 to vector<16xf32>
          %mul3A_2060 = arith.mulf %get3A_2058, %mul3A_2059 : vector<16xf32>
          %swap3A_2061 = arith.index_cast %add3A_2055 : i32 to index
          %swap3A_2062 = arith.constant 32 : index
          %swap3A_2063 = tpu.vector_load %arg14[%swap3A_2061, %swap3A_2062] {strides = array<i32>} : memref<100x128xf32, #tpu.memory_space<vmem>>, vector<16xf32>,
          tpu.vector_store %arg14[%swap3A_2061, %swap3A_2062], %mul3A_2060 {strides = array<i32>} : memref<100x128xf32, #tpu.memory_space<vmem>>, vector<16xf32>,
          %mul3A_2064 = arith.constant 16 : i32
          %mul3A_2065 = arith.muli %add3A_1041, %mul3A_2064 : i32
          %add3A_2066 = arith.constant 10 : i32
          %add3A_2067 = arith.addi %mul3A_2065, %add3A_2066 : i32
          %get3A_2068 = arith.index_cast %add3A_2067 : i32 to index
          %get3A_2069 = arith.constant 48 : index
          %get3A_2070 = tpu.vector_load %arg14[%get3A_2068, %get3A_2069] {strides = array<i32>} : memref<100x128xf32, #tpu.memory_space<vmem>>, vector<16xf32>,
          %mul3A_2071 = vector.broadcast %squeeze3A_2027 : f32 to vector<16xf32>
          %mul3A_2072 = arith.mulf %get3A_2070, %mul3A_2071 : vector<16xf32>
          %swap3A_2073 = arith.index_cast %add3A_2067 : i32 to index
          %swap3A_2074 = arith.constant 48 : index
          %swap3A_2075 = tpu.vector_load %arg14[%swap3A_2073, %swap3A_2074] {strides = array<i32>} : memref<100x128xf32, #tpu.memory_space<vmem>>, vector<16xf32>,
          tpu.vector_store %arg14[%swap3A_2073, %swap3A_2074], %mul3A_2072 {strides = array<i32>} : memref<100x128xf32, #tpu.memory_space<vmem>>, vector<16xf32>,
          %mul3A_2076 = arith.constant 16 : i32
          %mul3A_2077 = arith.muli %add3A_1041, %mul3A_2076 : i32
          %add3A_2078 = arith.constant 10 : i32
          %add3A_2079 = arith.addi %mul3A_2077, %add3A_2078 : i32
          %get3A_2080 = arith.index_cast %add3A_2079 : i32 to index
          %get3A_2081 = arith.constant 64 : index
          %get3A_2082 = tpu.vector_load %arg14[%get3A_2080, %get3A_2081] {strides = array<i32>} : memref<100x128xf32, #tpu.memory_space<vmem>>, vector<16xf32>,
          %mul3A_2083 = vector.broadcast %squeeze3A_2027 : f32 to vector<16xf32>
          %mul3A_2084 = arith.mulf %get3A_2082, %mul3A_2083 : vector<16xf32>
          %swap3A_2085 = arith.index_cast %add3A_2079 : i32 to index
          %swap3A_2086 = arith.constant 64 : index
          %swap3A_2087 = tpu.vector_load %arg14[%swap3A_2085, %swap3A_2086] {strides = array<i32>} : memref<100x128xf32, #tpu.memory_space<vmem>>, vector<16xf32>,
          tpu.vector_store %arg14[%swap3A_2085, %swap3A_2086], %mul3A_2084 {strides = array<i32>} : memref<100x128xf32, #tpu.memory_space<vmem>>, vector<16xf32>,
          %mul3A_2088 = arith.constant 16 : i32
          %mul3A_2089 = arith.muli %add3A_1041, %mul3A_2088 : i32
          %add3A_2090 = arith.constant 10 : i32
          %add3A_2091 = arith.addi %mul3A_2089, %add3A_2090 : i32
          %get3A_2092 = arith.index_cast %add3A_2091 : i32 to index
          %get3A_2093 = arith.constant 80 : index
          %get3A_2094 = tpu.vector_load %arg14[%get3A_2092, %get3A_2093] {strides = array<i32>} : memref<100x128xf32, #tpu.memory_space<vmem>>, vector<16xf32>,
          %mul3A_2095 = vector.broadcast %squeeze3A_2027 : f32 to vector<16xf32>
          %mul3A_2096 = arith.mulf %get3A_2094, %mul3A_2095 : vector<16xf32>
          %swap3A_2097 = arith.index_cast %add3A_2091 : i32 to index
          %swap3A_2098 = arith.constant 80 : index
          %swap3A_2099 = tpu.vector_load %arg14[%swap3A_2097, %swap3A_2098] {strides = array<i32>} : memref<100x128xf32, #tpu.memory_space<vmem>>, vector<16xf32>,
          tpu.vector_store %arg14[%swap3A_2097, %swap3A_2098], %mul3A_2096 {strides = array<i32>} : memref<100x128xf32, #tpu.memory_space<vmem>>, vector<16xf32>,
          %mul3A_2100 = arith.constant 16 : i32
          %mul3A_2101 = arith.muli %add3A_1041, %mul3A_2100 : i32
          %add3A_2102 = arith.constant 10 : i32
          %add3A_2103 = arith.addi %mul3A_2101, %add3A_2102 : i32
          %get3A_2104 = arith.index_cast %add3A_2103 : i32 to index
          %get3A_2105 = arith.constant 96 : index
          %get3A_2106 = tpu.vector_load %arg14[%get3A_2104, %get3A_2105] {strides = array<i32>} : memref<100x128xf32, #tpu.memory_space<vmem>>, vector<16xf32>,
          %mul3A_2107 = vector.broadcast %squeeze3A_2027 : f32 to vector<16xf32>
          %mul3A_2108 = arith.mulf %get3A_2106, %mul3A_2107 : vector<16xf32>
          %swap3A_2109 = arith.index_cast %add3A_2103 : i32 to index
          %swap3A_2110 = arith.constant 96 : index
          %swap3A_2111 = tpu.vector_load %arg14[%swap3A_2109, %swap3A_2110] {strides = array<i32>} : memref<100x128xf32, #tpu.memory_space<vmem>>, vector<16xf32>,
          tpu.vector_store %arg14[%swap3A_2109, %swap3A_2110], %mul3A_2108 {strides = array<i32>} : memref<100x128xf32, #tpu.memory_space<vmem>>, vector<16xf32>,
          %mul3A_2112 = arith.constant 16 : i32
          %mul3A_2113 = arith.muli %add3A_1041, %mul3A_2112 : i32
          %add3A_2114 = arith.constant 10 : i32
          %add3A_2115 = arith.addi %mul3A_2113, %add3A_2114 : i32
          %get3A_2116 = arith.index_cast %add3A_2115 : i32 to index
          %get3A_2117 = arith.constant 112 : index
          %get3A_2118 = tpu.vector_load %arg14[%get3A_2116, %get3A_2117] {strides = array<i32>} : memref<100x128xf32, #tpu.memory_space<vmem>>, vector<16xf32>,
          %mul3A_2119 = vector.broadcast %squeeze3A_2027 : f32 to vector<16xf32>
          %mul3A_2120 = arith.mulf %get3A_2118, %mul3A_2119 : vector<16xf32>
          %swap3A_2121 = arith.index_cast %add3A_2115 : i32 to index
          %swap3A_2122 = arith.constant 112 : index
          %swap3A_2123 = tpu.vector_load %arg14[%swap3A_2121, %swap3A_2122] {strides = array<i32>} : memref<100x128xf32, #tpu.memory_space<vmem>>, vector<16xf32>,
          tpu.vector_store %arg14[%swap3A_2121, %swap3A_2122], %mul3A_2120 {strides = array<i32>} : memref<100x128xf32, #tpu.memory_space<vmem>>, vector<16xf32>,
          %slice3A_2124 = vector.extract_strided_slice %get3A_1045 {offsets = [11], sizes = [1], strides = [1]} : vector<16xf32> to vector<1xf32>
          %squeeze3A_2125 = vector.extract %slice3A_2124[0] : f32 from vector<1xf32>
          %mul3A_2126 = arith.constant 16 : i32
          %mul3A_2127 = arith.muli %add3A_1041, %mul3A_2126 : i32
          %add3A_2128 = arith.constant 11 : i32
          %add3A_2129 = arith.addi %mul3A_2127, %add3A_2128 : i32
          %get3A_2130 = arith.index_cast %add3A_2129 : i32 to index
          %get3A_2131 = arith.constant 0 : index
          %get3A_2132 = tpu.vector_load %arg14[%get3A_2130, %get3A_2131] {strides = array<i32>} : memref<100x128xf32, #tpu.memory_space<vmem>>, vector<16xf32>,
          %mul3A_2133 = vector.broadcast %squeeze3A_2125 : f32 to vector<16xf32>
          %mul3A_2134 = arith.mulf %get3A_2132, %mul3A_2133 : vector<16xf32>
          %swap3A_2135 = arith.index_cast %add3A_2129 : i32 to index
          %swap3A_2136 = arith.constant 0 : index
          %swap3A_2137 = tpu.vector_load %arg14[%swap3A_2135, %swap3A_2136] {strides = array<i32>} : memref<100x128xf32, #tpu.memory_space<vmem>>, vector<16xf32>,
          tpu.vector_store %arg14[%swap3A_2135, %swap3A_2136], %mul3A_2134 {strides = array<i32>} : memref<100x128xf32, #tpu.memory_space<vmem>>, vector<16xf32>,
          %mul3A_2138 = arith.constant 16 : i32
          %mul3A_2139 = arith.muli %add3A_1041, %mul3A_2138 : i32
          %add3A_2140 = arith.constant 11 : i32
          %add3A_2141 = arith.addi %mul3A_2139, %add3A_2140 : i32
          %get3A_2142 = arith.index_cast %add3A_2141 : i32 to index
          %get3A_2143 = arith.constant 16 : index
          %get3A_2144 = tpu.vector_load %arg14[%get3A_2142, %get3A_2143] {strides = array<i32>} : memref<100x128xf32, #tpu.memory_space<vmem>>, vector<16xf32>,
          %mul3A_2145 = vector.broadcast %squeeze3A_2125 : f32 to vector<16xf32>
          %mul3A_2146 = arith.mulf %get3A_2144, %mul3A_2145 : vector<16xf32>
          %swap3A_2147 = arith.index_cast %add3A_2141 : i32 to index
          %swap3A_2148 = arith.constant 16 : index
          %swap3A_2149 = tpu.vector_load %arg14[%swap3A_2147, %swap3A_2148] {strides = array<i32>} : memref<100x128xf32, #tpu.memory_space<vmem>>, vector<16xf32>,
          tpu.vector_store %arg14[%swap3A_2147, %swap3A_2148], %mul3A_2146 {strides = array<i32>} : memref<100x128xf32, #tpu.memory_space<vmem>>, vector<16xf32>,
          %mul3A_2150 = arith.constant 16 : i32
          %mul3A_2151 = arith.muli %add3A_1041, %mul3A_2150 : i32
          %add3A_2152 = arith.constant 11 : i32
          %add3A_2153 = arith.addi %mul3A_2151, %add3A_2152 : i32
          %get3A_2154 = arith.index_cast %add3A_2153 : i32 to index
          %get3A_2155 = arith.constant 32 : index
          %get3A_2156 = tpu.vector_load %arg14[%get3A_2154, %get3A_2155] {strides = array<i32>} : memref<100x128xf32, #tpu.memory_space<vmem>>, vector<16xf32>,
          %mul3A_2157 = vector.broadcast %squeeze3A_2125 : f32 to vector<16xf32>
          %mul3A_2158 = arith.mulf %get3A_2156, %mul3A_2157 : vector<16xf32>
          %swap3A_2159 = arith.index_cast %add3A_2153 : i32 to index
          %swap3A_2160 = arith.constant 32 : index
          %swap3A_2161 = tpu.vector_load %arg14[%swap3A_2159, %swap3A_2160] {strides = array<i32>} : memref<100x128xf32, #tpu.memory_space<vmem>>, vector<16xf32>,
          tpu.vector_store %arg14[%swap3A_2159, %swap3A_2160], %mul3A_2158 {strides = array<i32>} : memref<100x128xf32, #tpu.memory_space<vmem>>, vector<16xf32>,
          %mul3A_2162 = arith.constant 16 : i32
          %mul3A_2163 = arith.muli %add3A_1041, %mul3A_2162 : i32
          %add3A_2164 = arith.constant 11 : i32
          %add3A_2165 = arith.addi %mul3A_2163, %add3A_2164 : i32
          %get3A_2166 = arith.index_cast %add3A_2165 : i32 to index
          %get3A_2167 = arith.constant 48 : index
          %get3A_2168 = tpu.vector_load %arg14[%get3A_2166, %get3A_2167] {strides = array<i32>} : memref<100x128xf32, #tpu.memory_space<vmem>>, vector<16xf32>,
          %mul3A_2169 = vector.broadcast %squeeze3A_2125 : f32 to vector<16xf32>
          %mul3A_2170 = arith.mulf %get3A_2168, %mul3A_2169 : vector<16xf32>
          %swap3A_2171 = arith.index_cast %add3A_2165 : i32 to index
          %swap3A_2172 = arith.constant 48 : index
          %swap3A_2173 = tpu.vector_load %arg14[%swap3A_2171, %swap3A_2172] {strides = array<i32>} : memref<100x128xf32, #tpu.memory_space<vmem>>, vector<16xf32>,
          tpu.vector_store %arg14[%swap3A_2171, %swap3A_2172], %mul3A_2170 {strides = array<i32>} : memref<100x128xf32, #tpu.memory_space<vmem>>, vector<16xf32>,
          %mul3A_2174 = arith.constant 16 : i32
          %mul3A_2175 = arith.muli %add3A_1041, %mul3A_2174 : i32
          %add3A_2176 = arith.constant 11 : i32
          %add3A_2177 = arith.addi %mul3A_2175, %add3A_2176 : i32
          %get3A_2178 = arith.index_cast %add3A_2177 : i32 to index
          %get3A_2179 = arith.constant 64 : index
          %get3A_2180 = tpu.vector_load %arg14[%get3A_2178, %get3A_2179] {strides = array<i32>} : memref<100x128xf32, #tpu.memory_space<vmem>>, vector<16xf32>,
          %mul3A_2181 = vector.broadcast %squeeze3A_2125 : f32 to vector<16xf32>
          %mul3A_2182 = arith.mulf %get3A_2180, %mul3A_2181 : vector<16xf32>
          %swap3A_2183 = arith.index_cast %add3A_2177 : i32 to index
          %swap3A_2184 = arith.constant 64 : index
          %swap3A_2185 = tpu.vector_load %arg14[%swap3A_2183, %swap3A_2184] {strides = array<i32>} : memref<100x128xf32, #tpu.memory_space<vmem>>, vector<16xf32>,
          tpu.vector_store %arg14[%swap3A_2183, %swap3A_2184], %mul3A_2182 {strides = array<i32>} : memref<100x128xf32, #tpu.memory_space<vmem>>, vector<16xf32>,
          %mul3A_2186 = arith.constant 16 : i32
          %mul3A_2187 = arith.muli %add3A_1041, %mul3A_2186 : i32
          %add3A_2188 = arith.constant 11 : i32
          %add3A_2189 = arith.addi %mul3A_2187, %add3A_2188 : i32
          %get3A_2190 = arith.index_cast %add3A_2189 : i32 to index
          %get3A_2191 = arith.constant 80 : index
          %get3A_2192 = tpu.vector_load %arg14[%get3A_2190, %get3A_2191] {strides = array<i32>} : memref<100x128xf32, #tpu.memory_space<vmem>>, vector<16xf32>,
          %mul3A_2193 = vector.broadcast %squeeze3A_2125 : f32 to vector<16xf32>
          %mul3A_2194 = arith.mulf %get3A_2192, %mul3A_2193 : vector<16xf32>
          %swap3A_2195 = arith.index_cast %add3A_2189 : i32 to index
          %swap3A_2196 = arith.constant 80 : index
          %swap3A_2197 = tpu.vector_load %arg14[%swap3A_2195, %swap3A_2196] {strides = array<i32>} : memref<100x128xf32, #tpu.memory_space<vmem>>, vector<16xf32>,
          tpu.vector_store %arg14[%swap3A_2195, %swap3A_2196], %mul3A_2194 {strides = array<i32>} : memref<100x128xf32, #tpu.memory_space<vmem>>, vector<16xf32>,
          %mul3A_2198 = arith.constant 16 : i32
          %mul3A_2199 = arith.muli %add3A_1041, %mul3A_2198 : i32
          %add3A_2200 = arith.constant 11 : i32
          %add3A_2201 = arith.addi %mul3A_2199, %add3A_2200 : i32
          %get3A_2202 = arith.index_cast %add3A_2201 : i32 to index
          %get3A_2203 = arith.constant 96 : index
          %get3A_2204 = tpu.vector_load %arg14[%get3A_2202, %get3A_2203] {strides = array<i32>} : memref<100x128xf32, #tpu.memory_space<vmem>>, vector<16xf32>,
          %mul3A_2205 = vector.broadcast %squeeze3A_2125 : f32 to vector<16xf32>
          %mul3A_2206 = arith.mulf %get3A_2204, %mul3A_2205 : vector<16xf32>
          %swap3A_2207 = arith.index_cast %add3A_2201 : i32 to index
          %swap3A_2208 = arith.constant 96 : index
          %swap3A_2209 = tpu.vector_load %arg14[%swap3A_2207, %swap3A_2208] {strides = array<i32>} : memref<100x128xf32, #tpu.memory_space<vmem>>, vector<16xf32>,
          tpu.vector_store %arg14[%swap3A_2207, %swap3A_2208], %mul3A_2206 {strides = array<i32>} : memref<100x128xf32, #tpu.memory_space<vmem>>, vector<16xf32>,
          %mul3A_2210 = arith.constant 16 : i32
          %mul3A_2211 = arith.muli %add3A_1041, %mul3A_2210 : i32
          %add3A_2212 = arith.constant 11 : i32
          %add3A_2213 = arith.addi %mul3A_2211, %add3A_2212 : i32
          %get3A_2214 = arith.index_cast %add3A_2213 : i32 to index
          %get3A_2215 = arith.constant 112 : index
          %get3A_2216 = tpu.vector_load %arg14[%get3A_2214, %get3A_2215] {strides = array<i32>} : memref<100x128xf32, #tpu.memory_space<vmem>>, vector<16xf32>,
          %mul3A_2217 = vector.broadcast %squeeze3A_2125 : f32 to vector<16xf32>
          %mul3A_2218 = arith.mulf %get3A_2216, %mul3A_2217 : vector<16xf32>
          %swap3A_2219 = arith.index_cast %add3A_2213 : i32 to index
          %swap3A_2220 = arith.constant 112 : index
          %swap3A_2221 = tpu.vector_load %arg14[%swap3A_2219, %swap3A_2220] {strides = array<i32>} : memref<100x128xf32, #tpu.memory_space<vmem>>, vector<16xf32>,
          tpu.vector_store %arg14[%swap3A_2219, %swap3A_2220], %mul3A_2218 {strides = array<i32>} : memref<100x128xf32, #tpu.memory_space<vmem>>, vector<16xf32>,
          %slice3A_2222 = vector.extract_strided_slice %get3A_1045 {offsets = [12], sizes = [1], strides = [1]} : vector<16xf32> to vector<1xf32>
          %squeeze3A_2223 = vector.extract %slice3A_2222[0] : f32 from vector<1xf32>
          %mul3A_2224 = arith.constant 16 : i32
          %mul3A_2225 = arith.muli %add3A_1041, %mul3A_2224 : i32
          %add3A_2226 = arith.constant 12 : i32
          %add3A_2227 = arith.addi %mul3A_2225, %add3A_2226 : i32
          %get3A_2228 = arith.index_cast %add3A_2227 : i32 to index
          %get3A_2229 = arith.constant 0 : index
          %get3A_2230 = tpu.vector_load %arg14[%get3A_2228, %get3A_2229] {strides = array<i32>} : memref<100x128xf32, #tpu.memory_space<vmem>>, vector<16xf32>,
          %mul3A_2231 = vector.broadcast %squeeze3A_2223 : f32 to vector<16xf32>
          %mul3A_2232 = arith.mulf %get3A_2230, %mul3A_2231 : vector<16xf32>
          %swap3A_2233 = arith.index_cast %add3A_2227 : i32 to index
          %swap3A_2234 = arith.constant 0 : index
          %swap3A_2235 = tpu.vector_load %arg14[%swap3A_2233, %swap3A_2234] {strides = array<i32>} : memref<100x128xf32, #tpu.memory_space<vmem>>, vector<16xf32>,
          tpu.vector_store %arg14[%swap3A_2233, %swap3A_2234], %mul3A_2232 {strides = array<i32>} : memref<100x128xf32, #tpu.memory_space<vmem>>, vector<16xf32>,
          %mul3A_2236 = arith.constant 16 : i32
          %mul3A_2237 = arith.muli %add3A_1041, %mul3A_2236 : i32
          %add3A_2238 = arith.constant 12 : i32
          %add3A_2239 = arith.addi %mul3A_2237, %add3A_2238 : i32
          %get3A_2240 = arith.index_cast %add3A_2239 : i32 to index
          %get3A_2241 = arith.constant 16 : index
          %get3A_2242 = tpu.vector_load %arg14[%get3A_2240, %get3A_2241] {strides = array<i32>} : memref<100x128xf32, #tpu.memory_space<vmem>>, vector<16xf32>,
          %mul3A_2243 = vector.broadcast %squeeze3A_2223 : f32 to vector<16xf32>
          %mul3A_2244 = arith.mulf %get3A_2242, %mul3A_2243 : vector<16xf32>
          %swap3A_2245 = arith.index_cast %add3A_2239 : i32 to index
          %swap3A_2246 = arith.constant 16 : index
          %swap3A_2247 = tpu.vector_load %arg14[%swap3A_2245, %swap3A_2246] {strides = array<i32>} : memref<100x128xf32, #tpu.memory_space<vmem>>, vector<16xf32>,
          tpu.vector_store %arg14[%swap3A_2245, %swap3A_2246], %mul3A_2244 {strides = array<i32>} : memref<100x128xf32, #tpu.memory_space<vmem>>, vector<16xf32>,
          %mul3A_2248 = arith.constant 16 : i32
          %mul3A_2249 = arith.muli %add3A_1041, %mul3A_2248 : i32
          %add3A_2250 = arith.constant 12 : i32
          %add3A_2251 = arith.addi %mul3A_2249, %add3A_2250 : i32
          %get3A_2252 = arith.index_cast %add3A_2251 : i32 to index
          %get3A_2253 = arith.constant 32 : index
          %get3A_2254 = tpu.vector_load %arg14[%get3A_2252, %get3A_2253] {strides = array<i32>} : memref<100x128xf32, #tpu.memory_space<vmem>>, vector<16xf32>,
          %mul3A_2255 = vector.broadcast %squeeze3A_2223 : f32 to vector<16xf32>
          %mul3A_2256 = arith.mulf %get3A_2254, %mul3A_2255 : vector<16xf32>
          %swap3A_2257 = arith.index_cast %add3A_2251 : i32 to index
          %swap3A_2258 = arith.constant 32 : index
          %swap3A_2259 = tpu.vector_load %arg14[%swap3A_2257, %swap3A_2258] {strides = array<i32>} : memref<100x128xf32, #tpu.memory_space<vmem>>, vector<16xf32>,
          tpu.vector_store %arg14[%swap3A_2257, %swap3A_2258], %mul3A_2256 {strides = array<i32>} : memref<100x128xf32, #tpu.memory_space<vmem>>, vector<16xf32>,
          %mul3A_2260 = arith.constant 16 : i32
          %mul3A_2261 = arith.muli %add3A_1041, %mul3A_2260 : i32
          %add3A_2262 = arith.constant 12 : i32
          %add3A_2263 = arith.addi %mul3A_2261, %add3A_2262 : i32
          %get3A_2264 = arith.index_cast %add3A_2263 : i32 to index
          %get3A_2265 = arith.constant 48 : index
          %get3A_2266 = tpu.vector_load %arg14[%get3A_2264, %get3A_2265] {strides = array<i32>} : memref<100x128xf32, #tpu.memory_space<vmem>>, vector<16xf32>,
          %mul3A_2267 = vector.broadcast %squeeze3A_2223 : f32 to vector<16xf32>
          %mul3A_2268 = arith.mulf %get3A_2266, %mul3A_2267 : vector<16xf32>
          %swap3A_2269 = arith.index_cast %add3A_2263 : i32 to index
          %swap3A_2270 = arith.constant 48 : index
          %swap3A_2271 = tpu.vector_load %arg14[%swap3A_2269, %swap3A_2270] {strides = array<i32>} : memref<100x128xf32, #tpu.memory_space<vmem>>, vector<16xf32>,
          tpu.vector_store %arg14[%swap3A_2269, %swap3A_2270], %mul3A_2268 {strides = array<i32>} : memref<100x128xf32, #tpu.memory_space<vmem>>, vector<16xf32>,
          %mul3A_2272 = arith.constant 16 : i32
          %mul3A_2273 = arith.muli %add3A_1041, %mul3A_2272 : i32
          %add3A_2274 = arith.constant 12 : i32
          %add3A_2275 = arith.addi %mul3A_2273, %add3A_2274 : i32
          %get3A_2276 = arith.index_cast %add3A_2275 : i32 to index
          %get3A_2277 = arith.constant 64 : index
          %get3A_2278 = tpu.vector_load %arg14[%get3A_2276, %get3A_2277] {strides = array<i32>} : memref<100x128xf32, #tpu.memory_space<vmem>>, vector<16xf32>,
          %mul3A_2279 = vector.broadcast %squeeze3A_2223 : f32 to vector<16xf32>
          %mul3A_2280 = arith.mulf %get3A_2278, %mul3A_2279 : vector<16xf32>
          %swap3A_2281 = arith.index_cast %add3A_2275 : i32 to index
          %swap3A_2282 = arith.constant 64 : index
          %swap3A_2283 = tpu.vector_load %arg14[%swap3A_2281, %swap3A_2282] {strides = array<i32>} : memref<100x128xf32, #tpu.memory_space<vmem>>, vector<16xf32>,
          tpu.vector_store %arg14[%swap3A_2281, %swap3A_2282], %mul3A_2280 {strides = array<i32>} : memref<100x128xf32, #tpu.memory_space<vmem>>, vector<16xf32>,
          %mul3A_2284 = arith.constant 16 : i32
          %mul3A_2285 = arith.muli %add3A_1041, %mul3A_2284 : i32
          %add3A_2286 = arith.constant 12 : i32
          %add3A_2287 = arith.addi %mul3A_2285, %add3A_2286 : i32
          %get3A_2288 = arith.index_cast %add3A_2287 : i32 to index
          %get3A_2289 = arith.constant 80 : index
          %get3A_2290 = tpu.vector_load %arg14[%get3A_2288, %get3A_2289] {strides = array<i32>} : memref<100x128xf32, #tpu.memory_space<vmem>>, vector<16xf32>,
          %mul3A_2291 = vector.broadcast %squeeze3A_2223 : f32 to vector<16xf32>
          %mul3A_2292 = arith.mulf %get3A_2290, %mul3A_2291 : vector<16xf32>
          %swap3A_2293 = arith.index_cast %add3A_2287 : i32 to index
          %swap3A_2294 = arith.constant 80 : index
          %swap3A_2295 = tpu.vector_load %arg14[%swap3A_2293, %swap3A_2294] {strides = array<i32>} : memref<100x128xf32, #tpu.memory_space<vmem>>, vector<16xf32>,
          tpu.vector_store %arg14[%swap3A_2293, %swap3A_2294], %mul3A_2292 {strides = array<i32>} : memref<100x128xf32, #tpu.memory_space<vmem>>, vector<16xf32>,
          %mul3A_2296 = arith.constant 16 : i32
          %mul3A_2297 = arith.muli %add3A_1041, %mul3A_2296 : i32
          %add3A_2298 = arith.constant 12 : i32
          %add3A_2299 = arith.addi %mul3A_2297, %add3A_2298 : i32
          %get3A_2300 = arith.index_cast %add3A_2299 : i32 to index
          %get3A_2301 = arith.constant 96 : index
          %get3A_2302 = tpu.vector_load %arg14[%get3A_2300, %get3A_2301] {strides = array<i32>} : memref<100x128xf32, #tpu.memory_space<vmem>>, vector<16xf32>,
          %mul3A_2303 = vector.broadcast %squeeze3A_2223 : f32 to vector<16xf32>
          %mul3A_2304 = arith.mulf %get3A_2302, %mul3A_2303 : vector<16xf32>
          %swap3A_2305 = arith.index_cast %add3A_2299 : i32 to index
          %swap3A_2306 = arith.constant 96 : index
          %swap3A_2307 = tpu.vector_load %arg14[%swap3A_2305, %swap3A_2306] {strides = array<i32>} : memref<100x128xf32, #tpu.memory_space<vmem>>, vector<16xf32>,
          tpu.vector_store %arg14[%swap3A_2305, %swap3A_2306], %mul3A_2304 {strides = array<i32>} : memref<100x128xf32, #tpu.memory_space<vmem>>, vector<16xf32>,
          %mul3A_2308 = arith.constant 16 : i32
          %mul3A_2309 = arith.muli %add3A_1041, %mul3A_2308 : i32
          %add3A_2310 = arith.constant 12 : i32
          %add3A_2311 = arith.addi %mul3A_2309, %add3A_2310 : i32
          %get3A_2312 = arith.index_cast %add3A_2311 : i32 to index
          %get3A_2313 = arith.constant 112 : index
          %get3A_2314 = tpu.vector_load %arg14[%get3A_2312, %get3A_2313] {strides = array<i32>} : memref<100x128xf32, #tpu.memory_space<vmem>>, vector<16xf32>,
          %mul3A_2315 = vector.broadcast %squeeze3A_2223 : f32 to vector<16xf32>
          %mul3A_2316 = arith.mulf %get3A_2314, %mul3A_2315 : vector<16xf32>
          %swap3A_2317 = arith.index_cast %add3A_2311 : i32 to index
          %swap3A_2318 = arith.constant 112 : index
          %swap3A_2319 = tpu.vector_load %arg14[%swap3A_2317, %swap3A_2318] {strides = array<i32>} : memref<100x128xf32, #tpu.memory_space<vmem>>, vector<16xf32>,
          tpu.vector_store %arg14[%swap3A_2317, %swap3A_2318], %mul3A_2316 {strides = array<i32>} : memref<100x128xf32, #tpu.memory_space<vmem>>, vector<16xf32>,
          %slice3A_2320 = vector.extract_strided_slice %get3A_1045 {offsets = [13], sizes = [1], strides = [1]} : vector<16xf32> to vector<1xf32>
          %squeeze3A_2321 = vector.extract %slice3A_2320[0] : f32 from vector<1xf32>
          %mul3A_2322 = arith.constant 16 : i32
          %mul3A_2323 = arith.muli %add3A_1041, %mul3A_2322 : i32
          %add3A_2324 = arith.constant 13 : i32
          %add3A_2325 = arith.addi %mul3A_2323, %add3A_2324 : i32
          %get3A_2326 = arith.index_cast %add3A_2325 : i32 to index
          %get3A_2327 = arith.constant 0 : index
          %get3A_2328 = tpu.vector_load %arg14[%get3A_2326, %get3A_2327] {strides = array<i32>} : memref<100x128xf32, #tpu.memory_space<vmem>>, vector<16xf32>,
          %mul3A_2329 = vector.broadcast %squeeze3A_2321 : f32 to vector<16xf32>
          %mul3A_2330 = arith.mulf %get3A_2328, %mul3A_2329 : vector<16xf32>
          %swap3A_2331 = arith.index_cast %add3A_2325 : i32 to index
          %swap3A_2332 = arith.constant 0 : index
          %swap3A_2333 = tpu.vector_load %arg14[%swap3A_2331, %swap3A_2332] {strides = array<i32>} : memref<100x128xf32, #tpu.memory_space<vmem>>, vector<16xf32>,
          tpu.vector_store %arg14[%swap3A_2331, %swap3A_2332], %mul3A_2330 {strides = array<i32>} : memref<100x128xf32, #tpu.memory_space<vmem>>, vector<16xf32>,
          %mul3A_2334 = arith.constant 16 : i32
          %mul3A_2335 = arith.muli %add3A_1041, %mul3A_2334 : i32
          %add3A_2336 = arith.constant 13 : i32
          %add3A_2337 = arith.addi %mul3A_2335, %add3A_2336 : i32
          %get3A_2338 = arith.index_cast %add3A_2337 : i32 to index
          %get3A_2339 = arith.constant 16 : index
          %get3A_2340 = tpu.vector_load %arg14[%get3A_2338, %get3A_2339] {strides = array<i32>} : memref<100x128xf32, #tpu.memory_space<vmem>>, vector<16xf32>,
          %mul3A_2341 = vector.broadcast %squeeze3A_2321 : f32 to vector<16xf32>
          %mul3A_2342 = arith.mulf %get3A_2340, %mul3A_2341 : vector<16xf32>
          %swap3A_2343 = arith.index_cast %add3A_2337 : i32 to index
          %swap3A_2344 = arith.constant 16 : index
          %swap3A_2345 = tpu.vector_load %arg14[%swap3A_2343, %swap3A_2344] {strides = array<i32>} : memref<100x128xf32, #tpu.memory_space<vmem>>, vector<16xf32>,
          tpu.vector_store %arg14[%swap3A_2343, %swap3A_2344], %mul3A_2342 {strides = array<i32>} : memref<100x128xf32, #tpu.memory_space<vmem>>, vector<16xf32>,
          %mul3A_2346 = arith.constant 16 : i32
          %mul3A_2347 = arith.muli %add3A_1041, %mul3A_2346 : i32
          %add3A_2348 = arith.constant 13 : i32
          %add3A_2349 = arith.addi %mul3A_2347, %add3A_2348 : i32
          %get3A_2350 = arith.index_cast %add3A_2349 : i32 to index
          %get3A_2351 = arith.constant 32 : index
          %get3A_2352 = tpu.vector_load %arg14[%get3A_2350, %get3A_2351] {strides = array<i32>} : memref<100x128xf32, #tpu.memory_space<vmem>>, vector<16xf32>,
          %mul3A_2353 = vector.broadcast %squeeze3A_2321 : f32 to vector<16xf32>
          %mul3A_2354 = arith.mulf %get3A_2352, %mul3A_2353 : vector<16xf32>
          %swap3A_2355 = arith.index_cast %add3A_2349 : i32 to index
          %swap3A_2356 = arith.constant 32 : index
          %swap3A_2357 = tpu.vector_load %arg14[%swap3A_2355, %swap3A_2356] {strides = array<i32>} : memref<100x128xf32, #tpu.memory_space<vmem>>, vector<16xf32>,
          tpu.vector_store %arg14[%swap3A_2355, %swap3A_2356], %mul3A_2354 {strides = array<i32>} : memref<100x128xf32, #tpu.memory_space<vmem>>, vector<16xf32>,
          %mul3A_2358 = arith.constant 16 : i32
          %mul3A_2359 = arith.muli %add3A_1041, %mul3A_2358 : i32
          %add3A_2360 = arith.constant 13 : i32
          %add3A_2361 = arith.addi %mul3A_2359, %add3A_2360 : i32
          %get3A_2362 = arith.index_cast %add3A_2361 : i32 to index
          %get3A_2363 = arith.constant 48 : index
          %get3A_2364 = tpu.vector_load %arg14[%get3A_2362, %get3A_2363] {strides = array<i32>} : memref<100x128xf32, #tpu.memory_space<vmem>>, vector<16xf32>,
          %mul3A_2365 = vector.broadcast %squeeze3A_2321 : f32 to vector<16xf32>
          %mul3A_2366 = arith.mulf %get3A_2364, %mul3A_2365 : vector<16xf32>
          %swap3A_2367 = arith.index_cast %add3A_2361 : i32 to index
          %swap3A_2368 = arith.constant 48 : index
          %swap3A_2369 = tpu.vector_load %arg14[%swap3A_2367, %swap3A_2368] {strides = array<i32>} : memref<100x128xf32, #tpu.memory_space<vmem>>, vector<16xf32>,
          tpu.vector_store %arg14[%swap3A_2367, %swap3A_2368], %mul3A_2366 {strides = array<i32>} : memref<100x128xf32, #tpu.memory_space<vmem>>, vector<16xf32>,
          %mul3A_2370 = arith.constant 16 : i32
          %mul3A_2371 = arith.muli %add3A_1041, %mul3A_2370 : i32
          %add3A_2372 = arith.constant 13 : i32
          %add3A_2373 = arith.addi %mul3A_2371, %add3A_2372 : i32
          %get3A_2374 = arith.index_cast %add3A_2373 : i32 to index
          %get3A_2375 = arith.constant 64 : index
          %get3A_2376 = tpu.vector_load %arg14[%get3A_2374, %get3A_2375] {strides = array<i32>} : memref<100x128xf32, #tpu.memory_space<vmem>>, vector<16xf32>,
          %mul3A_2377 = vector.broadcast %squeeze3A_2321 : f32 to vector<16xf32>
          %mul3A_2378 = arith.mulf %get3A_2376, %mul3A_2377 : vector<16xf32>
          %swap3A_2379 = arith.index_cast %add3A_2373 : i32 to index
          %swap3A_2380 = arith.constant 64 : index
          %swap3A_2381 = tpu.vector_load %arg14[%swap3A_2379, %swap3A_2380] {strides = array<i32>} : memref<100x128xf32, #tpu.memory_space<vmem>>, vector<16xf32>,
          tpu.vector_store %arg14[%swap3A_2379, %swap3A_2380], %mul3A_2378 {strides = array<i32>} : memref<100x128xf32, #tpu.memory_space<vmem>>, vector<16xf32>,
          %mul3A_2382 = arith.constant 16 : i32
          %mul3A_2383 = arith.muli %add3A_1041, %mul3A_2382 : i32
          %add3A_2384 = arith.constant 13 : i32
          %add3A_2385 = arith.addi %mul3A_2383, %add3A_2384 : i32
          %get3A_2386 = arith.index_cast %add3A_2385 : i32 to index
          %get3A_2387 = arith.constant 80 : index
          %get3A_2388 = tpu.vector_load %arg14[%get3A_2386, %get3A_2387] {strides = array<i32>} : memref<100x128xf32, #tpu.memory_space<vmem>>, vector<16xf32>,
          %mul3A_2389 = vector.broadcast %squeeze3A_2321 : f32 to vector<16xf32>
          %mul3A_2390 = arith.mulf %get3A_2388, %mul3A_2389 : vector<16xf32>
          %swap3A_2391 = arith.index_cast %add3A_2385 : i32 to index
          %swap3A_2392 = arith.constant 80 : index
          %swap3A_2393 = tpu.vector_load %arg14[%swap3A_2391, %swap3A_2392] {strides = array<i32>} : memref<100x128xf32, #tpu.memory_space<vmem>>, vector<16xf32>,
          tpu.vector_store %arg14[%swap3A_2391, %swap3A_2392], %mul3A_2390 {strides = array<i32>} : memref<100x128xf32, #tpu.memory_space<vmem>>, vector<16xf32>,
          %mul3A_2394 = arith.constant 16 : i32
          %mul3A_2395 = arith.muli %add3A_1041, %mul3A_2394 : i32
          %add3A_2396 = arith.constant 13 : i32
          %add3A_2397 = arith.addi %mul3A_2395, %add3A_2396 : i32
          %get3A_2398 = arith.index_cast %add3A_2397 : i32 to index
          %get3A_2399 = arith.constant 96 : index
          %get3A_2400 = tpu.vector_load %arg14[%get3A_2398, %get3A_2399] {strides = array<i32>} : memref<100x128xf32, #tpu.memory_space<vmem>>, vector<16xf32>,
          %mul3A_2401 = vector.broadcast %squeeze3A_2321 : f32 to vector<16xf32>
          %mul3A_2402 = arith.mulf %get3A_2400, %mul3A_2401 : vector<16xf32>
          %swap3A_2403 = arith.index_cast %add3A_2397 : i32 to index
          %swap3A_2404 = arith.constant 96 : index
          %swap3A_2405 = tpu.vector_load %arg14[%swap3A_2403, %swap3A_2404] {strides = array<i32>} : memref<100x128xf32, #tpu.memory_space<vmem>>, vector<16xf32>,
          tpu.vector_store %arg14[%swap3A_2403, %swap3A_2404], %mul3A_2402 {strides = array<i32>} : memref<100x128xf32, #tpu.memory_space<vmem>>, vector<16xf32>,
          %mul3A_2406 = arith.constant 16 : i32
          %mul3A_2407 = arith.muli %add3A_1041, %mul3A_2406 : i32
          %add3A_2408 = arith.constant 13 : i32
          %add3A_2409 = arith.addi %mul3A_2407, %add3A_2408 : i32
          %get3A_2410 = arith.index_cast %add3A_2409 : i32 to index
          %get3A_2411 = arith.constant 112 : index
          %get3A_2412 = tpu.vector_load %arg14[%get3A_2410, %get3A_2411] {strides = array<i32>} : memref<100x128xf32, #tpu.memory_space<vmem>>, vector<16xf32>,
          %mul3A_2413 = vector.broadcast %squeeze3A_2321 : f32 to vector<16xf32>
          %mul3A_2414 = arith.mulf %get3A_2412, %mul3A_2413 : vector<16xf32>
          %swap3A_2415 = arith.index_cast %add3A_2409 : i32 to index
          %swap3A_2416 = arith.constant 112 : index
          %swap3A_2417 = tpu.vector_load %arg14[%swap3A_2415, %swap3A_2416] {strides = array<i32>} : memref<100x128xf32, #tpu.memory_space<vmem>>, vector<16xf32>,
          tpu.vector_store %arg14[%swap3A_2415, %swap3A_2416], %mul3A_2414 {strides = array<i32>} : memref<100x128xf32, #tpu.memory_space<vmem>>, vector<16xf32>,
          %slice3A_2418 = vector.extract_strided_slice %get3A_1045 {offsets = [14], sizes = [1], strides = [1]} : vector<16xf32> to vector<1xf32>
          %squeeze3A_2419 = vector.extract %slice3A_2418[0] : f32 from vector<1xf32>
          %mul3A_2420 = arith.constant 16 : i32
          %mul3A_2421 = arith.muli %add3A_1041, %mul3A_2420 : i32
          %add3A_2422 = arith.constant 14 : i32
          %add3A_2423 = arith.addi %mul3A_2421, %add3A_2422 : i32
          %get3A_2424 = arith.index_cast %add3A_2423 : i32 to index
          %get3A_2425 = arith.constant 0 : index
          %get3A_2426 = tpu.vector_load %arg14[%get3A_2424, %get3A_2425] {strides = array<i32>} : memref<100x128xf32, #tpu.memory_space<vmem>>, vector<16xf32>,
          %mul3A_2427 = vector.broadcast %squeeze3A_2419 : f32 to vector<16xf32>
          %mul3A_2428 = arith.mulf %get3A_2426, %mul3A_2427 : vector<16xf32>
          %swap3A_2429 = arith.index_cast %add3A_2423 : i32 to index
          %swap3A_2430 = arith.constant 0 : index
          %swap3A_2431 = tpu.vector_load %arg14[%swap3A_2429, %swap3A_2430] {strides = array<i32>} : memref<100x128xf32, #tpu.memory_space<vmem>>, vector<16xf32>,
          tpu.vector_store %arg14[%swap3A_2429, %swap3A_2430], %mul3A_2428 {strides = array<i32>} : memref<100x128xf32, #tpu.memory_space<vmem>>, vector<16xf32>,
          %mul3A_2432 = arith.constant 16 : i32
          %mul3A_2433 = arith.muli %add3A_1041, %mul3A_2432 : i32
          %add3A_2434 = arith.constant 14 : i32
          %add3A_2435 = arith.addi %mul3A_2433, %add3A_2434 : i32
          %get3A_2436 = arith.index_cast %add3A_2435 : i32 to index
          %get3A_2437 = arith.constant 16 : index
          %get3A_2438 = tpu.vector_load %arg14[%get3A_2436, %get3A_2437] {strides = array<i32>} : memref<100x128xf32, #tpu.memory_space<vmem>>, vector<16xf32>,
          %mul3A_2439 = vector.broadcast %squeeze3A_2419 : f32 to vector<16xf32>
          %mul3A_2440 = arith.mulf %get3A_2438, %mul3A_2439 : vector<16xf32>
          %swap3A_2441 = arith.index_cast %add3A_2435 : i32 to index
          %swap3A_2442 = arith.constant 16 : index
          %swap3A_2443 = tpu.vector_load %arg14[%swap3A_2441, %swap3A_2442] {strides = array<i32>} : memref<100x128xf32, #tpu.memory_space<vmem>>, vector<16xf32>,
          tpu.vector_store %arg14[%swap3A_2441, %swap3A_2442], %mul3A_2440 {strides = array<i32>} : memref<100x128xf32, #tpu.memory_space<vmem>>, vector<16xf32>,
          %mul3A_2444 = arith.constant 16 : i32
          %mul3A_2445 = arith.muli %add3A_1041, %mul3A_2444 : i32
          %add3A_2446 = arith.constant 14 : i32
          %add3A_2447 = arith.addi %mul3A_2445, %add3A_2446 : i32
          %get3A_2448 = arith.index_cast %add3A_2447 : i32 to index
          %get3A_2449 = arith.constant 32 : index
          %get3A_2450 = tpu.vector_load %arg14[%get3A_2448, %get3A_2449] {strides = array<i32>} : memref<100x128xf32, #tpu.memory_space<vmem>>, vector<16xf32>,
          %mul3A_2451 = vector.broadcast %squeeze3A_2419 : f32 to vector<16xf32>
          %mul3A_2452 = arith.mulf %get3A_2450, %mul3A_2451 : vector<16xf32>
          %swap3A_2453 = arith.index_cast %add3A_2447 : i32 to index
          %swap3A_2454 = arith.constant 32 : index
          %swap3A_2455 = tpu.vector_load %arg14[%swap3A_2453, %swap3A_2454] {strides = array<i32>} : memref<100x128xf32, #tpu.memory_space<vmem>>, vector<16xf32>,
          tpu.vector_store %arg14[%swap3A_2453, %swap3A_2454], %mul3A_2452 {strides = array<i32>} : memref<100x128xf32, #tpu.memory_space<vmem>>, vector<16xf32>,
          %mul3A_2456 = arith.constant 16 : i32
          %mul3A_2457 = arith.muli %add3A_1041, %mul3A_2456 : i32
          %add3A_2458 = arith.constant 14 : i32
          %add3A_2459 = arith.addi %mul3A_2457, %add3A_2458 : i32
          %get3A_2460 = arith.index_cast %add3A_2459 : i32 to index
          %get3A_2461 = arith.constant 48 : index
          %get3A_2462 = tpu.vector_load %arg14[%get3A_2460, %get3A_2461] {strides = array<i32>} : memref<100x128xf32, #tpu.memory_space<vmem>>, vector<16xf32>,
          %mul3A_2463 = vector.broadcast %squeeze3A_2419 : f32 to vector<16xf32>
          %mul3A_2464 = arith.mulf %get3A_2462, %mul3A_2463 : vector<16xf32>
          %swap3A_2465 = arith.index_cast %add3A_2459 : i32 to index
          %swap3A_2466 = arith.constant 48 : index
          %swap3A_2467 = tpu.vector_load %arg14[%swap3A_2465, %swap3A_2466] {strides = array<i32>} : memref<100x128xf32, #tpu.memory_space<vmem>>, vector<16xf32>,
          tpu.vector_store %arg14[%swap3A_2465, %swap3A_2466], %mul3A_2464 {strides = array<i32>} : memref<100x128xf32, #tpu.memory_space<vmem>>, vector<16xf32>,
          %mul3A_2468 = arith.constant 16 : i32
          %mul3A_2469 = arith.muli %add3A_1041, %mul3A_2468 : i32
          %add3A_2470 = arith.constant 14 : i32
          %add3A_2471 = arith.addi %mul3A_2469, %add3A_2470 : i32
          %get3A_2472 = arith.index_cast %add3A_2471 : i32 to index
          %get3A_2473 = arith.constant 64 : index
          %get3A_2474 = tpu.vector_load %arg14[%get3A_2472, %get3A_2473] {strides = array<i32>} : memref<100x128xf32, #tpu.memory_space<vmem>>, vector<16xf32>,
          %mul3A_2475 = vector.broadcast %squeeze3A_2419 : f32 to vector<16xf32>
          %mul3A_2476 = arith.mulf %get3A_2474, %mul3A_2475 : vector<16xf32>
          %swap3A_2477 = arith.index_cast %add3A_2471 : i32 to index
          %swap3A_2478 = arith.constant 64 : index
          %swap3A_2479 = tpu.vector_load %arg14[%swap3A_2477, %swap3A_2478] {strides = array<i32>} : memref<100x128xf32, #tpu.memory_space<vmem>>, vector<16xf32>,
          tpu.vector_store %arg14[%swap3A_2477, %swap3A_2478], %mul3A_2476 {strides = array<i32>} : memref<100x128xf32, #tpu.memory_space<vmem>>, vector<16xf32>,
          %mul3A_2480 = arith.constant 16 : i32
          %mul3A_2481 = arith.muli %add3A_1041, %mul3A_2480 : i32
          %add3A_2482 = arith.constant 14 : i32
          %add3A_2483 = arith.addi %mul3A_2481, %add3A_2482 : i32
          %get3A_2484 = arith.index_cast %add3A_2483 : i32 to index
          %get3A_2485 = arith.constant 80 : index
          %get3A_2486 = tpu.vector_load %arg14[%get3A_2484, %get3A_2485] {strides = array<i32>} : memref<100x128xf32, #tpu.memory_space<vmem>>, vector<16xf32>,
          %mul3A_2487 = vector.broadcast %squeeze3A_2419 : f32 to vector<16xf32>
          %mul3A_2488 = arith.mulf %get3A_2486, %mul3A_2487 : vector<16xf32>
          %swap3A_2489 = arith.index_cast %add3A_2483 : i32 to index
          %swap3A_2490 = arith.constant 80 : index
          %swap3A_2491 = tpu.vector_load %arg14[%swap3A_2489, %swap3A_2490] {strides = array<i32>} : memref<100x128xf32, #tpu.memory_space<vmem>>, vector<16xf32>,
          tpu.vector_store %arg14[%swap3A_2489, %swap3A_2490], %mul3A_2488 {strides = array<i32>} : memref<100x128xf32, #tpu.memory_space<vmem>>, vector<16xf32>,
          %mul3A_2492 = arith.constant 16 : i32
          %mul3A_2493 = arith.muli %add3A_1041, %mul3A_2492 : i32
          %add3A_2494 = arith.constant 14 : i32
          %add3A_2495 = arith.addi %mul3A_2493, %add3A_2494 : i32
          %get3A_2496 = arith.index_cast %add3A_2495 : i32 to index
          %get3A_2497 = arith.constant 96 : index
          %get3A_2498 = tpu.vector_load %arg14[%get3A_2496, %get3A_2497] {strides = array<i32>} : memref<100x128xf32, #tpu.memory_space<vmem>>, vector<16xf32>,
          %mul3A_2499 = vector.broadcast %squeeze3A_2419 : f32 to vector<16xf32>
          %mul3A_2500 = arith.mulf %get3A_2498, %mul3A_2499 : vector<16xf32>
          %swap3A_2501 = arith.index_cast %add3A_2495 : i32 to index
          %swap3A_2502 = arith.constant 96 : index
          %swap3A_2503 = tpu.vector_load %arg14[%swap3A_2501, %swap3A_2502] {strides = array<i32>} : memref<100x128xf32, #tpu.memory_space<vmem>>, vector<16xf32>,
          tpu.vector_store %arg14[%swap3A_2501, %swap3A_2502], %mul3A_2500 {strides = array<i32>} : memref<100x128xf32, #tpu.memory_space<vmem>>, vector<16xf32>,
          %mul3A_2504 = arith.constant 16 : i32
          %mul3A_2505 = arith.muli %add3A_1041, %mul3A_2504 : i32
          %add3A_2506 = arith.constant 14 : i32
          %add3A_2507 = arith.addi %mul3A_2505, %add3A_2506 : i32
          %get3A_2508 = arith.index_cast %add3A_2507 : i32 to index
          %get3A_2509 = arith.constant 112 : index
          %get3A_2510 = tpu.vector_load %arg14[%get3A_2508, %get3A_2509] {strides = array<i32>} : memref<100x128xf32, #tpu.memory_space<vmem>>, vector<16xf32>,
          %mul3A_2511 = vector.broadcast %squeeze3A_2419 : f32 to vector<16xf32>
          %mul3A_2512 = arith.mulf %get3A_2510, %mul3A_2511 : vector<16xf32>
          %swap3A_2513 = arith.index_cast %add3A_2507 : i32 to index
          %swap3A_2514 = arith.constant 112 : index
          %swap3A_2515 = tpu.vector_load %arg14[%swap3A_2513, %swap3A_2514] {strides = array<i32>} : memref<100x128xf32, #tpu.memory_space<vmem>>, vector<16xf32>,
          tpu.vector_store %arg14[%swap3A_2513, %swap3A_2514], %mul3A_2512 {strides = array<i32>} : memref<100x128xf32, #tpu.memory_space<vmem>>, vector<16xf32>,
          %slice3A_2516 = vector.extract_strided_slice %get3A_1045 {offsets = [15], sizes = [1], strides = [1]} : vector<16xf32> to vector<1xf32>
          %squeeze3A_2517 = vector.extract %slice3A_2516[0] : f32 from vector<1xf32>
          %mul3A_2518 = arith.constant 16 : i32
          %mul3A_2519 = arith.muli %add3A_1041, %mul3A_2518 : i32
          %add3A_2520 = arith.constant 15 : i32
          %add3A_2521 = arith.addi %mul3A_2519, %add3A_2520 : i32
          %get3A_2522 = arith.index_cast %add3A_2521 : i32 to index
          %get3A_2523 = arith.constant 0 : index
          %get3A_2524 = tpu.vector_load %arg14[%get3A_2522, %get3A_2523] {strides = array<i32>} : memref<100x128xf32, #tpu.memory_space<vmem>>, vector<16xf32>,
          %mul3A_2525 = vector.broadcast %squeeze3A_2517 : f32 to vector<16xf32>
          %mul3A_2526 = arith.mulf %get3A_2524, %mul3A_2525 : vector<16xf32>
          %swap3A_2527 = arith.index_cast %add3A_2521 : i32 to index
          %swap3A_2528 = arith.constant 0 : index
          %swap3A_2529 = tpu.vector_load %arg14[%swap3A_2527, %swap3A_2528] {strides = array<i32>} : memref<100x128xf32, #tpu.memory_space<vmem>>, vector<16xf32>,
          tpu.vector_store %arg14[%swap3A_2527, %swap3A_2528], %mul3A_2526 {strides = array<i32>} : memref<100x128xf32, #tpu.memory_space<vmem>>, vector<16xf32>,
          %mul3A_2530 = arith.constant 16 : i32
          %mul3A_2531 = arith.muli %add3A_1041, %mul3A_2530 : i32
          %add3A_2532 = arith.constant 15 : i32
          %add3A_2533 = arith.addi %mul3A_2531, %add3A_2532 : i32
          %get3A_2534 = arith.index_cast %add3A_2533 : i32 to index
          %get3A_2535 = arith.constant 16 : index
          %get3A_2536 = tpu.vector_load %arg14[%get3A_2534, %get3A_2535] {strides = array<i32>} : memref<100x128xf32, #tpu.memory_space<vmem>>, vector<16xf32>,
          %mul3A_2537 = vector.broadcast %squeeze3A_2517 : f32 to vector<16xf32>
          %mul3A_2538 = arith.mulf %get3A_2536, %mul3A_2537 : vector<16xf32>
          %swap3A_2539 = arith.index_cast %add3A_2533 : i32 to index
          %swap3A_2540 = arith.constant 16 : index
          %swap3A_2541 = tpu.vector_load %arg14[%swap3A_2539, %swap3A_2540] {strides = array<i32>} : memref<100x128xf32, #tpu.memory_space<vmem>>, vector<16xf32>,
          tpu.vector_store %arg14[%swap3A_2539, %swap3A_2540], %mul3A_2538 {strides = array<i32>} : memref<100x128xf32, #tpu.memory_space<vmem>>, vector<16xf32>,
          %mul3A_2542 = arith.constant 16 : i32
          %mul3A_2543 = arith.muli %add3A_1041, %mul3A_2542 : i32
          %add3A_2544 = arith.constant 15 : i32
          %add3A_2545 = arith.addi %mul3A_2543, %add3A_2544 : i32
          %get3A_2546 = arith.index_cast %add3A_2545 : i32 to index
          %get3A_2547 = arith.constant 32 : index
          %get3A_2548 = tpu.vector_load %arg14[%get3A_2546, %get3A_2547] {strides = array<i32>} : memref<100x128xf32, #tpu.memory_space<vmem>>, vector<16xf32>,
          %mul3A_2549 = vector.broadcast %squeeze3A_2517 : f32 to vector<16xf32>
          %mul3A_2550 = arith.mulf %get3A_2548, %mul3A_2549 : vector<16xf32>
          %swap3A_2551 = arith.index_cast %add3A_2545 : i32 to index
          %swap3A_2552 = arith.constant 32 : index
          %swap3A_2553 = tpu.vector_load %arg14[%swap3A_2551, %swap3A_2552] {strides = array<i32>} : memref<100x128xf32, #tpu.memory_space<vmem>>, vector<16xf32>,
          tpu.vector_store %arg14[%swap3A_2551, %swap3A_2552], %mul3A_2550 {strides = array<i32>} : memref<100x128xf32, #tpu.memory_space<vmem>>, vector<16xf32>,
          %mul3A_2554 = arith.constant 16 : i32
          %mul3A_2555 = arith.muli %add3A_1041, %mul3A_2554 : i32
          %add3A_2556 = arith.constant 15 : i32
          %add3A_2557 = arith.addi %mul3A_2555, %add3A_2556 : i32
          %get3A_2558 = arith.index_cast %add3A_2557 : i32 to index
          %get3A_2559 = arith.constant 48 : index
          %get3A_2560 = tpu.vector_load %arg14[%get3A_2558, %get3A_2559] {strides = array<i32>} : memref<100x128xf32, #tpu.memory_space<vmem>>, vector<16xf32>,
          %mul3A_2561 = vector.broadcast %squeeze3A_2517 : f32 to vector<16xf32>
          %mul3A_2562 = arith.mulf %get3A_2560, %mul3A_2561 : vector<16xf32>
          %swap3A_2563 = arith.index_cast %add3A_2557 : i32 to index
          %swap3A_2564 = arith.constant 48 : index
          %swap3A_2565 = tpu.vector_load %arg14[%swap3A_2563, %swap3A_2564] {strides = array<i32>} : memref<100x128xf32, #tpu.memory_space<vmem>>, vector<16xf32>,
          tpu.vector_store %arg14[%swap3A_2563, %swap3A_2564], %mul3A_2562 {strides = array<i32>} : memref<100x128xf32, #tpu.memory_space<vmem>>, vector<16xf32>,
          %mul3A_2566 = arith.constant 16 : i32
          %mul3A_2567 = arith.muli %add3A_1041, %mul3A_2566 : i32
          %add3A_2568 = arith.constant 15 : i32
          %add3A_2569 = arith.addi %mul3A_2567, %add3A_2568 : i32
          %get3A_2570 = arith.index_cast %add3A_2569 : i32 to index
          %get3A_2571 = arith.constant 64 : index
          %get3A_2572 = tpu.vector_load %arg14[%get3A_2570, %get3A_2571] {strides = array<i32>} : memref<100x128xf32, #tpu.memory_space<vmem>>, vector<16xf32>,
          %mul3A_2573 = vector.broadcast %squeeze3A_2517 : f32 to vector<16xf32>
          %mul3A_2574 = arith.mulf %get3A_2572, %mul3A_2573 : vector<16xf32>
          %swap3A_2575 = arith.index_cast %add3A_2569 : i32 to index
          %swap3A_2576 = arith.constant 64 : index
          %swap3A_2577 = tpu.vector_load %arg14[%swap3A_2575, %swap3A_2576] {strides = array<i32>} : memref<100x128xf32, #tpu.memory_space<vmem>>, vector<16xf32>,
          tpu.vector_store %arg14[%swap3A_2575, %swap3A_2576], %mul3A_2574 {strides = array<i32>} : memref<100x128xf32, #tpu.memory_space<vmem>>, vector<16xf32>,
          %mul3A_2578 = arith.constant 16 : i32
          %mul3A_2579 = arith.muli %add3A_1041, %mul3A_2578 : i32
          %add3A_2580 = arith.constant 15 : i32
          %add3A_2581 = arith.addi %mul3A_2579, %add3A_2580 : i32
          %get3A_2582 = arith.index_cast %add3A_2581 : i32 to index
          %get3A_2583 = arith.constant 80 : index
          %get3A_2584 = tpu.vector_load %arg14[%get3A_2582, %get3A_2583] {strides = array<i32>} : memref<100x128xf32, #tpu.memory_space<vmem>>, vector<16xf32>,
          %mul3A_2585 = vector.broadcast %squeeze3A_2517 : f32 to vector<16xf32>
          %mul3A_2586 = arith.mulf %get3A_2584, %mul3A_2585 : vector<16xf32>
          %swap3A_2587 = arith.index_cast %add3A_2581 : i32 to index
          %swap3A_2588 = arith.constant 80 : index
          %swap3A_2589 = tpu.vector_load %arg14[%swap3A_2587, %swap3A_2588] {strides = array<i32>} : memref<100x128xf32, #tpu.memory_space<vmem>>, vector<16xf32>,
          tpu.vector_store %arg14[%swap3A_2587, %swap3A_2588], %mul3A_2586 {strides = array<i32>} : memref<100x128xf32, #tpu.memory_space<vmem>>, vector<16xf32>,
          %mul3A_2590 = arith.constant 16 : i32
          %mul3A_2591 = arith.muli %add3A_1041, %mul3A_2590 : i32
          %add3A_2592 = arith.constant 15 : i32
          %add3A_2593 = arith.addi %mul3A_2591, %add3A_2592 : i32
          %get3A_2594 = arith.index_cast %add3A_2593 : i32 to index
          %get3A_2595 = arith.constant 96 : index
          %get3A_2596 = tpu.vector_load %arg14[%get3A_2594, %get3A_2595] {strides = array<i32>} : memref<100x128xf32, #tpu.memory_space<vmem>>, vector<16xf32>,
          %mul3A_2597 = vector.broadcast %squeeze3A_2517 : f32 to vector<16xf32>
          %mul3A_2598 = arith.mulf %get3A_2596, %mul3A_2597 : vector<16xf32>
          %swap3A_2599 = arith.index_cast %add3A_2593 : i32 to index
          %swap3A_2600 = arith.constant 96 : index
          %swap3A_2601 = tpu.vector_load %arg14[%swap3A_2599, %swap3A_2600] {strides = array<i32>} : memref<100x128xf32, #tpu.memory_space<vmem>>, vector<16xf32>,
          tpu.vector_store %arg14[%swap3A_2599, %swap3A_2600], %mul3A_2598 {strides = array<i32>} : memref<100x128xf32, #tpu.memory_space<vmem>>, vector<16xf32>,
          %mul3A_2602 = arith.constant 16 : i32
          %mul3A_2603 = arith.muli %add3A_1041, %mul3A_2602 : i32
          %add3A_2604 = arith.constant 15 : i32
          %add3A_2605 = arith.addi %mul3A_2603, %add3A_2604 : i32
          %get3A_2606 = arith.index_cast %add3A_2605 : i32 to index
          %get3A_2607 = arith.constant 112 : index
          %get3A_2608 = tpu.vector_load %arg14[%get3A_2606, %get3A_2607] {strides = array<i32>} : memref<100x128xf32, #tpu.memory_space<vmem>>, vector<16xf32>,
          %mul3A_2609 = vector.broadcast %squeeze3A_2517 : f32 to vector<16xf32>
          %mul3A_2610 = arith.mulf %get3A_2608, %mul3A_2609 : vector<16xf32>
          %swap3A_2611 = arith.index_cast %add3A_2605 : i32 to index
          %swap3A_2612 = arith.constant 112 : index
          %swap3A_2613 = tpu.vector_load %arg14[%swap3A_2611, %swap3A_2612] {strides = array<i32>} : memref<100x128xf32, #tpu.memory_space<vmem>>, vector<16xf32>,
          tpu.vector_store %arg14[%swap3A_2611, %swap3A_2612], %mul3A_2610 {strides = array<i32>} : memref<100x128xf32, #tpu.memory_space<vmem>>, vector<16xf32>,
        }
        %scan3A_215 = arith.constant 6 : i32
        %get3A_216 = arith.constant 96 : index
        %get3A_217 = tpu.vector_load %arg13[%get3A_216] {strides = array<i32>} : memref<112xf32, #tpu.memory_space<vmem>>, vector<16xf32>,
        %slice3A = vector.extract_strided_slice %get3A_217 {offsets = [0], sizes = [1], strides = [1]} : vector<16xf32> to vector<1xf32>
        %squeeze3A = vector.extract %slice3A[0] : f32 from vector<1xf32>
        %get3A_218 = arith.constant 96 : i32
        %get3A_219 = arith.index_cast %get3A_218 : i32 to index
        %get3A_220 = arith.constant 0 : index
        %get3A_221 = tpu.vector_load %arg14[%get3A_219, %get3A_220] {strides = array<i32>} : memref<100x128xf32, #tpu.memory_space<vmem>>, vector<16xf32>,
        %mul3A_222 = vector.broadcast %squeeze3A : f32 to vector<16xf32>
        %mul3A_223 = arith.mulf %get3A_221, %mul3A_222 : vector<16xf32>
        %swap3A_224 = arith.constant 96 : i32
        %swap3A_225 = arith.index_cast %swap3A_224 : i32 to index
        %swap3A_226 = arith.constant 0 : index
        %swap3A_227 = tpu.vector_load %arg14[%swap3A_225, %swap3A_226] {strides = array<i32>} : memref<100x128xf32, #tpu.memory_space<vmem>>, vector<16xf32>,
        tpu.vector_store %arg14[%swap3A_225, %swap3A_226], %mul3A_223 {strides = array<i32>} : memref<100x128xf32, #tpu.memory_space<vmem>>, vector<16xf32>,
        %get3A_228 = arith.constant 96 : i32
        %get3A_229 = arith.index_cast %get3A_228 : i32 to index
        %get3A_230 = arith.constant 16 : index
        %get3A_231 = tpu.vector_load %arg14[%get3A_229, %get3A_230] {strides = array<i32>} : memref<100x128xf32, #tpu.memory_space<vmem>>, vector<16xf32>,
        %mul3A_232 = vector.broadcast %squeeze3A : f32 to vector<16xf32>
        %mul3A_233 = arith.mulf %get3A_231, %mul3A_232 : vector<16xf32>
        %swap3A_234 = arith.constant 96 : i32
        %swap3A_235 = arith.index_cast %swap3A_234 : i32 to index
        %swap3A_236 = arith.constant 16 : index
        %swap3A_237 = tpu.vector_load %arg14[%swap3A_235, %swap3A_236] {strides = array<i32>} : memref<100x128xf32, #tpu.memory_space<vmem>>, vector<16xf32>,
        tpu.vector_store %arg14[%swap3A_235, %swap3A_236], %mul3A_233 {strides = array<i32>} : memref<100x128xf32, #tpu.memory_space<vmem>>, vector<16xf32>,
        %get3A_238 = arith.constant 96 : i32
        %get3A_239 = arith.index_cast %get3A_238 : i32 to index
        %get3A_240 = arith.constant 32 : index
        %get3A_241 = tpu.vector_load %arg14[%get3A_239, %get3A_240] {strides = array<i32>} : memref<100x128xf32, #tpu.memory_space<vmem>>, vector<16xf32>,
        %mul3A_242 = vector.broadcast %squeeze3A : f32 to vector<16xf32>
        %mul3A_243 = arith.mulf %get3A_241, %mul3A_242 : vector<16xf32>
        %swap3A_244 = arith.constant 96 : i32
        %swap3A_245 = arith.index_cast %swap3A_244 : i32 to index
        %swap3A_246 = arith.constant 32 : index
        %swap3A_247 = tpu.vector_load %arg14[%swap3A_245, %swap3A_246] {strides = array<i32>} : memref<100x128xf32, #tpu.memory_space<vmem>>, vector<16xf32>,
        tpu.vector_store %arg14[%swap3A_245, %swap3A_246], %mul3A_243 {strides = array<i32>} : memref<100x128xf32, #tpu.memory_space<vmem>>, vector<16xf32>,
        %get3A_248 = arith.constant 96 : i32
        %get3A_249 = arith.index_cast %get3A_248 : i32 to index
        %get3A_250 = arith.constant 48 : index
        %get3A_251 = tpu.vector_load %arg14[%get3A_249, %get3A_250] {strides = array<i32>} : memref<100x128xf32, #tpu.memory_space<vmem>>, vector<16xf32>,
        %mul3A_252 = vector.broadcast %squeeze3A : f32 to vector<16xf32>
        %mul3A_253 = arith.mulf %get3A_251, %mul3A_252 : vector<16xf32>
        %swap3A_254 = arith.constant 96 : i32
        %swap3A_255 = arith.index_cast %swap3A_254 : i32 to index
        %swap3A_256 = arith.constant 48 : index
        %swap3A_257 = tpu.vector_load %arg14[%swap3A_255, %swap3A_256] {strides = array<i32>} : memref<100x128xf32, #tpu.memory_space<vmem>>, vector<16xf32>,
        tpu.vector_store %arg14[%swap3A_255, %swap3A_256], %mul3A_253 {strides = array<i32>} : memref<100x128xf32, #tpu.memory_space<vmem>>, vector<16xf32>,
        %get3A_258 = arith.constant 96 : i32
        %get3A_259 = arith.index_cast %get3A_258 : i32 to index
        %get3A_260 = arith.constant 64 : index
        %get3A_261 = tpu.vector_load %arg14[%get3A_259, %get3A_260] {strides = array<i32>} : memref<100x128xf32, #tpu.memory_space<vmem>>, vector<16xf32>,
        %mul3A_262 = vector.broadcast %squeeze3A : f32 to vector<16xf32>
        %mul3A_263 = arith.mulf %get3A_261, %mul3A_262 : vector<16xf32>
        %swap3A_264 = arith.constant 96 : i32
        %swap3A_265 = arith.index_cast %swap3A_264 : i32 to index
        %swap3A_266 = arith.constant 64 : index
        %swap3A_267 = tpu.vector_load %arg14[%swap3A_265, %swap3A_266] {strides = array<i32>} : memref<100x128xf32, #tpu.memory_space<vmem>>, vector<16xf32>,
        tpu.vector_store %arg14[%swap3A_265, %swap3A_266], %mul3A_263 {strides = array<i32>} : memref<100x128xf32, #tpu.memory_space<vmem>>, vector<16xf32>,
        %get3A_268 = arith.constant 96 : i32
        %get3A_269 = arith.index_cast %get3A_268 : i32 to index
        %get3A_270 = arith.constant 80 : index
        %get3A_271 = tpu.vector_load %arg14[%get3A_269, %get3A_270] {strides = array<i32>} : memref<100x128xf32, #tpu.memory_space<vmem>>, vector<16xf32>,
        %mul3A_272 = vector.broadcast %squeeze3A : f32 to vector<16xf32>
        %mul3A_273 = arith.mulf %get3A_271, %mul3A_272 : vector<16xf32>
        %swap3A_274 = arith.constant 96 : i32
        %swap3A_275 = arith.index_cast %swap3A_274 : i32 to index
        %swap3A_276 = arith.constant 80 : index
        %swap3A_277 = tpu.vector_load %arg14[%swap3A_275, %swap3A_276] {strides = array<i32>} : memref<100x128xf32, #tpu.memory_space<vmem>>, vector<16xf32>,
        tpu.vector_store %arg14[%swap3A_275, %swap3A_276], %mul3A_273 {strides = array<i32>} : memref<100x128xf32, #tpu.memory_space<vmem>>, vector<16xf32>,
        %get3A_278 = arith.constant 96 : i32
        %get3A_279 = arith.index_cast %get3A_278 : i32 to index
        %get3A_280 = arith.constant 96 : index
        %get3A_281 = tpu.vector_load %arg14[%get3A_279, %get3A_280] {strides = array<i32>} : memref<100x128xf32, #tpu.memory_space<vmem>>, vector<16xf32>,
        %mul3A_282 = vector.broadcast %squeeze3A : f32 to vector<16xf32>
        %mul3A_283 = arith.mulf %get3A_281, %mul3A_282 : vector<16xf32>
        %swap3A_284 = arith.constant 96 : i32
        %swap3A_285 = arith.index_cast %swap3A_284 : i32 to index
        %swap3A_286 = arith.constant 96 : index
        %swap3A_287 = tpu.vector_load %arg14[%swap3A_285, %swap3A_286] {strides = array<i32>} : memref<100x128xf32, #tpu.memory_space<vmem>>, vector<16xf32>,
        tpu.vector_store %arg14[%swap3A_285, %swap3A_286], %mul3A_283 {strides = array<i32>} : memref<100x128xf32, #tpu.memory_space<vmem>>, vector<16xf32>,
        %get3A_288 = arith.constant 96 : i32
        %get3A_289 = arith.index_cast %get3A_288 : i32 to index
        %get3A_290 = arith.constant 112 : index
        %get3A_291 = tpu.vector_load %arg14[%get3A_289, %get3A_290] {strides = array<i32>} : memref<100x128xf32, #tpu.memory_space<vmem>>, vector<16xf32>,
        %mul3A_292 = vector.broadcast %squeeze3A : f32 to vector<16xf32>
        %mul3A_293 = arith.mulf %get3A_291, %mul3A_292 : vector<16xf32>
        %swap3A_294 = arith.constant 96 : i32
        %swap3A_295 = arith.index_cast %swap3A_294 : i32 to index
        %swap3A_296 = arith.constant 112 : index
        %swap3A_297 = tpu.vector_load %arg14[%swap3A_295, %swap3A_296] {strides = array<i32>} : memref<100x128xf32, #tpu.memory_space<vmem>>, vector<16xf32>,
        tpu.vector_store %arg14[%swap3A_295, %swap3A_296], %mul3A_293 {strides = array<i32>} : memref<100x128xf32, #tpu.memory_space<vmem>>, vector<16xf32>,
        %slice3A_298 = vector.extract_strided_slice %get3A_217 {offsets = [1], sizes = [1], strides = [1]} : vector<16xf32> to vector<1xf32>
        %squeeze3A_299 = vector.extract %slice3A_298[0] : f32 from vector<1xf32>
        %get3A_300 = arith.constant 97 : i32
        %get3A_301 = arith.index_cast %get3A_300 : i32 to index
        %get3A_302 = arith.constant 0 : index
        %get3A_303 = tpu.vector_load %arg14[%get3A_301, %get3A_302] {strides = array<i32>} : memref<100x128xf32, #tpu.memory_space<vmem>>, vector<16xf32>,
        %mul3A_304 = vector.broadcast %squeeze3A_299 : f32 to vector<16xf32>
        %mul3A_305 = arith.mulf %get3A_303, %mul3A_304 : vector<16xf32>
        %swap3A_306 = arith.constant 97 : i32
        %swap3A_307 = arith.index_cast %swap3A_306 : i32 to index
        %swap3A_308 = arith.constant 0 : index
        %swap3A_309 = tpu.vector_load %arg14[%swap3A_307, %swap3A_308] {strides = array<i32>} : memref<100x128xf32, #tpu.memory_space<vmem>>, vector<16xf32>,
        tpu.vector_store %arg14[%swap3A_307, %swap3A_308], %mul3A_305 {strides = array<i32>} : memref<100x128xf32, #tpu.memory_space<vmem>>, vector<16xf32>,
        %get3A_310 = arith.constant 97 : i32
        %get3A_311 = arith.index_cast %get3A_310 : i32 to index
        %get3A_312 = arith.constant 16 : index
        %get3A_313 = tpu.vector_load %arg14[%get3A_311, %get3A_312] {strides = array<i32>} : memref<100x128xf32, #tpu.memory_space<vmem>>, vector<16xf32>,
        %mul3A_314 = vector.broadcast %squeeze3A_299 : f32 to vector<16xf32>
        %mul3A_315 = arith.mulf %get3A_313, %mul3A_314 : vector<16xf32>
        %swap3A_316 = arith.constant 97 : i32
        %swap3A_317 = arith.index_cast %swap3A_316 : i32 to index
        %swap3A_318 = arith.constant 16 : index
        %swap3A_319 = tpu.vector_load %arg14[%swap3A_317, %swap3A_318] {strides = array<i32>} : memref<100x128xf32, #tpu.memory_space<vmem>>, vector<16xf32>,
        tpu.vector_store %arg14[%swap3A_317, %swap3A_318], %mul3A_315 {strides = array<i32>} : memref<100x128xf32, #tpu.memory_space<vmem>>, vector<16xf32>,
        %get3A_320 = arith.constant 97 : i32
        %get3A_321 = arith.index_cast %get3A_320 : i32 to index
        %get3A_322 = arith.constant 32 : index
        %get3A_323 = tpu.vector_load %arg14[%get3A_321, %get3A_322] {strides = array<i32>} : memref<100x128xf32, #tpu.memory_space<vmem>>, vector<16xf32>,
        %mul3A_324 = vector.broadcast %squeeze3A_299 : f32 to vector<16xf32>
        %mul3A_325 = arith.mulf %get3A_323, %mul3A_324 : vector<16xf32>
        %swap3A_326 = arith.constant 97 : i32
        %swap3A_327 = arith.index_cast %swap3A_326 : i32 to index
        %swap3A_328 = arith.constant 32 : index
        %swap3A_329 = tpu.vector_load %arg14[%swap3A_327, %swap3A_328] {strides = array<i32>} : memref<100x128xf32, #tpu.memory_space<vmem>>, vector<16xf32>,
        tpu.vector_store %arg14[%swap3A_327, %swap3A_328], %mul3A_325 {strides = array<i32>} : memref<100x128xf32, #tpu.memory_space<vmem>>, vector<16xf32>,
        %get3A_330 = arith.constant 97 : i32
        %get3A_331 = arith.index_cast %get3A_330 : i32 to index
        %get3A_332 = arith.constant 48 : index
        %get3A_333 = tpu.vector_load %arg14[%get3A_331, %get3A_332] {strides = array<i32>} : memref<100x128xf32, #tpu.memory_space<vmem>>, vector<16xf32>,
        %mul3A_334 = vector.broadcast %squeeze3A_299 : f32 to vector<16xf32>
        %mul3A_335 = arith.mulf %get3A_333, %mul3A_334 : vector<16xf32>
        %swap3A_336 = arith.constant 97 : i32
        %swap3A_337 = arith.index_cast %swap3A_336 : i32 to index
        %swap3A_338 = arith.constant 48 : index
        %swap3A_339 = tpu.vector_load %arg14[%swap3A_337, %swap3A_338] {strides = array<i32>} : memref<100x128xf32, #tpu.memory_space<vmem>>, vector<16xf32>,
        tpu.vector_store %arg14[%swap3A_337, %swap3A_338], %mul3A_335 {strides = array<i32>} : memref<100x128xf32, #tpu.memory_space<vmem>>, vector<16xf32>,
        %get3A_340 = arith.constant 97 : i32
        %get3A_341 = arith.index_cast %get3A_340 : i32 to index
        %get3A_342 = arith.constant 64 : index
        %get3A_343 = tpu.vector_load %arg14[%get3A_341, %get3A_342] {strides = array<i32>} : memref<100x128xf32, #tpu.memory_space<vmem>>, vector<16xf32>,
        %mul3A_344 = vector.broadcast %squeeze3A_299 : f32 to vector<16xf32>
        %mul3A_345 = arith.mulf %get3A_343, %mul3A_344 : vector<16xf32>
        %swap3A_346 = arith.constant 97 : i32
        %swap3A_347 = arith.index_cast %swap3A_346 : i32 to index
        %swap3A_348 = arith.constant 64 : index
        %swap3A_349 = tpu.vector_load %arg14[%swap3A_347, %swap3A_348] {strides = array<i32>} : memref<100x128xf32, #tpu.memory_space<vmem>>, vector<16xf32>,
        tpu.vector_store %arg14[%swap3A_347, %swap3A_348], %mul3A_345 {strides = array<i32>} : memref<100x128xf32, #tpu.memory_space<vmem>>, vector<16xf32>,
        %get3A_350 = arith.constant 97 : i32
        %get3A_351 = arith.index_cast %get3A_350 : i32 to index
        %get3A_352 = arith.constant 80 : index
        %get3A_353 = tpu.vector_load %arg14[%get3A_351, %get3A_352] {strides = array<i32>} : memref<100x128xf32, #tpu.memory_space<vmem>>, vector<16xf32>,
        %mul3A_354 = vector.broadcast %squeeze3A_299 : f32 to vector<16xf32>
        %mul3A_355 = arith.mulf %get3A_353, %mul3A_354 : vector<16xf32>
        %swap3A_356 = arith.constant 97 : i32
        %swap3A_357 = arith.index_cast %swap3A_356 : i32 to index
        %swap3A_358 = arith.constant 80 : index
        %swap3A_359 = tpu.vector_load %arg14[%swap3A_357, %swap3A_358] {strides = array<i32>} : memref<100x128xf32, #tpu.memory_space<vmem>>, vector<16xf32>,
        tpu.vector_store %arg14[%swap3A_357, %swap3A_358], %mul3A_355 {strides = array<i32>} : memref<100x128xf32, #tpu.memory_space<vmem>>, vector<16xf32>,
        %get3A_360 = arith.constant 97 : i32
        %get3A_361 = arith.index_cast %get3A_360 : i32 to index
        %get3A_362 = arith.constant 96 : index
        %get3A_363 = tpu.vector_load %arg14[%get3A_361, %get3A_362] {strides = array<i32>} : memref<100x128xf32, #tpu.memory_space<vmem>>, vector<16xf32>,
        %mul3A_364 = vector.broadcast %squeeze3A_299 : f32 to vector<16xf32>
        %mul3A_365 = arith.mulf %get3A_363, %mul3A_364 : vector<16xf32>
        %swap3A_366 = arith.constant 97 : i32
        %swap3A_367 = arith.index_cast %swap3A_366 : i32 to index
        %swap3A_368 = arith.constant 96 : index
        %swap3A_369 = tpu.vector_load %arg14[%swap3A_367, %swap3A_368] {strides = array<i32>} : memref<100x128xf32, #tpu.memory_space<vmem>>, vector<16xf32>,
        tpu.vector_store %arg14[%swap3A_367, %swap3A_368], %mul3A_365 {strides = array<i32>} : memref<100x128xf32, #tpu.memory_space<vmem>>, vector<16xf32>,
        %get3A_370 = arith.constant 97 : i32
        %get3A_371 = arith.index_cast %get3A_370 : i32 to index
        %get3A_372 = arith.constant 112 : index
        %get3A_373 = tpu.vector_load %arg14[%get3A_371, %get3A_372] {strides = array<i32>} : memref<100x128xf32, #tpu.memory_space<vmem>>, vector<16xf32>,
        %mul3A_374 = vector.broadcast %squeeze3A_299 : f32 to vector<16xf32>
        %mul3A_375 = arith.mulf %get3A_373, %mul3A_374 : vector<16xf32>
        %swap3A_376 = arith.constant 97 : i32
        %swap3A_377 = arith.index_cast %swap3A_376 : i32 to index
        %swap3A_378 = arith.constant 112 : index
        %swap3A_379 = tpu.vector_load %arg14[%swap3A_377, %swap3A_378] {strides = array<i32>} : memref<100x128xf32, #tpu.memory_space<vmem>>, vector<16xf32>,
        tpu.vector_store %arg14[%swap3A_377, %swap3A_378], %mul3A_375 {strides = array<i32>} : memref<100x128xf32, #tpu.memory_space<vmem>>, vector<16xf32>,
        %slice3A_380 = vector.extract_strided_slice %get3A_217 {offsets = [2], sizes = [1], strides = [1]} : vector<16xf32> to vector<1xf32>
        %squeeze3A_381 = vector.extract %slice3A_380[0] : f32 from vector<1xf32>
        %get3A_382 = arith.constant 98 : i32
        %get3A_383 = arith.index_cast %get3A_382 : i32 to index
        %get3A_384 = arith.constant 0 : index
        %get3A_385 = tpu.vector_load %arg14[%get3A_383, %get3A_384] {strides = array<i32>} : memref<100x128xf32, #tpu.memory_space<vmem>>, vector<16xf32>,
        %mul3A_386 = vector.broadcast %squeeze3A_381 : f32 to vector<16xf32>
        %mul3A_387 = arith.mulf %get3A_385, %mul3A_386 : vector<16xf32>
        %swap3A_388 = arith.constant 98 : i32
        %swap3A_389 = arith.index_cast %swap3A_388 : i32 to index
        %swap3A_390 = arith.constant 0 : index
        %swap3A_391 = tpu.vector_load %arg14[%swap3A_389, %swap3A_390] {strides = array<i32>} : memref<100x128xf32, #tpu.memory_space<vmem>>, vector<16xf32>,
        tpu.vector_store %arg14[%swap3A_389, %swap3A_390], %mul3A_387 {strides = array<i32>} : memref<100x128xf32, #tpu.memory_space<vmem>>, vector<16xf32>,
        %get3A_392 = arith.constant 98 : i32
        %get3A_393 = arith.index_cast %get3A_392 : i32 to index
        %get3A_394 = arith.constant 16 : index
        %get3A_395 = tpu.vector_load %arg14[%get3A_393, %get3A_394] {strides = array<i32>} : memref<100x128xf32, #tpu.memory_space<vmem>>, vector<16xf32>,
        %mul3A_396 = vector.broadcast %squeeze3A_381 : f32 to vector<16xf32>
        %mul3A_397 = arith.mulf %get3A_395, %mul3A_396 : vector<16xf32>
        %swap3A_398 = arith.constant 98 : i32
        %swap3A_399 = arith.index_cast %swap3A_398 : i32 to index
        %swap3A_400 = arith.constant 16 : index
        %swap3A_401 = tpu.vector_load %arg14[%swap3A_399, %swap3A_400] {strides = array<i32>} : memref<100x128xf32, #tpu.memory_space<vmem>>, vector<16xf32>,
        tpu.vector_store %arg14[%swap3A_399, %swap3A_400], %mul3A_397 {strides = array<i32>} : memref<100x128xf32, #tpu.memory_space<vmem>>, vector<16xf32>,
        %get3A_402 = arith.constant 98 : i32
        %get3A_403 = arith.index_cast %get3A_402 : i32 to index
        %get3A_404 = arith.constant 32 : index
        %get3A_405 = tpu.vector_load %arg14[%get3A_403, %get3A_404] {strides = array<i32>} : memref<100x128xf32, #tpu.memory_space<vmem>>, vector<16xf32>,
        %mul3A_406 = vector.broadcast %squeeze3A_381 : f32 to vector<16xf32>
        %mul3A_407 = arith.mulf %get3A_405, %mul3A_406 : vector<16xf32>
        %swap3A_408 = arith.constant 98 : i32
        %swap3A_409 = arith.index_cast %swap3A_408 : i32 to index
        %swap3A_410 = arith.constant 32 : index
        %swap3A_411 = tpu.vector_load %arg14[%swap3A_409, %swap3A_410] {strides = array<i32>} : memref<100x128xf32, #tpu.memory_space<vmem>>, vector<16xf32>,
        tpu.vector_store %arg14[%swap3A_409, %swap3A_410], %mul3A_407 {strides = array<i32>} : memref<100x128xf32, #tpu.memory_space<vmem>>, vector<16xf32>,
        %get3A_412 = arith.constant 98 : i32
        %get3A_413 = arith.index_cast %get3A_412 : i32 to index
        %get3A_414 = arith.constant 48 : index
        %get3A_415 = tpu.vector_load %arg14[%get3A_413, %get3A_414] {strides = array<i32>} : memref<100x128xf32, #tpu.memory_space<vmem>>, vector<16xf32>,
        %mul3A_416 = vector.broadcast %squeeze3A_381 : f32 to vector<16xf32>
        %mul3A_417 = arith.mulf %get3A_415, %mul3A_416 : vector<16xf32>
        %swap3A_418 = arith.constant 98 : i32
        %swap3A_419 = arith.index_cast %swap3A_418 : i32 to index
        %swap3A_420 = arith.constant 48 : index
        %swap3A_421 = tpu.vector_load %arg14[%swap3A_419, %swap3A_420] {strides = array<i32>} : memref<100x128xf32, #tpu.memory_space<vmem>>, vector<16xf32>,
        tpu.vector_store %arg14[%swap3A_419, %swap3A_420], %mul3A_417 {strides = array<i32>} : memref<100x128xf32, #tpu.memory_space<vmem>>, vector<16xf32>,
        %get3A_422 = arith.constant 98 : i32
        %get3A_423 = arith.index_cast %get3A_422 : i32 to index
        %get3A_424 = arith.constant 64 : index
        %get3A_425 = tpu.vector_load %arg14[%get3A_423, %get3A_424] {strides = array<i32>} : memref<100x128xf32, #tpu.memory_space<vmem>>, vector<16xf32>,
        %mul3A_426 = vector.broadcast %squeeze3A_381 : f32 to vector<16xf32>
        %mul3A_427 = arith.mulf %get3A_425, %mul3A_426 : vector<16xf32>
        %swap3A_428 = arith.constant 98 : i32
        %swap3A_429 = arith.index_cast %swap3A_428 : i32 to index
        %swap3A_430 = arith.constant 64 : index
        %swap3A_431 = tpu.vector_load %arg14[%swap3A_429, %swap3A_430] {strides = array<i32>} : memref<100x128xf32, #tpu.memory_space<vmem>>, vector<16xf32>,
        tpu.vector_store %arg14[%swap3A_429, %swap3A_430], %mul3A_427 {strides = array<i32>} : memref<100x128xf32, #tpu.memory_space<vmem>>, vector<16xf32>,
        %get3A_432 = arith.constant 98 : i32
        %get3A_433 = arith.index_cast %get3A_432 : i32 to index
        %get3A_434 = arith.constant 80 : index
        %get3A_435 = tpu.vector_load %arg14[%get3A_433, %get3A_434] {strides = array<i32>} : memref<100x128xf32, #tpu.memory_space<vmem>>, vector<16xf32>,
        %mul3A_436 = vector.broadcast %squeeze3A_381 : f32 to vector<16xf32>
        %mul3A_437 = arith.mulf %get3A_435, %mul3A_436 : vector<16xf32>
        %swap3A_438 = arith.constant 98 : i32
        %swap3A_439 = arith.index_cast %swap3A_438 : i32 to index
        %swap3A_440 = arith.constant 80 : index
        %swap3A_441 = tpu.vector_load %arg14[%swap3A_439, %swap3A_440] {strides = array<i32>} : memref<100x128xf32, #tpu.memory_space<vmem>>, vector<16xf32>,
        tpu.vector_store %arg14[%swap3A_439, %swap3A_440], %mul3A_437 {strides = array<i32>} : memref<100x128xf32, #tpu.memory_space<vmem>>, vector<16xf32>,
        %get3A_442 = arith.constant 98 : i32
        %get3A_443 = arith.index_cast %get3A_442 : i32 to index
        %get3A_444 = arith.constant 96 : index
        %get3A_445 = tpu.vector_load %arg14[%get3A_443, %get3A_444] {strides = array<i32>} : memref<100x128xf32, #tpu.memory_space<vmem>>, vector<16xf32>,
        %mul3A_446 = vector.broadcast %squeeze3A_381 : f32 to vector<16xf32>
        %mul3A_447 = arith.mulf %get3A_445, %mul3A_446 : vector<16xf32>
        %swap3A_448 = arith.constant 98 : i32
        %swap3A_449 = arith.index_cast %swap3A_448 : i32 to index
        %swap3A_450 = arith.constant 96 : index
        %swap3A_451 = tpu.vector_load %arg14[%swap3A_449, %swap3A_450] {strides = array<i32>} : memref<100x128xf32, #tpu.memory_space<vmem>>, vector<16xf32>,
        tpu.vector_store %arg14[%swap3A_449, %swap3A_450], %mul3A_447 {strides = array<i32>} : memref<100x128xf32, #tpu.memory_space<vmem>>, vector<16xf32>,
        %get3A_452 = arith.constant 98 : i32
        %get3A_453 = arith.index_cast %get3A_452 : i32 to index
        %get3A_454 = arith.constant 112 : index
        %get3A_455 = tpu.vector_load %arg14[%get3A_453, %get3A_454] {strides = array<i32>} : memref<100x128xf32, #tpu.memory_space<vmem>>, vector<16xf32>,
        %mul3A_456 = vector.broadcast %squeeze3A_381 : f32 to vector<16xf32>
        %mul3A_457 = arith.mulf %get3A_455, %mul3A_456 : vector<16xf32>
        %swap3A_458 = arith.constant 98 : i32
        %swap3A_459 = arith.index_cast %swap3A_458 : i32 to index
        %swap3A_460 = arith.constant 112 : index
        %swap3A_461 = tpu.vector_load %arg14[%swap3A_459, %swap3A_460] {strides = array<i32>} : memref<100x128xf32, #tpu.memory_space<vmem>>, vector<16xf32>,
        tpu.vector_store %arg14[%swap3A_459, %swap3A_460], %mul3A_457 {strides = array<i32>} : memref<100x128xf32, #tpu.memory_space<vmem>>, vector<16xf32>,
        %slice3A_462 = vector.extract_strided_slice %get3A_217 {offsets = [3], sizes = [1], strides = [1]} : vector<16xf32> to vector<1xf32>
        %squeeze3A_463 = vector.extract %slice3A_462[0] : f32 from vector<1xf32>
        %get3A_464 = arith.constant 99 : i32
        %get3A_465 = arith.index_cast %get3A_464 : i32 to index
        %get3A_466 = arith.constant 0 : index
        %get3A_467 = tpu.vector_load %arg14[%get3A_465, %get3A_466] {strides = array<i32>} : memref<100x128xf32, #tpu.memory_space<vmem>>, vector<16xf32>,
        %mul3A_468 = vector.broadcast %squeeze3A_463 : f32 to vector<16xf32>
        %mul3A_469 = arith.mulf %get3A_467, %mul3A_468 : vector<16xf32>
        %swap3A_470 = arith.constant 99 : i32
        %swap3A_471 = arith.index_cast %swap3A_470 : i32 to index
        %swap3A_472 = arith.constant 0 : index
        %swap3A_473 = tpu.vector_load %arg14[%swap3A_471, %swap3A_472] {strides = array<i32>} : memref<100x128xf32, #tpu.memory_space<vmem>>, vector<16xf32>,
        tpu.vector_store %arg14[%swap3A_471, %swap3A_472], %mul3A_469 {strides = array<i32>} : memref<100x128xf32, #tpu.memory_space<vmem>>, vector<16xf32>,
        %get3A_474 = arith.constant 99 : i32
        %get3A_475 = arith.index_cast %get3A_474 : i32 to index
        %get3A_476 = arith.constant 16 : index
        %get3A_477 = tpu.vector_load %arg14[%get3A_475, %get3A_476] {strides = array<i32>} : memref<100x128xf32, #tpu.memory_space<vmem>>, vector<16xf32>,
        %mul3A_478 = vector.broadcast %squeeze3A_463 : f32 to vector<16xf32>
        %mul3A_479 = arith.mulf %get3A_477, %mul3A_478 : vector<16xf32>
        %swap3A_480 = arith.constant 99 : i32
        %swap3A_481 = arith.index_cast %swap3A_480 : i32 to index
        %swap3A_482 = arith.constant 16 : index
        %swap3A_483 = tpu.vector_load %arg14[%swap3A_481, %swap3A_482] {strides = array<i32>} : memref<100x128xf32, #tpu.memory_space<vmem>>, vector<16xf32>,
        tpu.vector_store %arg14[%swap3A_481, %swap3A_482], %mul3A_479 {strides = array<i32>} : memref<100x128xf32, #tpu.memory_space<vmem>>, vector<16xf32>,
        %get3A_484 = arith.constant 99 : i32
        %get3A_485 = arith.index_cast %get3A_484 : i32 to index
        %get3A_486 = arith.constant 32 : index
        %get3A_487 = tpu.vector_load %arg14[%get3A_485, %get3A_486] {strides = array<i32>} : memref<100x128xf32, #tpu.memory_space<vmem>>, vector<16xf32>,
        %mul3A_488 = vector.broadcast %squeeze3A_463 : f32 to vector<16xf32>
        %mul3A_489 = arith.mulf %get3A_487, %mul3A_488 : vector<16xf32>
        %swap3A_490 = arith.constant 99 : i32
        %swap3A_491 = arith.index_cast %swap3A_490 : i32 to index
        %swap3A_492 = arith.constant 32 : index
        %swap3A_493 = tpu.vector_load %arg14[%swap3A_491, %swap3A_492] {strides = array<i32>} : memref<100x128xf32, #tpu.memory_space<vmem>>, vector<16xf32>,
        tpu.vector_store %arg14[%swap3A_491, %swap3A_492], %mul3A_489 {strides = array<i32>} : memref<100x128xf32, #tpu.memory_space<vmem>>, vector<16xf32>,
        %get3A_494 = arith.constant 99 : i32
        %get3A_495 = arith.index_cast %get3A_494 : i32 to index
        %get3A_496 = arith.constant 48 : index
        %get3A_497 = tpu.vector_load %arg14[%get3A_495, %get3A_496] {strides = array<i32>} : memref<100x128xf32, #tpu.memory_space<vmem>>, vector<16xf32>,
        %mul3A_498 = vector.broadcast %squeeze3A_463 : f32 to vector<16xf32>
        %mul3A_499 = arith.mulf %get3A_497, %mul3A_498 : vector<16xf32>
        %swap3A_500 = arith.constant 99 : i32
        %swap3A_501 = arith.index_cast %swap3A_500 : i32 to index
        %swap3A_502 = arith.constant 48 : index
        %swap3A_503 = tpu.vector_load %arg14[%swap3A_501, %swap3A_502] {strides = array<i32>} : memref<100x128xf32, #tpu.memory_space<vmem>>, vector<16xf32>,
        tpu.vector_store %arg14[%swap3A_501, %swap3A_502], %mul3A_499 {strides = array<i32>} : memref<100x128xf32, #tpu.memory_space<vmem>>, vector<16xf32>,
        %get3A_504 = arith.constant 99 : i32
        %get3A_505 = arith.index_cast %get3A_504 : i32 to index
        %get3A_506 = arith.constant 64 : index
        %get3A_507 = tpu.vector_load %arg14[%get3A_505, %get3A_506] {strides = array<i32>} : memref<100x128xf32, #tpu.memory_space<vmem>>, vector<16xf32>,
        %mul3A_508 = vector.broadcast %squeeze3A_463 : f32 to vector<16xf32>
        %mul3A_509 = arith.mulf %get3A_507, %mul3A_508 : vector<16xf32>
        %swap3A_510 = arith.constant 99 : i32
        %swap3A_511 = arith.index_cast %swap3A_510 : i32 to index
        %swap3A_512 = arith.constant 64 : index
        %swap3A_513 = tpu.vector_load %arg14[%swap3A_511, %swap3A_512] {strides = array<i32>} : memref<100x128xf32, #tpu.memory_space<vmem>>, vector<16xf32>,
        tpu.vector_store %arg14[%swap3A_511, %swap3A_512], %mul3A_509 {strides = array<i32>} : memref<100x128xf32, #tpu.memory_space<vmem>>, vector<16xf32>,
        %get3A_514 = arith.constant 99 : i32
        %get3A_515 = arith.index_cast %get3A_514 : i32 to index
        %get3A_516 = arith.constant 80 : index
        %get3A_517 = tpu.vector_load %arg14[%get3A_515, %get3A_516] {strides = array<i32>} : memref<100x128xf32, #tpu.memory_space<vmem>>, vector<16xf32>,
        %mul3A_518 = vector.broadcast %squeeze3A_463 : f32 to vector<16xf32>
        %mul3A_519 = arith.mulf %get3A_517, %mul3A_518 : vector<16xf32>
        %swap3A_520 = arith.constant 99 : i32
        %swap3A_521 = arith.index_cast %swap3A_520 : i32 to index
        %swap3A_522 = arith.constant 80 : index
        %swap3A_523 = tpu.vector_load %arg14[%swap3A_521, %swap3A_522] {strides = array<i32>} : memref<100x128xf32, #tpu.memory_space<vmem>>, vector<16xf32>,
        tpu.vector_store %arg14[%swap3A_521, %swap3A_522], %mul3A_519 {strides = array<i32>} : memref<100x128xf32, #tpu.memory_space<vmem>>, vector<16xf32>,
        %get3A_524 = arith.constant 99 : i32
        %get3A_525 = arith.index_cast %get3A_524 : i32 to index
        %get3A_526 = arith.constant 96 : index
        %get3A_527 = tpu.vector_load %arg14[%get3A_525, %get3A_526] {strides = array<i32>} : memref<100x128xf32, #tpu.memory_space<vmem>>, vector<16xf32>,
        %mul3A_528 = vector.broadcast %squeeze3A_463 : f32 to vector<16xf32>
        %mul3A_529 = arith.mulf %get3A_527, %mul3A_528 : vector<16xf32>
        %swap3A_530 = arith.constant 99 : i32
        %swap3A_531 = arith.index_cast %swap3A_530 : i32 to index
        %swap3A_532 = arith.constant 96 : index
        %swap3A_533 = tpu.vector_load %arg14[%swap3A_531, %swap3A_532] {strides = array<i32>} : memref<100x128xf32, #tpu.memory_space<vmem>>, vector<16xf32>,
        tpu.vector_store %arg14[%swap3A_531, %swap3A_532], %mul3A_529 {strides = array<i32>} : memref<100x128xf32, #tpu.memory_space<vmem>>, vector<16xf32>,
        %get3A_534 = arith.constant 99 : i32
        %get3A_535 = arith.index_cast %get3A_534 : i32 to index
        %get3A_536 = arith.constant 112 : index
        %get3A_537 = tpu.vector_load %arg14[%get3A_535, %get3A_536] {strides = array<i32>} : memref<100x128xf32, #tpu.memory_space<vmem>>, vector<16xf32>,
        %mul3A_538 = vector.broadcast %squeeze3A_463 : f32 to vector<16xf32>
        %mul3A_539 = arith.mulf %get3A_537, %mul3A_538 : vector<16xf32>
        %swap3A_540 = arith.constant 99 : i32
        %swap3A_541 = arith.index_cast %swap3A_540 : i32 to index
        %swap3A_542 = arith.constant 112 : index
        %swap3A_543 = tpu.vector_load %arg14[%swap3A_541, %swap3A_542] {strides = array<i32>} : memref<100x128xf32, #tpu.memory_space<vmem>>, vector<16xf32>,
        tpu.vector_store %arg14[%swap3A_541, %swap3A_542], %mul3A_539 {strides = array<i32>} : memref<100x128xf32, #tpu.memory_space<vmem>>, vector<16xf32>,
        %dma_start3A_544 = arith.constant 0 : i32
        %dma_start3A_545 = tpu.memref_slice %arg10[%mul3A_88, %dma_start3A_544] : memref<10x100xi32, #tpu.memory_space<vmem>> -> memref<1x100xi32, #tpu.memory_space<vmem>>
        %dma_start3A_546 = tpu.memref_squeeze %dma_start3A_545 : memref<1x100xi32, #tpu.memory_space<vmem>> -> memref<100xi32, #tpu.memory_space<vmem>>
        %dma_start3A_547 = arith.constant 0 : i32
        %dma_start3A_548 = arith.constant 0 : i32
        %dma_start3A_549 = tpu.memref_slice %arg19[%dma_start3A_547, %dma_start3A_548] : memref<10240x128xf32, #tpu.memory_space<vmem_shared>> -> memref<10240x128xf32, #tpu.memory_space<vmem_shared>>
        tpu.enqueue_indirect_dma source(%arg14 : memref<100x128xf32, #tpu.memory_space<vmem>>) target(%dma_start3A_549 : memref<10240x128xf32, #tpu.memory_space<vmem_shared>>) offsets(%dma_start3A_546 : memref<100xi32, #tpu.memory_space<vmem>>) semaphore(%arg23 : memref<!tpu.dma_semaphore, #tpu.memory_space<semaphore_mem>>) {add = true}
        %dma_start3A_550 = arith.constant 0 : i32
        %dma_start3A_551 = tpu.memref_slice %arg13[%dma_start3A_550] : memref<112xf32, #tpu.memory_space<vmem>> -> memref<100xf32, #tpu.memory_space<vmem>>
        %dma_start3A_552 = arith.constant 0 : i32
        %dma_start3A_553 = tpu.memref_slice %arg10[%mul3A_88, %dma_start3A_552] : memref<10x100xi32, #tpu.memory_space<vmem>> -> memref<1x100xi32, #tpu.memory_space<vmem>>
        %dma_start3A_554 = tpu.memref_squeeze %dma_start3A_553 : memref<1x100xi32, #tpu.memory_space<vmem>> -> memref<100xi32, #tpu.memory_space<vmem>>
        %dma_start3A_555 = arith.constant 0 : i32
        %dma_start3A_556 = tpu.memref_slice %arg20[%dma_start3A_555] : memref<10240xf32, #tpu.memory_space<vmem_shared>> -> memref<10240xf32, #tpu.memory_space<vmem_shared>>
        tpu.enqueue_indirect_dma source(%dma_start3A_551 : memref<100xf32, #tpu.memory_space<vmem>>) target(%dma_start3A_556 : memref<10240xf32, #tpu.memory_space<vmem_shared>>) offsets(%dma_start3A_554 : memref<100xi32, #tpu.memory_space<vmem>>) semaphore(%arg23 : memref<!tpu.dma_semaphore, #tpu.memory_space<semaphore_mem>>) {add = true}
        %dma_wait3A_557 = arith.constant 0 : i32
        %dma_wait3A_558 = tpu.memref_slice %arg15[%dma_wait3A_557] : memref<112xf32, #tpu.memory_space<vmem>> -> memref<100xf32, #tpu.memory_space<vmem>>
        %dma_wait3A_559 = arith.constant 0 : i32
        %dma_wait3A_560 = tpu.memref_slice %arg9[%add3A_90, %dma_wait3A_559] : memref<10x100xi32, #tpu.memory_space<vmem>> -> memref<1x100xi32, #tpu.memory_space<vmem>>
        %dma_wait3A_561 = tpu.memref_squeeze %dma_wait3A_560 : memref<1x100xi32, #tpu.memory_space<vmem>> -> memref<100xi32, #tpu.memory_space<vmem>>
        %dma_wait3A_562 = arith.constant 0 : i32
        %dma_wait3A_563 = tpu.memref_slice %arg3[%dma_wait3A_562] : memref<10000xf32, #tpu.memory_space<hbm>> -> memref<10000xf32, #tpu.memory_space<hbm>>
        tpu.wait_indirect_dma semaphore(%arg22 : memref<!tpu.dma_semaphore, #tpu.memory_space<semaphore_mem>>) src(%dma_wait3A_563 : memref<10000xf32, #tpu.memory_space<hbm>>) dst(%dma_wait3A_558 : memref<100xf32, #tpu.memory_space<vmem>>)
        %dma_wait3A_564 = arith.constant 0 : i32
        %dma_wait3A_565 = tpu.memref_slice %arg16[%dma_wait3A_564] : memref<112xf32, #tpu.memory_space<vmem>> -> memref<100xf32, #tpu.memory_space<vmem>>
        %dma_wait3A_566 = arith.constant 0 : i32
        %dma_wait3A_567 = tpu.memref_slice %arg10[%add3A_90, %dma_wait3A_566] : memref<10x100xi32, #tpu.memory_space<vmem>> -> memref<1x100xi32, #tpu.memory_space<vmem>>
        %dma_wait3A_568 = tpu.memref_squeeze %dma_wait3A_567 : memref<1x100xi32, #tpu.memory_space<vmem>> -> memref<100xi32, #tpu.memory_space<vmem>>
        %dma_wait3A_569 = arith.constant 0 : i32
        %dma_wait3A_570 = tpu.memref_slice %arg4[%dma_wait3A_569] : memref<10000xf32, #tpu.memory_space<hbm>> -> memref<10000xf32, #tpu.memory_space<hbm>>
        tpu.wait_indirect_dma semaphore(%arg22 : memref<!tpu.dma_semaphore, #tpu.memory_space<semaphore_mem>>) src(%dma_wait3A_570 : memref<10000xf32, #tpu.memory_space<hbm>>) dst(%dma_wait3A_565 : memref<100xf32, #tpu.memory_space<vmem>>)
        %dma_wait3A_571 = arith.constant 0 : i32
        %dma_wait3A_572 = tpu.memref_slice %arg9[%add3A_90, %dma_wait3A_571] : memref<10x100xi32, #tpu.memory_space<vmem>> -> memref<1x100xi32, #tpu.memory_space<vmem>>
        %dma_wait3A_573 = tpu.memref_squeeze %dma_wait3A_572 : memref<1x100xi32, #tpu.memory_space<vmem>> -> memref<100xi32, #tpu.memory_space<vmem>>
        %dma_wait3A_574 = arith.constant 0 : i32
        %dma_wait3A_575 = arith.constant 0 : i32
        %dma_wait3A_576 = tpu.memref_slice %arg2[%dma_wait3A_574, %dma_wait3A_575] : memref<10000x128xf32, #tpu.memory_space<hbm>> -> memref<10000x128xf32, #tpu.memory_space<hbm>>
        tpu.wait_indirect_dma semaphore(%arg22 : memref<!tpu.dma_semaphore, #tpu.memory_space<semaphore_mem>>) src(%dma_wait3A_576 : memref<10000x128xf32, #tpu.memory_space<hbm>>) dst(%arg18 : memref<100x128xf32, #tpu.memory_space<vmem>>)
        %get3A_577 = arith.constant 0 : index
        %get3A_578 = tpu.vector_load %arg15[%get3A_577] {strides = array<i32>} : memref<112xf32, #tpu.memory_space<vmem>>, vector<16xf32>,
        %get3A_579 = arith.constant 0 : index
        %get3A_580 = tpu.vector_load %arg16[%get3A_579] {strides = array<i32>} : memref<112xf32, #tpu.memory_space<vmem>>, vector<16xf32>,
        %add3A_581 = arith.addf %get3A_578, %get3A_580 : vector<16xf32>
        %mul3A_582 = arith.constant 2.000000e-01 : f32
        %mul3A_583 = vector.broadcast %mul3A_582 : f32 to vector<16xf32>
        %mul3A_584 = arith.mulf %add3A_581, %mul3A_583 : vector<16xf32>
        %max3A_585 = arith.maximumf %add3A_581, %mul3A_584 : vector<16xf32>
        %exp3A_586 = math.exp %max3A_585 : vector<16xf32>
        %swap3A_587 = arith.constant 0 : index
        %swap3A_588 = tpu.vector_load %arg17[%swap3A_587] {strides = array<i32>} : memref<112xf32, #tpu.memory_space<vmem>>, vector<16xf32>,
        tpu.vector_store %arg17[%swap3A_587], %exp3A_586 {strides = array<i32>} : memref<112xf32, #tpu.memory_space<vmem>>, vector<16xf32>,
        %get3A_589 = arith.constant 16 : index
        %get3A_590 = tpu.vector_load %arg15[%get3A_589] {strides = array<i32>} : memref<112xf32, #tpu.memory_space<vmem>>, vector<16xf32>,
        %get3A_591 = arith.constant 16 : index
        %get3A_592 = tpu.vector_load %arg16[%get3A_591] {strides = array<i32>} : memref<112xf32, #tpu.memory_space<vmem>>, vector<16xf32>,
        %add3A_593 = arith.addf %get3A_590, %get3A_592 : vector<16xf32>
        %mul3A_594 = arith.constant 2.000000e-01 : f32
        %mul3A_595 = vector.broadcast %mul3A_594 : f32 to vector<16xf32>
        %mul3A_596 = arith.mulf %add3A_593, %mul3A_595 : vector<16xf32>
        %max3A_597 = arith.maximumf %add3A_593, %mul3A_596 : vector<16xf32>
        %exp3A_598 = math.exp %max3A_597 : vector<16xf32>
        %swap3A_599 = arith.constant 16 : index
        %swap3A_600 = tpu.vector_load %arg17[%swap3A_599] {strides = array<i32>} : memref<112xf32, #tpu.memory_space<vmem>>, vector<16xf32>,
        tpu.vector_store %arg17[%swap3A_599], %exp3A_598 {strides = array<i32>} : memref<112xf32, #tpu.memory_space<vmem>>, vector<16xf32>,
        %get3A_601 = arith.constant 32 : index
        %get3A_602 = tpu.vector_load %arg15[%get3A_601] {strides = array<i32>} : memref<112xf32, #tpu.memory_space<vmem>>, vector<16xf32>,
        %get3A_603 = arith.constant 32 : index
        %get3A_604 = tpu.vector_load %arg16[%get3A_603] {strides = array<i32>} : memref<112xf32, #tpu.memory_space<vmem>>, vector<16xf32>,
        %add3A_605 = arith.addf %get3A_602, %get3A_604 : vector<16xf32>
        %mul3A_606 = arith.constant 2.000000e-01 : f32
        %mul3A_607 = vector.broadcast %mul3A_606 : f32 to vector<16xf32>
        %mul3A_608 = arith.mulf %add3A_605, %mul3A_607 : vector<16xf32>
        %max3A_609 = arith.maximumf %add3A_605, %mul3A_608 : vector<16xf32>
        %exp3A_610 = math.exp %max3A_609 : vector<16xf32>
        %swap3A_611 = arith.constant 32 : index
        %swap3A_612 = tpu.vector_load %arg17[%swap3A_611] {strides = array<i32>} : memref<112xf32, #tpu.memory_space<vmem>>, vector<16xf32>,
        tpu.vector_store %arg17[%swap3A_611], %exp3A_610 {strides = array<i32>} : memref<112xf32, #tpu.memory_space<vmem>>, vector<16xf32>,
        %get3A_613 = arith.constant 48 : index
        %get3A_614 = tpu.vector_load %arg15[%get3A_613] {strides = array<i32>} : memref<112xf32, #tpu.memory_space<vmem>>, vector<16xf32>,
        %get3A_615 = arith.constant 48 : index
        %get3A_616 = tpu.vector_load %arg16[%get3A_615] {strides = array<i32>} : memref<112xf32, #tpu.memory_space<vmem>>, vector<16xf32>,
        %add3A_617 = arith.addf %get3A_614, %get3A_616 : vector<16xf32>
        %mul3A_618 = arith.constant 2.000000e-01 : f32
        %mul3A_619 = vector.broadcast %mul3A_618 : f32 to vector<16xf32>
        %mul3A_620 = arith.mulf %add3A_617, %mul3A_619 : vector<16xf32>
        %max3A_621 = arith.maximumf %add3A_617, %mul3A_620 : vector<16xf32>
        %exp3A_622 = math.exp %max3A_621 : vector<16xf32>
        %swap3A_623 = arith.constant 48 : index
        %swap3A_624 = tpu.vector_load %arg17[%swap3A_623] {strides = array<i32>} : memref<112xf32, #tpu.memory_space<vmem>>, vector<16xf32>,
        tpu.vector_store %arg17[%swap3A_623], %exp3A_622 {strides = array<i32>} : memref<112xf32, #tpu.memory_space<vmem>>, vector<16xf32>,
        %get3A_625 = arith.constant 64 : index
        %get3A_626 = tpu.vector_load %arg15[%get3A_625] {strides = array<i32>} : memref<112xf32, #tpu.memory_space<vmem>>, vector<16xf32>,
        %get3A_627 = arith.constant 64 : index
        %get3A_628 = tpu.vector_load %arg16[%get3A_627] {strides = array<i32>} : memref<112xf32, #tpu.memory_space<vmem>>, vector<16xf32>,
        %add3A_629 = arith.addf %get3A_626, %get3A_628 : vector<16xf32>
        %mul3A_630 = arith.constant 2.000000e-01 : f32
        %mul3A_631 = vector.broadcast %mul3A_630 : f32 to vector<16xf32>
        %mul3A_632 = arith.mulf %add3A_629, %mul3A_631 : vector<16xf32>
        %max3A_633 = arith.maximumf %add3A_629, %mul3A_632 : vector<16xf32>
        %exp3A_634 = math.exp %max3A_633 : vector<16xf32>
        %swap3A_635 = arith.constant 64 : index
        %swap3A_636 = tpu.vector_load %arg17[%swap3A_635] {strides = array<i32>} : memref<112xf32, #tpu.memory_space<vmem>>, vector<16xf32>,
        tpu.vector_store %arg17[%swap3A_635], %exp3A_634 {strides = array<i32>} : memref<112xf32, #tpu.memory_space<vmem>>, vector<16xf32>,
        %get3A_637 = arith.constant 80 : index
        %get3A_638 = tpu.vector_load %arg15[%get3A_637] {strides = array<i32>} : memref<112xf32, #tpu.memory_space<vmem>>, vector<16xf32>,
        %get3A_639 = arith.constant 80 : index
        %get3A_640 = tpu.vector_load %arg16[%get3A_639] {strides = array<i32>} : memref<112xf32, #tpu.memory_space<vmem>>, vector<16xf32>,
        %add3A_641 = arith.addf %get3A_638, %get3A_640 : vector<16xf32>
        %mul3A_642 = arith.constant 2.000000e-01 : f32
        %mul3A_643 = vector.broadcast %mul3A_642 : f32 to vector<16xf32>
        %mul3A_644 = arith.mulf %add3A_641, %mul3A_643 : vector<16xf32>
        %max3A_645 = arith.maximumf %add3A_641, %mul3A_644 : vector<16xf32>
        %exp3A_646 = math.exp %max3A_645 : vector<16xf32>
        %swap3A_647 = arith.constant 80 : index
        %swap3A_648 = tpu.vector_load %arg17[%swap3A_647] {strides = array<i32>} : memref<112xf32, #tpu.memory_space<vmem>>, vector<16xf32>,
        tpu.vector_store %arg17[%swap3A_647], %exp3A_646 {strides = array<i32>} : memref<112xf32, #tpu.memory_space<vmem>>, vector<16xf32>,
        %get3A_649 = arith.constant 96 : index
        %get3A_650 = tpu.vector_load %arg15[%get3A_649] {strides = array<i32>} : memref<112xf32, #tpu.memory_space<vmem>>, vector<16xf32>,
        %get3A_651 = arith.constant 96 : index
        %get3A_652 = tpu.vector_load %arg16[%get3A_651] {strides = array<i32>} : memref<112xf32, #tpu.memory_space<vmem>>, vector<16xf32>,
        %add3A_653 = arith.addf %get3A_650, %get3A_652 : vector<16xf32>
        %mul3A_654 = arith.constant 2.000000e-01 : f32
        %mul3A_655 = vector.broadcast %mul3A_654 : f32 to vector<16xf32>
        %mul3A_656 = arith.mulf %add3A_653, %mul3A_655 : vector<16xf32>
        %max3A_657 = arith.maximumf %add3A_653, %mul3A_656 : vector<16xf32>
        %exp3A_658 = math.exp %max3A_657 : vector<16xf32>
        %swap3A_659 = arith.constant 96 : index
        %swap3A_660 = tpu.vector_load %arg17[%swap3A_659] {strides = array<i32>} : memref<112xf32, #tpu.memory_space<vmem>>, vector<16xf32>,
        tpu.vector_store %arg17[%swap3A_659], %exp3A_658 {strides = array<i32>} : memref<112xf32, #tpu.memory_space<vmem>>, vector<16xf32>,
        %scan3A_661 = arith.constant 0 : i32
        %scan3A_662 = arith.constant 6 : i32
        %scan3A_663 = arith.addi %scan3A_661, %scan3A_662 : i32
        %scan3A_664 = arith.constant 1 : i32
        scf.for %scan3A_1037 = %scan3A_661 to %scan3A_663 step %scan3A_664  : i32 {
          %mul3A_1038 = arith.constant 1 : i32
          %mul3A_1039 = arith.muli %scan3A_1037, %mul3A_1038 : i32
          %add3A_1040 = arith.constant 0 : i32
          %add3A_1041 = arith.addi %add3A_1040, %mul3A_1039 : i32
          %mul3A_1042 = arith.constant 16 : i32
          %mul3A_1043 = arith.muli %add3A_1041, %mul3A_1042 : i32
          %get3A_1044 = arith.index_cast %mul3A_1043 : i32 to index
          %get3A_1045 = tpu.vector_load %arg17[%get3A_1044] {strides = array<i32>} : memref<112xf32, #tpu.memory_space<vmem>>, vector<16xf32>,
          %slice3A_1046 = vector.extract_strided_slice %get3A_1045 {offsets = [0], sizes = [1], strides = [1]} : vector<16xf32> to vector<1xf32>
          %squeeze3A_1047 = vector.extract %slice3A_1046[0] : f32 from vector<1xf32>
          %mul3A_1048 = arith.constant 16 : i32
          %mul3A_1049 = arith.muli %add3A_1041, %mul3A_1048 : i32
          %add3A_1050 = arith.constant 0 : i32
          %add3A_1051 = arith.addi %mul3A_1049, %add3A_1050 : i32
          %get3A_1052 = arith.index_cast %add3A_1051 : i32 to index
          %get3A_1053 = arith.constant 0 : index
          %get3A_1054 = tpu.vector_load %arg18[%get3A_1052, %get3A_1053] {strides = array<i32>} : memref<100x128xf32, #tpu.memory_space<vmem>>, vector<16xf32>,
          %mul3A_1055 = vector.broadcast %squeeze3A_1047 : f32 to vector<16xf32>
          %mul3A_1056 = arith.mulf %get3A_1054, %mul3A_1055 : vector<16xf32>
          %swap3A_1057 = arith.index_cast %add3A_1051 : i32 to index
          %swap3A_1058 = arith.constant 0 : index
          %swap3A_1059 = tpu.vector_load %arg18[%swap3A_1057, %swap3A_1058] {strides = array<i32>} : memref<100x128xf32, #tpu.memory_space<vmem>>, vector<16xf32>,
          tpu.vector_store %arg18[%swap3A_1057, %swap3A_1058], %mul3A_1056 {strides = array<i32>} : memref<100x128xf32, #tpu.memory_space<vmem>>, vector<16xf32>,
          %mul3A_1060 = arith.constant 16 : i32
          %mul3A_1061 = arith.muli %add3A_1041, %mul3A_1060 : i32
          %add3A_1062 = arith.constant 0 : i32
          %add3A_1063 = arith.addi %mul3A_1061, %add3A_1062 : i32
          %get3A_1064 = arith.index_cast %add3A_1063 : i32 to index
          %get3A_1065 = arith.constant 16 : index
          %get3A_1066 = tpu.vector_load %arg18[%get3A_1064, %get3A_1065] {strides = array<i32>} : memref<100x128xf32, #tpu.memory_space<vmem>>, vector<16xf32>,
          %mul3A_1067 = vector.broadcast %squeeze3A_1047 : f32 to vector<16xf32>
          %mul3A_1068 = arith.mulf %get3A_1066, %mul3A_1067 : vector<16xf32>
          %swap3A_1069 = arith.index_cast %add3A_1063 : i32 to index
          %swap3A_1070 = arith.constant 16 : index
          %swap3A_1071 = tpu.vector_load %arg18[%swap3A_1069, %swap3A_1070] {strides = array<i32>} : memref<100x128xf32, #tpu.memory_space<vmem>>, vector<16xf32>,
          tpu.vector_store %arg18[%swap3A_1069, %swap3A_1070], %mul3A_1068 {strides = array<i32>} : memref<100x128xf32, #tpu.memory_space<vmem>>, vector<16xf32>,
          %mul3A_1072 = arith.constant 16 : i32
          %mul3A_1073 = arith.muli %add3A_1041, %mul3A_1072 : i32
          %add3A_1074 = arith.constant 0 : i32
          %add3A_1075 = arith.addi %mul3A_1073, %add3A_1074 : i32
          %get3A_1076 = arith.index_cast %add3A_1075 : i32 to index
          %get3A_1077 = arith.constant 32 : index
          %get3A_1078 = tpu.vector_load %arg18[%get3A_1076, %get3A_1077] {strides = array<i32>} : memref<100x128xf32, #tpu.memory_space<vmem>>, vector<16xf32>,
          %mul3A_1079 = vector.broadcast %squeeze3A_1047 : f32 to vector<16xf32>
          %mul3A_1080 = arith.mulf %get3A_1078, %mul3A_1079 : vector<16xf32>
          %swap3A_1081 = arith.index_cast %add3A_1075 : i32 to index
          %swap3A_1082 = arith.constant 32 : index
          %swap3A_1083 = tpu.vector_load %arg18[%swap3A_1081, %swap3A_1082] {strides = array<i32>} : memref<100x128xf32, #tpu.memory_space<vmem>>, vector<16xf32>,
          tpu.vector_store %arg18[%swap3A_1081, %swap3A_1082], %mul3A_1080 {strides = array<i32>} : memref<100x128xf32, #tpu.memory_space<vmem>>, vector<16xf32>,
          %mul3A_1084 = arith.constant 16 : i32
          %mul3A_1085 = arith.muli %add3A_1041, %mul3A_1084 : i32
          %add3A_1086 = arith.constant 0 : i32
          %add3A_1087 = arith.addi %mul3A_1085, %add3A_1086 : i32
          %get3A_1088 = arith.index_cast %add3A_1087 : i32 to index
          %get3A_1089 = arith.constant 48 : index
          %get3A_1090 = tpu.vector_load %arg18[%get3A_1088, %get3A_1089] {strides = array<i32>} : memref<100x128xf32, #tpu.memory_space<vmem>>, vector<16xf32>,
          %mul3A_1091 = vector.broadcast %squeeze3A_1047 : f32 to vector<16xf32>
          %mul3A_1092 = arith.mulf %get3A_1090, %mul3A_1091 : vector<16xf32>
          %swap3A_1093 = arith.index_cast %add3A_1087 : i32 to index
          %swap3A_1094 = arith.constant 48 : index
          %swap3A_1095 = tpu.vector_load %arg18[%swap3A_1093, %swap3A_1094] {strides = array<i32>} : memref<100x128xf32, #tpu.memory_space<vmem>>, vector<16xf32>,
          tpu.vector_store %arg18[%swap3A_1093, %swap3A_1094], %mul3A_1092 {strides = array<i32>} : memref<100x128xf32, #tpu.memory_space<vmem>>, vector<16xf32>,
          %mul3A_1096 = arith.constant 16 : i32
          %mul3A_1097 = arith.muli %add3A_1041, %mul3A_1096 : i32
          %add3A_1098 = arith.constant 0 : i32
          %add3A_1099 = arith.addi %mul3A_1097, %add3A_1098 : i32
          %get3A_1100 = arith.index_cast %add3A_1099 : i32 to index
          %get3A_1101 = arith.constant 64 : index
          %get3A_1102 = tpu.vector_load %arg18[%get3A_1100, %get3A_1101] {strides = array<i32>} : memref<100x128xf32, #tpu.memory_space<vmem>>, vector<16xf32>,
          %mul3A_1103 = vector.broadcast %squeeze3A_1047 : f32 to vector<16xf32>
          %mul3A_1104 = arith.mulf %get3A_1102, %mul3A_1103 : vector<16xf32>
          %swap3A_1105 = arith.index_cast %add3A_1099 : i32 to index
          %swap3A_1106 = arith.constant 64 : index
          %swap3A_1107 = tpu.vector_load %arg18[%swap3A_1105, %swap3A_1106] {strides = array<i32>} : memref<100x128xf32, #tpu.memory_space<vmem>>, vector<16xf32>,
          tpu.vector_store %arg18[%swap3A_1105, %swap3A_1106], %mul3A_1104 {strides = array<i32>} : memref<100x128xf32, #tpu.memory_space<vmem>>, vector<16xf32>,
          %mul3A_1108 = arith.constant 16 : i32
          %mul3A_1109 = arith.muli %add3A_1041, %mul3A_1108 : i32
          %add3A_1110 = arith.constant 0 : i32
          %add3A_1111 = arith.addi %mul3A_1109, %add3A_1110 : i32
          %get3A_1112 = arith.index_cast %add3A_1111 : i32 to index
          %get3A_1113 = arith.constant 80 : index
          %get3A_1114 = tpu.vector_load %arg18[%get3A_1112, %get3A_1113] {strides = array<i32>} : memref<100x128xf32, #tpu.memory_space<vmem>>, vector<16xf32>,
          %mul3A_1115 = vector.broadcast %squeeze3A_1047 : f32 to vector<16xf32>
          %mul3A_1116 = arith.mulf %get3A_1114, %mul3A_1115 : vector<16xf32>
          %swap3A_1117 = arith.index_cast %add3A_1111 : i32 to index
          %swap3A_1118 = arith.constant 80 : index
          %swap3A_1119 = tpu.vector_load %arg18[%swap3A_1117, %swap3A_1118] {strides = array<i32>} : memref<100x128xf32, #tpu.memory_space<vmem>>, vector<16xf32>,
          tpu.vector_store %arg18[%swap3A_1117, %swap3A_1118], %mul3A_1116 {strides = array<i32>} : memref<100x128xf32, #tpu.memory_space<vmem>>, vector<16xf32>,
          %mul3A_1120 = arith.constant 16 : i32
          %mul3A_1121 = arith.muli %add3A_1041, %mul3A_1120 : i32
          %add3A_1122 = arith.constant 0 : i32
          %add3A_1123 = arith.addi %mul3A_1121, %add3A_1122 : i32
          %get3A_1124 = arith.index_cast %add3A_1123 : i32 to index
          %get3A_1125 = arith.constant 96 : index
          %get3A_1126 = tpu.vector_load %arg18[%get3A_1124, %get3A_1125] {strides = array<i32>} : memref<100x128xf32, #tpu.memory_space<vmem>>, vector<16xf32>,
          %mul3A_1127 = vector.broadcast %squeeze3A_1047 : f32 to vector<16xf32>
          %mul3A_1128 = arith.mulf %get3A_1126, %mul3A_1127 : vector<16xf32>
          %swap3A_1129 = arith.index_cast %add3A_1123 : i32 to index
          %swap3A_1130 = arith.constant 96 : index
          %swap3A_1131 = tpu.vector_load %arg18[%swap3A_1129, %swap3A_1130] {strides = array<i32>} : memref<100x128xf32, #tpu.memory_space<vmem>>, vector<16xf32>,
          tpu.vector_store %arg18[%swap3A_1129, %swap3A_1130], %mul3A_1128 {strides = array<i32>} : memref<100x128xf32, #tpu.memory_space<vmem>>, vector<16xf32>,
          %mul3A_1132 = arith.constant 16 : i32
          %mul3A_1133 = arith.muli %add3A_1041, %mul3A_1132 : i32
          %add3A_1134 = arith.constant 0 : i32
          %add3A_1135 = arith.addi %mul3A_1133, %add3A_1134 : i32
          %get3A_1136 = arith.index_cast %add3A_1135 : i32 to index
          %get3A_1137 = arith.constant 112 : index
          %get3A_1138 = tpu.vector_load %arg18[%get3A_1136, %get3A_1137] {strides = array<i32>} : memref<100x128xf32, #tpu.memory_space<vmem>>, vector<16xf32>,
          %mul3A_1139 = vector.broadcast %squeeze3A_1047 : f32 to vector<16xf32>
          %mul3A_1140 = arith.mulf %get3A_1138, %mul3A_1139 : vector<16xf32>
          %swap3A_1141 = arith.index_cast %add3A_1135 : i32 to index
          %swap3A_1142 = arith.constant 112 : index
          %swap3A_1143 = tpu.vector_load %arg18[%swap3A_1141, %swap3A_1142] {strides = array<i32>} : memref<100x128xf32, #tpu.memory_space<vmem>>, vector<16xf32>,
          tpu.vector_store %arg18[%swap3A_1141, %swap3A_1142], %mul3A_1140 {strides = array<i32>} : memref<100x128xf32, #tpu.memory_space<vmem>>, vector<16xf32>,
          %slice3A_1144 = vector.extract_strided_slice %get3A_1045 {offsets = [1], sizes = [1], strides = [1]} : vector<16xf32> to vector<1xf32>
          %squeeze3A_1145 = vector.extract %slice3A_1144[0] : f32 from vector<1xf32>
          %mul3A_1146 = arith.constant 16 : i32
          %mul3A_1147 = arith.muli %add3A_1041, %mul3A_1146 : i32
          %add3A_1148 = arith.constant 1 : i32
          %add3A_1149 = arith.addi %mul3A_1147, %add3A_1148 : i32
          %get3A_1150 = arith.index_cast %add3A_1149 : i32 to index
          %get3A_1151 = arith.constant 0 : index
          %get3A_1152 = tpu.vector_load %arg18[%get3A_1150, %get3A_1151] {strides = array<i32>} : memref<100x128xf32, #tpu.memory_space<vmem>>, vector<16xf32>,
          %mul3A_1153 = vector.broadcast %squeeze3A_1145 : f32 to vector<16xf32>
          %mul3A_1154 = arith.mulf %get3A_1152, %mul3A_1153 : vector<16xf32>
          %swap3A_1155 = arith.index_cast %add3A_1149 : i32 to index
          %swap3A_1156 = arith.constant 0 : index
          %swap3A_1157 = tpu.vector_load %arg18[%swap3A_1155, %swap3A_1156] {strides = array<i32>} : memref<100x128xf32, #tpu.memory_space<vmem>>, vector<16xf32>,
          tpu.vector_store %arg18[%swap3A_1155, %swap3A_1156], %mul3A_1154 {strides = array<i32>} : memref<100x128xf32, #tpu.memory_space<vmem>>, vector<16xf32>,
          %mul3A_1158 = arith.constant 16 : i32
          %mul3A_1159 = arith.muli %add3A_1041, %mul3A_1158 : i32
          %add3A_1160 = arith.constant 1 : i32
          %add3A_1161 = arith.addi %mul3A_1159, %add3A_1160 : i32
          %get3A_1162 = arith.index_cast %add3A_1161 : i32 to index
          %get3A_1163 = arith.constant 16 : index
          %get3A_1164 = tpu.vector_load %arg18[%get3A_1162, %get3A_1163] {strides = array<i32>} : memref<100x128xf32, #tpu.memory_space<vmem>>, vector<16xf32>,
          %mul3A_1165 = vector.broadcast %squeeze3A_1145 : f32 to vector<16xf32>
          %mul3A_1166 = arith.mulf %get3A_1164, %mul3A_1165 : vector<16xf32>
          %swap3A_1167 = arith.index_cast %add3A_1161 : i32 to index
          %swap3A_1168 = arith.constant 16 : index
          %swap3A_1169 = tpu.vector_load %arg18[%swap3A_1167, %swap3A_1168] {strides = array<i32>} : memref<100x128xf32, #tpu.memory_space<vmem>>, vector<16xf32>,
          tpu.vector_store %arg18[%swap3A_1167, %swap3A_1168], %mul3A_1166 {strides = array<i32>} : memref<100x128xf32, #tpu.memory_space<vmem>>, vector<16xf32>,
          %mul3A_1170 = arith.constant 16 : i32
          %mul3A_1171 = arith.muli %add3A_1041, %mul3A_1170 : i32
          %add3A_1172 = arith.constant 1 : i32
          %add3A_1173 = arith.addi %mul3A_1171, %add3A_1172 : i32
          %get3A_1174 = arith.index_cast %add3A_1173 : i32 to index
          %get3A_1175 = arith.constant 32 : index
          %get3A_1176 = tpu.vector_load %arg18[%get3A_1174, %get3A_1175] {strides = array<i32>} : memref<100x128xf32, #tpu.memory_space<vmem>>, vector<16xf32>,
          %mul3A_1177 = vector.broadcast %squeeze3A_1145 : f32 to vector<16xf32>
          %mul3A_1178 = arith.mulf %get3A_1176, %mul3A_1177 : vector<16xf32>
          %swap3A_1179 = arith.index_cast %add3A_1173 : i32 to index
          %swap3A_1180 = arith.constant 32 : index
          %swap3A_1181 = tpu.vector_load %arg18[%swap3A_1179, %swap3A_1180] {strides = array<i32>} : memref<100x128xf32, #tpu.memory_space<vmem>>, vector<16xf32>,
          tpu.vector_store %arg18[%swap3A_1179, %swap3A_1180], %mul3A_1178 {strides = array<i32>} : memref<100x128xf32, #tpu.memory_space<vmem>>, vector<16xf32>,
          %mul3A_1182 = arith.constant 16 : i32
          %mul3A_1183 = arith.muli %add3A_1041, %mul3A_1182 : i32
          %add3A_1184 = arith.constant 1 : i32
          %add3A_1185 = arith.addi %mul3A_1183, %add3A_1184 : i32
          %get3A_1186 = arith.index_cast %add3A_1185 : i32 to index
          %get3A_1187 = arith.constant 48 : index
          %get3A_1188 = tpu.vector_load %arg18[%get3A_1186, %get3A_1187] {strides = array<i32>} : memref<100x128xf32, #tpu.memory_space<vmem>>, vector<16xf32>,
          %mul3A_1189 = vector.broadcast %squeeze3A_1145 : f32 to vector<16xf32>
          %mul3A_1190 = arith.mulf %get3A_1188, %mul3A_1189 : vector<16xf32>
          %swap3A_1191 = arith.index_cast %add3A_1185 : i32 to index
          %swap3A_1192 = arith.constant 48 : index
          %swap3A_1193 = tpu.vector_load %arg18[%swap3A_1191, %swap3A_1192] {strides = array<i32>} : memref<100x128xf32, #tpu.memory_space<vmem>>, vector<16xf32>,
          tpu.vector_store %arg18[%swap3A_1191, %swap3A_1192], %mul3A_1190 {strides = array<i32>} : memref<100x128xf32, #tpu.memory_space<vmem>>, vector<16xf32>,
          %mul3A_1194 = arith.constant 16 : i32
          %mul3A_1195 = arith.muli %add3A_1041, %mul3A_1194 : i32
          %add3A_1196 = arith.constant 1 : i32
          %add3A_1197 = arith.addi %mul3A_1195, %add3A_1196 : i32
          %get3A_1198 = arith.index_cast %add3A_1197 : i32 to index
          %get3A_1199 = arith.constant 64 : index
          %get3A_1200 = tpu.vector_load %arg18[%get3A_1198, %get3A_1199] {strides = array<i32>} : memref<100x128xf32, #tpu.memory_space<vmem>>, vector<16xf32>,
          %mul3A_1201 = vector.broadcast %squeeze3A_1145 : f32 to vector<16xf32>
          %mul3A_1202 = arith.mulf %get3A_1200, %mul3A_1201 : vector<16xf32>
          %swap3A_1203 = arith.index_cast %add3A_1197 : i32 to index
          %swap3A_1204 = arith.constant 64 : index
          %swap3A_1205 = tpu.vector_load %arg18[%swap3A_1203, %swap3A_1204] {strides = array<i32>} : memref<100x128xf32, #tpu.memory_space<vmem>>, vector<16xf32>,
          tpu.vector_store %arg18[%swap3A_1203, %swap3A_1204], %mul3A_1202 {strides = array<i32>} : memref<100x128xf32, #tpu.memory_space<vmem>>, vector<16xf32>,
          %mul3A_1206 = arith.constant 16 : i32
          %mul3A_1207 = arith.muli %add3A_1041, %mul3A_1206 : i32
          %add3A_1208 = arith.constant 1 : i32
          %add3A_1209 = arith.addi %mul3A_1207, %add3A_1208 : i32
          %get3A_1210 = arith.index_cast %add3A_1209 : i32 to index
          %get3A_1211 = arith.constant 80 : index
          %get3A_1212 = tpu.vector_load %arg18[%get3A_1210, %get3A_1211] {strides = array<i32>} : memref<100x128xf32, #tpu.memory_space<vmem>>, vector<16xf32>,
          %mul3A_1213 = vector.broadcast %squeeze3A_1145 : f32 to vector<16xf32>
          %mul3A_1214 = arith.mulf %get3A_1212, %mul3A_1213 : vector<16xf32>
          %swap3A_1215 = arith.index_cast %add3A_1209 : i32 to index
          %swap3A_1216 = arith.constant 80 : index
          %swap3A_1217 = tpu.vector_load %arg18[%swap3A_1215, %swap3A_1216] {strides = array<i32>} : memref<100x128xf32, #tpu.memory_space<vmem>>, vector<16xf32>,
          tpu.vector_store %arg18[%swap3A_1215, %swap3A_1216], %mul3A_1214 {strides = array<i32>} : memref<100x128xf32, #tpu.memory_space<vmem>>, vector<16xf32>,
          %mul3A_1218 = arith.constant 16 : i32
          %mul3A_1219 = arith.muli %add3A_1041, %mul3A_1218 : i32
          %add3A_1220 = arith.constant 1 : i32
          %add3A_1221 = arith.addi %mul3A_1219, %add3A_1220 : i32
          %get3A_1222 = arith.index_cast %add3A_1221 : i32 to index
          %get3A_1223 = arith.constant 96 : index
          %get3A_1224 = tpu.vector_load %arg18[%get3A_1222, %get3A_1223] {strides = array<i32>} : memref<100x128xf32, #tpu.memory_space<vmem>>, vector<16xf32>,
          %mul3A_1225 = vector.broadcast %squeeze3A_1145 : f32 to vector<16xf32>
          %mul3A_1226 = arith.mulf %get3A_1224, %mul3A_1225 : vector<16xf32>
          %swap3A_1227 = arith.index_cast %add3A_1221 : i32 to index
          %swap3A_1228 = arith.constant 96 : index
          %swap3A_1229 = tpu.vector_load %arg18[%swap3A_1227, %swap3A_1228] {strides = array<i32>} : memref<100x128xf32, #tpu.memory_space<vmem>>, vector<16xf32>,
          tpu.vector_store %arg18[%swap3A_1227, %swap3A_1228], %mul3A_1226 {strides = array<i32>} : memref<100x128xf32, #tpu.memory_space<vmem>>, vector<16xf32>,
          %mul3A_1230 = arith.constant 16 : i32
          %mul3A_1231 = arith.muli %add3A_1041, %mul3A_1230 : i32
          %add3A_1232 = arith.constant 1 : i32
          %add3A_1233 = arith.addi %mul3A_1231, %add3A_1232 : i32
          %get3A_1234 = arith.index_cast %add3A_1233 : i32 to index
          %get3A_1235 = arith.constant 112 : index
          %get3A_1236 = tpu.vector_load %arg18[%get3A_1234, %get3A_1235] {strides = array<i32>} : memref<100x128xf32, #tpu.memory_space<vmem>>, vector<16xf32>,
          %mul3A_1237 = vector.broadcast %squeeze3A_1145 : f32 to vector<16xf32>
          %mul3A_1238 = arith.mulf %get3A_1236, %mul3A_1237 : vector<16xf32>
          %swap3A_1239 = arith.index_cast %add3A_1233 : i32 to index
          %swap3A_1240 = arith.constant 112 : index
          %swap3A_1241 = tpu.vector_load %arg18[%swap3A_1239, %swap3A_1240] {strides = array<i32>} : memref<100x128xf32, #tpu.memory_space<vmem>>, vector<16xf32>,
          tpu.vector_store %arg18[%swap3A_1239, %swap3A_1240], %mul3A_1238 {strides = array<i32>} : memref<100x128xf32, #tpu.memory_space<vmem>>, vector<16xf32>,
          %slice3A_1242 = vector.extract_strided_slice %get3A_1045 {offsets = [2], sizes = [1], strides = [1]} : vector<16xf32> to vector<1xf32>
          %squeeze3A_1243 = vector.extract %slice3A_1242[0] : f32 from vector<1xf32>
          %mul3A_1244 = arith.constant 16 : i32
          %mul3A_1245 = arith.muli %add3A_1041, %mul3A_1244 : i32
          %add3A_1246 = arith.constant 2 : i32
          %add3A_1247 = arith.addi %mul3A_1245, %add3A_1246 : i32
          %get3A_1248 = arith.index_cast %add3A_1247 : i32 to index
          %get3A_1249 = arith.constant 0 : index
          %get3A_1250 = tpu.vector_load %arg18[%get3A_1248, %get3A_1249] {strides = array<i32>} : memref<100x128xf32, #tpu.memory_space<vmem>>, vector<16xf32>,
          %mul3A_1251 = vector.broadcast %squeeze3A_1243 : f32 to vector<16xf32>
          %mul3A_1252 = arith.mulf %get3A_1250, %mul3A_1251 : vector<16xf32>
          %swap3A_1253 = arith.index_cast %add3A_1247 : i32 to index
          %swap3A_1254 = arith.constant 0 : index
          %swap3A_1255 = tpu.vector_load %arg18[%swap3A_1253, %swap3A_1254] {strides = array<i32>} : memref<100x128xf32, #tpu.memory_space<vmem>>, vector<16xf32>,
          tpu.vector_store %arg18[%swap3A_1253, %swap3A_1254], %mul3A_1252 {strides = array<i32>} : memref<100x128xf32, #tpu.memory_space<vmem>>, vector<16xf32>,
          %mul3A_1256 = arith.constant 16 : i32
          %mul3A_1257 = arith.muli %add3A_1041, %mul3A_1256 : i32
          %add3A_1258 = arith.constant 2 : i32
          %add3A_1259 = arith.addi %mul3A_1257, %add3A_1258 : i32
          %get3A_1260 = arith.index_cast %add3A_1259 : i32 to index
          %get3A_1261 = arith.constant 16 : index
          %get3A_1262 = tpu.vector_load %arg18[%get3A_1260, %get3A_1261] {strides = array<i32>} : memref<100x128xf32, #tpu.memory_space<vmem>>, vector<16xf32>,
          %mul3A_1263 = vector.broadcast %squeeze3A_1243 : f32 to vector<16xf32>
          %mul3A_1264 = arith.mulf %get3A_1262, %mul3A_1263 : vector<16xf32>
          %swap3A_1265 = arith.index_cast %add3A_1259 : i32 to index
          %swap3A_1266 = arith.constant 16 : index
          %swap3A_1267 = tpu.vector_load %arg18[%swap3A_1265, %swap3A_1266] {strides = array<i32>} : memref<100x128xf32, #tpu.memory_space<vmem>>, vector<16xf32>,
          tpu.vector_store %arg18[%swap3A_1265, %swap3A_1266], %mul3A_1264 {strides = array<i32>} : memref<100x128xf32, #tpu.memory_space<vmem>>, vector<16xf32>,
          %mul3A_1268 = arith.constant 16 : i32
          %mul3A_1269 = arith.muli %add3A_1041, %mul3A_1268 : i32
          %add3A_1270 = arith.constant 2 : i32
          %add3A_1271 = arith.addi %mul3A_1269, %add3A_1270 : i32
          %get3A_1272 = arith.index_cast %add3A_1271 : i32 to index
          %get3A_1273 = arith.constant 32 : index
          %get3A_1274 = tpu.vector_load %arg18[%get3A_1272, %get3A_1273] {strides = array<i32>} : memref<100x128xf32, #tpu.memory_space<vmem>>, vector<16xf32>,
          %mul3A_1275 = vector.broadcast %squeeze3A_1243 : f32 to vector<16xf32>
          %mul3A_1276 = arith.mulf %get3A_1274, %mul3A_1275 : vector<16xf32>
          %swap3A_1277 = arith.index_cast %add3A_1271 : i32 to index
          %swap3A_1278 = arith.constant 32 : index
          %swap3A_1279 = tpu.vector_load %arg18[%swap3A_1277, %swap3A_1278] {strides = array<i32>} : memref<100x128xf32, #tpu.memory_space<vmem>>, vector<16xf32>,
          tpu.vector_store %arg18[%swap3A_1277, %swap3A_1278], %mul3A_1276 {strides = array<i32>} : memref<100x128xf32, #tpu.memory_space<vmem>>, vector<16xf32>,
          %mul3A_1280 = arith.constant 16 : i32
          %mul3A_1281 = arith.muli %add3A_1041, %mul3A_1280 : i32
          %add3A_1282 = arith.constant 2 : i32
          %add3A_1283 = arith.addi %mul3A_1281, %add3A_1282 : i32
          %get3A_1284 = arith.index_cast %add3A_1283 : i32 to index
          %get3A_1285 = arith.constant 48 : index
          %get3A_1286 = tpu.vector_load %arg18[%get3A_1284, %get3A_1285] {strides = array<i32>} : memref<100x128xf32, #tpu.memory_space<vmem>>, vector<16xf32>,
          %mul3A_1287 = vector.broadcast %squeeze3A_1243 : f32 to vector<16xf32>
          %mul3A_1288 = arith.mulf %get3A_1286, %mul3A_1287 : vector<16xf32>
          %swap3A_1289 = arith.index_cast %add3A_1283 : i32 to index
          %swap3A_1290 = arith.constant 48 : index
          %swap3A_1291 = tpu.vector_load %arg18[%swap3A_1289, %swap3A_1290] {strides = array<i32>} : memref<100x128xf32, #tpu.memory_space<vmem>>, vector<16xf32>,
          tpu.vector_store %arg18[%swap3A_1289, %swap3A_1290], %mul3A_1288 {strides = array<i32>} : memref<100x128xf32, #tpu.memory_space<vmem>>, vector<16xf32>,
          %mul3A_1292 = arith.constant 16 : i32
          %mul3A_1293 = arith.muli %add3A_1041, %mul3A_1292 : i32
          %add3A_1294 = arith.constant 2 : i32
          %add3A_1295 = arith.addi %mul3A_1293, %add3A_1294 : i32
          %get3A_1296 = arith.index_cast %add3A_1295 : i32 to index
          %get3A_1297 = arith.constant 64 : index
          %get3A_1298 = tpu.vector_load %arg18[%get3A_1296, %get3A_1297] {strides = array<i32>} : memref<100x128xf32, #tpu.memory_space<vmem>>, vector<16xf32>,
          %mul3A_1299 = vector.broadcast %squeeze3A_1243 : f32 to vector<16xf32>
          %mul3A_1300 = arith.mulf %get3A_1298, %mul3A_1299 : vector<16xf32>
          %swap3A_1301 = arith.index_cast %add3A_1295 : i32 to index
          %swap3A_1302 = arith.constant 64 : index
          %swap3A_1303 = tpu.vector_load %arg18[%swap3A_1301, %swap3A_1302] {strides = array<i32>} : memref<100x128xf32, #tpu.memory_space<vmem>>, vector<16xf32>,
          tpu.vector_store %arg18[%swap3A_1301, %swap3A_1302], %mul3A_1300 {strides = array<i32>} : memref<100x128xf32, #tpu.memory_space<vmem>>, vector<16xf32>,
          %mul3A_1304 = arith.constant 16 : i32
          %mul3A_1305 = arith.muli %add3A_1041, %mul3A_1304 : i32
          %add3A_1306 = arith.constant 2 : i32
          %add3A_1307 = arith.addi %mul3A_1305, %add3A_1306 : i32
          %get3A_1308 = arith.index_cast %add3A_1307 : i32 to index
          %get3A_1309 = arith.constant 80 : index
          %get3A_1310 = tpu.vector_load %arg18[%get3A_1308, %get3A_1309] {strides = array<i32>} : memref<100x128xf32, #tpu.memory_space<vmem>>, vector<16xf32>,
          %mul3A_1311 = vector.broadcast %squeeze3A_1243 : f32 to vector<16xf32>
          %mul3A_1312 = arith.mulf %get3A_1310, %mul3A_1311 : vector<16xf32>
          %swap3A_1313 = arith.index_cast %add3A_1307 : i32 to index
          %swap3A_1314 = arith.constant 80 : index
          %swap3A_1315 = tpu.vector_load %arg18[%swap3A_1313, %swap3A_1314] {strides = array<i32>} : memref<100x128xf32, #tpu.memory_space<vmem>>, vector<16xf32>,
          tpu.vector_store %arg18[%swap3A_1313, %swap3A_1314], %mul3A_1312 {strides = array<i32>} : memref<100x128xf32, #tpu.memory_space<vmem>>, vector<16xf32>,
          %mul3A_1316 = arith.constant 16 : i32
          %mul3A_1317 = arith.muli %add3A_1041, %mul3A_1316 : i32
          %add3A_1318 = arith.constant 2 : i32
          %add3A_1319 = arith.addi %mul3A_1317, %add3A_1318 : i32
          %get3A_1320 = arith.index_cast %add3A_1319 : i32 to index
          %get3A_1321 = arith.constant 96 : index
          %get3A_1322 = tpu.vector_load %arg18[%get3A_1320, %get3A_1321] {strides = array<i32>} : memref<100x128xf32, #tpu.memory_space<vmem>>, vector<16xf32>,
          %mul3A_1323 = vector.broadcast %squeeze3A_1243 : f32 to vector<16xf32>
          %mul3A_1324 = arith.mulf %get3A_1322, %mul3A_1323 : vector<16xf32>
          %swap3A_1325 = arith.index_cast %add3A_1319 : i32 to index
          %swap3A_1326 = arith.constant 96 : index
          %swap3A_1327 = tpu.vector_load %arg18[%swap3A_1325, %swap3A_1326] {strides = array<i32>} : memref<100x128xf32, #tpu.memory_space<vmem>>, vector<16xf32>,
          tpu.vector_store %arg18[%swap3A_1325, %swap3A_1326], %mul3A_1324 {strides = array<i32>} : memref<100x128xf32, #tpu.memory_space<vmem>>, vector<16xf32>,
          %mul3A_1328 = arith.constant 16 : i32
          %mul3A_1329 = arith.muli %add3A_1041, %mul3A_1328 : i32
          %add3A_1330 = arith.constant 2 : i32
          %add3A_1331 = arith.addi %mul3A_1329, %add3A_1330 : i32
          %get3A_1332 = arith.index_cast %add3A_1331 : i32 to index
          %get3A_1333 = arith.constant 112 : index
          %get3A_1334 = tpu.vector_load %arg18[%get3A_1332, %get3A_1333] {strides = array<i32>} : memref<100x128xf32, #tpu.memory_space<vmem>>, vector<16xf32>,
          %mul3A_1335 = vector.broadcast %squeeze3A_1243 : f32 to vector<16xf32>
          %mul3A_1336 = arith.mulf %get3A_1334, %mul3A_1335 : vector<16xf32>
          %swap3A_1337 = arith.index_cast %add3A_1331 : i32 to index
          %swap3A_1338 = arith.constant 112 : index
          %swap3A_1339 = tpu.vector_load %arg18[%swap3A_1337, %swap3A_1338] {strides = array<i32>} : memref<100x128xf32, #tpu.memory_space<vmem>>, vector<16xf32>,
          tpu.vector_store %arg18[%swap3A_1337, %swap3A_1338], %mul3A_1336 {strides = array<i32>} : memref<100x128xf32, #tpu.memory_space<vmem>>, vector<16xf32>,
          %slice3A_1340 = vector.extract_strided_slice %get3A_1045 {offsets = [3], sizes = [1], strides = [1]} : vector<16xf32> to vector<1xf32>
          %squeeze3A_1341 = vector.extract %slice3A_1340[0] : f32 from vector<1xf32>
          %mul3A_1342 = arith.constant 16 : i32
          %mul3A_1343 = arith.muli %add3A_1041, %mul3A_1342 : i32
          %add3A_1344 = arith.constant 3 : i32
          %add3A_1345 = arith.addi %mul3A_1343, %add3A_1344 : i32
          %get3A_1346 = arith.index_cast %add3A_1345 : i32 to index
          %get3A_1347 = arith.constant 0 : index
          %get3A_1348 = tpu.vector_load %arg18[%get3A_1346, %get3A_1347] {strides = array<i32>} : memref<100x128xf32, #tpu.memory_space<vmem>>, vector<16xf32>,
          %mul3A_1349 = vector.broadcast %squeeze3A_1341 : f32 to vector<16xf32>
          %mul3A_1350 = arith.mulf %get3A_1348, %mul3A_1349 : vector<16xf32>
          %swap3A_1351 = arith.index_cast %add3A_1345 : i32 to index
          %swap3A_1352 = arith.constant 0 : index
          %swap3A_1353 = tpu.vector_load %arg18[%swap3A_1351, %swap3A_1352] {strides = array<i32>} : memref<100x128xf32, #tpu.memory_space<vmem>>, vector<16xf32>,
          tpu.vector_store %arg18[%swap3A_1351, %swap3A_1352], %mul3A_1350 {strides = array<i32>} : memref<100x128xf32, #tpu.memory_space<vmem>>, vector<16xf32>,
          %mul3A_1354 = arith.constant 16 : i32
          %mul3A_1355 = arith.muli %add3A_1041, %mul3A_1354 : i32
          %add3A_1356 = arith.constant 3 : i32
          %add3A_1357 = arith.addi %mul3A_1355, %add3A_1356 : i32
          %get3A_1358 = arith.index_cast %add3A_1357 : i32 to index
          %get3A_1359 = arith.constant 16 : index
          %get3A_1360 = tpu.vector_load %arg18[%get3A_1358, %get3A_1359] {strides = array<i32>} : memref<100x128xf32, #tpu.memory_space<vmem>>, vector<16xf32>,
          %mul3A_1361 = vector.broadcast %squeeze3A_1341 : f32 to vector<16xf32>
          %mul3A_1362 = arith.mulf %get3A_1360, %mul3A_1361 : vector<16xf32>
          %swap3A_1363 = arith.index_cast %add3A_1357 : i32 to index
          %swap3A_1364 = arith.constant 16 : index
          %swap3A_1365 = tpu.vector_load %arg18[%swap3A_1363, %swap3A_1364] {strides = array<i32>} : memref<100x128xf32, #tpu.memory_space<vmem>>, vector<16xf32>,
          tpu.vector_store %arg18[%swap3A_1363, %swap3A_1364], %mul3A_1362 {strides = array<i32>} : memref<100x128xf32, #tpu.memory_space<vmem>>, vector<16xf32>,
          %mul3A_1366 = arith.constant 16 : i32
          %mul3A_1367 = arith.muli %add3A_1041, %mul3A_1366 : i32
          %add3A_1368 = arith.constant 3 : i32
          %add3A_1369 = arith.addi %mul3A_1367, %add3A_1368 : i32
          %get3A_1370 = arith.index_cast %add3A_1369 : i32 to index
          %get3A_1371 = arith.constant 32 : index
          %get3A_1372 = tpu.vector_load %arg18[%get3A_1370, %get3A_1371] {strides = array<i32>} : memref<100x128xf32, #tpu.memory_space<vmem>>, vector<16xf32>,
          %mul3A_1373 = vector.broadcast %squeeze3A_1341 : f32 to vector<16xf32>
          %mul3A_1374 = arith.mulf %get3A_1372, %mul3A_1373 : vector<16xf32>
          %swap3A_1375 = arith.index_cast %add3A_1369 : i32 to index
          %swap3A_1376 = arith.constant 32 : index
          %swap3A_1377 = tpu.vector_load %arg18[%swap3A_1375, %swap3A_1376] {strides = array<i32>} : memref<100x128xf32, #tpu.memory_space<vmem>>, vector<16xf32>,
          tpu.vector_store %arg18[%swap3A_1375, %swap3A_1376], %mul3A_1374 {strides = array<i32>} : memref<100x128xf32, #tpu.memory_space<vmem>>, vector<16xf32>,
          %mul3A_1378 = arith.constant 16 : i32
          %mul3A_1379 = arith.muli %add3A_1041, %mul3A_1378 : i32
          %add3A_1380 = arith.constant 3 : i32
          %add3A_1381 = arith.addi %mul3A_1379, %add3A_1380 : i32
          %get3A_1382 = arith.index_cast %add3A_1381 : i32 to index
          %get3A_1383 = arith.constant 48 : index
          %get3A_1384 = tpu.vector_load %arg18[%get3A_1382, %get3A_1383] {strides = array<i32>} : memref<100x128xf32, #tpu.memory_space<vmem>>, vector<16xf32>,
          %mul3A_1385 = vector.broadcast %squeeze3A_1341 : f32 to vector<16xf32>
          %mul3A_1386 = arith.mulf %get3A_1384, %mul3A_1385 : vector<16xf32>
          %swap3A_1387 = arith.index_cast %add3A_1381 : i32 to index
          %swap3A_1388 = arith.constant 48 : index
          %swap3A_1389 = tpu.vector_load %arg18[%swap3A_1387, %swap3A_1388] {strides = array<i32>} : memref<100x128xf32, #tpu.memory_space<vmem>>, vector<16xf32>,
          tpu.vector_store %arg18[%swap3A_1387, %swap3A_1388], %mul3A_1386 {strides = array<i32>} : memref<100x128xf32, #tpu.memory_space<vmem>>, vector<16xf32>,
          %mul3A_1390 = arith.constant 16 : i32
          %mul3A_1391 = arith.muli %add3A_1041, %mul3A_1390 : i32
          %add3A_1392 = arith.constant 3 : i32
          %add3A_1393 = arith.addi %mul3A_1391, %add3A_1392 : i32
          %get3A_1394 = arith.index_cast %add3A_1393 : i32 to index
          %get3A_1395 = arith.constant 64 : index
          %get3A_1396 = tpu.vector_load %arg18[%get3A_1394, %get3A_1395] {strides = array<i32>} : memref<100x128xf32, #tpu.memory_space<vmem>>, vector<16xf32>,
          %mul3A_1397 = vector.broadcast %squeeze3A_1341 : f32 to vector<16xf32>
          %mul3A_1398 = arith.mulf %get3A_1396, %mul3A_1397 : vector<16xf32>
          %swap3A_1399 = arith.index_cast %add3A_1393 : i32 to index
          %swap3A_1400 = arith.constant 64 : index
          %swap3A_1401 = tpu.vector_load %arg18[%swap3A_1399, %swap3A_1400] {strides = array<i32>} : memref<100x128xf32, #tpu.memory_space<vmem>>, vector<16xf32>,
          tpu.vector_store %arg18[%swap3A_1399, %swap3A_1400], %mul3A_1398 {strides = array<i32>} : memref<100x128xf32, #tpu.memory_space<vmem>>, vector<16xf32>,
          %mul3A_1402 = arith.constant 16 : i32
          %mul3A_1403 = arith.muli %add3A_1041, %mul3A_1402 : i32
          %add3A_1404 = arith.constant 3 : i32
          %add3A_1405 = arith.addi %mul3A_1403, %add3A_1404 : i32
          %get3A_1406 = arith.index_cast %add3A_1405 : i32 to index
          %get3A_1407 = arith.constant 80 : index
          %get3A_1408 = tpu.vector_load %arg18[%get3A_1406, %get3A_1407] {strides = array<i32>} : memref<100x128xf32, #tpu.memory_space<vmem>>, vector<16xf32>,
          %mul3A_1409 = vector.broadcast %squeeze3A_1341 : f32 to vector<16xf32>
          %mul3A_1410 = arith.mulf %get3A_1408, %mul3A_1409 : vector<16xf32>
          %swap3A_1411 = arith.index_cast %add3A_1405 : i32 to index
          %swap3A_1412 = arith.constant 80 : index
          %swap3A_1413 = tpu.vector_load %arg18[%swap3A_1411, %swap3A_1412] {strides = array<i32>} : memref<100x128xf32, #tpu.memory_space<vmem>>, vector<16xf32>,
          tpu.vector_store %arg18[%swap3A_1411, %swap3A_1412], %mul3A_1410 {strides = array<i32>} : memref<100x128xf32, #tpu.memory_space<vmem>>, vector<16xf32>,
          %mul3A_1414 = arith.constant 16 : i32
          %mul3A_1415 = arith.muli %add3A_1041, %mul3A_1414 : i32
          %add3A_1416 = arith.constant 3 : i32
          %add3A_1417 = arith.addi %mul3A_1415, %add3A_1416 : i32
          %get3A_1418 = arith.index_cast %add3A_1417 : i32 to index
          %get3A_1419 = arith.constant 96 : index
          %get3A_1420 = tpu.vector_load %arg18[%get3A_1418, %get3A_1419] {strides = array<i32>} : memref<100x128xf32, #tpu.memory_space<vmem>>, vector<16xf32>,
          %mul3A_1421 = vector.broadcast %squeeze3A_1341 : f32 to vector<16xf32>
          %mul3A_1422 = arith.mulf %get3A_1420, %mul3A_1421 : vector<16xf32>
          %swap3A_1423 = arith.index_cast %add3A_1417 : i32 to index
          %swap3A_1424 = arith.constant 96 : index
          %swap3A_1425 = tpu.vector_load %arg18[%swap3A_1423, %swap3A_1424] {strides = array<i32>} : memref<100x128xf32, #tpu.memory_space<vmem>>, vector<16xf32>,
          tpu.vector_store %arg18[%swap3A_1423, %swap3A_1424], %mul3A_1422 {strides = array<i32>} : memref<100x128xf32, #tpu.memory_space<vmem>>, vector<16xf32>,
          %mul3A_1426 = arith.constant 16 : i32
          %mul3A_1427 = arith.muli %add3A_1041, %mul3A_1426 : i32
          %add3A_1428 = arith.constant 3 : i32
          %add3A_1429 = arith.addi %mul3A_1427, %add3A_1428 : i32
          %get3A_1430 = arith.index_cast %add3A_1429 : i32 to index
          %get3A_1431 = arith.constant 112 : index
          %get3A_1432 = tpu.vector_load %arg18[%get3A_1430, %get3A_1431] {strides = array<i32>} : memref<100x128xf32, #tpu.memory_space<vmem>>, vector<16xf32>,
          %mul3A_1433 = vector.broadcast %squeeze3A_1341 : f32 to vector<16xf32>
          %mul3A_1434 = arith.mulf %get3A_1432, %mul3A_1433 : vector<16xf32>
          %swap3A_1435 = arith.index_cast %add3A_1429 : i32 to index
          %swap3A_1436 = arith.constant 112 : index
          %swap3A_1437 = tpu.vector_load %arg18[%swap3A_1435, %swap3A_1436] {strides = array<i32>} : memref<100x128xf32, #tpu.memory_space<vmem>>, vector<16xf32>,
          tpu.vector_store %arg18[%swap3A_1435, %swap3A_1436], %mul3A_1434 {strides = array<i32>} : memref<100x128xf32, #tpu.memory_space<vmem>>, vector<16xf32>,
          %slice3A_1438 = vector.extract_strided_slice %get3A_1045 {offsets = [4], sizes = [1], strides = [1]} : vector<16xf32> to vector<1xf32>
          %squeeze3A_1439 = vector.extract %slice3A_1438[0] : f32 from vector<1xf32>
          %mul3A_1440 = arith.constant 16 : i32
          %mul3A_1441 = arith.muli %add3A_1041, %mul3A_1440 : i32
          %add3A_1442 = arith.constant 4 : i32
          %add3A_1443 = arith.addi %mul3A_1441, %add3A_1442 : i32
          %get3A_1444 = arith.index_cast %add3A_1443 : i32 to index
          %get3A_1445 = arith.constant 0 : index
          %get3A_1446 = tpu.vector_load %arg18[%get3A_1444, %get3A_1445] {strides = array<i32>} : memref<100x128xf32, #tpu.memory_space<vmem>>, vector<16xf32>,
          %mul3A_1447 = vector.broadcast %squeeze3A_1439 : f32 to vector<16xf32>
          %mul3A_1448 = arith.mulf %get3A_1446, %mul3A_1447 : vector<16xf32>
          %swap3A_1449 = arith.index_cast %add3A_1443 : i32 to index
          %swap3A_1450 = arith.constant 0 : index
          %swap3A_1451 = tpu.vector_load %arg18[%swap3A_1449, %swap3A_1450] {strides = array<i32>} : memref<100x128xf32, #tpu.memory_space<vmem>>, vector<16xf32>,
          tpu.vector_store %arg18[%swap3A_1449, %swap3A_1450], %mul3A_1448 {strides = array<i32>} : memref<100x128xf32, #tpu.memory_space<vmem>>, vector<16xf32>,
          %mul3A_1452 = arith.constant 16 : i32
          %mul3A_1453 = arith.muli %add3A_1041, %mul3A_1452 : i32
          %add3A_1454 = arith.constant 4 : i32
          %add3A_1455 = arith.addi %mul3A_1453, %add3A_1454 : i32
          %get3A_1456 = arith.index_cast %add3A_1455 : i32 to index
          %get3A_1457 = arith.constant 16 : index
          %get3A_1458 = tpu.vector_load %arg18[%get3A_1456, %get3A_1457] {strides = array<i32>} : memref<100x128xf32, #tpu.memory_space<vmem>>, vector<16xf32>,
          %mul3A_1459 = vector.broadcast %squeeze3A_1439 : f32 to vector<16xf32>
          %mul3A_1460 = arith.mulf %get3A_1458, %mul3A_1459 : vector<16xf32>
          %swap3A_1461 = arith.index_cast %add3A_1455 : i32 to index
          %swap3A_1462 = arith.constant 16 : index
          %swap3A_1463 = tpu.vector_load %arg18[%swap3A_1461, %swap3A_1462] {strides = array<i32>} : memref<100x128xf32, #tpu.memory_space<vmem>>, vector<16xf32>,
          tpu.vector_store %arg18[%swap3A_1461, %swap3A_1462], %mul3A_1460 {strides = array<i32>} : memref<100x128xf32, #tpu.memory_space<vmem>>, vector<16xf32>,
          %mul3A_1464 = arith.constant 16 : i32
          %mul3A_1465 = arith.muli %add3A_1041, %mul3A_1464 : i32
          %add3A_1466 = arith.constant 4 : i32
          %add3A_1467 = arith.addi %mul3A_1465, %add3A_1466 : i32
          %get3A_1468 = arith.index_cast %add3A_1467 : i32 to index
          %get3A_1469 = arith.constant 32 : index
          %get3A_1470 = tpu.vector_load %arg18[%get3A_1468, %get3A_1469] {strides = array<i32>} : memref<100x128xf32, #tpu.memory_space<vmem>>, vector<16xf32>,
          %mul3A_1471 = vector.broadcast %squeeze3A_1439 : f32 to vector<16xf32>
          %mul3A_1472 = arith.mulf %get3A_1470, %mul3A_1471 : vector<16xf32>
          %swap3A_1473 = arith.index_cast %add3A_1467 : i32 to index
          %swap3A_1474 = arith.constant 32 : index
          %swap3A_1475 = tpu.vector_load %arg18[%swap3A_1473, %swap3A_1474] {strides = array<i32>} : memref<100x128xf32, #tpu.memory_space<vmem>>, vector<16xf32>,
          tpu.vector_store %arg18[%swap3A_1473, %swap3A_1474], %mul3A_1472 {strides = array<i32>} : memref<100x128xf32, #tpu.memory_space<vmem>>, vector<16xf32>,
          %mul3A_1476 = arith.constant 16 : i32
          %mul3A_1477 = arith.muli %add3A_1041, %mul3A_1476 : i32
          %add3A_1478 = arith.constant 4 : i32
          %add3A_1479 = arith.addi %mul3A_1477, %add3A_1478 : i32
          %get3A_1480 = arith.index_cast %add3A_1479 : i32 to index
          %get3A_1481 = arith.constant 48 : index
          %get3A_1482 = tpu.vector_load %arg18[%get3A_1480, %get3A_1481] {strides = array<i32>} : memref<100x128xf32, #tpu.memory_space<vmem>>, vector<16xf32>,
          %mul3A_1483 = vector.broadcast %squeeze3A_1439 : f32 to vector<16xf32>
          %mul3A_1484 = arith.mulf %get3A_1482, %mul3A_1483 : vector<16xf32>
          %swap3A_1485 = arith.index_cast %add3A_1479 : i32 to index
          %swap3A_1486 = arith.constant 48 : index
          %swap3A_1487 = tpu.vector_load %arg18[%swap3A_1485, %swap3A_1486] {strides = array<i32>} : memref<100x128xf32, #tpu.memory_space<vmem>>, vector<16xf32>,
          tpu.vector_store %arg18[%swap3A_1485, %swap3A_1486], %mul3A_1484 {strides = array<i32>} : memref<100x128xf32, #tpu.memory_space<vmem>>, vector<16xf32>,
          %mul3A_1488 = arith.constant 16 : i32
          %mul3A_1489 = arith.muli %add3A_1041, %mul3A_1488 : i32
          %add3A_1490 = arith.constant 4 : i32
          %add3A_1491 = arith.addi %mul3A_1489, %add3A_1490 : i32
          %get3A_1492 = arith.index_cast %add3A_1491 : i32 to index
          %get3A_1493 = arith.constant 64 : index
          %get3A_1494 = tpu.vector_load %arg18[%get3A_1492, %get3A_1493] {strides = array<i32>} : memref<100x128xf32, #tpu.memory_space<vmem>>, vector<16xf32>,
          %mul3A_1495 = vector.broadcast %squeeze3A_1439 : f32 to vector<16xf32>
          %mul3A_1496 = arith.mulf %get3A_1494, %mul3A_1495 : vector<16xf32>
          %swap3A_1497 = arith.index_cast %add3A_1491 : i32 to index
          %swap3A_1498 = arith.constant 64 : index
          %swap3A_1499 = tpu.vector_load %arg18[%swap3A_1497, %swap3A_1498] {strides = array<i32>} : memref<100x128xf32, #tpu.memory_space<vmem>>, vector<16xf32>,
          tpu.vector_store %arg18[%swap3A_1497, %swap3A_1498], %mul3A_1496 {strides = array<i32>} : memref<100x128xf32, #tpu.memory_space<vmem>>, vector<16xf32>,
          %mul3A_1500 = arith.constant 16 : i32
          %mul3A_1501 = arith.muli %add3A_1041, %mul3A_1500 : i32
          %add3A_1502 = arith.constant 4 : i32
          %add3A_1503 = arith.addi %mul3A_1501, %add3A_1502 : i32
          %get3A_1504 = arith.index_cast %add3A_1503 : i32 to index
          %get3A_1505 = arith.constant 80 : index
          %get3A_1506 = tpu.vector_load %arg18[%get3A_1504, %get3A_1505] {strides = array<i32>} : memref<100x128xf32, #tpu.memory_space<vmem>>, vector<16xf32>,
          %mul3A_1507 = vector.broadcast %squeeze3A_1439 : f32 to vector<16xf32>
          %mul3A_1508 = arith.mulf %get3A_1506, %mul3A_1507 : vector<16xf32>
          %swap3A_1509 = arith.index_cast %add3A_1503 : i32 to index
          %swap3A_1510 = arith.constant 80 : index
          %swap3A_1511 = tpu.vector_load %arg18[%swap3A_1509, %swap3A_1510] {strides = array<i32>} : memref<100x128xf32, #tpu.memory_space<vmem>>, vector<16xf32>,
          tpu.vector_store %arg18[%swap3A_1509, %swap3A_1510], %mul3A_1508 {strides = array<i32>} : memref<100x128xf32, #tpu.memory_space<vmem>>, vector<16xf32>,
          %mul3A_1512 = arith.constant 16 : i32
          %mul3A_1513 = arith.muli %add3A_1041, %mul3A_1512 : i32
          %add3A_1514 = arith.constant 4 : i32
          %add3A_1515 = arith.addi %mul3A_1513, %add3A_1514 : i32
          %get3A_1516 = arith.index_cast %add3A_1515 : i32 to index
          %get3A_1517 = arith.constant 96 : index
          %get3A_1518 = tpu.vector_load %arg18[%get3A_1516, %get3A_1517] {strides = array<i32>} : memref<100x128xf32, #tpu.memory_space<vmem>>, vector<16xf32>,
          %mul3A_1519 = vector.broadcast %squeeze3A_1439 : f32 to vector<16xf32>
          %mul3A_1520 = arith.mulf %get3A_1518, %mul3A_1519 : vector<16xf32>
          %swap3A_1521 = arith.index_cast %add3A_1515 : i32 to index
          %swap3A_1522 = arith.constant 96 : index
          %swap3A_1523 = tpu.vector_load %arg18[%swap3A_1521, %swap3A_1522] {strides = array<i32>} : memref<100x128xf32, #tpu.memory_space<vmem>>, vector<16xf32>,
          tpu.vector_store %arg18[%swap3A_1521, %swap3A_1522], %mul3A_1520 {strides = array<i32>} : memref<100x128xf32, #tpu.memory_space<vmem>>, vector<16xf32>,
          %mul3A_1524 = arith.constant 16 : i32
          %mul3A_1525 = arith.muli %add3A_1041, %mul3A_1524 : i32
          %add3A_1526 = arith.constant 4 : i32
          %add3A_1527 = arith.addi %mul3A_1525, %add3A_1526 : i32
          %get3A_1528 = arith.index_cast %add3A_1527 : i32 to index
          %get3A_1529 = arith.constant 112 : index
          %get3A_1530 = tpu.vector_load %arg18[%get3A_1528, %get3A_1529] {strides = array<i32>} : memref<100x128xf32, #tpu.memory_space<vmem>>, vector<16xf32>,
          %mul3A_1531 = vector.broadcast %squeeze3A_1439 : f32 to vector<16xf32>
          %mul3A_1532 = arith.mulf %get3A_1530, %mul3A_1531 : vector<16xf32>
          %swap3A_1533 = arith.index_cast %add3A_1527 : i32 to index
          %swap3A_1534 = arith.constant 112 : index
          %swap3A_1535 = tpu.vector_load %arg18[%swap3A_1533, %swap3A_1534] {strides = array<i32>} : memref<100x128xf32, #tpu.memory_space<vmem>>, vector<16xf32>,
          tpu.vector_store %arg18[%swap3A_1533, %swap3A_1534], %mul3A_1532 {strides = array<i32>} : memref<100x128xf32, #tpu.memory_space<vmem>>, vector<16xf32>,
          %slice3A_1536 = vector.extract_strided_slice %get3A_1045 {offsets = [5], sizes = [1], strides = [1]} : vector<16xf32> to vector<1xf32>
          %squeeze3A_1537 = vector.extract %slice3A_1536[0] : f32 from vector<1xf32>
          %mul3A_1538 = arith.constant 16 : i32
          %mul3A_1539 = arith.muli %add3A_1041, %mul3A_1538 : i32
          %add3A_1540 = arith.constant 5 : i32
          %add3A_1541 = arith.addi %mul3A_1539, %add3A_1540 : i32
          %get3A_1542 = arith.index_cast %add3A_1541 : i32 to index
          %get3A_1543 = arith.constant 0 : index
          %get3A_1544 = tpu.vector_load %arg18[%get3A_1542, %get3A_1543] {strides = array<i32>} : memref<100x128xf32, #tpu.memory_space<vmem>>, vector<16xf32>,
          %mul3A_1545 = vector.broadcast %squeeze3A_1537 : f32 to vector<16xf32>
          %mul3A_1546 = arith.mulf %get3A_1544, %mul3A_1545 : vector<16xf32>
          %swap3A_1547 = arith.index_cast %add3A_1541 : i32 to index
          %swap3A_1548 = arith.constant 0 : index
          %swap3A_1549 = tpu.vector_load %arg18[%swap3A_1547, %swap3A_1548] {strides = array<i32>} : memref<100x128xf32, #tpu.memory_space<vmem>>, vector<16xf32>,
          tpu.vector_store %arg18[%swap3A_1547, %swap3A_1548], %mul3A_1546 {strides = array<i32>} : memref<100x128xf32, #tpu.memory_space<vmem>>, vector<16xf32>,
          %mul3A_1550 = arith.constant 16 : i32
          %mul3A_1551 = arith.muli %add3A_1041, %mul3A_1550 : i32
          %add3A_1552 = arith.constant 5 : i32
          %add3A_1553 = arith.addi %mul3A_1551, %add3A_1552 : i32
          %get3A_1554 = arith.index_cast %add3A_1553 : i32 to index
          %get3A_1555 = arith.constant 16 : index
          %get3A_1556 = tpu.vector_load %arg18[%get3A_1554, %get3A_1555] {strides = array<i32>} : memref<100x128xf32, #tpu.memory_space<vmem>>, vector<16xf32>,
          %mul3A_1557 = vector.broadcast %squeeze3A_1537 : f32 to vector<16xf32>
          %mul3A_1558 = arith.mulf %get3A_1556, %mul3A_1557 : vector<16xf32>
          %swap3A_1559 = arith.index_cast %add3A_1553 : i32 to index
          %swap3A_1560 = arith.constant 16 : index
          %swap3A_1561 = tpu.vector_load %arg18[%swap3A_1559, %swap3A_1560] {strides = array<i32>} : memref<100x128xf32, #tpu.memory_space<vmem>>, vector<16xf32>,
          tpu.vector_store %arg18[%swap3A_1559, %swap3A_1560], %mul3A_1558 {strides = array<i32>} : memref<100x128xf32, #tpu.memory_space<vmem>>, vector<16xf32>,
          %mul3A_1562 = arith.constant 16 : i32
          %mul3A_1563 = arith.muli %add3A_1041, %mul3A_1562 : i32
          %add3A_1564 = arith.constant 5 : i32
          %add3A_1565 = arith.addi %mul3A_1563, %add3A_1564 : i32
          %get3A_1566 = arith.index_cast %add3A_1565 : i32 to index
          %get3A_1567 = arith.constant 32 : index
          %get3A_1568 = tpu.vector_load %arg18[%get3A_1566, %get3A_1567] {strides = array<i32>} : memref<100x128xf32, #tpu.memory_space<vmem>>, vector<16xf32>,
          %mul3A_1569 = vector.broadcast %squeeze3A_1537 : f32 to vector<16xf32>
          %mul3A_1570 = arith.mulf %get3A_1568, %mul3A_1569 : vector<16xf32>
          %swap3A_1571 = arith.index_cast %add3A_1565 : i32 to index
          %swap3A_1572 = arith.constant 32 : index
          %swap3A_1573 = tpu.vector_load %arg18[%swap3A_1571, %swap3A_1572] {strides = array<i32>} : memref<100x128xf32, #tpu.memory_space<vmem>>, vector<16xf32>,
          tpu.vector_store %arg18[%swap3A_1571, %swap3A_1572], %mul3A_1570 {strides = array<i32>} : memref<100x128xf32, #tpu.memory_space<vmem>>, vector<16xf32>,
          %mul3A_1574 = arith.constant 16 : i32
          %mul3A_1575 = arith.muli %add3A_1041, %mul3A_1574 : i32
          %add3A_1576 = arith.constant 5 : i32
          %add3A_1577 = arith.addi %mul3A_1575, %add3A_1576 : i32
          %get3A_1578 = arith.index_cast %add3A_1577 : i32 to index
          %get3A_1579 = arith.constant 48 : index
          %get3A_1580 = tpu.vector_load %arg18[%get3A_1578, %get3A_1579] {strides = array<i32>} : memref<100x128xf32, #tpu.memory_space<vmem>>, vector<16xf32>,
          %mul3A_1581 = vector.broadcast %squeeze3A_1537 : f32 to vector<16xf32>
          %mul3A_1582 = arith.mulf %get3A_1580, %mul3A_1581 : vector<16xf32>
          %swap3A_1583 = arith.index_cast %add3A_1577 : i32 to index
          %swap3A_1584 = arith.constant 48 : index
          %swap3A_1585 = tpu.vector_load %arg18[%swap3A_1583, %swap3A_1584] {strides = array<i32>} : memref<100x128xf32, #tpu.memory_space<vmem>>, vector<16xf32>,
          tpu.vector_store %arg18[%swap3A_1583, %swap3A_1584], %mul3A_1582 {strides = array<i32>} : memref<100x128xf32, #tpu.memory_space<vmem>>, vector<16xf32>,
          %mul3A_1586 = arith.constant 16 : i32
          %mul3A_1587 = arith.muli %add3A_1041, %mul3A_1586 : i32
          %add3A_1588 = arith.constant 5 : i32
          %add3A_1589 = arith.addi %mul3A_1587, %add3A_1588 : i32
          %get3A_1590 = arith.index_cast %add3A_1589 : i32 to index
          %get3A_1591 = arith.constant 64 : index
          %get3A_1592 = tpu.vector_load %arg18[%get3A_1590, %get3A_1591] {strides = array<i32>} : memref<100x128xf32, #tpu.memory_space<vmem>>, vector<16xf32>,
          %mul3A_1593 = vector.broadcast %squeeze3A_1537 : f32 to vector<16xf32>
          %mul3A_1594 = arith.mulf %get3A_1592, %mul3A_1593 : vector<16xf32>
          %swap3A_1595 = arith.index_cast %add3A_1589 : i32 to index
          %swap3A_1596 = arith.constant 64 : index
          %swap3A_1597 = tpu.vector_load %arg18[%swap3A_1595, %swap3A_1596] {strides = array<i32>} : memref<100x128xf32, #tpu.memory_space<vmem>>, vector<16xf32>,
          tpu.vector_store %arg18[%swap3A_1595, %swap3A_1596], %mul3A_1594 {strides = array<i32>} : memref<100x128xf32, #tpu.memory_space<vmem>>, vector<16xf32>,
          %mul3A_1598 = arith.constant 16 : i32
          %mul3A_1599 = arith.muli %add3A_1041, %mul3A_1598 : i32
          %add3A_1600 = arith.constant 5 : i32
          %add3A_1601 = arith.addi %mul3A_1599, %add3A_1600 : i32
          %get3A_1602 = arith.index_cast %add3A_1601 : i32 to index
          %get3A_1603 = arith.constant 80 : index
          %get3A_1604 = tpu.vector_load %arg18[%get3A_1602, %get3A_1603] {strides = array<i32>} : memref<100x128xf32, #tpu.memory_space<vmem>>, vector<16xf32>,
          %mul3A_1605 = vector.broadcast %squeeze3A_1537 : f32 to vector<16xf32>
          %mul3A_1606 = arith.mulf %get3A_1604, %mul3A_1605 : vector<16xf32>
          %swap3A_1607 = arith.index_cast %add3A_1601 : i32 to index
          %swap3A_1608 = arith.constant 80 : index
          %swap3A_1609 = tpu.vector_load %arg18[%swap3A_1607, %swap3A_1608] {strides = array<i32>} : memref<100x128xf32, #tpu.memory_space<vmem>>, vector<16xf32>,
          tpu.vector_store %arg18[%swap3A_1607, %swap3A_1608], %mul3A_1606 {strides = array<i32>} : memref<100x128xf32, #tpu.memory_space<vmem>>, vector<16xf32>,
          %mul3A_1610 = arith.constant 16 : i32
          %mul3A_1611 = arith.muli %add3A_1041, %mul3A_1610 : i32
          %add3A_1612 = arith.constant 5 : i32
          %add3A_1613 = arith.addi %mul3A_1611, %add3A_1612 : i32
          %get3A_1614 = arith.index_cast %add3A_1613 : i32 to index
          %get3A_1615 = arith.constant 96 : index
          %get3A_1616 = tpu.vector_load %arg18[%get3A_1614, %get3A_1615] {strides = array<i32>} : memref<100x128xf32, #tpu.memory_space<vmem>>, vector<16xf32>,
          %mul3A_1617 = vector.broadcast %squeeze3A_1537 : f32 to vector<16xf32>
          %mul3A_1618 = arith.mulf %get3A_1616, %mul3A_1617 : vector<16xf32>
          %swap3A_1619 = arith.index_cast %add3A_1613 : i32 to index
          %swap3A_1620 = arith.constant 96 : index
          %swap3A_1621 = tpu.vector_load %arg18[%swap3A_1619, %swap3A_1620] {strides = array<i32>} : memref<100x128xf32, #tpu.memory_space<vmem>>, vector<16xf32>,
          tpu.vector_store %arg18[%swap3A_1619, %swap3A_1620], %mul3A_1618 {strides = array<i32>} : memref<100x128xf32, #tpu.memory_space<vmem>>, vector<16xf32>,
          %mul3A_1622 = arith.constant 16 : i32
          %mul3A_1623 = arith.muli %add3A_1041, %mul3A_1622 : i32
          %add3A_1624 = arith.constant 5 : i32
          %add3A_1625 = arith.addi %mul3A_1623, %add3A_1624 : i32
          %get3A_1626 = arith.index_cast %add3A_1625 : i32 to index
          %get3A_1627 = arith.constant 112 : index
          %get3A_1628 = tpu.vector_load %arg18[%get3A_1626, %get3A_1627] {strides = array<i32>} : memref<100x128xf32, #tpu.memory_space<vmem>>, vector<16xf32>,
          %mul3A_1629 = vector.broadcast %squeeze3A_1537 : f32 to vector<16xf32>
          %mul3A_1630 = arith.mulf %get3A_1628, %mul3A_1629 : vector<16xf32>
          %swap3A_1631 = arith.index_cast %add3A_1625 : i32 to index
          %swap3A_1632 = arith.constant 112 : index
          %swap3A_1633 = tpu.vector_load %arg18[%swap3A_1631, %swap3A_1632] {strides = array<i32>} : memref<100x128xf32, #tpu.memory_space<vmem>>, vector<16xf32>,
          tpu.vector_store %arg18[%swap3A_1631, %swap3A_1632], %mul3A_1630 {strides = array<i32>} : memref<100x128xf32, #tpu.memory_space<vmem>>, vector<16xf32>,
          %slice3A_1634 = vector.extract_strided_slice %get3A_1045 {offsets = [6], sizes = [1], strides = [1]} : vector<16xf32> to vector<1xf32>
          %squeeze3A_1635 = vector.extract %slice3A_1634[0] : f32 from vector<1xf32>
          %mul3A_1636 = arith.constant 16 : i32
          %mul3A_1637 = arith.muli %add3A_1041, %mul3A_1636 : i32
          %add3A_1638 = arith.constant 6 : i32
          %add3A_1639 = arith.addi %mul3A_1637, %add3A_1638 : i32
          %get3A_1640 = arith.index_cast %add3A_1639 : i32 to index
          %get3A_1641 = arith.constant 0 : index
          %get3A_1642 = tpu.vector_load %arg18[%get3A_1640, %get3A_1641] {strides = array<i32>} : memref<100x128xf32, #tpu.memory_space<vmem>>, vector<16xf32>,
          %mul3A_1643 = vector.broadcast %squeeze3A_1635 : f32 to vector<16xf32>
          %mul3A_1644 = arith.mulf %get3A_1642, %mul3A_1643 : vector<16xf32>
          %swap3A_1645 = arith.index_cast %add3A_1639 : i32 to index
          %swap3A_1646 = arith.constant 0 : index
          %swap3A_1647 = tpu.vector_load %arg18[%swap3A_1645, %swap3A_1646] {strides = array<i32>} : memref<100x128xf32, #tpu.memory_space<vmem>>, vector<16xf32>,
          tpu.vector_store %arg18[%swap3A_1645, %swap3A_1646], %mul3A_1644 {strides = array<i32>} : memref<100x128xf32, #tpu.memory_space<vmem>>, vector<16xf32>,
          %mul3A_1648 = arith.constant 16 : i32
          %mul3A_1649 = arith.muli %add3A_1041, %mul3A_1648 : i32
          %add3A_1650 = arith.constant 6 : i32
          %add3A_1651 = arith.addi %mul3A_1649, %add3A_1650 : i32
          %get3A_1652 = arith.index_cast %add3A_1651 : i32 to index
          %get3A_1653 = arith.constant 16 : index
          %get3A_1654 = tpu.vector_load %arg18[%get3A_1652, %get3A_1653] {strides = array<i32>} : memref<100x128xf32, #tpu.memory_space<vmem>>, vector<16xf32>,
          %mul3A_1655 = vector.broadcast %squeeze3A_1635 : f32 to vector<16xf32>
          %mul3A_1656 = arith.mulf %get3A_1654, %mul3A_1655 : vector<16xf32>
          %swap3A_1657 = arith.index_cast %add3A_1651 : i32 to index
          %swap3A_1658 = arith.constant 16 : index
          %swap3A_1659 = tpu.vector_load %arg18[%swap3A_1657, %swap3A_1658] {strides = array<i32>} : memref<100x128xf32, #tpu.memory_space<vmem>>, vector<16xf32>,
          tpu.vector_store %arg18[%swap3A_1657, %swap3A_1658], %mul3A_1656 {strides = array<i32>} : memref<100x128xf32, #tpu.memory_space<vmem>>, vector<16xf32>,
          %mul3A_1660 = arith.constant 16 : i32
          %mul3A_1661 = arith.muli %add3A_1041, %mul3A_1660 : i32
          %add3A_1662 = arith.constant 6 : i32
          %add3A_1663 = arith.addi %mul3A_1661, %add3A_1662 : i32
          %get3A_1664 = arith.index_cast %add3A_1663 : i32 to index
          %get3A_1665 = arith.constant 32 : index
          %get3A_1666 = tpu.vector_load %arg18[%get3A_1664, %get3A_1665] {strides = array<i32>} : memref<100x128xf32, #tpu.memory_space<vmem>>, vector<16xf32>,
          %mul3A_1667 = vector.broadcast %squeeze3A_1635 : f32 to vector<16xf32>
          %mul3A_1668 = arith.mulf %get3A_1666, %mul3A_1667 : vector<16xf32>
          %swap3A_1669 = arith.index_cast %add3A_1663 : i32 to index
          %swap3A_1670 = arith.constant 32 : index
          %swap3A_1671 = tpu.vector_load %arg18[%swap3A_1669, %swap3A_1670] {strides = array<i32>} : memref<100x128xf32, #tpu.memory_space<vmem>>, vector<16xf32>,
          tpu.vector_store %arg18[%swap3A_1669, %swap3A_1670], %mul3A_1668 {strides = array<i32>} : memref<100x128xf32, #tpu.memory_space<vmem>>, vector<16xf32>,
          %mul3A_1672 = arith.constant 16 : i32
          %mul3A_1673 = arith.muli %add3A_1041, %mul3A_1672 : i32
          %add3A_1674 = arith.constant 6 : i32
          %add3A_1675 = arith.addi %mul3A_1673, %add3A_1674 : i32
          %get3A_1676 = arith.index_cast %add3A_1675 : i32 to index
          %get3A_1677 = arith.constant 48 : index
          %get3A_1678 = tpu.vector_load %arg18[%get3A_1676, %get3A_1677] {strides = array<i32>} : memref<100x128xf32, #tpu.memory_space<vmem>>, vector<16xf32>,
          %mul3A_1679 = vector.broadcast %squeeze3A_1635 : f32 to vector<16xf32>
          %mul3A_1680 = arith.mulf %get3A_1678, %mul3A_1679 : vector<16xf32>
          %swap3A_1681 = arith.index_cast %add3A_1675 : i32 to index
          %swap3A_1682 = arith.constant 48 : index
          %swap3A_1683 = tpu.vector_load %arg18[%swap3A_1681, %swap3A_1682] {strides = array<i32>} : memref<100x128xf32, #tpu.memory_space<vmem>>, vector<16xf32>,
          tpu.vector_store %arg18[%swap3A_1681, %swap3A_1682], %mul3A_1680 {strides = array<i32>} : memref<100x128xf32, #tpu.memory_space<vmem>>, vector<16xf32>,
          %mul3A_1684 = arith.constant 16 : i32
          %mul3A_1685 = arith.muli %add3A_1041, %mul3A_1684 : i32
          %add3A_1686 = arith.constant 6 : i32
          %add3A_1687 = arith.addi %mul3A_1685, %add3A_1686 : i32
          %get3A_1688 = arith.index_cast %add3A_1687 : i32 to index
          %get3A_1689 = arith.constant 64 : index
          %get3A_1690 = tpu.vector_load %arg18[%get3A_1688, %get3A_1689] {strides = array<i32>} : memref<100x128xf32, #tpu.memory_space<vmem>>, vector<16xf32>,
          %mul3A_1691 = vector.broadcast %squeeze3A_1635 : f32 to vector<16xf32>
          %mul3A_1692 = arith.mulf %get3A_1690, %mul3A_1691 : vector<16xf32>
          %swap3A_1693 = arith.index_cast %add3A_1687 : i32 to index
          %swap3A_1694 = arith.constant 64 : index
          %swap3A_1695 = tpu.vector_load %arg18[%swap3A_1693, %swap3A_1694] {strides = array<i32>} : memref<100x128xf32, #tpu.memory_space<vmem>>, vector<16xf32>,
          tpu.vector_store %arg18[%swap3A_1693, %swap3A_1694], %mul3A_1692 {strides = array<i32>} : memref<100x128xf32, #tpu.memory_space<vmem>>, vector<16xf32>,
          %mul3A_1696 = arith.constant 16 : i32
          %mul3A_1697 = arith.muli %add3A_1041, %mul3A_1696 : i32
          %add3A_1698 = arith.constant 6 : i32
          %add3A_1699 = arith.addi %mul3A_1697, %add3A_1698 : i32
          %get3A_1700 = arith.index_cast %add3A_1699 : i32 to index
          %get3A_1701 = arith.constant 80 : index
          %get3A_1702 = tpu.vector_load %arg18[%get3A_1700, %get3A_1701] {strides = array<i32>} : memref<100x128xf32, #tpu.memory_space<vmem>>, vector<16xf32>,
          %mul3A_1703 = vector.broadcast %squeeze3A_1635 : f32 to vector<16xf32>
          %mul3A_1704 = arith.mulf %get3A_1702, %mul3A_1703 : vector<16xf32>
          %swap3A_1705 = arith.index_cast %add3A_1699 : i32 to index
          %swap3A_1706 = arith.constant 80 : index
          %swap3A_1707 = tpu.vector_load %arg18[%swap3A_1705, %swap3A_1706] {strides = array<i32>} : memref<100x128xf32, #tpu.memory_space<vmem>>, vector<16xf32>,
          tpu.vector_store %arg18[%swap3A_1705, %swap3A_1706], %mul3A_1704 {strides = array<i32>} : memref<100x128xf32, #tpu.memory_space<vmem>>, vector<16xf32>,
          %mul3A_1708 = arith.constant 16 : i32
          %mul3A_1709 = arith.muli %add3A_1041, %mul3A_1708 : i32
          %add3A_1710 = arith.constant 6 : i32
          %add3A_1711 = arith.addi %mul3A_1709, %add3A_1710 : i32
          %get3A_1712 = arith.index_cast %add3A_1711 : i32 to index
          %get3A_1713 = arith.constant 96 : index
          %get3A_1714 = tpu.vector_load %arg18[%get3A_1712, %get3A_1713] {strides = array<i32>} : memref<100x128xf32, #tpu.memory_space<vmem>>, vector<16xf32>,
          %mul3A_1715 = vector.broadcast %squeeze3A_1635 : f32 to vector<16xf32>
          %mul3A_1716 = arith.mulf %get3A_1714, %mul3A_1715 : vector<16xf32>
          %swap3A_1717 = arith.index_cast %add3A_1711 : i32 to index
          %swap3A_1718 = arith.constant 96 : index
          %swap3A_1719 = tpu.vector_load %arg18[%swap3A_1717, %swap3A_1718] {strides = array<i32>} : memref<100x128xf32, #tpu.memory_space<vmem>>, vector<16xf32>,
          tpu.vector_store %arg18[%swap3A_1717, %swap3A_1718], %mul3A_1716 {strides = array<i32>} : memref<100x128xf32, #tpu.memory_space<vmem>>, vector<16xf32>,
          %mul3A_1720 = arith.constant 16 : i32
          %mul3A_1721 = arith.muli %add3A_1041, %mul3A_1720 : i32
          %add3A_1722 = arith.constant 6 : i32
          %add3A_1723 = arith.addi %mul3A_1721, %add3A_1722 : i32
          %get3A_1724 = arith.index_cast %add3A_1723 : i32 to index
          %get3A_1725 = arith.constant 112 : index
          %get3A_1726 = tpu.vector_load %arg18[%get3A_1724, %get3A_1725] {strides = array<i32>} : memref<100x128xf32, #tpu.memory_space<vmem>>, vector<16xf32>,
          %mul3A_1727 = vector.broadcast %squeeze3A_1635 : f32 to vector<16xf32>
          %mul3A_1728 = arith.mulf %get3A_1726, %mul3A_1727 : vector<16xf32>
          %swap3A_1729 = arith.index_cast %add3A_1723 : i32 to index
          %swap3A_1730 = arith.constant 112 : index
          %swap3A_1731 = tpu.vector_load %arg18[%swap3A_1729, %swap3A_1730] {strides = array<i32>} : memref<100x128xf32, #tpu.memory_space<vmem>>, vector<16xf32>,
          tpu.vector_store %arg18[%swap3A_1729, %swap3A_1730], %mul3A_1728 {strides = array<i32>} : memref<100x128xf32, #tpu.memory_space<vmem>>, vector<16xf32>,
          %slice3A_1732 = vector.extract_strided_slice %get3A_1045 {offsets = [7], sizes = [1], strides = [1]} : vector<16xf32> to vector<1xf32>
          %squeeze3A_1733 = vector.extract %slice3A_1732[0] : f32 from vector<1xf32>
          %mul3A_1734 = arith.constant 16 : i32
          %mul3A_1735 = arith.muli %add3A_1041, %mul3A_1734 : i32
          %add3A_1736 = arith.constant 7 : i32
          %add3A_1737 = arith.addi %mul3A_1735, %add3A_1736 : i32
          %get3A_1738 = arith.index_cast %add3A_1737 : i32 to index
          %get3A_1739 = arith.constant 0 : index
          %get3A_1740 = tpu.vector_load %arg18[%get3A_1738, %get3A_1739] {strides = array<i32>} : memref<100x128xf32, #tpu.memory_space<vmem>>, vector<16xf32>,
          %mul3A_1741 = vector.broadcast %squeeze3A_1733 : f32 to vector<16xf32>
          %mul3A_1742 = arith.mulf %get3A_1740, %mul3A_1741 : vector<16xf32>
          %swap3A_1743 = arith.index_cast %add3A_1737 : i32 to index
          %swap3A_1744 = arith.constant 0 : index
          %swap3A_1745 = tpu.vector_load %arg18[%swap3A_1743, %swap3A_1744] {strides = array<i32>} : memref<100x128xf32, #tpu.memory_space<vmem>>, vector<16xf32>,
          tpu.vector_store %arg18[%swap3A_1743, %swap3A_1744], %mul3A_1742 {strides = array<i32>} : memref<100x128xf32, #tpu.memory_space<vmem>>, vector<16xf32>,
          %mul3A_1746 = arith.constant 16 : i32
          %mul3A_1747 = arith.muli %add3A_1041, %mul3A_1746 : i32
          %add3A_1748 = arith.constant 7 : i32
          %add3A_1749 = arith.addi %mul3A_1747, %add3A_1748 : i32
          %get3A_1750 = arith.index_cast %add3A_1749 : i32 to index
          %get3A_1751 = arith.constant 16 : index
          %get3A_1752 = tpu.vector_load %arg18[%get3A_1750, %get3A_1751] {strides = array<i32>} : memref<100x128xf32, #tpu.memory_space<vmem>>, vector<16xf32>,
          %mul3A_1753 = vector.broadcast %squeeze3A_1733 : f32 to vector<16xf32>
          %mul3A_1754 = arith.mulf %get3A_1752, %mul3A_1753 : vector<16xf32>
          %swap3A_1755 = arith.index_cast %add3A_1749 : i32 to index
          %swap3A_1756 = arith.constant 16 : index
          %swap3A_1757 = tpu.vector_load %arg18[%swap3A_1755, %swap3A_1756] {strides = array<i32>} : memref<100x128xf32, #tpu.memory_space<vmem>>, vector<16xf32>,
          tpu.vector_store %arg18[%swap3A_1755, %swap3A_1756], %mul3A_1754 {strides = array<i32>} : memref<100x128xf32, #tpu.memory_space<vmem>>, vector<16xf32>,
          %mul3A_1758 = arith.constant 16 : i32
          %mul3A_1759 = arith.muli %add3A_1041, %mul3A_1758 : i32
          %add3A_1760 = arith.constant 7 : i32
          %add3A_1761 = arith.addi %mul3A_1759, %add3A_1760 : i32
          %get3A_1762 = arith.index_cast %add3A_1761 : i32 to index
          %get3A_1763 = arith.constant 32 : index
          %get3A_1764 = tpu.vector_load %arg18[%get3A_1762, %get3A_1763] {strides = array<i32>} : memref<100x128xf32, #tpu.memory_space<vmem>>, vector<16xf32>,
          %mul3A_1765 = vector.broadcast %squeeze3A_1733 : f32 to vector<16xf32>
          %mul3A_1766 = arith.mulf %get3A_1764, %mul3A_1765 : vector<16xf32>
          %swap3A_1767 = arith.index_cast %add3A_1761 : i32 to index
          %swap3A_1768 = arith.constant 32 : index
          %swap3A_1769 = tpu.vector_load %arg18[%swap3A_1767, %swap3A_1768] {strides = array<i32>} : memref<100x128xf32, #tpu.memory_space<vmem>>, vector<16xf32>,
          tpu.vector_store %arg18[%swap3A_1767, %swap3A_1768], %mul3A_1766 {strides = array<i32>} : memref<100x128xf32, #tpu.memory_space<vmem>>, vector<16xf32>,
          %mul3A_1770 = arith.constant 16 : i32
          %mul3A_1771 = arith.muli %add3A_1041, %mul3A_1770 : i32
          %add3A_1772 = arith.constant 7 : i32
          %add3A_1773 = arith.addi %mul3A_1771, %add3A_1772 : i32
          %get3A_1774 = arith.index_cast %add3A_1773 : i32 to index
          %get3A_1775 = arith.constant 48 : index
          %get3A_1776 = tpu.vector_load %arg18[%get3A_1774, %get3A_1775] {strides = array<i32>} : memref<100x128xf32, #tpu.memory_space<vmem>>, vector<16xf32>,
          %mul3A_1777 = vector.broadcast %squeeze3A_1733 : f32 to vector<16xf32>
          %mul3A_1778 = arith.mulf %get3A_1776, %mul3A_1777 : vector<16xf32>
          %swap3A_1779 = arith.index_cast %add3A_1773 : i32 to index
          %swap3A_1780 = arith.constant 48 : index
          %swap3A_1781 = tpu.vector_load %arg18[%swap3A_1779, %swap3A_1780] {strides = array<i32>} : memref<100x128xf32, #tpu.memory_space<vmem>>, vector<16xf32>,
          tpu.vector_store %arg18[%swap3A_1779, %swap3A_1780], %mul3A_1778 {strides = array<i32>} : memref<100x128xf32, #tpu.memory_space<vmem>>, vector<16xf32>,
          %mul3A_1782 = arith.constant 16 : i32
          %mul3A_1783 = arith.muli %add3A_1041, %mul3A_1782 : i32
          %add3A_1784 = arith.constant 7 : i32
          %add3A_1785 = arith.addi %mul3A_1783, %add3A_1784 : i32
          %get3A_1786 = arith.index_cast %add3A_1785 : i32 to index
          %get3A_1787 = arith.constant 64 : index
          %get3A_1788 = tpu.vector_load %arg18[%get3A_1786, %get3A_1787] {strides = array<i32>} : memref<100x128xf32, #tpu.memory_space<vmem>>, vector<16xf32>,
          %mul3A_1789 = vector.broadcast %squeeze3A_1733 : f32 to vector<16xf32>
          %mul3A_1790 = arith.mulf %get3A_1788, %mul3A_1789 : vector<16xf32>
          %swap3A_1791 = arith.index_cast %add3A_1785 : i32 to index
          %swap3A_1792 = arith.constant 64 : index
          %swap3A_1793 = tpu.vector_load %arg18[%swap3A_1791, %swap3A_1792] {strides = array<i32>} : memref<100x128xf32, #tpu.memory_space<vmem>>, vector<16xf32>,
          tpu.vector_store %arg18[%swap3A_1791, %swap3A_1792], %mul3A_1790 {strides = array<i32>} : memref<100x128xf32, #tpu.memory_space<vmem>>, vector<16xf32>,
          %mul3A_1794 = arith.constant 16 : i32
          %mul3A_1795 = arith.muli %add3A_1041, %mul3A_1794 : i32
          %add3A_1796 = arith.constant 7 : i32
          %add3A_1797 = arith.addi %mul3A_1795, %add3A_1796 : i32
          %get3A_1798 = arith.index_cast %add3A_1797 : i32 to index
          %get3A_1799 = arith.constant 80 : index
          %get3A_1800 = tpu.vector_load %arg18[%get3A_1798, %get3A_1799] {strides = array<i32>} : memref<100x128xf32, #tpu.memory_space<vmem>>, vector<16xf32>,
          %mul3A_1801 = vector.broadcast %squeeze3A_1733 : f32 to vector<16xf32>
          %mul3A_1802 = arith.mulf %get3A_1800, %mul3A_1801 : vector<16xf32>
          %swap3A_1803 = arith.index_cast %add3A_1797 : i32 to index
          %swap3A_1804 = arith.constant 80 : index
          %swap3A_1805 = tpu.vector_load %arg18[%swap3A_1803, %swap3A_1804] {strides = array<i32>} : memref<100x128xf32, #tpu.memory_space<vmem>>, vector<16xf32>,
          tpu.vector_store %arg18[%swap3A_1803, %swap3A_1804], %mul3A_1802 {strides = array<i32>} : memref<100x128xf32, #tpu.memory_space<vmem>>, vector<16xf32>,
          %mul3A_1806 = arith.constant 16 : i32
          %mul3A_1807 = arith.muli %add3A_1041, %mul3A_1806 : i32
          %add3A_1808 = arith.constant 7 : i32
          %add3A_1809 = arith.addi %mul3A_1807, %add3A_1808 : i32
          %get3A_1810 = arith.index_cast %add3A_1809 : i32 to index
          %get3A_1811 = arith.constant 96 : index
          %get3A_1812 = tpu.vector_load %arg18[%get3A_1810, %get3A_1811] {strides = array<i32>} : memref<100x128xf32, #tpu.memory_space<vmem>>, vector<16xf32>,
          %mul3A_1813 = vector.broadcast %squeeze3A_1733 : f32 to vector<16xf32>
          %mul3A_1814 = arith.mulf %get3A_1812, %mul3A_1813 : vector<16xf32>
          %swap3A_1815 = arith.index_cast %add3A_1809 : i32 to index
          %swap3A_1816 = arith.constant 96 : index
          %swap3A_1817 = tpu.vector_load %arg18[%swap3A_1815, %swap3A_1816] {strides = array<i32>} : memref<100x128xf32, #tpu.memory_space<vmem>>, vector<16xf32>,
          tpu.vector_store %arg18[%swap3A_1815, %swap3A_1816], %mul3A_1814 {strides = array<i32>} : memref<100x128xf32, #tpu.memory_space<vmem>>, vector<16xf32>,
          %mul3A_1818 = arith.constant 16 : i32
          %mul3A_1819 = arith.muli %add3A_1041, %mul3A_1818 : i32
          %add3A_1820 = arith.constant 7 : i32
          %add3A_1821 = arith.addi %mul3A_1819, %add3A_1820 : i32
          %get3A_1822 = arith.index_cast %add3A_1821 : i32 to index
          %get3A_1823 = arith.constant 112 : index
          %get3A_1824 = tpu.vector_load %arg18[%get3A_1822, %get3A_1823] {strides = array<i32>} : memref<100x128xf32, #tpu.memory_space<vmem>>, vector<16xf32>,
          %mul3A_1825 = vector.broadcast %squeeze3A_1733 : f32 to vector<16xf32>
          %mul3A_1826 = arith.mulf %get3A_1824, %mul3A_1825 : vector<16xf32>
          %swap3A_1827 = arith.index_cast %add3A_1821 : i32 to index
          %swap3A_1828 = arith.constant 112 : index
          %swap3A_1829 = tpu.vector_load %arg18[%swap3A_1827, %swap3A_1828] {strides = array<i32>} : memref<100x128xf32, #tpu.memory_space<vmem>>, vector<16xf32>,
          tpu.vector_store %arg18[%swap3A_1827, %swap3A_1828], %mul3A_1826 {strides = array<i32>} : memref<100x128xf32, #tpu.memory_space<vmem>>, vector<16xf32>,
          %slice3A_1830 = vector.extract_strided_slice %get3A_1045 {offsets = [8], sizes = [1], strides = [1]} : vector<16xf32> to vector<1xf32>
          %squeeze3A_1831 = vector.extract %slice3A_1830[0] : f32 from vector<1xf32>
          %mul3A_1832 = arith.constant 16 : i32
          %mul3A_1833 = arith.muli %add3A_1041, %mul3A_1832 : i32
          %add3A_1834 = arith.constant 8 : i32
          %add3A_1835 = arith.addi %mul3A_1833, %add3A_1834 : i32
          %get3A_1836 = arith.index_cast %add3A_1835 : i32 to index
          %get3A_1837 = arith.constant 0 : index
          %get3A_1838 = tpu.vector_load %arg18[%get3A_1836, %get3A_1837] {strides = array<i32>} : memref<100x128xf32, #tpu.memory_space<vmem>>, vector<16xf32>,
          %mul3A_1839 = vector.broadcast %squeeze3A_1831 : f32 to vector<16xf32>
          %mul3A_1840 = arith.mulf %get3A_1838, %mul3A_1839 : vector<16xf32>
          %swap3A_1841 = arith.index_cast %add3A_1835 : i32 to index
          %swap3A_1842 = arith.constant 0 : index
          %swap3A_1843 = tpu.vector_load %arg18[%swap3A_1841, %swap3A_1842] {strides = array<i32>} : memref<100x128xf32, #tpu.memory_space<vmem>>, vector<16xf32>,
          tpu.vector_store %arg18[%swap3A_1841, %swap3A_1842], %mul3A_1840 {strides = array<i32>} : memref<100x128xf32, #tpu.memory_space<vmem>>, vector<16xf32>,
          %mul3A_1844 = arith.constant 16 : i32
          %mul3A_1845 = arith.muli %add3A_1041, %mul3A_1844 : i32
          %add3A_1846 = arith.constant 8 : i32
          %add3A_1847 = arith.addi %mul3A_1845, %add3A_1846 : i32
          %get3A_1848 = arith.index_cast %add3A_1847 : i32 to index
          %get3A_1849 = arith.constant 16 : index
          %get3A_1850 = tpu.vector_load %arg18[%get3A_1848, %get3A_1849] {strides = array<i32>} : memref<100x128xf32, #tpu.memory_space<vmem>>, vector<16xf32>,
          %mul3A_1851 = vector.broadcast %squeeze3A_1831 : f32 to vector<16xf32>
          %mul3A_1852 = arith.mulf %get3A_1850, %mul3A_1851 : vector<16xf32>
          %swap3A_1853 = arith.index_cast %add3A_1847 : i32 to index
          %swap3A_1854 = arith.constant 16 : index
          %swap3A_1855 = tpu.vector_load %arg18[%swap3A_1853, %swap3A_1854] {strides = array<i32>} : memref<100x128xf32, #tpu.memory_space<vmem>>, vector<16xf32>,
          tpu.vector_store %arg18[%swap3A_1853, %swap3A_1854], %mul3A_1852 {strides = array<i32>} : memref<100x128xf32, #tpu.memory_space<vmem>>, vector<16xf32>,
          %mul3A_1856 = arith.constant 16 : i32
          %mul3A_1857 = arith.muli %add3A_1041, %mul3A_1856 : i32
          %add3A_1858 = arith.constant 8 : i32
          %add3A_1859 = arith.addi %mul3A_1857, %add3A_1858 : i32
          %get3A_1860 = arith.index_cast %add3A_1859 : i32 to index
          %get3A_1861 = arith.constant 32 : index
          %get3A_1862 = tpu.vector_load %arg18[%get3A_1860, %get3A_1861] {strides = array<i32>} : memref<100x128xf32, #tpu.memory_space<vmem>>, vector<16xf32>,
          %mul3A_1863 = vector.broadcast %squeeze3A_1831 : f32 to vector<16xf32>
          %mul3A_1864 = arith.mulf %get3A_1862, %mul3A_1863 : vector<16xf32>
          %swap3A_1865 = arith.index_cast %add3A_1859 : i32 to index
          %swap3A_1866 = arith.constant 32 : index
          %swap3A_1867 = tpu.vector_load %arg18[%swap3A_1865, %swap3A_1866] {strides = array<i32>} : memref<100x128xf32, #tpu.memory_space<vmem>>, vector<16xf32>,
          tpu.vector_store %arg18[%swap3A_1865, %swap3A_1866], %mul3A_1864 {strides = array<i32>} : memref<100x128xf32, #tpu.memory_space<vmem>>, vector<16xf32>,
          %mul3A_1868 = arith.constant 16 : i32
          %mul3A_1869 = arith.muli %add3A_1041, %mul3A_1868 : i32
          %add3A_1870 = arith.constant 8 : i32
          %add3A_1871 = arith.addi %mul3A_1869, %add3A_1870 : i32
          %get3A_1872 = arith.index_cast %add3A_1871 : i32 to index
          %get3A_1873 = arith.constant 48 : index
          %get3A_1874 = tpu.vector_load %arg18[%get3A_1872, %get3A_1873] {strides = array<i32>} : memref<100x128xf32, #tpu.memory_space<vmem>>, vector<16xf32>,
          %mul3A_1875 = vector.broadcast %squeeze3A_1831 : f32 to vector<16xf32>
          %mul3A_1876 = arith.mulf %get3A_1874, %mul3A_1875 : vector<16xf32>
          %swap3A_1877 = arith.index_cast %add3A_1871 : i32 to index
          %swap3A_1878 = arith.constant 48 : index
          %swap3A_1879 = tpu.vector_load %arg18[%swap3A_1877, %swap3A_1878] {strides = array<i32>} : memref<100x128xf32, #tpu.memory_space<vmem>>, vector<16xf32>,
          tpu.vector_store %arg18[%swap3A_1877, %swap3A_1878], %mul3A_1876 {strides = array<i32>} : memref<100x128xf32, #tpu.memory_space<vmem>>, vector<16xf32>,
          %mul3A_1880 = arith.constant 16 : i32
          %mul3A_1881 = arith.muli %add3A_1041, %mul3A_1880 : i32
          %add3A_1882 = arith.constant 8 : i32
          %add3A_1883 = arith.addi %mul3A_1881, %add3A_1882 : i32
          %get3A_1884 = arith.index_cast %add3A_1883 : i32 to index
          %get3A_1885 = arith.constant 64 : index
          %get3A_1886 = tpu.vector_load %arg18[%get3A_1884, %get3A_1885] {strides = array<i32>} : memref<100x128xf32, #tpu.memory_space<vmem>>, vector<16xf32>,
          %mul3A_1887 = vector.broadcast %squeeze3A_1831 : f32 to vector<16xf32>
          %mul3A_1888 = arith.mulf %get3A_1886, %mul3A_1887 : vector<16xf32>
          %swap3A_1889 = arith.index_cast %add3A_1883 : i32 to index
          %swap3A_1890 = arith.constant 64 : index
          %swap3A_1891 = tpu.vector_load %arg18[%swap3A_1889, %swap3A_1890] {strides = array<i32>} : memref<100x128xf32, #tpu.memory_space<vmem>>, vector<16xf32>,
          tpu.vector_store %arg18[%swap3A_1889, %swap3A_1890], %mul3A_1888 {strides = array<i32>} : memref<100x128xf32, #tpu.memory_space<vmem>>, vector<16xf32>,
          %mul3A_1892 = arith.constant 16 : i32
          %mul3A_1893 = arith.muli %add3A_1041, %mul3A_1892 : i32
          %add3A_1894 = arith.constant 8 : i32
          %add3A_1895 = arith.addi %mul3A_1893, %add3A_1894 : i32
          %get3A_1896 = arith.index_cast %add3A_1895 : i32 to index
          %get3A_1897 = arith.constant 80 : index
          %get3A_1898 = tpu.vector_load %arg18[%get3A_1896, %get3A_1897] {strides = array<i32>} : memref<100x128xf32, #tpu.memory_space<vmem>>, vector<16xf32>,
          %mul3A_1899 = vector.broadcast %squeeze3A_1831 : f32 to vector<16xf32>
          %mul3A_1900 = arith.mulf %get3A_1898, %mul3A_1899 : vector<16xf32>
          %swap3A_1901 = arith.index_cast %add3A_1895 : i32 to index
          %swap3A_1902 = arith.constant 80 : index
          %swap3A_1903 = tpu.vector_load %arg18[%swap3A_1901, %swap3A_1902] {strides = array<i32>} : memref<100x128xf32, #tpu.memory_space<vmem>>, vector<16xf32>,
          tpu.vector_store %arg18[%swap3A_1901, %swap3A_1902], %mul3A_1900 {strides = array<i32>} : memref<100x128xf32, #tpu.memory_space<vmem>>, vector<16xf32>,
          %mul3A_1904 = arith.constant 16 : i32
          %mul3A_1905 = arith.muli %add3A_1041, %mul3A_1904 : i32
          %add3A_1906 = arith.constant 8 : i32
          %add3A_1907 = arith.addi %mul3A_1905, %add3A_1906 : i32
          %get3A_1908 = arith.index_cast %add3A_1907 : i32 to index
          %get3A_1909 = arith.constant 96 : index
          %get3A_1910 = tpu.vector_load %arg18[%get3A_1908, %get3A_1909] {strides = array<i32>} : memref<100x128xf32, #tpu.memory_space<vmem>>, vector<16xf32>,
          %mul3A_1911 = vector.broadcast %squeeze3A_1831 : f32 to vector<16xf32>
          %mul3A_1912 = arith.mulf %get3A_1910, %mul3A_1911 : vector<16xf32>
          %swap3A_1913 = arith.index_cast %add3A_1907 : i32 to index
          %swap3A_1914 = arith.constant 96 : index
          %swap3A_1915 = tpu.vector_load %arg18[%swap3A_1913, %swap3A_1914] {strides = array<i32>} : memref<100x128xf32, #tpu.memory_space<vmem>>, vector<16xf32>,
          tpu.vector_store %arg18[%swap3A_1913, %swap3A_1914], %mul3A_1912 {strides = array<i32>} : memref<100x128xf32, #tpu.memory_space<vmem>>, vector<16xf32>,
          %mul3A_1916 = arith.constant 16 : i32
          %mul3A_1917 = arith.muli %add3A_1041, %mul3A_1916 : i32
          %add3A_1918 = arith.constant 8 : i32
          %add3A_1919 = arith.addi %mul3A_1917, %add3A_1918 : i32
          %get3A_1920 = arith.index_cast %add3A_1919 : i32 to index
          %get3A_1921 = arith.constant 112 : index
          %get3A_1922 = tpu.vector_load %arg18[%get3A_1920, %get3A_1921] {strides = array<i32>} : memref<100x128xf32, #tpu.memory_space<vmem>>, vector<16xf32>,
          %mul3A_1923 = vector.broadcast %squeeze3A_1831 : f32 to vector<16xf32>
          %mul3A_1924 = arith.mulf %get3A_1922, %mul3A_1923 : vector<16xf32>
          %swap3A_1925 = arith.index_cast %add3A_1919 : i32 to index
          %swap3A_1926 = arith.constant 112 : index
          %swap3A_1927 = tpu.vector_load %arg18[%swap3A_1925, %swap3A_1926] {strides = array<i32>} : memref<100x128xf32, #tpu.memory_space<vmem>>, vector<16xf32>,
          tpu.vector_store %arg18[%swap3A_1925, %swap3A_1926], %mul3A_1924 {strides = array<i32>} : memref<100x128xf32, #tpu.memory_space<vmem>>, vector<16xf32>,
          %slice3A_1928 = vector.extract_strided_slice %get3A_1045 {offsets = [9], sizes = [1], strides = [1]} : vector<16xf32> to vector<1xf32>
          %squeeze3A_1929 = vector.extract %slice3A_1928[0] : f32 from vector<1xf32>
          %mul3A_1930 = arith.constant 16 : i32
          %mul3A_1931 = arith.muli %add3A_1041, %mul3A_1930 : i32
          %add3A_1932 = arith.constant 9 : i32
          %add3A_1933 = arith.addi %mul3A_1931, %add3A_1932 : i32
          %get3A_1934 = arith.index_cast %add3A_1933 : i32 to index
          %get3A_1935 = arith.constant 0 : index
          %get3A_1936 = tpu.vector_load %arg18[%get3A_1934, %get3A_1935] {strides = array<i32>} : memref<100x128xf32, #tpu.memory_space<vmem>>, vector<16xf32>,
          %mul3A_1937 = vector.broadcast %squeeze3A_1929 : f32 to vector<16xf32>
          %mul3A_1938 = arith.mulf %get3A_1936, %mul3A_1937 : vector<16xf32>
          %swap3A_1939 = arith.index_cast %add3A_1933 : i32 to index
          %swap3A_1940 = arith.constant 0 : index
          %swap3A_1941 = tpu.vector_load %arg18[%swap3A_1939, %swap3A_1940] {strides = array<i32>} : memref<100x128xf32, #tpu.memory_space<vmem>>, vector<16xf32>,
          tpu.vector_store %arg18[%swap3A_1939, %swap3A_1940], %mul3A_1938 {strides = array<i32>} : memref<100x128xf32, #tpu.memory_space<vmem>>, vector<16xf32>,
          %mul3A_1942 = arith.constant 16 : i32
          %mul3A_1943 = arith.muli %add3A_1041, %mul3A_1942 : i32
          %add3A_1944 = arith.constant 9 : i32
          %add3A_1945 = arith.addi %mul3A_1943, %add3A_1944 : i32
          %get3A_1946 = arith.index_cast %add3A_1945 : i32 to index
          %get3A_1947 = arith.constant 16 : index
          %get3A_1948 = tpu.vector_load %arg18[%get3A_1946, %get3A_1947] {strides = array<i32>} : memref<100x128xf32, #tpu.memory_space<vmem>>, vector<16xf32>,
          %mul3A_1949 = vector.broadcast %squeeze3A_1929 : f32 to vector<16xf32>
          %mul3A_1950 = arith.mulf %get3A_1948, %mul3A_1949 : vector<16xf32>
          %swap3A_1951 = arith.index_cast %add3A_1945 : i32 to index
          %swap3A_1952 = arith.constant 16 : index
          %swap3A_1953 = tpu.vector_load %arg18[%swap3A_1951, %swap3A_1952] {strides = array<i32>} : memref<100x128xf32, #tpu.memory_space<vmem>>, vector<16xf32>,
          tpu.vector_store %arg18[%swap3A_1951, %swap3A_1952], %mul3A_1950 {strides = array<i32>} : memref<100x128xf32, #tpu.memory_space<vmem>>, vector<16xf32>,
          %mul3A_1954 = arith.constant 16 : i32
          %mul3A_1955 = arith.muli %add3A_1041, %mul3A_1954 : i32
          %add3A_1956 = arith.constant 9 : i32
          %add3A_1957 = arith.addi %mul3A_1955, %add3A_1956 : i32
          %get3A_1958 = arith.index_cast %add3A_1957 : i32 to index
          %get3A_1959 = arith.constant 32 : index
          %get3A_1960 = tpu.vector_load %arg18[%get3A_1958, %get3A_1959] {strides = array<i32>} : memref<100x128xf32, #tpu.memory_space<vmem>>, vector<16xf32>,
          %mul3A_1961 = vector.broadcast %squeeze3A_1929 : f32 to vector<16xf32>
          %mul3A_1962 = arith.mulf %get3A_1960, %mul3A_1961 : vector<16xf32>
          %swap3A_1963 = arith.index_cast %add3A_1957 : i32 to index
          %swap3A_1964 = arith.constant 32 : index
          %swap3A_1965 = tpu.vector_load %arg18[%swap3A_1963, %swap3A_1964] {strides = array<i32>} : memref<100x128xf32, #tpu.memory_space<vmem>>, vector<16xf32>,
          tpu.vector_store %arg18[%swap3A_1963, %swap3A_1964], %mul3A_1962 {strides = array<i32>} : memref<100x128xf32, #tpu.memory_space<vmem>>, vector<16xf32>,
          %mul3A_1966 = arith.constant 16 : i32
          %mul3A_1967 = arith.muli %add3A_1041, %mul3A_1966 : i32
          %add3A_1968 = arith.constant 9 : i32
          %add3A_1969 = arith.addi %mul3A_1967, %add3A_1968 : i32
          %get3A_1970 = arith.index_cast %add3A_1969 : i32 to index
          %get3A_1971 = arith.constant 48 : index
          %get3A_1972 = tpu.vector_load %arg18[%get3A_1970, %get3A_1971] {strides = array<i32>} : memref<100x128xf32, #tpu.memory_space<vmem>>, vector<16xf32>,
          %mul3A_1973 = vector.broadcast %squeeze3A_1929 : f32 to vector<16xf32>
          %mul3A_1974 = arith.mulf %get3A_1972, %mul3A_1973 : vector<16xf32>
          %swap3A_1975 = arith.index_cast %add3A_1969 : i32 to index
          %swap3A_1976 = arith.constant 48 : index
          %swap3A_1977 = tpu.vector_load %arg18[%swap3A_1975, %swap3A_1976] {strides = array<i32>} : memref<100x128xf32, #tpu.memory_space<vmem>>, vector<16xf32>,
          tpu.vector_store %arg18[%swap3A_1975, %swap3A_1976], %mul3A_1974 {strides = array<i32>} : memref<100x128xf32, #tpu.memory_space<vmem>>, vector<16xf32>,
          %mul3A_1978 = arith.constant 16 : i32
          %mul3A_1979 = arith.muli %add3A_1041, %mul3A_1978 : i32
          %add3A_1980 = arith.constant 9 : i32
          %add3A_1981 = arith.addi %mul3A_1979, %add3A_1980 : i32
          %get3A_1982 = arith.index_cast %add3A_1981 : i32 to index
          %get3A_1983 = arith.constant 64 : index
          %get3A_1984 = tpu.vector_load %arg18[%get3A_1982, %get3A_1983] {strides = array<i32>} : memref<100x128xf32, #tpu.memory_space<vmem>>, vector<16xf32>,
          %mul3A_1985 = vector.broadcast %squeeze3A_1929 : f32 to vector<16xf32>
          %mul3A_1986 = arith.mulf %get3A_1984, %mul3A_1985 : vector<16xf32>
          %swap3A_1987 = arith.index_cast %add3A_1981 : i32 to index
          %swap3A_1988 = arith.constant 64 : index
          %swap3A_1989 = tpu.vector_load %arg18[%swap3A_1987, %swap3A_1988] {strides = array<i32>} : memref<100x128xf32, #tpu.memory_space<vmem>>, vector<16xf32>,
          tpu.vector_store %arg18[%swap3A_1987, %swap3A_1988], %mul3A_1986 {strides = array<i32>} : memref<100x128xf32, #tpu.memory_space<vmem>>, vector<16xf32>,
          %mul3A_1990 = arith.constant 16 : i32
          %mul3A_1991 = arith.muli %add3A_1041, %mul3A_1990 : i32
          %add3A_1992 = arith.constant 9 : i32
          %add3A_1993 = arith.addi %mul3A_1991, %add3A_1992 : i32
          %get3A_1994 = arith.index_cast %add3A_1993 : i32 to index
          %get3A_1995 = arith.constant 80 : index
          %get3A_1996 = tpu.vector_load %arg18[%get3A_1994, %get3A_1995] {strides = array<i32>} : memref<100x128xf32, #tpu.memory_space<vmem>>, vector<16xf32>,
          %mul3A_1997 = vector.broadcast %squeeze3A_1929 : f32 to vector<16xf32>
          %mul3A_1998 = arith.mulf %get3A_1996, %mul3A_1997 : vector<16xf32>
          %swap3A_1999 = arith.index_cast %add3A_1993 : i32 to index
          %swap3A_2000 = arith.constant 80 : index
          %swap3A_2001 = tpu.vector_load %arg18[%swap3A_1999, %swap3A_2000] {strides = array<i32>} : memref<100x128xf32, #tpu.memory_space<vmem>>, vector<16xf32>,
          tpu.vector_store %arg18[%swap3A_1999, %swap3A_2000], %mul3A_1998 {strides = array<i32>} : memref<100x128xf32, #tpu.memory_space<vmem>>, vector<16xf32>,
          %mul3A_2002 = arith.constant 16 : i32
          %mul3A_2003 = arith.muli %add3A_1041, %mul3A_2002 : i32
          %add3A_2004 = arith.constant 9 : i32
          %add3A_2005 = arith.addi %mul3A_2003, %add3A_2004 : i32
          %get3A_2006 = arith.index_cast %add3A_2005 : i32 to index
          %get3A_2007 = arith.constant 96 : index
          %get3A_2008 = tpu.vector_load %arg18[%get3A_2006, %get3A_2007] {strides = array<i32>} : memref<100x128xf32, #tpu.memory_space<vmem>>, vector<16xf32>,
          %mul3A_2009 = vector.broadcast %squeeze3A_1929 : f32 to vector<16xf32>
          %mul3A_2010 = arith.mulf %get3A_2008, %mul3A_2009 : vector<16xf32>
          %swap3A_2011 = arith.index_cast %add3A_2005 : i32 to index
          %swap3A_2012 = arith.constant 96 : index
          %swap3A_2013 = tpu.vector_load %arg18[%swap3A_2011, %swap3A_2012] {strides = array<i32>} : memref<100x128xf32, #tpu.memory_space<vmem>>, vector<16xf32>,
          tpu.vector_store %arg18[%swap3A_2011, %swap3A_2012], %mul3A_2010 {strides = array<i32>} : memref<100x128xf32, #tpu.memory_space<vmem>>, vector<16xf32>,
          %mul3A_2014 = arith.constant 16 : i32
          %mul3A_2015 = arith.muli %add3A_1041, %mul3A_2014 : i32
          %add3A_2016 = arith.constant 9 : i32
          %add3A_2017 = arith.addi %mul3A_2015, %add3A_2016 : i32
          %get3A_2018 = arith.index_cast %add3A_2017 : i32 to index
          %get3A_2019 = arith.constant 112 : index
          %get3A_2020 = tpu.vector_load %arg18[%get3A_2018, %get3A_2019] {strides = array<i32>} : memref<100x128xf32, #tpu.memory_space<vmem>>, vector<16xf32>,
          %mul3A_2021 = vector.broadcast %squeeze3A_1929 : f32 to vector<16xf32>
          %mul3A_2022 = arith.mulf %get3A_2020, %mul3A_2021 : vector<16xf32>
          %swap3A_2023 = arith.index_cast %add3A_2017 : i32 to index
          %swap3A_2024 = arith.constant 112 : index
          %swap3A_2025 = tpu.vector_load %arg18[%swap3A_2023, %swap3A_2024] {strides = array<i32>} : memref<100x128xf32, #tpu.memory_space<vmem>>, vector<16xf32>,
          tpu.vector_store %arg18[%swap3A_2023, %swap3A_2024], %mul3A_2022 {strides = array<i32>} : memref<100x128xf32, #tpu.memory_space<vmem>>, vector<16xf32>,
          %slice3A_2026 = vector.extract_strided_slice %get3A_1045 {offsets = [10], sizes = [1], strides = [1]} : vector<16xf32> to vector<1xf32>
          %squeeze3A_2027 = vector.extract %slice3A_2026[0] : f32 from vector<1xf32>
          %mul3A_2028 = arith.constant 16 : i32
          %mul3A_2029 = arith.muli %add3A_1041, %mul3A_2028 : i32
          %add3A_2030 = arith.constant 10 : i32
          %add3A_2031 = arith.addi %mul3A_2029, %add3A_2030 : i32
          %get3A_2032 = arith.index_cast %add3A_2031 : i32 to index
          %get3A_2033 = arith.constant 0 : index
          %get3A_2034 = tpu.vector_load %arg18[%get3A_2032, %get3A_2033] {strides = array<i32>} : memref<100x128xf32, #tpu.memory_space<vmem>>, vector<16xf32>,
          %mul3A_2035 = vector.broadcast %squeeze3A_2027 : f32 to vector<16xf32>
          %mul3A_2036 = arith.mulf %get3A_2034, %mul3A_2035 : vector<16xf32>
          %swap3A_2037 = arith.index_cast %add3A_2031 : i32 to index
          %swap3A_2038 = arith.constant 0 : index
          %swap3A_2039 = tpu.vector_load %arg18[%swap3A_2037, %swap3A_2038] {strides = array<i32>} : memref<100x128xf32, #tpu.memory_space<vmem>>, vector<16xf32>,
          tpu.vector_store %arg18[%swap3A_2037, %swap3A_2038], %mul3A_2036 {strides = array<i32>} : memref<100x128xf32, #tpu.memory_space<vmem>>, vector<16xf32>,
          %mul3A_2040 = arith.constant 16 : i32
          %mul3A_2041 = arith.muli %add3A_1041, %mul3A_2040 : i32
          %add3A_2042 = arith.constant 10 : i32
          %add3A_2043 = arith.addi %mul3A_2041, %add3A_2042 : i32
          %get3A_2044 = arith.index_cast %add3A_2043 : i32 to index
          %get3A_2045 = arith.constant 16 : index
          %get3A_2046 = tpu.vector_load %arg18[%get3A_2044, %get3A_2045] {strides = array<i32>} : memref<100x128xf32, #tpu.memory_space<vmem>>, vector<16xf32>,
          %mul3A_2047 = vector.broadcast %squeeze3A_2027 : f32 to vector<16xf32>
          %mul3A_2048 = arith.mulf %get3A_2046, %mul3A_2047 : vector<16xf32>
          %swap3A_2049 = arith.index_cast %add3A_2043 : i32 to index
          %swap3A_2050 = arith.constant 16 : index
          %swap3A_2051 = tpu.vector_load %arg18[%swap3A_2049, %swap3A_2050] {strides = array<i32>} : memref<100x128xf32, #tpu.memory_space<vmem>>, vector<16xf32>,
          tpu.vector_store %arg18[%swap3A_2049, %swap3A_2050], %mul3A_2048 {strides = array<i32>} : memref<100x128xf32, #tpu.memory_space<vmem>>, vector<16xf32>,
          %mul3A_2052 = arith.constant 16 : i32
          %mul3A_2053 = arith.muli %add3A_1041, %mul3A_2052 : i32
          %add3A_2054 = arith.constant 10 : i32
          %add3A_2055 = arith.addi %mul3A_2053, %add3A_2054 : i32
          %get3A_2056 = arith.index_cast %add3A_2055 : i32 to index
          %get3A_2057 = arith.constant 32 : index
          %get3A_2058 = tpu.vector_load %arg18[%get3A_2056, %get3A_2057] {strides = array<i32>} : memref<100x128xf32, #tpu.memory_space<vmem>>, vector<16xf32>,
          %mul3A_2059 = vector.broadcast %squeeze3A_2027 : f32 to vector<16xf32>
          %mul3A_2060 = arith.mulf %get3A_2058, %mul3A_2059 : vector<16xf32>
          %swap3A_2061 = arith.index_cast %add3A_2055 : i32 to index
          %swap3A_2062 = arith.constant 32 : index
          %swap3A_2063 = tpu.vector_load %arg18[%swap3A_2061, %swap3A_2062] {strides = array<i32>} : memref<100x128xf32, #tpu.memory_space<vmem>>, vector<16xf32>,
          tpu.vector_store %arg18[%swap3A_2061, %swap3A_2062], %mul3A_2060 {strides = array<i32>} : memref<100x128xf32, #tpu.memory_space<vmem>>, vector<16xf32>,
          %mul3A_2064 = arith.constant 16 : i32
          %mul3A_2065 = arith.muli %add3A_1041, %mul3A_2064 : i32
          %add3A_2066 = arith.constant 10 : i32
          %add3A_2067 = arith.addi %mul3A_2065, %add3A_2066 : i32
          %get3A_2068 = arith.index_cast %add3A_2067 : i32 to index
          %get3A_2069 = arith.constant 48 : index
          %get3A_2070 = tpu.vector_load %arg18[%get3A_2068, %get3A_2069] {strides = array<i32>} : memref<100x128xf32, #tpu.memory_space<vmem>>, vector<16xf32>,
          %mul3A_2071 = vector.broadcast %squeeze3A_2027 : f32 to vector<16xf32>
          %mul3A_2072 = arith.mulf %get3A_2070, %mul3A_2071 : vector<16xf32>
          %swap3A_2073 = arith.index_cast %add3A_2067 : i32 to index
          %swap3A_2074 = arith.constant 48 : index
          %swap3A_2075 = tpu.vector_load %arg18[%swap3A_2073, %swap3A_2074] {strides = array<i32>} : memref<100x128xf32, #tpu.memory_space<vmem>>, vector<16xf32>,
          tpu.vector_store %arg18[%swap3A_2073, %swap3A_2074], %mul3A_2072 {strides = array<i32>} : memref<100x128xf32, #tpu.memory_space<vmem>>, vector<16xf32>,
          %mul3A_2076 = arith.constant 16 : i32
          %mul3A_2077 = arith.muli %add3A_1041, %mul3A_2076 : i32
          %add3A_2078 = arith.constant 10 : i32
          %add3A_2079 = arith.addi %mul3A_2077, %add3A_2078 : i32
          %get3A_2080 = arith.index_cast %add3A_2079 : i32 to index
          %get3A_2081 = arith.constant 64 : index
          %get3A_2082 = tpu.vector_load %arg18[%get3A_2080, %get3A_2081] {strides = array<i32>} : memref<100x128xf32, #tpu.memory_space<vmem>>, vector<16xf32>,
          %mul3A_2083 = vector.broadcast %squeeze3A_2027 : f32 to vector<16xf32>
          %mul3A_2084 = arith.mulf %get3A_2082, %mul3A_2083 : vector<16xf32>
          %swap3A_2085 = arith.index_cast %add3A_2079 : i32 to index
          %swap3A_2086 = arith.constant 64 : index
          %swap3A_2087 = tpu.vector_load %arg18[%swap3A_2085, %swap3A_2086] {strides = array<i32>} : memref<100x128xf32, #tpu.memory_space<vmem>>, vector<16xf32>,
          tpu.vector_store %arg18[%swap3A_2085, %swap3A_2086], %mul3A_2084 {strides = array<i32>} : memref<100x128xf32, #tpu.memory_space<vmem>>, vector<16xf32>,
          %mul3A_2088 = arith.constant 16 : i32
          %mul3A_2089 = arith.muli %add3A_1041, %mul3A_2088 : i32
          %add3A_2090 = arith.constant 10 : i32
          %add3A_2091 = arith.addi %mul3A_2089, %add3A_2090 : i32
          %get3A_2092 = arith.index_cast %add3A_2091 : i32 to index
          %get3A_2093 = arith.constant 80 : index
          %get3A_2094 = tpu.vector_load %arg18[%get3A_2092, %get3A_2093] {strides = array<i32>} : memref<100x128xf32, #tpu.memory_space<vmem>>, vector<16xf32>,
          %mul3A_2095 = vector.broadcast %squeeze3A_2027 : f32 to vector<16xf32>
          %mul3A_2096 = arith.mulf %get3A_2094, %mul3A_2095 : vector<16xf32>
          %swap3A_2097 = arith.index_cast %add3A_2091 : i32 to index
          %swap3A_2098 = arith.constant 80 : index
          %swap3A_2099 = tpu.vector_load %arg18[%swap3A_2097, %swap3A_2098] {strides = array<i32>} : memref<100x128xf32, #tpu.memory_space<vmem>>, vector<16xf32>,
          tpu.vector_store %arg18[%swap3A_2097, %swap3A_2098], %mul3A_2096 {strides = array<i32>} : memref<100x128xf32, #tpu.memory_space<vmem>>, vector<16xf32>,
          %mul3A_2100 = arith.constant 16 : i32
          %mul3A_2101 = arith.muli %add3A_1041, %mul3A_2100 : i32
          %add3A_2102 = arith.constant 10 : i32
          %add3A_2103 = arith.addi %mul3A_2101, %add3A_2102 : i32
          %get3A_2104 = arith.index_cast %add3A_2103 : i32 to index
          %get3A_2105 = arith.constant 96 : index
          %get3A_2106 = tpu.vector_load %arg18[%get3A_2104, %get3A_2105] {strides = array<i32>} : memref<100x128xf32, #tpu.memory_space<vmem>>, vector<16xf32>,
          %mul3A_2107 = vector.broadcast %squeeze3A_2027 : f32 to vector<16xf32>
          %mul3A_2108 = arith.mulf %get3A_2106, %mul3A_2107 : vector<16xf32>
          %swap3A_2109 = arith.index_cast %add3A_2103 : i32 to index
          %swap3A_2110 = arith.constant 96 : index
          %swap3A_2111 = tpu.vector_load %arg18[%swap3A_2109, %swap3A_2110] {strides = array<i32>} : memref<100x128xf32, #tpu.memory_space<vmem>>, vector<16xf32>,
          tpu.vector_store %arg18[%swap3A_2109, %swap3A_2110], %mul3A_2108 {strides = array<i32>} : memref<100x128xf32, #tpu.memory_space<vmem>>, vector<16xf32>,
          %mul3A_2112 = arith.constant 16 : i32
          %mul3A_2113 = arith.muli %add3A_1041, %mul3A_2112 : i32
          %add3A_2114 = arith.constant 10 : i32
          %add3A_2115 = arith.addi %mul3A_2113, %add3A_2114 : i32
          %get3A_2116 = arith.index_cast %add3A_2115 : i32 to index
          %get3A_2117 = arith.constant 112 : index
          %get3A_2118 = tpu.vector_load %arg18[%get3A_2116, %get3A_2117] {strides = array<i32>} : memref<100x128xf32, #tpu.memory_space<vmem>>, vector<16xf32>,
          %mul3A_2119 = vector.broadcast %squeeze3A_2027 : f32 to vector<16xf32>
          %mul3A_2120 = arith.mulf %get3A_2118, %mul3A_2119 : vector<16xf32>
          %swap3A_2121 = arith.index_cast %add3A_2115 : i32 to index
          %swap3A_2122 = arith.constant 112 : index
          %swap3A_2123 = tpu.vector_load %arg18[%swap3A_2121, %swap3A_2122] {strides = array<i32>} : memref<100x128xf32, #tpu.memory_space<vmem>>, vector<16xf32>,
          tpu.vector_store %arg18[%swap3A_2121, %swap3A_2122], %mul3A_2120 {strides = array<i32>} : memref<100x128xf32, #tpu.memory_space<vmem>>, vector<16xf32>,
          %slice3A_2124 = vector.extract_strided_slice %get3A_1045 {offsets = [11], sizes = [1], strides = [1]} : vector<16xf32> to vector<1xf32>
          %squeeze3A_2125 = vector.extract %slice3A_2124[0] : f32 from vector<1xf32>
          %mul3A_2126 = arith.constant 16 : i32
          %mul3A_2127 = arith.muli %add3A_1041, %mul3A_2126 : i32
          %add3A_2128 = arith.constant 11 : i32
          %add3A_2129 = arith.addi %mul3A_2127, %add3A_2128 : i32
          %get3A_2130 = arith.index_cast %add3A_2129 : i32 to index
          %get3A_2131 = arith.constant 0 : index
          %get3A_2132 = tpu.vector_load %arg18[%get3A_2130, %get3A_2131] {strides = array<i32>} : memref<100x128xf32, #tpu.memory_space<vmem>>, vector<16xf32>,
          %mul3A_2133 = vector.broadcast %squeeze3A_2125 : f32 to vector<16xf32>
          %mul3A_2134 = arith.mulf %get3A_2132, %mul3A_2133 : vector<16xf32>
          %swap3A_2135 = arith.index_cast %add3A_2129 : i32 to index
          %swap3A_2136 = arith.constant 0 : index
          %swap3A_2137 = tpu.vector_load %arg18[%swap3A_2135, %swap3A_2136] {strides = array<i32>} : memref<100x128xf32, #tpu.memory_space<vmem>>, vector<16xf32>,
          tpu.vector_store %arg18[%swap3A_2135, %swap3A_2136], %mul3A_2134 {strides = array<i32>} : memref<100x128xf32, #tpu.memory_space<vmem>>, vector<16xf32>,
          %mul3A_2138 = arith.constant 16 : i32
          %mul3A_2139 = arith.muli %add3A_1041, %mul3A_2138 : i32
          %add3A_2140 = arith.constant 11 : i32
          %add3A_2141 = arith.addi %mul3A_2139, %add3A_2140 : i32
          %get3A_2142 = arith.index_cast %add3A_2141 : i32 to index
          %get3A_2143 = arith.constant 16 : index
          %get3A_2144 = tpu.vector_load %arg18[%get3A_2142, %get3A_2143] {strides = array<i32>} : memref<100x128xf32, #tpu.memory_space<vmem>>, vector<16xf32>,
          %mul3A_2145 = vector.broadcast %squeeze3A_2125 : f32 to vector<16xf32>
          %mul3A_2146 = arith.mulf %get3A_2144, %mul3A_2145 : vector<16xf32>
          %swap3A_2147 = arith.index_cast %add3A_2141 : i32 to index
          %swap3A_2148 = arith.constant 16 : index
          %swap3A_2149 = tpu.vector_load %arg18[%swap3A_2147, %swap3A_2148] {strides = array<i32>} : memref<100x128xf32, #tpu.memory_space<vmem>>, vector<16xf32>,
          tpu.vector_store %arg18[%swap3A_2147, %swap3A_2148], %mul3A_2146 {strides = array<i32>} : memref<100x128xf32, #tpu.memory_space<vmem>>, vector<16xf32>,
          %mul3A_2150 = arith.constant 16 : i32
          %mul3A_2151 = arith.muli %add3A_1041, %mul3A_2150 : i32
          %add3A_2152 = arith.constant 11 : i32
          %add3A_2153 = arith.addi %mul3A_2151, %add3A_2152 : i32
          %get3A_2154 = arith.index_cast %add3A_2153 : i32 to index
          %get3A_2155 = arith.constant 32 : index
          %get3A_2156 = tpu.vector_load %arg18[%get3A_2154, %get3A_2155] {strides = array<i32>} : memref<100x128xf32, #tpu.memory_space<vmem>>, vector<16xf32>,
          %mul3A_2157 = vector.broadcast %squeeze3A_2125 : f32 to vector<16xf32>
          %mul3A_2158 = arith.mulf %get3A_2156, %mul3A_2157 : vector<16xf32>
          %swap3A_2159 = arith.index_cast %add3A_2153 : i32 to index
          %swap3A_2160 = arith.constant 32 : index
          %swap3A_2161 = tpu.vector_load %arg18[%swap3A_2159, %swap3A_2160] {strides = array<i32>} : memref<100x128xf32, #tpu.memory_space<vmem>>, vector<16xf32>,
          tpu.vector_store %arg18[%swap3A_2159, %swap3A_2160], %mul3A_2158 {strides = array<i32>} : memref<100x128xf32, #tpu.memory_space<vmem>>, vector<16xf32>,
          %mul3A_2162 = arith.constant 16 : i32
          %mul3A_2163 = arith.muli %add3A_1041, %mul3A_2162 : i32
          %add3A_2164 = arith.constant 11 : i32
          %add3A_2165 = arith.addi %mul3A_2163, %add3A_2164 : i32
          %get3A_2166 = arith.index_cast %add3A_2165 : i32 to index
          %get3A_2167 = arith.constant 48 : index
          %get3A_2168 = tpu.vector_load %arg18[%get3A_2166, %get3A_2167] {strides = array<i32>} : memref<100x128xf32, #tpu.memory_space<vmem>>, vector<16xf32>,
          %mul3A_2169 = vector.broadcast %squeeze3A_2125 : f32 to vector<16xf32>
          %mul3A_2170 = arith.mulf %get3A_2168, %mul3A_2169 : vector<16xf32>
          %swap3A_2171 = arith.index_cast %add3A_2165 : i32 to index
          %swap3A_2172 = arith.constant 48 : index
          %swap3A_2173 = tpu.vector_load %arg18[%swap3A_2171, %swap3A_2172] {strides = array<i32>} : memref<100x128xf32, #tpu.memory_space<vmem>>, vector<16xf32>,
          tpu.vector_store %arg18[%swap3A_2171, %swap3A_2172], %mul3A_2170 {strides = array<i32>} : memref<100x128xf32, #tpu.memory_space<vmem>>, vector<16xf32>,
          %mul3A_2174 = arith.constant 16 : i32
          %mul3A_2175 = arith.muli %add3A_1041, %mul3A_2174 : i32
          %add3A_2176 = arith.constant 11 : i32
          %add3A_2177 = arith.addi %mul3A_2175, %add3A_2176 : i32
          %get3A_2178 = arith.index_cast %add3A_2177 : i32 to index
          %get3A_2179 = arith.constant 64 : index
          %get3A_2180 = tpu.vector_load %arg18[%get3A_2178, %get3A_2179] {strides = array<i32>} : memref<100x128xf32, #tpu.memory_space<vmem>>, vector<16xf32>,
          %mul3A_2181 = vector.broadcast %squeeze3A_2125 : f32 to vector<16xf32>
          %mul3A_2182 = arith.mulf %get3A_2180, %mul3A_2181 : vector<16xf32>
          %swap3A_2183 = arith.index_cast %add3A_2177 : i32 to index
          %swap3A_2184 = arith.constant 64 : index
          %swap3A_2185 = tpu.vector_load %arg18[%swap3A_2183, %swap3A_2184] {strides = array<i32>} : memref<100x128xf32, #tpu.memory_space<vmem>>, vector<16xf32>,
          tpu.vector_store %arg18[%swap3A_2183, %swap3A_2184], %mul3A_2182 {strides = array<i32>} : memref<100x128xf32, #tpu.memory_space<vmem>>, vector<16xf32>,
          %mul3A_2186 = arith.constant 16 : i32
          %mul3A_2187 = arith.muli %add3A_1041, %mul3A_2186 : i32
          %add3A_2188 = arith.constant 11 : i32
          %add3A_2189 = arith.addi %mul3A_2187, %add3A_2188 : i32
          %get3A_2190 = arith.index_cast %add3A_2189 : i32 to index
          %get3A_2191 = arith.constant 80 : index
          %get3A_2192 = tpu.vector_load %arg18[%get3A_2190, %get3A_2191] {strides = array<i32>} : memref<100x128xf32, #tpu.memory_space<vmem>>, vector<16xf32>,
          %mul3A_2193 = vector.broadcast %squeeze3A_2125 : f32 to vector<16xf32>
          %mul3A_2194 = arith.mulf %get3A_2192, %mul3A_2193 : vector<16xf32>
          %swap3A_2195 = arith.index_cast %add3A_2189 : i32 to index
          %swap3A_2196 = arith.constant 80 : index
          %swap3A_2197 = tpu.vector_load %arg18[%swap3A_2195, %swap3A_2196] {strides = array<i32>} : memref<100x128xf32, #tpu.memory_space<vmem>>, vector<16xf32>,
          tpu.vector_store %arg18[%swap3A_2195, %swap3A_2196], %mul3A_2194 {strides = array<i32>} : memref<100x128xf32, #tpu.memory_space<vmem>>, vector<16xf32>,
          %mul3A_2198 = arith.constant 16 : i32
          %mul3A_2199 = arith.muli %add3A_1041, %mul3A_2198 : i32
          %add3A_2200 = arith.constant 11 : i32
          %add3A_2201 = arith.addi %mul3A_2199, %add3A_2200 : i32
          %get3A_2202 = arith.index_cast %add3A_2201 : i32 to index
          %get3A_2203 = arith.constant 96 : index
          %get3A_2204 = tpu.vector_load %arg18[%get3A_2202, %get3A_2203] {strides = array<i32>} : memref<100x128xf32, #tpu.memory_space<vmem>>, vector<16xf32>,
          %mul3A_2205 = vector.broadcast %squeeze3A_2125 : f32 to vector<16xf32>
          %mul3A_2206 = arith.mulf %get3A_2204, %mul3A_2205 : vector<16xf32>
          %swap3A_2207 = arith.index_cast %add3A_2201 : i32 to index
          %swap3A_2208 = arith.constant 96 : index
          %swap3A_2209 = tpu.vector_load %arg18[%swap3A_2207, %swap3A_2208] {strides = array<i32>} : memref<100x128xf32, #tpu.memory_space<vmem>>, vector<16xf32>,
          tpu.vector_store %arg18[%swap3A_2207, %swap3A_2208], %mul3A_2206 {strides = array<i32>} : memref<100x128xf32, #tpu.memory_space<vmem>>, vector<16xf32>,
          %mul3A_2210 = arith.constant 16 : i32
          %mul3A_2211 = arith.muli %add3A_1041, %mul3A_2210 : i32
          %add3A_2212 = arith.constant 11 : i32
          %add3A_2213 = arith.addi %mul3A_2211, %add3A_2212 : i32
          %get3A_2214 = arith.index_cast %add3A_2213 : i32 to index
          %get3A_2215 = arith.constant 112 : index
          %get3A_2216 = tpu.vector_load %arg18[%get3A_2214, %get3A_2215] {strides = array<i32>} : memref<100x128xf32, #tpu.memory_space<vmem>>, vector<16xf32>,
          %mul3A_2217 = vector.broadcast %squeeze3A_2125 : f32 to vector<16xf32>
          %mul3A_2218 = arith.mulf %get3A_2216, %mul3A_2217 : vector<16xf32>
          %swap3A_2219 = arith.index_cast %add3A_2213 : i32 to index
          %swap3A_2220 = arith.constant 112 : index
          %swap3A_2221 = tpu.vector_load %arg18[%swap3A_2219, %swap3A_2220] {strides = array<i32>} : memref<100x128xf32, #tpu.memory_space<vmem>>, vector<16xf32>,
          tpu.vector_store %arg18[%swap3A_2219, %swap3A_2220], %mul3A_2218 {strides = array<i32>} : memref<100x128xf32, #tpu.memory_space<vmem>>, vector<16xf32>,
          %slice3A_2222 = vector.extract_strided_slice %get3A_1045 {offsets = [12], sizes = [1], strides = [1]} : vector<16xf32> to vector<1xf32>
          %squeeze3A_2223 = vector.extract %slice3A_2222[0] : f32 from vector<1xf32>
          %mul3A_2224 = arith.constant 16 : i32
          %mul3A_2225 = arith.muli %add3A_1041, %mul3A_2224 : i32
          %add3A_2226 = arith.constant 12 : i32
          %add3A_2227 = arith.addi %mul3A_2225, %add3A_2226 : i32
          %get3A_2228 = arith.index_cast %add3A_2227 : i32 to index
          %get3A_2229 = arith.constant 0 : index
          %get3A_2230 = tpu.vector_load %arg18[%get3A_2228, %get3A_2229] {strides = array<i32>} : memref<100x128xf32, #tpu.memory_space<vmem>>, vector<16xf32>,
          %mul3A_2231 = vector.broadcast %squeeze3A_2223 : f32 to vector<16xf32>
          %mul3A_2232 = arith.mulf %get3A_2230, %mul3A_2231 : vector<16xf32>
          %swap3A_2233 = arith.index_cast %add3A_2227 : i32 to index
          %swap3A_2234 = arith.constant 0 : index
          %swap3A_2235 = tpu.vector_load %arg18[%swap3A_2233, %swap3A_2234] {strides = array<i32>} : memref<100x128xf32, #tpu.memory_space<vmem>>, vector<16xf32>,
          tpu.vector_store %arg18[%swap3A_2233, %swap3A_2234], %mul3A_2232 {strides = array<i32>} : memref<100x128xf32, #tpu.memory_space<vmem>>, vector<16xf32>,
          %mul3A_2236 = arith.constant 16 : i32
          %mul3A_2237 = arith.muli %add3A_1041, %mul3A_2236 : i32
          %add3A_2238 = arith.constant 12 : i32
          %add3A_2239 = arith.addi %mul3A_2237, %add3A_2238 : i32
          %get3A_2240 = arith.index_cast %add3A_2239 : i32 to index
          %get3A_2241 = arith.constant 16 : index
          %get3A_2242 = tpu.vector_load %arg18[%get3A_2240, %get3A_2241] {strides = array<i32>} : memref<100x128xf32, #tpu.memory_space<vmem>>, vector<16xf32>,
          %mul3A_2243 = vector.broadcast %squeeze3A_2223 : f32 to vector<16xf32>
          %mul3A_2244 = arith.mulf %get3A_2242, %mul3A_2243 : vector<16xf32>
          %swap3A_2245 = arith.index_cast %add3A_2239 : i32 to index
          %swap3A_2246 = arith.constant 16 : index
          %swap3A_2247 = tpu.vector_load %arg18[%swap3A_2245, %swap3A_2246] {strides = array<i32>} : memref<100x128xf32, #tpu.memory_space<vmem>>, vector<16xf32>,
          tpu.vector_store %arg18[%swap3A_2245, %swap3A_2246], %mul3A_2244 {strides = array<i32>} : memref<100x128xf32, #tpu.memory_space<vmem>>, vector<16xf32>,
          %mul3A_2248 = arith.constant 16 : i32
          %mul3A_2249 = arith.muli %add3A_1041, %mul3A_2248 : i32
          %add3A_2250 = arith.constant 12 : i32
          %add3A_2251 = arith.addi %mul3A_2249, %add3A_2250 : i32
          %get3A_2252 = arith.index_cast %add3A_2251 : i32 to index
          %get3A_2253 = arith.constant 32 : index
          %get3A_2254 = tpu.vector_load %arg18[%get3A_2252, %get3A_2253] {strides = array<i32>} : memref<100x128xf32, #tpu.memory_space<vmem>>, vector<16xf32>,
          %mul3A_2255 = vector.broadcast %squeeze3A_2223 : f32 to vector<16xf32>
          %mul3A_2256 = arith.mulf %get3A_2254, %mul3A_2255 : vector<16xf32>
          %swap3A_2257 = arith.index_cast %add3A_2251 : i32 to index
          %swap3A_2258 = arith.constant 32 : index
          %swap3A_2259 = tpu.vector_load %arg18[%swap3A_2257, %swap3A_2258] {strides = array<i32>} : memref<100x128xf32, #tpu.memory_space<vmem>>, vector<16xf32>,
          tpu.vector_store %arg18[%swap3A_2257, %swap3A_2258], %mul3A_2256 {strides = array<i32>} : memref<100x128xf32, #tpu.memory_space<vmem>>, vector<16xf32>,
          %mul3A_2260 = arith.constant 16 : i32
          %mul3A_2261 = arith.muli %add3A_1041, %mul3A_2260 : i32
          %add3A_2262 = arith.constant 12 : i32
          %add3A_2263 = arith.addi %mul3A_2261, %add3A_2262 : i32
          %get3A_2264 = arith.index_cast %add3A_2263 : i32 to index
          %get3A_2265 = arith.constant 48 : index
          %get3A_2266 = tpu.vector_load %arg18[%get3A_2264, %get3A_2265] {strides = array<i32>} : memref<100x128xf32, #tpu.memory_space<vmem>>, vector<16xf32>,
          %mul3A_2267 = vector.broadcast %squeeze3A_2223 : f32 to vector<16xf32>
          %mul3A_2268 = arith.mulf %get3A_2266, %mul3A_2267 : vector<16xf32>
          %swap3A_2269 = arith.index_cast %add3A_2263 : i32 to index
          %swap3A_2270 = arith.constant 48 : index
          %swap3A_2271 = tpu.vector_load %arg18[%swap3A_2269, %swap3A_2270] {strides = array<i32>} : memref<100x128xf32, #tpu.memory_space<vmem>>, vector<16xf32>,
          tpu.vector_store %arg18[%swap3A_2269, %swap3A_2270], %mul3A_2268 {strides = array<i32>} : memref<100x128xf32, #tpu.memory_space<vmem>>, vector<16xf32>,
          %mul3A_2272 = arith.constant 16 : i32
          %mul3A_2273 = arith.muli %add3A_1041, %mul3A_2272 : i32
          %add3A_2274 = arith.constant 12 : i32
          %add3A_2275 = arith.addi %mul3A_2273, %add3A_2274 : i32
          %get3A_2276 = arith.index_cast %add3A_2275 : i32 to index
          %get3A_2277 = arith.constant 64 : index
          %get3A_2278 = tpu.vector_load %arg18[%get3A_2276, %get3A_2277] {strides = array<i32>} : memref<100x128xf32, #tpu.memory_space<vmem>>, vector<16xf32>,
          %mul3A_2279 = vector.broadcast %squeeze3A_2223 : f32 to vector<16xf32>
          %mul3A_2280 = arith.mulf %get3A_2278, %mul3A_2279 : vector<16xf32>
          %swap3A_2281 = arith.index_cast %add3A_2275 : i32 to index
          %swap3A_2282 = arith.constant 64 : index
          %swap3A_2283 = tpu.vector_load %arg18[%swap3A_2281, %swap3A_2282] {strides = array<i32>} : memref<100x128xf32, #tpu.memory_space<vmem>>, vector<16xf32>,
          tpu.vector_store %arg18[%swap3A_2281, %swap3A_2282], %mul3A_2280 {strides = array<i32>} : memref<100x128xf32, #tpu.memory_space<vmem>>, vector<16xf32>,
          %mul3A_2284 = arith.constant 16 : i32
          %mul3A_2285 = arith.muli %add3A_1041, %mul3A_2284 : i32
          %add3A_2286 = arith.constant 12 : i32
          %add3A_2287 = arith.addi %mul3A_2285, %add3A_2286 : i32
          %get3A_2288 = arith.index_cast %add3A_2287 : i32 to index
          %get3A_2289 = arith.constant 80 : index
          %get3A_2290 = tpu.vector_load %arg18[%get3A_2288, %get3A_2289] {strides = array<i32>} : memref<100x128xf32, #tpu.memory_space<vmem>>, vector<16xf32>,
          %mul3A_2291 = vector.broadcast %squeeze3A_2223 : f32 to vector<16xf32>
          %mul3A_2292 = arith.mulf %get3A_2290, %mul3A_2291 : vector<16xf32>
          %swap3A_2293 = arith.index_cast %add3A_2287 : i32 to index
          %swap3A_2294 = arith.constant 80 : index
          %swap3A_2295 = tpu.vector_load %arg18[%swap3A_2293, %swap3A_2294] {strides = array<i32>} : memref<100x128xf32, #tpu.memory_space<vmem>>, vector<16xf32>,
          tpu.vector_store %arg18[%swap3A_2293, %swap3A_2294], %mul3A_2292 {strides = array<i32>} : memref<100x128xf32, #tpu.memory_space<vmem>>, vector<16xf32>,
          %mul3A_2296 = arith.constant 16 : i32
          %mul3A_2297 = arith.muli %add3A_1041, %mul3A_2296 : i32
          %add3A_2298 = arith.constant 12 : i32
          %add3A_2299 = arith.addi %mul3A_2297, %add3A_2298 : i32
          %get3A_2300 = arith.index_cast %add3A_2299 : i32 to index
          %get3A_2301 = arith.constant 96 : index
          %get3A_2302 = tpu.vector_load %arg18[%get3A_2300, %get3A_2301] {strides = array<i32>} : memref<100x128xf32, #tpu.memory_space<vmem>>, vector<16xf32>,
          %mul3A_2303 = vector.broadcast %squeeze3A_2223 : f32 to vector<16xf32>
          %mul3A_2304 = arith.mulf %get3A_2302, %mul3A_2303 : vector<16xf32>
          %swap3A_2305 = arith.index_cast %add3A_2299 : i32 to index
          %swap3A_2306 = arith.constant 96 : index
          %swap3A_2307 = tpu.vector_load %arg18[%swap3A_2305, %swap3A_2306] {strides = array<i32>} : memref<100x128xf32, #tpu.memory_space<vmem>>, vector<16xf32>,
          tpu.vector_store %arg18[%swap3A_2305, %swap3A_2306], %mul3A_2304 {strides = array<i32>} : memref<100x128xf32, #tpu.memory_space<vmem>>, vector<16xf32>,
          %mul3A_2308 = arith.constant 16 : i32
          %mul3A_2309 = arith.muli %add3A_1041, %mul3A_2308 : i32
          %add3A_2310 = arith.constant 12 : i32
          %add3A_2311 = arith.addi %mul3A_2309, %add3A_2310 : i32
          %get3A_2312 = arith.index_cast %add3A_2311 : i32 to index
          %get3A_2313 = arith.constant 112 : index
          %get3A_2314 = tpu.vector_load %arg18[%get3A_2312, %get3A_2313] {strides = array<i32>} : memref<100x128xf32, #tpu.memory_space<vmem>>, vector<16xf32>,
          %mul3A_2315 = vector.broadcast %squeeze3A_2223 : f32 to vector<16xf32>
          %mul3A_2316 = arith.mulf %get3A_2314, %mul3A_2315 : vector<16xf32>
          %swap3A_2317 = arith.index_cast %add3A_2311 : i32 to index
          %swap3A_2318 = arith.constant 112 : index
          %swap3A_2319 = tpu.vector_load %arg18[%swap3A_2317, %swap3A_2318] {strides = array<i32>} : memref<100x128xf32, #tpu.memory_space<vmem>>, vector<16xf32>,
          tpu.vector_store %arg18[%swap3A_2317, %swap3A_2318], %mul3A_2316 {strides = array<i32>} : memref<100x128xf32, #tpu.memory_space<vmem>>, vector<16xf32>,
          %slice3A_2320 = vector.extract_strided_slice %get3A_1045 {offsets = [13], sizes = [1], strides = [1]} : vector<16xf32> to vector<1xf32>
          %squeeze3A_2321 = vector.extract %slice3A_2320[0] : f32 from vector<1xf32>
          %mul3A_2322 = arith.constant 16 : i32
          %mul3A_2323 = arith.muli %add3A_1041, %mul3A_2322 : i32
          %add3A_2324 = arith.constant 13 : i32
          %add3A_2325 = arith.addi %mul3A_2323, %add3A_2324 : i32
          %get3A_2326 = arith.index_cast %add3A_2325 : i32 to index
          %get3A_2327 = arith.constant 0 : index
          %get3A_2328 = tpu.vector_load %arg18[%get3A_2326, %get3A_2327] {strides = array<i32>} : memref<100x128xf32, #tpu.memory_space<vmem>>, vector<16xf32>,
          %mul3A_2329 = vector.broadcast %squeeze3A_2321 : f32 to vector<16xf32>
          %mul3A_2330 = arith.mulf %get3A_2328, %mul3A_2329 : vector<16xf32>
          %swap3A_2331 = arith.index_cast %add3A_2325 : i32 to index
          %swap3A_2332 = arith.constant 0 : index
          %swap3A_2333 = tpu.vector_load %arg18[%swap3A_2331, %swap3A_2332] {strides = array<i32>} : memref<100x128xf32, #tpu.memory_space<vmem>>, vector<16xf32>,
          tpu.vector_store %arg18[%swap3A_2331, %swap3A_2332], %mul3A_2330 {strides = array<i32>} : memref<100x128xf32, #tpu.memory_space<vmem>>, vector<16xf32>,
          %mul3A_2334 = arith.constant 16 : i32
          %mul3A_2335 = arith.muli %add3A_1041, %mul3A_2334 : i32
          %add3A_2336 = arith.constant 13 : i32
          %add3A_2337 = arith.addi %mul3A_2335, %add3A_2336 : i32
          %get3A_2338 = arith.index_cast %add3A_2337 : i32 to index
          %get3A_2339 = arith.constant 16 : index
          %get3A_2340 = tpu.vector_load %arg18[%get3A_2338, %get3A_2339] {strides = array<i32>} : memref<100x128xf32, #tpu.memory_space<vmem>>, vector<16xf32>,
          %mul3A_2341 = vector.broadcast %squeeze3A_2321 : f32 to vector<16xf32>
          %mul3A_2342 = arith.mulf %get3A_2340, %mul3A_2341 : vector<16xf32>
          %swap3A_2343 = arith.index_cast %add3A_2337 : i32 to index
          %swap3A_2344 = arith.constant 16 : index
          %swap3A_2345 = tpu.vector_load %arg18[%swap3A_2343, %swap3A_2344] {strides = array<i32>} : memref<100x128xf32, #tpu.memory_space<vmem>>, vector<16xf32>,
          tpu.vector_store %arg18[%swap3A_2343, %swap3A_2344], %mul3A_2342 {strides = array<i32>} : memref<100x128xf32, #tpu.memory_space<vmem>>, vector<16xf32>,
          %mul3A_2346 = arith.constant 16 : i32
          %mul3A_2347 = arith.muli %add3A_1041, %mul3A_2346 : i32
          %add3A_2348 = arith.constant 13 : i32
          %add3A_2349 = arith.addi %mul3A_2347, %add3A_2348 : i32
          %get3A_2350 = arith.index_cast %add3A_2349 : i32 to index
          %get3A_2351 = arith.constant 32 : index
          %get3A_2352 = tpu.vector_load %arg18[%get3A_2350, %get3A_2351] {strides = array<i32>} : memref<100x128xf32, #tpu.memory_space<vmem>>, vector<16xf32>,
          %mul3A_2353 = vector.broadcast %squeeze3A_2321 : f32 to vector<16xf32>
          %mul3A_2354 = arith.mulf %get3A_2352, %mul3A_2353 : vector<16xf32>
          %swap3A_2355 = arith.index_cast %add3A_2349 : i32 to index
          %swap3A_2356 = arith.constant 32 : index
          %swap3A_2357 = tpu.vector_load %arg18[%swap3A_2355, %swap3A_2356] {strides = array<i32>} : memref<100x128xf32, #tpu.memory_space<vmem>>, vector<16xf32>,
          tpu.vector_store %arg18[%swap3A_2355, %swap3A_2356], %mul3A_2354 {strides = array<i32>} : memref<100x128xf32, #tpu.memory_space<vmem>>, vector<16xf32>,
          %mul3A_2358 = arith.constant 16 : i32
          %mul3A_2359 = arith.muli %add3A_1041, %mul3A_2358 : i32
          %add3A_2360 = arith.constant 13 : i32
          %add3A_2361 = arith.addi %mul3A_2359, %add3A_2360 : i32
          %get3A_2362 = arith.index_cast %add3A_2361 : i32 to index
          %get3A_2363 = arith.constant 48 : index
          %get3A_2364 = tpu.vector_load %arg18[%get3A_2362, %get3A_2363] {strides = array<i32>} : memref<100x128xf32, #tpu.memory_space<vmem>>, vector<16xf32>,
          %mul3A_2365 = vector.broadcast %squeeze3A_2321 : f32 to vector<16xf32>
          %mul3A_2366 = arith.mulf %get3A_2364, %mul3A_2365 : vector<16xf32>
          %swap3A_2367 = arith.index_cast %add3A_2361 : i32 to index
          %swap3A_2368 = arith.constant 48 : index
          %swap3A_2369 = tpu.vector_load %arg18[%swap3A_2367, %swap3A_2368] {strides = array<i32>} : memref<100x128xf32, #tpu.memory_space<vmem>>, vector<16xf32>,
          tpu.vector_store %arg18[%swap3A_2367, %swap3A_2368], %mul3A_2366 {strides = array<i32>} : memref<100x128xf32, #tpu.memory_space<vmem>>, vector<16xf32>,
          %mul3A_2370 = arith.constant 16 : i32
          %mul3A_2371 = arith.muli %add3A_1041, %mul3A_2370 : i32
          %add3A_2372 = arith.constant 13 : i32
          %add3A_2373 = arith.addi %mul3A_2371, %add3A_2372 : i32
          %get3A_2374 = arith.index_cast %add3A_2373 : i32 to index
          %get3A_2375 = arith.constant 64 : index
          %get3A_2376 = tpu.vector_load %arg18[%get3A_2374, %get3A_2375] {strides = array<i32>} : memref<100x128xf32, #tpu.memory_space<vmem>>, vector<16xf32>,
          %mul3A_2377 = vector.broadcast %squeeze3A_2321 : f32 to vector<16xf32>
          %mul3A_2378 = arith.mulf %get3A_2376, %mul3A_2377 : vector<16xf32>
          %swap3A_2379 = arith.index_cast %add3A_2373 : i32 to index
          %swap3A_2380 = arith.constant 64 : index
          %swap3A_2381 = tpu.vector_load %arg18[%swap3A_2379, %swap3A_2380] {strides = array<i32>} : memref<100x128xf32, #tpu.memory_space<vmem>>, vector<16xf32>,
          tpu.vector_store %arg18[%swap3A_2379, %swap3A_2380], %mul3A_2378 {strides = array<i32>} : memref<100x128xf32, #tpu.memory_space<vmem>>, vector<16xf32>,
          %mul3A_2382 = arith.constant 16 : i32
          %mul3A_2383 = arith.muli %add3A_1041, %mul3A_2382 : i32
          %add3A_2384 = arith.constant 13 : i32
          %add3A_2385 = arith.addi %mul3A_2383, %add3A_2384 : i32
          %get3A_2386 = arith.index_cast %add3A_2385 : i32 to index
          %get3A_2387 = arith.constant 80 : index
          %get3A_2388 = tpu.vector_load %arg18[%get3A_2386, %get3A_2387] {strides = array<i32>} : memref<100x128xf32, #tpu.memory_space<vmem>>, vector<16xf32>,
          %mul3A_2389 = vector.broadcast %squeeze3A_2321 : f32 to vector<16xf32>
          %mul3A_2390 = arith.mulf %get3A_2388, %mul3A_2389 : vector<16xf32>
          %swap3A_2391 = arith.index_cast %add3A_2385 : i32 to index
          %swap3A_2392 = arith.constant 80 : index
          %swap3A_2393 = tpu.vector_load %arg18[%swap3A_2391, %swap3A_2392] {strides = array<i32>} : memref<100x128xf32, #tpu.memory_space<vmem>>, vector<16xf32>,
          tpu.vector_store %arg18[%swap3A_2391, %swap3A_2392], %mul3A_2390 {strides = array<i32>} : memref<100x128xf32, #tpu.memory_space<vmem>>, vector<16xf32>,
          %mul3A_2394 = arith.constant 16 : i32
          %mul3A_2395 = arith.muli %add3A_1041, %mul3A_2394 : i32
          %add3A_2396 = arith.constant 13 : i32
          %add3A_2397 = arith.addi %mul3A_2395, %add3A_2396 : i32
          %get3A_2398 = arith.index_cast %add3A_2397 : i32 to index
          %get3A_2399 = arith.constant 96 : index
          %get3A_2400 = tpu.vector_load %arg18[%get3A_2398, %get3A_2399] {strides = array<i32>} : memref<100x128xf32, #tpu.memory_space<vmem>>, vector<16xf32>,
          %mul3A_2401 = vector.broadcast %squeeze3A_2321 : f32 to vector<16xf32>
          %mul3A_2402 = arith.mulf %get3A_2400, %mul3A_2401 : vector<16xf32>
          %swap3A_2403 = arith.index_cast %add3A_2397 : i32 to index
          %swap3A_2404 = arith.constant 96 : index
          %swap3A_2405 = tpu.vector_load %arg18[%swap3A_2403, %swap3A_2404] {strides = array<i32>} : memref<100x128xf32, #tpu.memory_space<vmem>>, vector<16xf32>,
          tpu.vector_store %arg18[%swap3A_2403, %swap3A_2404], %mul3A_2402 {strides = array<i32>} : memref<100x128xf32, #tpu.memory_space<vmem>>, vector<16xf32>,
          %mul3A_2406 = arith.constant 16 : i32
          %mul3A_2407 = arith.muli %add3A_1041, %mul3A_2406 : i32
          %add3A_2408 = arith.constant 13 : i32
          %add3A_2409 = arith.addi %mul3A_2407, %add3A_2408 : i32
          %get3A_2410 = arith.index_cast %add3A_2409 : i32 to index
          %get3A_2411 = arith.constant 112 : index
          %get3A_2412 = tpu.vector_load %arg18[%get3A_2410, %get3A_2411] {strides = array<i32>} : memref<100x128xf32, #tpu.memory_space<vmem>>, vector<16xf32>,
          %mul3A_2413 = vector.broadcast %squeeze3A_2321 : f32 to vector<16xf32>
          %mul3A_2414 = arith.mulf %get3A_2412, %mul3A_2413 : vector<16xf32>
          %swap3A_2415 = arith.index_cast %add3A_2409 : i32 to index
          %swap3A_2416 = arith.constant 112 : index
          %swap3A_2417 = tpu.vector_load %arg18[%swap3A_2415, %swap3A_2416] {strides = array<i32>} : memref<100x128xf32, #tpu.memory_space<vmem>>, vector<16xf32>,
          tpu.vector_store %arg18[%swap3A_2415, %swap3A_2416], %mul3A_2414 {strides = array<i32>} : memref<100x128xf32, #tpu.memory_space<vmem>>, vector<16xf32>,
          %slice3A_2418 = vector.extract_strided_slice %get3A_1045 {offsets = [14], sizes = [1], strides = [1]} : vector<16xf32> to vector<1xf32>
          %squeeze3A_2419 = vector.extract %slice3A_2418[0] : f32 from vector<1xf32>
          %mul3A_2420 = arith.constant 16 : i32
          %mul3A_2421 = arith.muli %add3A_1041, %mul3A_2420 : i32
          %add3A_2422 = arith.constant 14 : i32
          %add3A_2423 = arith.addi %mul3A_2421, %add3A_2422 : i32
          %get3A_2424 = arith.index_cast %add3A_2423 : i32 to index
          %get3A_2425 = arith.constant 0 : index
          %get3A_2426 = tpu.vector_load %arg18[%get3A_2424, %get3A_2425] {strides = array<i32>} : memref<100x128xf32, #tpu.memory_space<vmem>>, vector<16xf32>,
          %mul3A_2427 = vector.broadcast %squeeze3A_2419 : f32 to vector<16xf32>
          %mul3A_2428 = arith.mulf %get3A_2426, %mul3A_2427 : vector<16xf32>
          %swap3A_2429 = arith.index_cast %add3A_2423 : i32 to index
          %swap3A_2430 = arith.constant 0 : index
          %swap3A_2431 = tpu.vector_load %arg18[%swap3A_2429, %swap3A_2430] {strides = array<i32>} : memref<100x128xf32, #tpu.memory_space<vmem>>, vector<16xf32>,
          tpu.vector_store %arg18[%swap3A_2429, %swap3A_2430], %mul3A_2428 {strides = array<i32>} : memref<100x128xf32, #tpu.memory_space<vmem>>, vector<16xf32>,
          %mul3A_2432 = arith.constant 16 : i32
          %mul3A_2433 = arith.muli %add3A_1041, %mul3A_2432 : i32
          %add3A_2434 = arith.constant 14 : i32
          %add3A_2435 = arith.addi %mul3A_2433, %add3A_2434 : i32
          %get3A_2436 = arith.index_cast %add3A_2435 : i32 to index
          %get3A_2437 = arith.constant 16 : index
          %get3A_2438 = tpu.vector_load %arg18[%get3A_2436, %get3A_2437] {strides = array<i32>} : memref<100x128xf32, #tpu.memory_space<vmem>>, vector<16xf32>,
          %mul3A_2439 = vector.broadcast %squeeze3A_2419 : f32 to vector<16xf32>
          %mul3A_2440 = arith.mulf %get3A_2438, %mul3A_2439 : vector<16xf32>
          %swap3A_2441 = arith.index_cast %add3A_2435 : i32 to index
          %swap3A_2442 = arith.constant 16 : index
          %swap3A_2443 = tpu.vector_load %arg18[%swap3A_2441, %swap3A_2442] {strides = array<i32>} : memref<100x128xf32, #tpu.memory_space<vmem>>, vector<16xf32>,
          tpu.vector_store %arg18[%swap3A_2441, %swap3A_2442], %mul3A_2440 {strides = array<i32>} : memref<100x128xf32, #tpu.memory_space<vmem>>, vector<16xf32>,
          %mul3A_2444 = arith.constant 16 : i32
          %mul3A_2445 = arith.muli %add3A_1041, %mul3A_2444 : i32
          %add3A_2446 = arith.constant 14 : i32
          %add3A_2447 = arith.addi %mul3A_2445, %add3A_2446 : i32
          %get3A_2448 = arith.index_cast %add3A_2447 : i32 to index
          %get3A_2449 = arith.constant 32 : index
          %get3A_2450 = tpu.vector_load %arg18[%get3A_2448, %get3A_2449] {strides = array<i32>} : memref<100x128xf32, #tpu.memory_space<vmem>>, vector<16xf32>,
          %mul3A_2451 = vector.broadcast %squeeze3A_2419 : f32 to vector<16xf32>
          %mul3A_2452 = arith.mulf %get3A_2450, %mul3A_2451 : vector<16xf32>
          %swap3A_2453 = arith.index_cast %add3A_2447 : i32 to index
          %swap3A_2454 = arith.constant 32 : index
          %swap3A_2455 = tpu.vector_load %arg18[%swap3A_2453, %swap3A_2454] {strides = array<i32>} : memref<100x128xf32, #tpu.memory_space<vmem>>, vector<16xf32>,
          tpu.vector_store %arg18[%swap3A_2453, %swap3A_2454], %mul3A_2452 {strides = array<i32>} : memref<100x128xf32, #tpu.memory_space<vmem>>, vector<16xf32>,
          %mul3A_2456 = arith.constant 16 : i32
          %mul3A_2457 = arith.muli %add3A_1041, %mul3A_2456 : i32
          %add3A_2458 = arith.constant 14 : i32
          %add3A_2459 = arith.addi %mul3A_2457, %add3A_2458 : i32
          %get3A_2460 = arith.index_cast %add3A_2459 : i32 to index
          %get3A_2461 = arith.constant 48 : index
          %get3A_2462 = tpu.vector_load %arg18[%get3A_2460, %get3A_2461] {strides = array<i32>} : memref<100x128xf32, #tpu.memory_space<vmem>>, vector<16xf32>,
          %mul3A_2463 = vector.broadcast %squeeze3A_2419 : f32 to vector<16xf32>
          %mul3A_2464 = arith.mulf %get3A_2462, %mul3A_2463 : vector<16xf32>
          %swap3A_2465 = arith.index_cast %add3A_2459 : i32 to index
          %swap3A_2466 = arith.constant 48 : index
          %swap3A_2467 = tpu.vector_load %arg18[%swap3A_2465, %swap3A_2466] {strides = array<i32>} : memref<100x128xf32, #tpu.memory_space<vmem>>, vector<16xf32>,
          tpu.vector_store %arg18[%swap3A_2465, %swap3A_2466], %mul3A_2464 {strides = array<i32>} : memref<100x128xf32, #tpu.memory_space<vmem>>, vector<16xf32>,
          %mul3A_2468 = arith.constant 16 : i32
          %mul3A_2469 = arith.muli %add3A_1041, %mul3A_2468 : i32
          %add3A_2470 = arith.constant 14 : i32
          %add3A_2471 = arith.addi %mul3A_2469, %add3A_2470 : i32
          %get3A_2472 = arith.index_cast %add3A_2471 : i32 to index
          %get3A_2473 = arith.constant 64 : index
          %get3A_2474 = tpu.vector_load %arg18[%get3A_2472, %get3A_2473] {strides = array<i32>} : memref<100x128xf32, #tpu.memory_space<vmem>>, vector<16xf32>,
          %mul3A_2475 = vector.broadcast %squeeze3A_2419 : f32 to vector<16xf32>
          %mul3A_2476 = arith.mulf %get3A_2474, %mul3A_2475 : vector<16xf32>
          %swap3A_2477 = arith.index_cast %add3A_2471 : i32 to index
          %swap3A_2478 = arith.constant 64 : index
          %swap3A_2479 = tpu.vector_load %arg18[%swap3A_2477, %swap3A_2478] {strides = array<i32>} : memref<100x128xf32, #tpu.memory_space<vmem>>, vector<16xf32>,
          tpu.vector_store %arg18[%swap3A_2477, %swap3A_2478], %mul3A_2476 {strides = array<i32>} : memref<100x128xf32, #tpu.memory_space<vmem>>, vector<16xf32>,
          %mul3A_2480 = arith.constant 16 : i32
          %mul3A_2481 = arith.muli %add3A_1041, %mul3A_2480 : i32
          %add3A_2482 = arith.constant 14 : i32
          %add3A_2483 = arith.addi %mul3A_2481, %add3A_2482 : i32
          %get3A_2484 = arith.index_cast %add3A_2483 : i32 to index
          %get3A_2485 = arith.constant 80 : index
          %get3A_2486 = tpu.vector_load %arg18[%get3A_2484, %get3A_2485] {strides = array<i32>} : memref<100x128xf32, #tpu.memory_space<vmem>>, vector<16xf32>,
          %mul3A_2487 = vector.broadcast %squeeze3A_2419 : f32 to vector<16xf32>
          %mul3A_2488 = arith.mulf %get3A_2486, %mul3A_2487 : vector<16xf32>
          %swap3A_2489 = arith.index_cast %add3A_2483 : i32 to index
          %swap3A_2490 = arith.constant 80 : index
          %swap3A_2491 = tpu.vector_load %arg18[%swap3A_2489, %swap3A_2490] {strides = array<i32>} : memref<100x128xf32, #tpu.memory_space<vmem>>, vector<16xf32>,
          tpu.vector_store %arg18[%swap3A_2489, %swap3A_2490], %mul3A_2488 {strides = array<i32>} : memref<100x128xf32, #tpu.memory_space<vmem>>, vector<16xf32>,
          %mul3A_2492 = arith.constant 16 : i32
          %mul3A_2493 = arith.muli %add3A_1041, %mul3A_2492 : i32
          %add3A_2494 = arith.constant 14 : i32
          %add3A_2495 = arith.addi %mul3A_2493, %add3A_2494 : i32
          %get3A_2496 = arith.index_cast %add3A_2495 : i32 to index
          %get3A_2497 = arith.constant 96 : index
          %get3A_2498 = tpu.vector_load %arg18[%get3A_2496, %get3A_2497] {strides = array<i32>} : memref<100x128xf32, #tpu.memory_space<vmem>>, vector<16xf32>,
          %mul3A_2499 = vector.broadcast %squeeze3A_2419 : f32 to vector<16xf32>
          %mul3A_2500 = arith.mulf %get3A_2498, %mul3A_2499 : vector<16xf32>
          %swap3A_2501 = arith.index_cast %add3A_2495 : i32 to index
          %swap3A_2502 = arith.constant 96 : index
          %swap3A_2503 = tpu.vector_load %arg18[%swap3A_2501, %swap3A_2502] {strides = array<i32>} : memref<100x128xf32, #tpu.memory_space<vmem>>, vector<16xf32>,
          tpu.vector_store %arg18[%swap3A_2501, %swap3A_2502], %mul3A_2500 {strides = array<i32>} : memref<100x128xf32, #tpu.memory_space<vmem>>, vector<16xf32>,
          %mul3A_2504 = arith.constant 16 : i32
          %mul3A_2505 = arith.muli %add3A_1041, %mul3A_2504 : i32
          %add3A_2506 = arith.constant 14 : i32
          %add3A_2507 = arith.addi %mul3A_2505, %add3A_2506 : i32
          %get3A_2508 = arith.index_cast %add3A_2507 : i32 to index
          %get3A_2509 = arith.constant 112 : index
          %get3A_2510 = tpu.vector_load %arg18[%get3A_2508, %get3A_2509] {strides = array<i32>} : memref<100x128xf32, #tpu.memory_space<vmem>>, vector<16xf32>,
          %mul3A_2511 = vector.broadcast %squeeze3A_2419 : f32 to vector<16xf32>
          %mul3A_2512 = arith.mulf %get3A_2510, %mul3A_2511 : vector<16xf32>
          %swap3A_2513 = arith.index_cast %add3A_2507 : i32 to index
          %swap3A_2514 = arith.constant 112 : index
          %swap3A_2515 = tpu.vector_load %arg18[%swap3A_2513, %swap3A_2514] {strides = array<i32>} : memref<100x128xf32, #tpu.memory_space<vmem>>, vector<16xf32>,
          tpu.vector_store %arg18[%swap3A_2513, %swap3A_2514], %mul3A_2512 {strides = array<i32>} : memref<100x128xf32, #tpu.memory_space<vmem>>, vector<16xf32>,
          %slice3A_2516 = vector.extract_strided_slice %get3A_1045 {offsets = [15], sizes = [1], strides = [1]} : vector<16xf32> to vector<1xf32>
          %squeeze3A_2517 = vector.extract %slice3A_2516[0] : f32 from vector<1xf32>
          %mul3A_2518 = arith.constant 16 : i32
          %mul3A_2519 = arith.muli %add3A_1041, %mul3A_2518 : i32
          %add3A_2520 = arith.constant 15 : i32
          %add3A_2521 = arith.addi %mul3A_2519, %add3A_2520 : i32
          %get3A_2522 = arith.index_cast %add3A_2521 : i32 to index
          %get3A_2523 = arith.constant 0 : index
          %get3A_2524 = tpu.vector_load %arg18[%get3A_2522, %get3A_2523] {strides = array<i32>} : memref<100x128xf32, #tpu.memory_space<vmem>>, vector<16xf32>,
          %mul3A_2525 = vector.broadcast %squeeze3A_2517 : f32 to vector<16xf32>
          %mul3A_2526 = arith.mulf %get3A_2524, %mul3A_2525 : vector<16xf32>
          %swap3A_2527 = arith.index_cast %add3A_2521 : i32 to index
          %swap3A_2528 = arith.constant 0 : index
          %swap3A_2529 = tpu.vector_load %arg18[%swap3A_2527, %swap3A_2528] {strides = array<i32>} : memref<100x128xf32, #tpu.memory_space<vmem>>, vector<16xf32>,
          tpu.vector_store %arg18[%swap3A_2527, %swap3A_2528], %mul3A_2526 {strides = array<i32>} : memref<100x128xf32, #tpu.memory_space<vmem>>, vector<16xf32>,
          %mul3A_2530 = arith.constant 16 : i32
          %mul3A_2531 = arith.muli %add3A_1041, %mul3A_2530 : i32
          %add3A_2532 = arith.constant 15 : i32
          %add3A_2533 = arith.addi %mul3A_2531, %add3A_2532 : i32
          %get3A_2534 = arith.index_cast %add3A_2533 : i32 to index
          %get3A_2535 = arith.constant 16 : index
          %get3A_2536 = tpu.vector_load %arg18[%get3A_2534, %get3A_2535] {strides = array<i32>} : memref<100x128xf32, #tpu.memory_space<vmem>>, vector<16xf32>,
          %mul3A_2537 = vector.broadcast %squeeze3A_2517 : f32 to vector<16xf32>
          %mul3A_2538 = arith.mulf %get3A_2536, %mul3A_2537 : vector<16xf32>
          %swap3A_2539 = arith.index_cast %add3A_2533 : i32 to index
          %swap3A_2540 = arith.constant 16 : index
          %swap3A_2541 = tpu.vector_load %arg18[%swap3A_2539, %swap3A_2540] {strides = array<i32>} : memref<100x128xf32, #tpu.memory_space<vmem>>, vector<16xf32>,
          tpu.vector_store %arg18[%swap3A_2539, %swap3A_2540], %mul3A_2538 {strides = array<i32>} : memref<100x128xf32, #tpu.memory_space<vmem>>, vector<16xf32>,
          %mul3A_2542 = arith.constant 16 : i32
          %mul3A_2543 = arith.muli %add3A_1041, %mul3A_2542 : i32
          %add3A_2544 = arith.constant 15 : i32
          %add3A_2545 = arith.addi %mul3A_2543, %add3A_2544 : i32
          %get3A_2546 = arith.index_cast %add3A_2545 : i32 to index
          %get3A_2547 = arith.constant 32 : index
          %get3A_2548 = tpu.vector_load %arg18[%get3A_2546, %get3A_2547] {strides = array<i32>} : memref<100x128xf32, #tpu.memory_space<vmem>>, vector<16xf32>,
          %mul3A_2549 = vector.broadcast %squeeze3A_2517 : f32 to vector<16xf32>
          %mul3A_2550 = arith.mulf %get3A_2548, %mul3A_2549 : vector<16xf32>
          %swap3A_2551 = arith.index_cast %add3A_2545 : i32 to index
          %swap3A_2552 = arith.constant 32 : index
          %swap3A_2553 = tpu.vector_load %arg18[%swap3A_2551, %swap3A_2552] {strides = array<i32>} : memref<100x128xf32, #tpu.memory_space<vmem>>, vector<16xf32>,
          tpu.vector_store %arg18[%swap3A_2551, %swap3A_2552], %mul3A_2550 {strides = array<i32>} : memref<100x128xf32, #tpu.memory_space<vmem>>, vector<16xf32>,
          %mul3A_2554 = arith.constant 16 : i32
          %mul3A_2555 = arith.muli %add3A_1041, %mul3A_2554 : i32
          %add3A_2556 = arith.constant 15 : i32
          %add3A_2557 = arith.addi %mul3A_2555, %add3A_2556 : i32
          %get3A_2558 = arith.index_cast %add3A_2557 : i32 to index
          %get3A_2559 = arith.constant 48 : index
          %get3A_2560 = tpu.vector_load %arg18[%get3A_2558, %get3A_2559] {strides = array<i32>} : memref<100x128xf32, #tpu.memory_space<vmem>>, vector<16xf32>,
          %mul3A_2561 = vector.broadcast %squeeze3A_2517 : f32 to vector<16xf32>
          %mul3A_2562 = arith.mulf %get3A_2560, %mul3A_2561 : vector<16xf32>
          %swap3A_2563 = arith.index_cast %add3A_2557 : i32 to index
          %swap3A_2564 = arith.constant 48 : index
          %swap3A_2565 = tpu.vector_load %arg18[%swap3A_2563, %swap3A_2564] {strides = array<i32>} : memref<100x128xf32, #tpu.memory_space<vmem>>, vector<16xf32>,
          tpu.vector_store %arg18[%swap3A_2563, %swap3A_2564], %mul3A_2562 {strides = array<i32>} : memref<100x128xf32, #tpu.memory_space<vmem>>, vector<16xf32>,
          %mul3A_2566 = arith.constant 16 : i32
          %mul3A_2567 = arith.muli %add3A_1041, %mul3A_2566 : i32
          %add3A_2568 = arith.constant 15 : i32
          %add3A_2569 = arith.addi %mul3A_2567, %add3A_2568 : i32
          %get3A_2570 = arith.index_cast %add3A_2569 : i32 to index
          %get3A_2571 = arith.constant 64 : index
          %get3A_2572 = tpu.vector_load %arg18[%get3A_2570, %get3A_2571] {strides = array<i32>} : memref<100x128xf32, #tpu.memory_space<vmem>>, vector<16xf32>,
          %mul3A_2573 = vector.broadcast %squeeze3A_2517 : f32 to vector<16xf32>
          %mul3A_2574 = arith.mulf %get3A_2572, %mul3A_2573 : vector<16xf32>
          %swap3A_2575 = arith.index_cast %add3A_2569 : i32 to index
          %swap3A_2576 = arith.constant 64 : index
          %swap3A_2577 = tpu.vector_load %arg18[%swap3A_2575, %swap3A_2576] {strides = array<i32>} : memref<100x128xf32, #tpu.memory_space<vmem>>, vector<16xf32>,
          tpu.vector_store %arg18[%swap3A_2575, %swap3A_2576], %mul3A_2574 {strides = array<i32>} : memref<100x128xf32, #tpu.memory_space<vmem>>, vector<16xf32>,
          %mul3A_2578 = arith.constant 16 : i32
          %mul3A_2579 = arith.muli %add3A_1041, %mul3A_2578 : i32
          %add3A_2580 = arith.constant 15 : i32
          %add3A_2581 = arith.addi %mul3A_2579, %add3A_2580 : i32
          %get3A_2582 = arith.index_cast %add3A_2581 : i32 to index
          %get3A_2583 = arith.constant 80 : index
          %get3A_2584 = tpu.vector_load %arg18[%get3A_2582, %get3A_2583] {strides = array<i32>} : memref<100x128xf32, #tpu.memory_space<vmem>>, vector<16xf32>,
          %mul3A_2585 = vector.broadcast %squeeze3A_2517 : f32 to vector<16xf32>
          %mul3A_2586 = arith.mulf %get3A_2584, %mul3A_2585 : vector<16xf32>
          %swap3A_2587 = arith.index_cast %add3A_2581 : i32 to index
          %swap3A_2588 = arith.constant 80 : index
          %swap3A_2589 = tpu.vector_load %arg18[%swap3A_2587, %swap3A_2588] {strides = array<i32>} : memref<100x128xf32, #tpu.memory_space<vmem>>, vector<16xf32>,
          tpu.vector_store %arg18[%swap3A_2587, %swap3A_2588], %mul3A_2586 {strides = array<i32>} : memref<100x128xf32, #tpu.memory_space<vmem>>, vector<16xf32>,
          %mul3A_2590 = arith.constant 16 : i32
          %mul3A_2591 = arith.muli %add3A_1041, %mul3A_2590 : i32
          %add3A_2592 = arith.constant 15 : i32
          %add3A_2593 = arith.addi %mul3A_2591, %add3A_2592 : i32
          %get3A_2594 = arith.index_cast %add3A_2593 : i32 to index
          %get3A_2595 = arith.constant 96 : index
          %get3A_2596 = tpu.vector_load %arg18[%get3A_2594, %get3A_2595] {strides = array<i32>} : memref<100x128xf32, #tpu.memory_space<vmem>>, vector<16xf32>,
          %mul3A_2597 = vector.broadcast %squeeze3A_2517 : f32 to vector<16xf32>
          %mul3A_2598 = arith.mulf %get3A_2596, %mul3A_2597 : vector<16xf32>
          %swap3A_2599 = arith.index_cast %add3A_2593 : i32 to index
          %swap3A_2600 = arith.constant 96 : index
          %swap3A_2601 = tpu.vector_load %arg18[%swap3A_2599, %swap3A_2600] {strides = array<i32>} : memref<100x128xf32, #tpu.memory_space<vmem>>, vector<16xf32>,
          tpu.vector_store %arg18[%swap3A_2599, %swap3A_2600], %mul3A_2598 {strides = array<i32>} : memref<100x128xf32, #tpu.memory_space<vmem>>, vector<16xf32>,
          %mul3A_2602 = arith.constant 16 : i32
          %mul3A_2603 = arith.muli %add3A_1041, %mul3A_2602 : i32
          %add3A_2604 = arith.constant 15 : i32
          %add3A_2605 = arith.addi %mul3A_2603, %add3A_2604 : i32
          %get3A_2606 = arith.index_cast %add3A_2605 : i32 to index
          %get3A_2607 = arith.constant 112 : index
          %get3A_2608 = tpu.vector_load %arg18[%get3A_2606, %get3A_2607] {strides = array<i32>} : memref<100x128xf32, #tpu.memory_space<vmem>>, vector<16xf32>,
          %mul3A_2609 = vector.broadcast %squeeze3A_2517 : f32 to vector<16xf32>
          %mul3A_2610 = arith.mulf %get3A_2608, %mul3A_2609 : vector<16xf32>
          %swap3A_2611 = arith.index_cast %add3A_2605 : i32 to index
          %swap3A_2612 = arith.constant 112 : index
          %swap3A_2613 = tpu.vector_load %arg18[%swap3A_2611, %swap3A_2612] {strides = array<i32>} : memref<100x128xf32, #tpu.memory_space<vmem>>, vector<16xf32>,
          tpu.vector_store %arg18[%swap3A_2611, %swap3A_2612], %mul3A_2610 {strides = array<i32>} : memref<100x128xf32, #tpu.memory_space<vmem>>, vector<16xf32>,
        }
        %scan3A_665 = arith.constant 6 : i32
        %get3A_666 = arith.constant 96 : index
        %get3A_667 = tpu.vector_load %arg17[%get3A_666] {strides = array<i32>} : memref<112xf32, #tpu.memory_space<vmem>>, vector<16xf32>,
        %slice3A_668 = vector.extract_strided_slice %get3A_667 {offsets = [0], sizes = [1], strides = [1]} : vector<16xf32> to vector<1xf32>
        %squeeze3A_669 = vector.extract %slice3A_668[0] : f32 from vector<1xf32>
        %get3A_670 = arith.constant 96 : i32
        %get3A_671 = arith.index_cast %get3A_670 : i32 to index
        %get3A_672 = arith.constant 0 : index
        %get3A_673 = tpu.vector_load %arg18[%get3A_671, %get3A_672] {strides = array<i32>} : memref<100x128xf32, #tpu.memory_space<vmem>>, vector<16xf32>,
        %mul3A_674 = vector.broadcast %squeeze3A_669 : f32 to vector<16xf32>
        %mul3A_675 = arith.mulf %get3A_673, %mul3A_674 : vector<16xf32>
        %swap3A_676 = arith.constant 96 : i32
        %swap3A_677 = arith.index_cast %swap3A_676 : i32 to index
        %swap3A_678 = arith.constant 0 : index
        %swap3A_679 = tpu.vector_load %arg18[%swap3A_677, %swap3A_678] {strides = array<i32>} : memref<100x128xf32, #tpu.memory_space<vmem>>, vector<16xf32>,
        tpu.vector_store %arg18[%swap3A_677, %swap3A_678], %mul3A_675 {strides = array<i32>} : memref<100x128xf32, #tpu.memory_space<vmem>>, vector<16xf32>,
        %get3A_680 = arith.constant 96 : i32
        %get3A_681 = arith.index_cast %get3A_680 : i32 to index
        %get3A_682 = arith.constant 16 : index
        %get3A_683 = tpu.vector_load %arg18[%get3A_681, %get3A_682] {strides = array<i32>} : memref<100x128xf32, #tpu.memory_space<vmem>>, vector<16xf32>,
        %mul3A_684 = vector.broadcast %squeeze3A_669 : f32 to vector<16xf32>
        %mul3A_685 = arith.mulf %get3A_683, %mul3A_684 : vector<16xf32>
        %swap3A_686 = arith.constant 96 : i32
        %swap3A_687 = arith.index_cast %swap3A_686 : i32 to index
        %swap3A_688 = arith.constant 16 : index
        %swap3A_689 = tpu.vector_load %arg18[%swap3A_687, %swap3A_688] {strides = array<i32>} : memref<100x128xf32, #tpu.memory_space<vmem>>, vector<16xf32>,
        tpu.vector_store %arg18[%swap3A_687, %swap3A_688], %mul3A_685 {strides = array<i32>} : memref<100x128xf32, #tpu.memory_space<vmem>>, vector<16xf32>,
        %get3A_690 = arith.constant 96 : i32
        %get3A_691 = arith.index_cast %get3A_690 : i32 to index
        %get3A_692 = arith.constant 32 : index
        %get3A_693 = tpu.vector_load %arg18[%get3A_691, %get3A_692] {strides = array<i32>} : memref<100x128xf32, #tpu.memory_space<vmem>>, vector<16xf32>,
        %mul3A_694 = vector.broadcast %squeeze3A_669 : f32 to vector<16xf32>
        %mul3A_695 = arith.mulf %get3A_693, %mul3A_694 : vector<16xf32>
        %swap3A_696 = arith.constant 96 : i32
        %swap3A_697 = arith.index_cast %swap3A_696 : i32 to index
        %swap3A_698 = arith.constant 32 : index
        %swap3A_699 = tpu.vector_load %arg18[%swap3A_697, %swap3A_698] {strides = array<i32>} : memref<100x128xf32, #tpu.memory_space<vmem>>, vector<16xf32>,
        tpu.vector_store %arg18[%swap3A_697, %swap3A_698], %mul3A_695 {strides = array<i32>} : memref<100x128xf32, #tpu.memory_space<vmem>>, vector<16xf32>,
        %get3A_700 = arith.constant 96 : i32
        %get3A_701 = arith.index_cast %get3A_700 : i32 to index
        %get3A_702 = arith.constant 48 : index
        %get3A_703 = tpu.vector_load %arg18[%get3A_701, %get3A_702] {strides = array<i32>} : memref<100x128xf32, #tpu.memory_space<vmem>>, vector<16xf32>,
        %mul3A_704 = vector.broadcast %squeeze3A_669 : f32 to vector<16xf32>
        %mul3A_705 = arith.mulf %get3A_703, %mul3A_704 : vector<16xf32>
        %swap3A_706 = arith.constant 96 : i32
        %swap3A_707 = arith.index_cast %swap3A_706 : i32 to index
        %swap3A_708 = arith.constant 48 : index
        %swap3A_709 = tpu.vector_load %arg18[%swap3A_707, %swap3A_708] {strides = array<i32>} : memref<100x128xf32, #tpu.memory_space<vmem>>, vector<16xf32>,
        tpu.vector_store %arg18[%swap3A_707, %swap3A_708], %mul3A_705 {strides = array<i32>} : memref<100x128xf32, #tpu.memory_space<vmem>>, vector<16xf32>,
        %get3A_710 = arith.constant 96 : i32
        %get3A_711 = arith.index_cast %get3A_710 : i32 to index
        %get3A_712 = arith.constant 64 : index
        %get3A_713 = tpu.vector_load %arg18[%get3A_711, %get3A_712] {strides = array<i32>} : memref<100x128xf32, #tpu.memory_space<vmem>>, vector<16xf32>,
        %mul3A_714 = vector.broadcast %squeeze3A_669 : f32 to vector<16xf32>
        %mul3A_715 = arith.mulf %get3A_713, %mul3A_714 : vector<16xf32>
        %swap3A_716 = arith.constant 96 : i32
        %swap3A_717 = arith.index_cast %swap3A_716 : i32 to index
        %swap3A_718 = arith.constant 64 : index
        %swap3A_719 = tpu.vector_load %arg18[%swap3A_717, %swap3A_718] {strides = array<i32>} : memref<100x128xf32, #tpu.memory_space<vmem>>, vector<16xf32>,
        tpu.vector_store %arg18[%swap3A_717, %swap3A_718], %mul3A_715 {strides = array<i32>} : memref<100x128xf32, #tpu.memory_space<vmem>>, vector<16xf32>,
        %get3A_720 = arith.constant 96 : i32
        %get3A_721 = arith.index_cast %get3A_720 : i32 to index
        %get3A_722 = arith.constant 80 : index
        %get3A_723 = tpu.vector_load %arg18[%get3A_721, %get3A_722] {strides = array<i32>} : memref<100x128xf32, #tpu.memory_space<vmem>>, vector<16xf32>,
        %mul3A_724 = vector.broadcast %squeeze3A_669 : f32 to vector<16xf32>
        %mul3A_725 = arith.mulf %get3A_723, %mul3A_724 : vector<16xf32>
        %swap3A_726 = arith.constant 96 : i32
        %swap3A_727 = arith.index_cast %swap3A_726 : i32 to index
        %swap3A_728 = arith.constant 80 : index
        %swap3A_729 = tpu.vector_load %arg18[%swap3A_727, %swap3A_728] {strides = array<i32>} : memref<100x128xf32, #tpu.memory_space<vmem>>, vector<16xf32>,
        tpu.vector_store %arg18[%swap3A_727, %swap3A_728], %mul3A_725 {strides = array<i32>} : memref<100x128xf32, #tpu.memory_space<vmem>>, vector<16xf32>,
        %get3A_730 = arith.constant 96 : i32
        %get3A_731 = arith.index_cast %get3A_730 : i32 to index
        %get3A_732 = arith.constant 96 : index
        %get3A_733 = tpu.vector_load %arg18[%get3A_731, %get3A_732] {strides = array<i32>} : memref<100x128xf32, #tpu.memory_space<vmem>>, vector<16xf32>,
        %mul3A_734 = vector.broadcast %squeeze3A_669 : f32 to vector<16xf32>
        %mul3A_735 = arith.mulf %get3A_733, %mul3A_734 : vector<16xf32>
        %swap3A_736 = arith.constant 96 : i32
        %swap3A_737 = arith.index_cast %swap3A_736 : i32 to index
        %swap3A_738 = arith.constant 96 : index
        %swap3A_739 = tpu.vector_load %arg18[%swap3A_737, %swap3A_738] {strides = array<i32>} : memref<100x128xf32, #tpu.memory_space<vmem>>, vector<16xf32>,
        tpu.vector_store %arg18[%swap3A_737, %swap3A_738], %mul3A_735 {strides = array<i32>} : memref<100x128xf32, #tpu.memory_space<vmem>>, vector<16xf32>,
        %get3A_740 = arith.constant 96 : i32
        %get3A_741 = arith.index_cast %get3A_740 : i32 to index
        %get3A_742 = arith.constant 112 : index
        %get3A_743 = tpu.vector_load %arg18[%get3A_741, %get3A_742] {strides = array<i32>} : memref<100x128xf32, #tpu.memory_space<vmem>>, vector<16xf32>,
        %mul3A_744 = vector.broadcast %squeeze3A_669 : f32 to vector<16xf32>
        %mul3A_745 = arith.mulf %get3A_743, %mul3A_744 : vector<16xf32>
        %swap3A_746 = arith.constant 96 : i32
        %swap3A_747 = arith.index_cast %swap3A_746 : i32 to index
        %swap3A_748 = arith.constant 112 : index
        %swap3A_749 = tpu.vector_load %arg18[%swap3A_747, %swap3A_748] {strides = array<i32>} : memref<100x128xf32, #tpu.memory_space<vmem>>, vector<16xf32>,
        tpu.vector_store %arg18[%swap3A_747, %swap3A_748], %mul3A_745 {strides = array<i32>} : memref<100x128xf32, #tpu.memory_space<vmem>>, vector<16xf32>,
        %slice3A_750 = vector.extract_strided_slice %get3A_667 {offsets = [1], sizes = [1], strides = [1]} : vector<16xf32> to vector<1xf32>
        %squeeze3A_751 = vector.extract %slice3A_750[0] : f32 from vector<1xf32>
        %get3A_752 = arith.constant 97 : i32
        %get3A_753 = arith.index_cast %get3A_752 : i32 to index
        %get3A_754 = arith.constant 0 : index
        %get3A_755 = tpu.vector_load %arg18[%get3A_753, %get3A_754] {strides = array<i32>} : memref<100x128xf32, #tpu.memory_space<vmem>>, vector<16xf32>,
        %mul3A_756 = vector.broadcast %squeeze3A_751 : f32 to vector<16xf32>
        %mul3A_757 = arith.mulf %get3A_755, %mul3A_756 : vector<16xf32>
        %swap3A_758 = arith.constant 97 : i32
        %swap3A_759 = arith.index_cast %swap3A_758 : i32 to index
        %swap3A_760 = arith.constant 0 : index
        %swap3A_761 = tpu.vector_load %arg18[%swap3A_759, %swap3A_760] {strides = array<i32>} : memref<100x128xf32, #tpu.memory_space<vmem>>, vector<16xf32>,
        tpu.vector_store %arg18[%swap3A_759, %swap3A_760], %mul3A_757 {strides = array<i32>} : memref<100x128xf32, #tpu.memory_space<vmem>>, vector<16xf32>,
        %get3A_762 = arith.constant 97 : i32
        %get3A_763 = arith.index_cast %get3A_762 : i32 to index
        %get3A_764 = arith.constant 16 : index
        %get3A_765 = tpu.vector_load %arg18[%get3A_763, %get3A_764] {strides = array<i32>} : memref<100x128xf32, #tpu.memory_space<vmem>>, vector<16xf32>,
        %mul3A_766 = vector.broadcast %squeeze3A_751 : f32 to vector<16xf32>
        %mul3A_767 = arith.mulf %get3A_765, %mul3A_766 : vector<16xf32>
        %swap3A_768 = arith.constant 97 : i32
        %swap3A_769 = arith.index_cast %swap3A_768 : i32 to index
        %swap3A_770 = arith.constant 16 : index
        %swap3A_771 = tpu.vector_load %arg18[%swap3A_769, %swap3A_770] {strides = array<i32>} : memref<100x128xf32, #tpu.memory_space<vmem>>, vector<16xf32>,
        tpu.vector_store %arg18[%swap3A_769, %swap3A_770], %mul3A_767 {strides = array<i32>} : memref<100x128xf32, #tpu.memory_space<vmem>>, vector<16xf32>,
        %get3A_772 = arith.constant 97 : i32
        %get3A_773 = arith.index_cast %get3A_772 : i32 to index
        %get3A_774 = arith.constant 32 : index
        %get3A_775 = tpu.vector_load %arg18[%get3A_773, %get3A_774] {strides = array<i32>} : memref<100x128xf32, #tpu.memory_space<vmem>>, vector<16xf32>,
        %mul3A_776 = vector.broadcast %squeeze3A_751 : f32 to vector<16xf32>
        %mul3A_777 = arith.mulf %get3A_775, %mul3A_776 : vector<16xf32>
        %swap3A_778 = arith.constant 97 : i32
        %swap3A_779 = arith.index_cast %swap3A_778 : i32 to index
        %swap3A_780 = arith.constant 32 : index
        %swap3A_781 = tpu.vector_load %arg18[%swap3A_779, %swap3A_780] {strides = array<i32>} : memref<100x128xf32, #tpu.memory_space<vmem>>, vector<16xf32>,
        tpu.vector_store %arg18[%swap3A_779, %swap3A_780], %mul3A_777 {strides = array<i32>} : memref<100x128xf32, #tpu.memory_space<vmem>>, vector<16xf32>,
        %get3A_782 = arith.constant 97 : i32
        %get3A_783 = arith.index_cast %get3A_782 : i32 to index
        %get3A_784 = arith.constant 48 : index
        %get3A_785 = tpu.vector_load %arg18[%get3A_783, %get3A_784] {strides = array<i32>} : memref<100x128xf32, #tpu.memory_space<vmem>>, vector<16xf32>,
        %mul3A_786 = vector.broadcast %squeeze3A_751 : f32 to vector<16xf32>
        %mul3A_787 = arith.mulf %get3A_785, %mul3A_786 : vector<16xf32>
        %swap3A_788 = arith.constant 97 : i32
        %swap3A_789 = arith.index_cast %swap3A_788 : i32 to index
        %swap3A_790 = arith.constant 48 : index
        %swap3A_791 = tpu.vector_load %arg18[%swap3A_789, %swap3A_790] {strides = array<i32>} : memref<100x128xf32, #tpu.memory_space<vmem>>, vector<16xf32>,
        tpu.vector_store %arg18[%swap3A_789, %swap3A_790], %mul3A_787 {strides = array<i32>} : memref<100x128xf32, #tpu.memory_space<vmem>>, vector<16xf32>,
        %get3A_792 = arith.constant 97 : i32
        %get3A_793 = arith.index_cast %get3A_792 : i32 to index
        %get3A_794 = arith.constant 64 : index
        %get3A_795 = tpu.vector_load %arg18[%get3A_793, %get3A_794] {strides = array<i32>} : memref<100x128xf32, #tpu.memory_space<vmem>>, vector<16xf32>,
        %mul3A_796 = vector.broadcast %squeeze3A_751 : f32 to vector<16xf32>
        %mul3A_797 = arith.mulf %get3A_795, %mul3A_796 : vector<16xf32>
        %swap3A_798 = arith.constant 97 : i32
        %swap3A_799 = arith.index_cast %swap3A_798 : i32 to index
        %swap3A_800 = arith.constant 64 : index
        %swap3A_801 = tpu.vector_load %arg18[%swap3A_799, %swap3A_800] {strides = array<i32>} : memref<100x128xf32, #tpu.memory_space<vmem>>, vector<16xf32>,
        tpu.vector_store %arg18[%swap3A_799, %swap3A_800], %mul3A_797 {strides = array<i32>} : memref<100x128xf32, #tpu.memory_space<vmem>>, vector<16xf32>,
        %get3A_802 = arith.constant 97 : i32
        %get3A_803 = arith.index_cast %get3A_802 : i32 to index
        %get3A_804 = arith.constant 80 : index
        %get3A_805 = tpu.vector_load %arg18[%get3A_803, %get3A_804] {strides = array<i32>} : memref<100x128xf32, #tpu.memory_space<vmem>>, vector<16xf32>,
        %mul3A_806 = vector.broadcast %squeeze3A_751 : f32 to vector<16xf32>
        %mul3A_807 = arith.mulf %get3A_805, %mul3A_806 : vector<16xf32>
        %swap3A_808 = arith.constant 97 : i32
        %swap3A_809 = arith.index_cast %swap3A_808 : i32 to index
        %swap3A_810 = arith.constant 80 : index
        %swap3A_811 = tpu.vector_load %arg18[%swap3A_809, %swap3A_810] {strides = array<i32>} : memref<100x128xf32, #tpu.memory_space<vmem>>, vector<16xf32>,
        tpu.vector_store %arg18[%swap3A_809, %swap3A_810], %mul3A_807 {strides = array<i32>} : memref<100x128xf32, #tpu.memory_space<vmem>>, vector<16xf32>,
        %get3A_812 = arith.constant 97 : i32
        %get3A_813 = arith.index_cast %get3A_812 : i32 to index
        %get3A_814 = arith.constant 96 : index
        %get3A_815 = tpu.vector_load %arg18[%get3A_813, %get3A_814] {strides = array<i32>} : memref<100x128xf32, #tpu.memory_space<vmem>>, vector<16xf32>,
        %mul3A_816 = vector.broadcast %squeeze3A_751 : f32 to vector<16xf32>
        %mul3A_817 = arith.mulf %get3A_815, %mul3A_816 : vector<16xf32>
        %swap3A_818 = arith.constant 97 : i32
        %swap3A_819 = arith.index_cast %swap3A_818 : i32 to index
        %swap3A_820 = arith.constant 96 : index
        %swap3A_821 = tpu.vector_load %arg18[%swap3A_819, %swap3A_820] {strides = array<i32>} : memref<100x128xf32, #tpu.memory_space<vmem>>, vector<16xf32>,
        tpu.vector_store %arg18[%swap3A_819, %swap3A_820], %mul3A_817 {strides = array<i32>} : memref<100x128xf32, #tpu.memory_space<vmem>>, vector<16xf32>,
        %get3A_822 = arith.constant 97 : i32
        %get3A_823 = arith.index_cast %get3A_822 : i32 to index
        %get3A_824 = arith.constant 112 : index
        %get3A_825 = tpu.vector_load %arg18[%get3A_823, %get3A_824] {strides = array<i32>} : memref<100x128xf32, #tpu.memory_space<vmem>>, vector<16xf32>,
        %mul3A_826 = vector.broadcast %squeeze3A_751 : f32 to vector<16xf32>
        %mul3A_827 = arith.mulf %get3A_825, %mul3A_826 : vector<16xf32>
        %swap3A_828 = arith.constant 97 : i32
        %swap3A_829 = arith.index_cast %swap3A_828 : i32 to index
        %swap3A_830 = arith.constant 112 : index
        %swap3A_831 = tpu.vector_load %arg18[%swap3A_829, %swap3A_830] {strides = array<i32>} : memref<100x128xf32, #tpu.memory_space<vmem>>, vector<16xf32>,
        tpu.vector_store %arg18[%swap3A_829, %swap3A_830], %mul3A_827 {strides = array<i32>} : memref<100x128xf32, #tpu.memory_space<vmem>>, vector<16xf32>,
        %slice3A_832 = vector.extract_strided_slice %get3A_667 {offsets = [2], sizes = [1], strides = [1]} : vector<16xf32> to vector<1xf32>
        %squeeze3A_833 = vector.extract %slice3A_832[0] : f32 from vector<1xf32>
        %get3A_834 = arith.constant 98 : i32
        %get3A_835 = arith.index_cast %get3A_834 : i32 to index
        %get3A_836 = arith.constant 0 : index
        %get3A_837 = tpu.vector_load %arg18[%get3A_835, %get3A_836] {strides = array<i32>} : memref<100x128xf32, #tpu.memory_space<vmem>>, vector<16xf32>,
        %mul3A_838 = vector.broadcast %squeeze3A_833 : f32 to vector<16xf32>
        %mul3A_839 = arith.mulf %get3A_837, %mul3A_838 : vector<16xf32>
        %swap3A_840 = arith.constant 98 : i32
        %swap3A_841 = arith.index_cast %swap3A_840 : i32 to index
        %swap3A_842 = arith.constant 0 : index
        %swap3A_843 = tpu.vector_load %arg18[%swap3A_841, %swap3A_842] {strides = array<i32>} : memref<100x128xf32, #tpu.memory_space<vmem>>, vector<16xf32>,
        tpu.vector_store %arg18[%swap3A_841, %swap3A_842], %mul3A_839 {strides = array<i32>} : memref<100x128xf32, #tpu.memory_space<vmem>>, vector<16xf32>,
        %get3A_844 = arith.constant 98 : i32
        %get3A_845 = arith.index_cast %get3A_844 : i32 to index
        %get3A_846 = arith.constant 16 : index
        %get3A_847 = tpu.vector_load %arg18[%get3A_845, %get3A_846] {strides = array<i32>} : memref<100x128xf32, #tpu.memory_space<vmem>>, vector<16xf32>,
        %mul3A_848 = vector.broadcast %squeeze3A_833 : f32 to vector<16xf32>
        %mul3A_849 = arith.mulf %get3A_847, %mul3A_848 : vector<16xf32>
        %swap3A_850 = arith.constant 98 : i32
        %swap3A_851 = arith.index_cast %swap3A_850 : i32 to index
        %swap3A_852 = arith.constant 16 : index
        %swap3A_853 = tpu.vector_load %arg18[%swap3A_851, %swap3A_852] {strides = array<i32>} : memref<100x128xf32, #tpu.memory_space<vmem>>, vector<16xf32>,
        tpu.vector_store %arg18[%swap3A_851, %swap3A_852], %mul3A_849 {strides = array<i32>} : memref<100x128xf32, #tpu.memory_space<vmem>>, vector<16xf32>,
        %get3A_854 = arith.constant 98 : i32
        %get3A_855 = arith.index_cast %get3A_854 : i32 to index
        %get3A_856 = arith.constant 32 : index
        %get3A_857 = tpu.vector_load %arg18[%get3A_855, %get3A_856] {strides = array<i32>} : memref<100x128xf32, #tpu.memory_space<vmem>>, vector<16xf32>,
        %mul3A_858 = vector.broadcast %squeeze3A_833 : f32 to vector<16xf32>
        %mul3A_859 = arith.mulf %get3A_857, %mul3A_858 : vector<16xf32>
        %swap3A_860 = arith.constant 98 : i32
        %swap3A_861 = arith.index_cast %swap3A_860 : i32 to index
        %swap3A_862 = arith.constant 32 : index
        %swap3A_863 = tpu.vector_load %arg18[%swap3A_861, %swap3A_862] {strides = array<i32>} : memref<100x128xf32, #tpu.memory_space<vmem>>, vector<16xf32>,
        tpu.vector_store %arg18[%swap3A_861, %swap3A_862], %mul3A_859 {strides = array<i32>} : memref<100x128xf32, #tpu.memory_space<vmem>>, vector<16xf32>,
        %get3A_864 = arith.constant 98 : i32
        %get3A_865 = arith.index_cast %get3A_864 : i32 to index
        %get3A_866 = arith.constant 48 : index
        %get3A_867 = tpu.vector_load %arg18[%get3A_865, %get3A_866] {strides = array<i32>} : memref<100x128xf32, #tpu.memory_space<vmem>>, vector<16xf32>,
        %mul3A_868 = vector.broadcast %squeeze3A_833 : f32 to vector<16xf32>
        %mul3A_869 = arith.mulf %get3A_867, %mul3A_868 : vector<16xf32>
        %swap3A_870 = arith.constant 98 : i32
        %swap3A_871 = arith.index_cast %swap3A_870 : i32 to index
        %swap3A_872 = arith.constant 48 : index
        %swap3A_873 = tpu.vector_load %arg18[%swap3A_871, %swap3A_872] {strides = array<i32>} : memref<100x128xf32, #tpu.memory_space<vmem>>, vector<16xf32>,
        tpu.vector_store %arg18[%swap3A_871, %swap3A_872], %mul3A_869 {strides = array<i32>} : memref<100x128xf32, #tpu.memory_space<vmem>>, vector<16xf32>,
        %get3A_874 = arith.constant 98 : i32
        %get3A_875 = arith.index_cast %get3A_874 : i32 to index
        %get3A_876 = arith.constant 64 : index
        %get3A_877 = tpu.vector_load %arg18[%get3A_875, %get3A_876] {strides = array<i32>} : memref<100x128xf32, #tpu.memory_space<vmem>>, vector<16xf32>,
        %mul3A_878 = vector.broadcast %squeeze3A_833 : f32 to vector<16xf32>
        %mul3A_879 = arith.mulf %get3A_877, %mul3A_878 : vector<16xf32>
        %swap3A_880 = arith.constant 98 : i32
        %swap3A_881 = arith.index_cast %swap3A_880 : i32 to index
        %swap3A_882 = arith.constant 64 : index
        %swap3A_883 = tpu.vector_load %arg18[%swap3A_881, %swap3A_882] {strides = array<i32>} : memref<100x128xf32, #tpu.memory_space<vmem>>, vector<16xf32>,
        tpu.vector_store %arg18[%swap3A_881, %swap3A_882], %mul3A_879 {strides = array<i32>} : memref<100x128xf32, #tpu.memory_space<vmem>>, vector<16xf32>,
        %get3A_884 = arith.constant 98 : i32
        %get3A_885 = arith.index_cast %get3A_884 : i32 to index
        %get3A_886 = arith.constant 80 : index
        %get3A_887 = tpu.vector_load %arg18[%get3A_885, %get3A_886] {strides = array<i32>} : memref<100x128xf32, #tpu.memory_space<vmem>>, vector<16xf32>,
        %mul3A_888 = vector.broadcast %squeeze3A_833 : f32 to vector<16xf32>
        %mul3A_889 = arith.mulf %get3A_887, %mul3A_888 : vector<16xf32>
        %swap3A_890 = arith.constant 98 : i32
        %swap3A_891 = arith.index_cast %swap3A_890 : i32 to index
        %swap3A_892 = arith.constant 80 : index
        %swap3A_893 = tpu.vector_load %arg18[%swap3A_891, %swap3A_892] {strides = array<i32>} : memref<100x128xf32, #tpu.memory_space<vmem>>, vector<16xf32>,
        tpu.vector_store %arg18[%swap3A_891, %swap3A_892], %mul3A_889 {strides = array<i32>} : memref<100x128xf32, #tpu.memory_space<vmem>>, vector<16xf32>,
        %get3A_894 = arith.constant 98 : i32
        %get3A_895 = arith.index_cast %get3A_894 : i32 to index
        %get3A_896 = arith.constant 96 : index
        %get3A_897 = tpu.vector_load %arg18[%get3A_895, %get3A_896] {strides = array<i32>} : memref<100x128xf32, #tpu.memory_space<vmem>>, vector<16xf32>,
        %mul3A_898 = vector.broadcast %squeeze3A_833 : f32 to vector<16xf32>
        %mul3A_899 = arith.mulf %get3A_897, %mul3A_898 : vector<16xf32>
        %swap3A_900 = arith.constant 98 : i32
        %swap3A_901 = arith.index_cast %swap3A_900 : i32 to index
        %swap3A_902 = arith.constant 96 : index
        %swap3A_903 = tpu.vector_load %arg18[%swap3A_901, %swap3A_902] {strides = array<i32>} : memref<100x128xf32, #tpu.memory_space<vmem>>, vector<16xf32>,
        tpu.vector_store %arg18[%swap3A_901, %swap3A_902], %mul3A_899 {strides = array<i32>} : memref<100x128xf32, #tpu.memory_space<vmem>>, vector<16xf32>,
        %get3A_904 = arith.constant 98 : i32
        %get3A_905 = arith.index_cast %get3A_904 : i32 to index
        %get3A_906 = arith.constant 112 : index
        %get3A_907 = tpu.vector_load %arg18[%get3A_905, %get3A_906] {strides = array<i32>} : memref<100x128xf32, #tpu.memory_space<vmem>>, vector<16xf32>,
        %mul3A_908 = vector.broadcast %squeeze3A_833 : f32 to vector<16xf32>
        %mul3A_909 = arith.mulf %get3A_907, %mul3A_908 : vector<16xf32>
        %swap3A_910 = arith.constant 98 : i32
        %swap3A_911 = arith.index_cast %swap3A_910 : i32 to index
        %swap3A_912 = arith.constant 112 : index
        %swap3A_913 = tpu.vector_load %arg18[%swap3A_911, %swap3A_912] {strides = array<i32>} : memref<100x128xf32, #tpu.memory_space<vmem>>, vector<16xf32>,
        tpu.vector_store %arg18[%swap3A_911, %swap3A_912], %mul3A_909 {strides = array<i32>} : memref<100x128xf32, #tpu.memory_space<vmem>>, vector<16xf32>,
        %slice3A_914 = vector.extract_strided_slice %get3A_667 {offsets = [3], sizes = [1], strides = [1]} : vector<16xf32> to vector<1xf32>
        %squeeze3A_915 = vector.extract %slice3A_914[0] : f32 from vector<1xf32>
        %get3A_916 = arith.constant 99 : i32
        %get3A_917 = arith.index_cast %get3A_916 : i32 to index
        %get3A_918 = arith.constant 0 : index
        %get3A_919 = tpu.vector_load %arg18[%get3A_917, %get3A_918] {strides = array<i32>} : memref<100x128xf32, #tpu.memory_space<vmem>>, vector<16xf32>,
        %mul3A_920 = vector.broadcast %squeeze3A_915 : f32 to vector<16xf32>
        %mul3A_921 = arith.mulf %get3A_919, %mul3A_920 : vector<16xf32>
        %swap3A_922 = arith.constant 99 : i32
        %swap3A_923 = arith.index_cast %swap3A_922 : i32 to index
        %swap3A_924 = arith.constant 0 : index
        %swap3A_925 = tpu.vector_load %arg18[%swap3A_923, %swap3A_924] {strides = array<i32>} : memref<100x128xf32, #tpu.memory_space<vmem>>, vector<16xf32>,
        tpu.vector_store %arg18[%swap3A_923, %swap3A_924], %mul3A_921 {strides = array<i32>} : memref<100x128xf32, #tpu.memory_space<vmem>>, vector<16xf32>,
        %get3A_926 = arith.constant 99 : i32
        %get3A_927 = arith.index_cast %get3A_926 : i32 to index
        %get3A_928 = arith.constant 16 : index
        %get3A_929 = tpu.vector_load %arg18[%get3A_927, %get3A_928] {strides = array<i32>} : memref<100x128xf32, #tpu.memory_space<vmem>>, vector<16xf32>,
        %mul3A_930 = vector.broadcast %squeeze3A_915 : f32 to vector<16xf32>
        %mul3A_931 = arith.mulf %get3A_929, %mul3A_930 : vector<16xf32>
        %swap3A_932 = arith.constant 99 : i32
        %swap3A_933 = arith.index_cast %swap3A_932 : i32 to index
        %swap3A_934 = arith.constant 16 : index
        %swap3A_935 = tpu.vector_load %arg18[%swap3A_933, %swap3A_934] {strides = array<i32>} : memref<100x128xf32, #tpu.memory_space<vmem>>, vector<16xf32>,
        tpu.vector_store %arg18[%swap3A_933, %swap3A_934], %mul3A_931 {strides = array<i32>} : memref<100x128xf32, #tpu.memory_space<vmem>>, vector<16xf32>,
        %get3A_936 = arith.constant 99 : i32
        %get3A_937 = arith.index_cast %get3A_936 : i32 to index
        %get3A_938 = arith.constant 32 : index
        %get3A_939 = tpu.vector_load %arg18[%get3A_937, %get3A_938] {strides = array<i32>} : memref<100x128xf32, #tpu.memory_space<vmem>>, vector<16xf32>,
        %mul3A_940 = vector.broadcast %squeeze3A_915 : f32 to vector<16xf32>
        %mul3A_941 = arith.mulf %get3A_939, %mul3A_940 : vector<16xf32>
        %swap3A_942 = arith.constant 99 : i32
        %swap3A_943 = arith.index_cast %swap3A_942 : i32 to index
        %swap3A_944 = arith.constant 32 : index
        %swap3A_945 = tpu.vector_load %arg18[%swap3A_943, %swap3A_944] {strides = array<i32>} : memref<100x128xf32, #tpu.memory_space<vmem>>, vector<16xf32>,
        tpu.vector_store %arg18[%swap3A_943, %swap3A_944], %mul3A_941 {strides = array<i32>} : memref<100x128xf32, #tpu.memory_space<vmem>>, vector<16xf32>,
        %get3A_946 = arith.constant 99 : i32
        %get3A_947 = arith.index_cast %get3A_946 : i32 to index
        %get3A_948 = arith.constant 48 : index
        %get3A_949 = tpu.vector_load %arg18[%get3A_947, %get3A_948] {strides = array<i32>} : memref<100x128xf32, #tpu.memory_space<vmem>>, vector<16xf32>,
        %mul3A_950 = vector.broadcast %squeeze3A_915 : f32 to vector<16xf32>
        %mul3A_951 = arith.mulf %get3A_949, %mul3A_950 : vector<16xf32>
        %swap3A_952 = arith.constant 99 : i32
        %swap3A_953 = arith.index_cast %swap3A_952 : i32 to index
        %swap3A_954 = arith.constant 48 : index
        %swap3A_955 = tpu.vector_load %arg18[%swap3A_953, %swap3A_954] {strides = array<i32>} : memref<100x128xf32, #tpu.memory_space<vmem>>, vector<16xf32>,
        tpu.vector_store %arg18[%swap3A_953, %swap3A_954], %mul3A_951 {strides = array<i32>} : memref<100x128xf32, #tpu.memory_space<vmem>>, vector<16xf32>,
        %get3A_956 = arith.constant 99 : i32
        %get3A_957 = arith.index_cast %get3A_956 : i32 to index
        %get3A_958 = arith.constant 64 : index
        %get3A_959 = tpu.vector_load %arg18[%get3A_957, %get3A_958] {strides = array<i32>} : memref<100x128xf32, #tpu.memory_space<vmem>>, vector<16xf32>,
        %mul3A_960 = vector.broadcast %squeeze3A_915 : f32 to vector<16xf32>
        %mul3A_961 = arith.mulf %get3A_959, %mul3A_960 : vector<16xf32>
        %swap3A_962 = arith.constant 99 : i32
        %swap3A_963 = arith.index_cast %swap3A_962 : i32 to index
        %swap3A_964 = arith.constant 64 : index
        %swap3A_965 = tpu.vector_load %arg18[%swap3A_963, %swap3A_964] {strides = array<i32>} : memref<100x128xf32, #tpu.memory_space<vmem>>, vector<16xf32>,
        tpu.vector_store %arg18[%swap3A_963, %swap3A_964], %mul3A_961 {strides = array<i32>} : memref<100x128xf32, #tpu.memory_space<vmem>>, vector<16xf32>,
        %get3A_966 = arith.constant 99 : i32
        %get3A_967 = arith.index_cast %get3A_966 : i32 to index
        %get3A_968 = arith.constant 80 : index
        %get3A_969 = tpu.vector_load %arg18[%get3A_967, %get3A_968] {strides = array<i32>} : memref<100x128xf32, #tpu.memory_space<vmem>>, vector<16xf32>,
        %mul3A_970 = vector.broadcast %squeeze3A_915 : f32 to vector<16xf32>
        %mul3A_971 = arith.mulf %get3A_969, %mul3A_970 : vector<16xf32>
        %swap3A_972 = arith.constant 99 : i32
        %swap3A_973 = arith.index_cast %swap3A_972 : i32 to index
        %swap3A_974 = arith.constant 80 : index
        %swap3A_975 = tpu.vector_load %arg18[%swap3A_973, %swap3A_974] {strides = array<i32>} : memref<100x128xf32, #tpu.memory_space<vmem>>, vector<16xf32>,
        tpu.vector_store %arg18[%swap3A_973, %swap3A_974], %mul3A_971 {strides = array<i32>} : memref<100x128xf32, #tpu.memory_space<vmem>>, vector<16xf32>,
        %get3A_976 = arith.constant 99 : i32
        %get3A_977 = arith.index_cast %get3A_976 : i32 to index
        %get3A_978 = arith.constant 96 : index
        %get3A_979 = tpu.vector_load %arg18[%get3A_977, %get3A_978] {strides = array<i32>} : memref<100x128xf32, #tpu.memory_space<vmem>>, vector<16xf32>,
        %mul3A_980 = vector.broadcast %squeeze3A_915 : f32 to vector<16xf32>
        %mul3A_981 = arith.mulf %get3A_979, %mul3A_980 : vector<16xf32>
        %swap3A_982 = arith.constant 99 : i32
        %swap3A_983 = arith.index_cast %swap3A_982 : i32 to index
        %swap3A_984 = arith.constant 96 : index
        %swap3A_985 = tpu.vector_load %arg18[%swap3A_983, %swap3A_984] {strides = array<i32>} : memref<100x128xf32, #tpu.memory_space<vmem>>, vector<16xf32>,
        tpu.vector_store %arg18[%swap3A_983, %swap3A_984], %mul3A_981 {strides = array<i32>} : memref<100x128xf32, #tpu.memory_space<vmem>>, vector<16xf32>,
        %get3A_986 = arith.constant 99 : i32
        %get3A_987 = arith.index_cast %get3A_986 : i32 to index
        %get3A_988 = arith.constant 112 : index
        %get3A_989 = tpu.vector_load %arg18[%get3A_987, %get3A_988] {strides = array<i32>} : memref<100x128xf32, #tpu.memory_space<vmem>>, vector<16xf32>,
        %mul3A_990 = vector.broadcast %squeeze3A_915 : f32 to vector<16xf32>
        %mul3A_991 = arith.mulf %get3A_989, %mul3A_990 : vector<16xf32>
        %swap3A_992 = arith.constant 99 : i32
        %swap3A_993 = arith.index_cast %swap3A_992 : i32 to index
        %swap3A_994 = arith.constant 112 : index
        %swap3A_995 = tpu.vector_load %arg18[%swap3A_993, %swap3A_994] {strides = array<i32>} : memref<100x128xf32, #tpu.memory_space<vmem>>, vector<16xf32>,
        tpu.vector_store %arg18[%swap3A_993, %swap3A_994], %mul3A_991 {strides = array<i32>} : memref<100x128xf32, #tpu.memory_space<vmem>>, vector<16xf32>,
        %dma_start3A_996 = arith.constant 0 : i32
        %dma_start3A_997 = tpu.memref_slice %arg10[%add3A_90, %dma_start3A_996] : memref<10x100xi32, #tpu.memory_space<vmem>> -> memref<1x100xi32, #tpu.memory_space<vmem>>
        %dma_start3A_998 = tpu.memref_squeeze %dma_start3A_997 : memref<1x100xi32, #tpu.memory_space<vmem>> -> memref<100xi32, #tpu.memory_space<vmem>>
        %dma_start3A_999 = arith.constant 0 : i32
        %dma_start3A_1000 = arith.constant 0 : i32
        %dma_start3A_1001 = tpu.memref_slice %arg19[%dma_start3A_999, %dma_start3A_1000] : memref<10240x128xf32, #tpu.memory_space<vmem_shared>> -> memref<10240x128xf32, #tpu.memory_space<vmem_shared>>
        tpu.enqueue_indirect_dma source(%arg18 : memref<100x128xf32, #tpu.memory_space<vmem>>) target(%dma_start3A_1001 : memref<10240x128xf32, #tpu.memory_space<vmem_shared>>) offsets(%dma_start3A_998 : memref<100xi32, #tpu.memory_space<vmem>>) semaphore(%arg24 : memref<!tpu.dma_semaphore, #tpu.memory_space<semaphore_mem>>) {add = true}
        %dma_start3A_1002 = arith.constant 0 : i32
        %dma_start3A_1003 = tpu.memref_slice %arg17[%dma_start3A_1002] : memref<112xf32, #tpu.memory_space<vmem>> -> memref<100xf32, #tpu.memory_space<vmem>>
        %dma_start3A_1004 = arith.constant 0 : i32
        %dma_start3A_1005 = tpu.memref_slice %arg10[%add3A_90, %dma_start3A_1004] : memref<10x100xi32, #tpu.memory_space<vmem>> -> memref<1x100xi32, #tpu.memory_space<vmem>>
        %dma_start3A_1006 = tpu.memref_squeeze %dma_start3A_1005 : memref<1x100xi32, #tpu.memory_space<vmem>> -> memref<100xi32, #tpu.memory_space<vmem>>
        %dma_start3A_1007 = arith.constant 0 : i32
        %dma_start3A_1008 = tpu.memref_slice %arg20[%dma_start3A_1007] : memref<10240xf32, #tpu.memory_space<vmem_shared>> -> memref<10240xf32, #tpu.memory_space<vmem_shared>>
        tpu.enqueue_indirect_dma source(%dma_start3A_1003 : memref<100xf32, #tpu.memory_space<vmem>>) target(%dma_start3A_1008 : memref<10240xf32, #tpu.memory_space<vmem_shared>>) offsets(%dma_start3A_1006 : memref<100xi32, #tpu.memory_space<vmem>>) semaphore(%arg24 : memref<!tpu.dma_semaphore, #tpu.memory_space<semaphore_mem>>) {add = true}
        %dma_wait3A_1009 = arith.constant 0 : i32
        %dma_wait3A_1010 = tpu.memref_slice %arg10[%mul3A_88, %dma_wait3A_1009] : memref<10x100xi32, #tpu.memory_space<vmem>> -> memref<1x100xi32, #tpu.memory_space<vmem>>
        %dma_wait3A_1011 = tpu.memref_squeeze %dma_wait3A_1010 : memref<1x100xi32, #tpu.memory_space<vmem>> -> memref<100xi32, #tpu.memory_space<vmem>>
        %dma_wait3A_1012 = arith.constant 0 : i32
        %dma_wait3A_1013 = arith.constant 0 : i32
        %dma_wait3A_1014 = tpu.memref_slice %arg19[%dma_wait3A_1012, %dma_wait3A_1013] : memref<10240x128xf32, #tpu.memory_space<vmem_shared>> -> memref<10240x128xf32, #tpu.memory_space<vmem_shared>>
        tpu.wait_indirect_dma semaphore(%arg23 : memref<!tpu.dma_semaphore, #tpu.memory_space<semaphore_mem>>) src(%arg14 : memref<100x128xf32, #tpu.memory_space<vmem>>) dst(%dma_wait3A_1014 : memref<10240x128xf32, #tpu.memory_space<vmem_shared>>)
        %dma_wait3A_1015 = arith.constant 0 : i32
        %dma_wait3A_1016 = tpu.memref_slice %arg13[%dma_wait3A_1015] : memref<112xf32, #tpu.memory_space<vmem>> -> memref<100xf32, #tpu.memory_space<vmem>>
        %dma_wait3A_1017 = arith.constant 0 : i32
        %dma_wait3A_1018 = tpu.memref_slice %arg10[%mul3A_88, %dma_wait3A_1017] : memref<10x100xi32, #tpu.memory_space<vmem>> -> memref<1x100xi32, #tpu.memory_space<vmem>>
        %dma_wait3A_1019 = tpu.memref_squeeze %dma_wait3A_1018 : memref<1x100xi32, #tpu.memory_space<vmem>> -> memref<100xi32, #tpu.memory_space<vmem>>
        %dma_wait3A_1020 = arith.constant 0 : i32
        %dma_wait3A_1021 = tpu.memref_slice %arg20[%dma_wait3A_1020] : memref<10240xf32, #tpu.memory_space<vmem_shared>> -> memref<10240xf32, #tpu.memory_space<vmem_shared>>
        tpu.wait_indirect_dma semaphore(%arg23 : memref<!tpu.dma_semaphore, #tpu.memory_space<semaphore_mem>>) src(%dma_wait3A_1016 : memref<100xf32, #tpu.memory_space<vmem>>) dst(%dma_wait3A_1021 : memref<10240xf32, #tpu.memory_space<vmem_shared>>)
        %lt3A = arith.constant 4 : i32
        %lt3A_1022 = arith.cmpi slt, %add3A_86, %lt3A : i32
        %convert_element_type3A = arith.extui %lt3A_1022 : i1 to i32
        %cond3A = arith.constant 0 : i32
        %cond3A_1023 = arith.cmpi ne, %convert_element_type3A, %cond3A : i32
        scf.if %cond3A_1023 {
          %add3A_1037 = arith.constant 2 : i32
          %add3A_1038 = arith.addi %mul3A_88, %add3A_1037 : i32
          %dma_start3A_1039 = arith.constant 0 : i32
          %dma_start3A_1040 = tpu.memref_slice %arg11[%dma_start3A_1039] : memref<112xf32, #tpu.memory_space<vmem>> -> memref<100xf32, #tpu.memory_space<vmem>>
          %dma_start3A_1041 = arith.constant 0 : i32
          %dma_start3A_1042 = tpu.memref_slice %arg9[%add3A_1038, %dma_start3A_1041] : memref<10x100xi32, #tpu.memory_space<vmem>> -> memref<1x100xi32, #tpu.memory_space<vmem>>
          %dma_start3A_1043 = tpu.memref_squeeze %dma_start3A_1042 : memref<1x100xi32, #tpu.memory_space<vmem>> -> memref<100xi32, #tpu.memory_space<vmem>>
          %dma_start3A_1044 = arith.constant 0 : i32
          %dma_start3A_1045 = tpu.memref_slice %arg3[%dma_start3A_1044] : memref<10000xf32, #tpu.memory_space<hbm>> -> memref<10000xf32, #tpu.memory_space<hbm>>
          tpu.enqueue_indirect_dma source(%dma_start3A_1045 : memref<10000xf32, #tpu.memory_space<hbm>>) target(%dma_start3A_1040 : memref<100xf32, #tpu.memory_space<vmem>>) offsets(%dma_start3A_1043 : memref<100xi32, #tpu.memory_space<vmem>>) semaphore(%arg21 : memref<!tpu.dma_semaphore, #tpu.memory_space<semaphore_mem>>)
          %dma_start3A_1046 = arith.constant 0 : i32
          %dma_start3A_1047 = tpu.memref_slice %arg12[%dma_start3A_1046] : memref<112xf32, #tpu.memory_space<vmem>> -> memref<100xf32, #tpu.memory_space<vmem>>
          %dma_start3A_1048 = arith.constant 0 : i32
          %dma_start3A_1049 = tpu.memref_slice %arg10[%add3A_1038, %dma_start3A_1048] : memref<10x100xi32, #tpu.memory_space<vmem>> -> memref<1x100xi32, #tpu.memory_space<vmem>>
          %dma_start3A_1050 = tpu.memref_squeeze %dma_start3A_1049 : memref<1x100xi32, #tpu.memory_space<vmem>> -> memref<100xi32, #tpu.memory_space<vmem>>
          %dma_start3A_1051 = arith.constant 0 : i32
          %dma_start3A_1052 = tpu.memref_slice %arg4[%dma_start3A_1051] : memref<10000xf32, #tpu.memory_space<hbm>> -> memref<10000xf32, #tpu.memory_space<hbm>>
          tpu.enqueue_indirect_dma source(%dma_start3A_1052 : memref<10000xf32, #tpu.memory_space<hbm>>) target(%dma_start3A_1047 : memref<100xf32, #tpu.memory_space<vmem>>) offsets(%dma_start3A_1050 : memref<100xi32, #tpu.memory_space<vmem>>) semaphore(%arg21 : memref<!tpu.dma_semaphore, #tpu.memory_space<semaphore_mem>>)
          %dma_start3A_1053 = arith.constant 0 : i32
          %dma_start3A_1054 = tpu.memref_slice %arg9[%add3A_1038, %dma_start3A_1053] : memref<10x100xi32, #tpu.memory_space<vmem>> -> memref<1x100xi32, #tpu.memory_space<vmem>>
          %dma_start3A_1055 = tpu.memref_squeeze %dma_start3A_1054 : memref<1x100xi32, #tpu.memory_space<vmem>> -> memref<100xi32, #tpu.memory_space<vmem>>
          %dma_start3A_1056 = arith.constant 0 : i32
          %dma_start3A_1057 = arith.constant 0 : i32
          %dma_start3A_1058 = tpu.memref_slice %arg2[%dma_start3A_1056, %dma_start3A_1057] : memref<10000x128xf32, #tpu.memory_space<hbm>> -> memref<10000x128xf32, #tpu.memory_space<hbm>>
          tpu.enqueue_indirect_dma source(%dma_start3A_1058 : memref<10000x128xf32, #tpu.memory_space<hbm>>) target(%arg14 : memref<100x128xf32, #tpu.memory_space<vmem>>) offsets(%dma_start3A_1055 : memref<100xi32, #tpu.memory_space<vmem>>) semaphore(%arg21 : memref<!tpu.dma_semaphore, #tpu.memory_space<semaphore_mem>>)
        } else {
        }
        %dma_wait3A_1024 = arith.constant 0 : i32
        %dma_wait3A_1025 = tpu.memref_slice %arg10[%add3A_90, %dma_wait3A_1024] : memref<10x100xi32, #tpu.memory_space<vmem>> -> memref<1x100xi32, #tpu.memory_space<vmem>>
        %dma_wait3A_1026 = tpu.memref_squeeze %dma_wait3A_1025 : memref<1x100xi32, #tpu.memory_space<vmem>> -> memref<100xi32, #tpu.memory_space<vmem>>
        %dma_wait3A_1027 = arith.constant 0 : i32
        %dma_wait3A_1028 = arith.constant 0 : i32
        %dma_wait3A_1029 = tpu.memref_slice %arg19[%dma_wait3A_1027, %dma_wait3A_1028] : memref<10240x128xf32, #tpu.memory_space<vmem_shared>> -> memref<10240x128xf32, #tpu.memory_space<vmem_shared>>
        tpu.wait_indirect_dma semaphore(%arg24 : memref<!tpu.dma_semaphore, #tpu.memory_space<semaphore_mem>>) src(%arg18 : memref<100x128xf32, #tpu.memory_space<vmem>>) dst(%dma_wait3A_1029 : memref<10240x128xf32, #tpu.memory_space<vmem_shared>>)
        %dma_wait3A_1030 = arith.constant 0 : i32
        %dma_wait3A_1031 = tpu.memref_slice %arg17[%dma_wait3A_1030] : memref<112xf32, #tpu.memory_space<vmem>> -> memref<100xf32, #tpu.memory_space<vmem>>
        %dma_wait3A_1032 = arith.constant 0 : i32
        %dma_wait3A_1033 = tpu.memref_slice %arg10[%add3A_90, %dma_wait3A_1032] : memref<10x100xi32, #tpu.memory_space<vmem>> -> memref<1x100xi32, #tpu.memory_space<vmem>>
        %dma_wait3A_1034 = tpu.memref_squeeze %dma_wait3A_1033 : memref<1x100xi32, #tpu.memory_space<vmem>> -> memref<100xi32, #tpu.memory_space<vmem>>
        %dma_wait3A_1035 = arith.constant 0 : i32
        %dma_wait3A_1036 = tpu.memref_slice %arg20[%dma_wait3A_1035] : memref<10240xf32, #tpu.memory_space<vmem_shared>> -> memref<10240xf32, #tpu.memory_space<vmem_shared>>
        tpu.wait_indirect_dma semaphore(%arg24 : memref<!tpu.dma_semaphore, #tpu.memory_space<semaphore_mem>>) src(%dma_wait3A_1031 : memref<100xf32, #tpu.memory_space<vmem>>) dst(%dma_wait3A_1036 : memref<10240xf32, #tpu.memory_space<vmem_shared>>)
      }
      %scan3A_81 = arith.constant 5 : i32
    }
    %scan3A_40 = arith.constant 10 : i32
    %barrier3A_41 = arith.constant 0 : index
    tpu.barrier barrier_id(%barrier3A_41)
    %mul3A_42 = arith.constant 640 : i32
    %mul3A_43 = arith.muli %arg1, %mul3A_42 : i32
    %mul3A_44 = arith.constant 640 : i32
    %mul3A_45 = arith.muli %arg1, %mul3A_44 : i32
    "tpu.region"() ({
      %run_scoped3A = tpu.sem_alloc : memref<!tpu.dma_semaphore, #tpu.memory_space<semaphore_mem>>
      %dma_start3A = arith.constant 0 : i32
      %dma_start3A_50 = tpu.memref_slice %arg7[%arg0, %mul3A_45, %dma_start3A] : memref<2x10240x128xf32, #tpu.memory_space<hbm>> -> memref<1x640x128xf32, #tpu.memory_space<hbm>>
      %dma_start3A_51 = tpu.memref_squeeze %dma_start3A_50 : memref<1x640x128xf32, #tpu.memory_space<hbm>> -> memref<640x128xf32, #tpu.memory_space<hbm>>
      %dma_start3A_52 = arith.constant 0 : i32
      %dma_start3A_53 = tpu.memref_slice %arg19[%mul3A_43, %dma_start3A_52] : memref<10240x128xf32, #tpu.memory_space<vmem_shared>> -> memref<640x128xf32, #tpu.memory_space<vmem_shared>>
      tpu.enqueue_dma source(%dma_start3A_53 : memref<640x128xf32, #tpu.memory_space<vmem_shared>>) target(%dma_start3A_51 : memref<640x128xf32, #tpu.memory_space<hbm>>) target_semaphore(%run_scoped3A : memref<!tpu.dma_semaphore, #tpu.memory_space<semaphore_mem>>)
      %dma_wait3A = arith.constant 0 : i32
      %dma_wait3A_54 = tpu.memref_slice %arg7[%arg0, %mul3A_45, %dma_wait3A] : memref<2x10240x128xf32, #tpu.memory_space<hbm>> -> memref<1x640x128xf32, #tpu.memory_space<hbm>>
      %dma_wait3A_55 = tpu.memref_squeeze %dma_wait3A_54 : memref<1x640x128xf32, #tpu.memory_space<hbm>> -> memref<640x128xf32, #tpu.memory_space<hbm>>
      %dma_wait3A_56 = arith.constant 0 : i32
      %dma_wait3A_57 = tpu.memref_slice %arg19[%mul3A_43, %dma_wait3A_56] : memref<10240x128xf32, #tpu.memory_space<vmem_shared>> -> memref<640x128xf32, #tpu.memory_space<vmem_shared>>
      tpu.wait_dma2 semaphore(%run_scoped3A : memref<!tpu.dma_semaphore, #tpu.memory_space<semaphore_mem>>) src(%dma_wait3A_57 : memref<640x128xf32, #tpu.memory_space<vmem_shared>>) dst(%dma_wait3A_55 : memref<640x128xf32, #tpu.memory_space<hbm>>)
      tpu.yield
    }) : () -> ()
    %mul3A_46 = arith.constant 640 : i32
    %mul3A_47 = arith.muli %arg1, %mul3A_46 : i32
    %mul3A_48 = arith.constant 640 : i32
    %mul3A_49 = arith.muli %arg1, %mul3A_48 : i32
    "tpu.region"() ({
      %run_scoped3A = tpu.sem_alloc : memref<!tpu.dma_semaphore, #tpu.memory_space<semaphore_mem>>
      %dma_start3A = tpu.memref_slice %arg8[%arg0, %mul3A_49] : memref<2x10240xf32, #tpu.memory_space<hbm>> -> memref<1x640xf32, #tpu.memory_space<hbm>>
      %dma_start3A_50 = tpu.memref_squeeze %dma_start3A : memref<1x640xf32, #tpu.memory_space<hbm>> -> memref<640xf32, #tpu.memory_space<hbm>>
      %dma_start3A_51 = tpu.memref_slice %arg20[%mul3A_47] : memref<10240xf32, #tpu.memory_space<vmem_shared>> -> memref<640xf32, #tpu.memory_space<vmem_shared>>
      tpu.enqueue_dma source(%dma_start3A_51 : memref<640xf32, #tpu.memory_space<vmem_shared>>) target(%dma_start3A_50 : memref<640xf32, #tpu.memory_space<hbm>>) target_semaphore(%run_scoped3A : memref<!tpu.dma_semaphore, #tpu.memory_space<semaphore_mem>>)
      %dma_wait3A = tpu.memref_slice %arg8[%arg0, %mul3A_49] : memref<2x10240xf32, #tpu.memory_space<hbm>> -> memref<1x640xf32, #tpu.memory_space<hbm>>
      %dma_wait3A_52 = tpu.memref_squeeze %dma_wait3A : memref<1x640xf32, #tpu.memory_space<hbm>> -> memref<640xf32, #tpu.memory_space<hbm>>
      %dma_wait3A_53 = tpu.memref_slice %arg20[%mul3A_47] : memref<10240xf32, #tpu.memory_space<vmem_shared>> -> memref<640xf32, #tpu.memory_space<vmem_shared>>
      tpu.wait_dma2 semaphore(%run_scoped3A : memref<!tpu.dma_semaphore, #tpu.memory_space<semaphore_mem>>) src(%dma_wait3A_53 : memref<640xf32, #tpu.memory_space<vmem_shared>>) dst(%dma_wait3A_52 : memref<640xf32, #tpu.memory_space<hbm>>)
      tpu.yield
    }) : () -> ()
    return
  }
}

</mosaic_0001>

<sc_bundles>
// kernel: _sc_edge.3.cloned.1.call-start
scs
__scs_entry_jumppad:
0x0: {  	(pc) =	sbr.rel $0x88, $3  }
0x1: {  	(tag) =	ssettag $0x0;
	lr =	simm.s32 $0x1  }
0x2: {  	[smem:$0x3F9C] =	sst lr;
	_ =	strace $0xD0000000  }
0x3: {  	_ = 	snop  }
0x4: {  	_ = 	snop  }
0x5: {  	_ = 	snop  }
0x6: {  	_ = 	snop  }
0x7: {  	_ = 	snop  }
__scs_overlays_trampoline_lowered:
0x8: {  	[smem:$0x3FAB] =	sst s0  }
0x9: {  	[smem:$0x3FAC] =	sst s1  }
0xa: {  	[smem:$0x3FAD] =	sst s2  }
0xb: {  	[smem:$0x3FAE] =	sst s3  }
0xc: {  	[smem:$0x3FAF] =	sst s4  }
0xd: {  	[smem:$0x3FB0] =	sst s5  }
0xe: {  	[smem:$0x3FB1] =	sst s6  }
0xf: {  	[smem:$0x3FB2] =	sst s7  }
0x10: {  	[smem:$0x3FB3] =	sst s8  }
0x11: {  	[smem:$0x3FB4] =	sst s9;
	s0 =	simm.s32 @!p0 $0x0  }
0x12: {  	s1 =	sld [smem:$0x3F9A];
	s0 =	simm.s32 @p0 $0x1  }
0x13: {  	[smem:$0x3FB5] =	sst s0;
	s0 =	simm.s32 @!p1 $0x0  }
0x14: {  	s2 =	sld [smem:$0x3F99];
	s0 =	simm.s32 @p1 $0x1  }
0x15: {  	[smem:$0x3FB6] =	sst s0;
	s0 =	simm.s32 @!p2 $0x0  }
0x16: {  	s3 =	sld [smem:$0x3FDB];
	s0 =	simm.s32 @p2 $0x1  }
0x17: {  	s4 =	simm.s32 $0x1BF5;
	[smem:$0x3FB8] =	sst s0  }
0x18: {  	s0 =	sld [smem:$0x3F9B];
	_ =	swait.ge [sflag:s4], $0x0  }
0x19: {  	s7 =	sld [smem:$0x3F9C]  }
0x1a: {  	s8 =	sadd.s32 $0xFFFFE003, lr  }
0x1b: {  	s9 =	sadd.s32 $0xFFFFFEF7, lr;
	s5 =	simm.s32 $0xFFFFFFFF;
	p2 =	slt.u32 s8, $0xFFFFF086  }
0x1c: {  	p1 =	slt.u32 s9, $0xF7A;
	s5 =	simm.s32 @!p2 $0x0  }
0x1d: {  	s5 =	simm.s32 @p1 $0x1;
	p0 =	seq.s32 s7, s2  }
0x1e: {  	s7 =	smul.u32 @!p0 $0xF7A, s2;
	p2 =	seq.s32 @!p0 s5, $0x0  }
0x1f: {  	s9 =	smul.u32 $0xF7A, s1;
	s8 =	simm.s32 @!p0 $0x1BF5;
	p2 =	por !p2, p0  }
0x20: {  	[sflag:s8] =	ssyncset.s32 @!p0 $0xFFFFF086;
	s6 =	sadd.s32 @!p0 s3, s7;
	s7 =	simm.s32 @!p0 $0x108  }
0x21: {  	s3 =	sadd.s32 s3, s9;
	s6 =	sadd.s32 @!p0 $0x88, s6;
	s7 =	simm.s32 @p2 $0x1082  }
0x22: {  	[simem:s7], [sflag:s8] =	dma.local @!p0 [hbm:s6], $0xF7A  }
0x23: {  	s9 =	sor.u32 $0xD0000000, s2;
	s6 =	simm.s32 $0x108;
	_ =	swait.ge @!p0 [sflag:s8], $0x0  }
0x24: {  	s3 =	sadd.s32 $0x88, s3;
	s6 =	simm.s32 @!p1 $0x1082;
	[sflag:s4] =	ssyncset.s32 $0xFFFFF086  }
0x25: {  	[simem:s6], [sflag:s4] =	dma.local [hbm:s3], $0xF7A  }
0x26: {  	[smem:$0x3F9C] =	sst s1;
	(tag) =	ssettag s2;
	_ =	strace s9  }
0x27: {  	s1 =	sld [smem:$0x3FAC]  }
0x28: {  	s2 =	sld [smem:$0x3FAD]  }
0x29: {  	s4 =	sld [smem:$0x3FAF]  }
0x2a: {  	p0 =	seq.s32 s5, $0x0;
	s5 =	sld [smem:$0x3FB0]  }
0x2b: {  	s6 =	sld [smem:$0x3FB1]  }
0x2c: {  	s7 =	sld [smem:$0x3FB2]  }
0x2d: {  	s3 =	simm.s32 $0x108;
	s8 =	sld [smem:$0x3FB3]  }
0x2e: {  	s3 =	simm.s32 @!p0 $0x1082;
	s9 =	sld [smem:$0x3FB4]  }
0x2f: {  	lr =	sadd.s32 s0, s3;
	s0 =	sld [smem:$0x3FAB]  }
0x30: {  	s3 =	sld [smem:$0x3FAE]  }
0x31: {  	[smem:$0x3FB7] =	sst s10  }
0x32: {  	s10 =	sld [smem:$0x3FB5];
	_ =	sdelay $0x3  }
0x33: {  	p0 =	seq.s32 s10, $0x1;
	s10 =	sld [smem:$0x3FB7];
	_ =	sdelay $0x3  }
0x34: {  	[smem:$0x3FB7] =	sst s10  }
0x35: {  	s10 =	sld [smem:$0x3FB6];
	_ =	sdelay $0x3  }
0x36: {  	p1 =	seq.s32 s10, $0x1;
	s10 =	sld [smem:$0x3FB7];
	_ =	sdelay $0x3  }
0x37: {  	[smem:$0x3FB7] =	sst s10  }
0x38: {  	s10 =	sld [smem:$0x3FB8]  }
0x39: {  	_ = 	snop;
	(pc) =	sbr.ind lr, $3  }
0x3a: {  	_ = 	snop  }
0x3b: {  	_ = 	snop  }
0x3c: {  	p2 =	seq.s32 s10, $0x1;
	s10 =	sld [smem:$0x3FB7]  }
0x3d: {  	_ =	shalt  }
0x3e: {  	_ =	shalt  }
0x3f: {  	_ =	shalt  }
0x40: {  	_ =	shalt  }
0x41: {  	_ =	shalt  }
0x42: {  	_ =	shalt  }
0x43: {  	_ =	shalt  }
0x44: {  	_ =	shalt  }
0x45: {  	_ =	shalt  }
0x46: {  	_ =	shalt  }
0x47: {  	_ =	shalt  }
0x48: {  	_ =	shalt  }
0x49: {  	_ =	shalt  }
0x4a: {  	_ =	shalt  }
0x4b: {  	_ =	shalt  }
0x4c: {  	_ =	shalt  }
0x4d: {  	_ =	shalt  }
0x4e: {  	_ =	shalt  }
0x4f: {  	_ =	shalt  }
0x50: {  	_ =	shalt  }
0x51: {  	_ =	shalt  }
0x52: {  	_ =	shalt  }
0x53: {  	_ =	shalt  }
0x54: {  	_ =	shalt  }
0x55: {  	_ =	shalt  }
0x56: {  	_ =	shalt  }
0x57: {  	_ =	shalt  }
0x58: {  	_ =	shalt  }
0x59: {  	_ =	shalt  }
0x5a: {  	_ =	shalt  }
0x5b: {  	_ =	shalt  }
0x5c: {  	_ =	shalt  }
0x5d: {  	_ =	shalt  }
0x5e: {  	_ =	shalt  }
0x5f: {  	_ =	shalt  }
0x60: {  	_ =	shalt  }
0x61: {  	_ =	shalt  }
0x62: {  	_ =	shalt  }
0x63: {  	_ =	shalt  }
0x64: {  	_ =	shalt  }
0x65: {  	_ =	shalt  }
0x66: {  	_ =	shalt  }
0x67: {  	_ =	shalt  }
0x68: {  	_ =	shalt  }
0x69: {  	_ =	shalt  }
0x6a: {  	_ =	shalt  }
0x6b: {  	_ =	shalt  }
0x6c: {  	_ =	shalt  }
0x6d: {  	_ =	shalt  }
0x6e: {  	_ =	shalt  }
0x6f: {  	_ =	shalt  }
0x70: {  	_ =	shalt  }
0x71: {  	_ =	shalt  }
0x72: {  	_ =	shalt  }
0x73: {  	_ =	shalt  }
0x74: {  	_ =	shalt  }
0x75: {  	_ =	shalt  }
0x76: {  	_ =	shalt  }
0x77: {  	_ =	shalt  }
0x78: {  	_ =	shalt  }
0x79: {  	_ =	shalt  }
0x7a: {  	_ =	shalt  }
0x7b: {  	_ =	shalt  }
0x7c: {  	_ =	shalt  }
0x7d: {  	_ =	shalt  }
0x7e: {  	_ =	shalt  }
0x7f: {  	_ =	shalt  }
0x80: {  	_ =	shalt  }
0x81: {  	_ =	shalt  }
0x82: {  	_ =	shalt  }
0x83: {  	_ =	shalt  }
0x84: {  	_ =	shalt  }
0x85: {  	_ =	shalt  }
0x86: {  	_ =	shalt  }
0x87: {  	_ =	shalt  }
.Lfunc_end0:
.L_simem_size_0:
called_computation_lowered:
.L_overlay_start_0:
0x88: {  	s2 =	sld [smem:$0x3FD9]  }
0x89: {  	s3 =	sld [smem:$0x3FFE];
	_ =	sdelay $0x1  }
0x8a: {  	s1 =	srdreg.scid  }
0x8b: {  	s0 =	sand.u32 $0x1, s1  }
0x8c: {  	s14 =	sshll.u32 s0, $0xA;
	s2 =	sadd.s32 s3, s2  }
0x8d: {  	s2 =	sadd.s32 s2, s14  }
0x8e: {  	[smem:$0x3FC3] =	sst s2  }
0x8f: {  	_ = 	snop  }
0x90: {  	s2 =	sld [smem:$0x3FD0]  }
0x91: {  	s15 =	sld [smem:$0x3FC9]  }
0x92: {  	s4 =	sld [smem:$0x3FC8]  }
0x93: {  	s6 =	simm.s32 $0xA;
	s7 =	simm.s32 $0x10;
	s5 =	sld [smem:$0x3FC7]  }
0x94: {  	[smem:s7], [sflag:s6] =	dma.local [hbm:s2], $0x1  }
0x95: {  	_ =	swait.eq [sflag:s6], $0x1  }
0x96: {  	[sflag:s6] =	ssyncset.done $0x0  }
0x97: {  	s16 =	sld [smem:$0x10];
	[sflag:s6] =	ssyncadd.s32 $0xFFFFFFFF  }
0x98: {  	s17 =	sld [smem:$0x11];
	(tm) =	ssettm $0x1  }
0x99: {  	s18 =	sld [smem:$0x3FFB];
	_ =	sdelay $0x3  }
0x9a: {  	_ =	strace s18  }
0x9b: {  	s7 =	sld [smem:$0x3FFC];
	_ =	sdelay $0x3  }
0x9c: {  	_ =	strace s7  }
0x9d: {  	s7 =	sld [smem:$0x3FFD];
	_ =	sdelay $0x3  }
0x9e: {  	_ =	strace s7  }
0x9f: {  	_ =	strace $0x8FFFFFFF  }
0xa0: {  	s19 =	sld [smem:$0x3FDB];
	_ =	sdelay $0x1  }
0xa1: {  	s8 =	simm.s32 $_scs_section_size  }
0xa2: {  	s9 =	simm.s32 $_size__tile_overlayer_lowered;
	s10 =	simm.s32 $_tile_overlayer_lowered  }
0xa3: {  	s22 =	simm.s32 $0x1BFF;
	s21 =	sshll.u32 s10, $0x1;
	s7 =	sadd.s32 s8, s19  }
0xa4: {  	s11 =	simm.s32 $0x0;
	s20 =	sshll.u32 s9, $0x1;
	s9 =	sadd.s32 s21, s7  }
0xa5: {  	[timem:s11], [sflag:s22] =	dma.local [hbm:s9], s20  }
0xa6: {  	_ =	swait.ge [sflag:s22], s20  }
0xa7: {  	s8 =	ssub.s32 $0x0, s20;
	[sflag:s22] =	ssyncset.done $0x0  }
0xa8: {  	[sflag:s22] =	ssyncadd.s32 s8;
	_ =	sdelay $0x1  }
0xa9: {  	s23 =	simm.s32 $0x1B8B  }
0xaa: {  	_ =	swait.ge [sflag:s23], $0x1  }
0xab: {  	[sflag:s23] =	ssyncset.done $0x0  }
0xac: {  	s25 =	simm.s32 $0x1B8E;
	s24 =	sld [smem:$0x3FFE];
	[sflag:s23] =	ssyncadd.s32 $0xFFFFFFFF  }
0xad: {  	s26 =	simm.s32 $execute0_lowered;
	[smem:$0x3FD2] =	sst s25  }
0xae: {  	s9 =	sshll.u32 s26, $0x1;
	_ =	strace $0x80000046;
	[dreg:$0x1] =	wrdreg $0xFFFFFFFF  }
0xaf: {  	s28 =	simm.s32 $_size_execute0_lowered;
	s7 =	sadd.s32 s7, s9;
	[dreg:$0x0] =	wrdreg $0x0  }
0xb0: {  	s9 =	sshll.u32 s28, $0x1;
	[dreg:$0x2] =	wrdreg s7  }
0xb1: {  	[dreg:$0x3] =	wrdreg s9  }
0xb2: {  	[dreg:$0x4] =	wrdreg $0xC0  }
0xb3: {  	_ =	task [dreg:s11], $0x5FFFF  }
0xb4: {  	[dreg:$0x1] =	wrdreg $0xFFFFFFFF  }
0xb5: {  	[dreg:$0x0] =	wrdreg $0x60  }
0xb6: {  	[dreg:$0x2] =	wrdreg s15  }
0xb7: {  	[dreg:$0x3] =	wrdreg s4  }
0xb8: {  	[dreg:$0x4] =	wrdreg s5  }
0xb9: {  	[dreg:$0x5] =	wrdreg s24  }
0xba: {  	[dreg:$0x6] =	wrdreg s16  }
0xbb: {  	[dreg:$0x7] =	wrdreg s17  }
0xbc: {  	[dreg:$0x8] =	wrdreg $0x7B000  }
0xbd: {  	[dreg:$0x9] =	wrdreg $0x1BB000  }
0xbe: {  	[dreg:$0xa] =	wrdreg $0x9  }
0xbf: {  	_ =	task.clear_ibuf [dreg:s11], $0xBFFFF;
	_ =	strace $0x90000046  }
0xc0: {  	s29 =	simm.s32 $0x9;
	_ =	strace $0x80000048  }
0xc1: {  	_ =	swait.ge [sflag:s29], $0x1  }
0xc2: {  	[sflag:s29] =	ssyncadd.s32 $0xFFFFFFFF  }
0xc3: {  	_ =	strace $0x90000048  }
0xc4: {  	_ =	sfence  }
0xc5: {  	s30 =	sld [smem:$0x0];
	_ =	sdelay $0x2  }
0xc6: {  	s31 =	sshll.u32 s1, $0xD;
	s1 =	sshrl.u32 s1, $0x2  }
0xc7: {  	s3 =	sand.u32 $0x4000, s31;
	s1 =	sadd.s32 s1, s30  }
0xc8: {  	s0 =	sor.u32 s3, s0;
	s1 =	sshll.u32 s1, $0x11  }
0xc9: {  	s0 =	sor.u32 s1, s0  }
0xca: {  	s0 =	sadd.s32 $0x8F2B, s0  }
0xcb: {  	[sflag:s0] =	ssyncadd.remote.s32 $0x1  }
0xcc: {  	_ =	sfence.sel $0xFFFF  }
0xcd: {  	[dreg:$0x0] =	wrdreg $0xFFFFFFFF;
	(pc) =	sbr.abs _section_cstart, $3  }
0xce: {  	[dreg:$0x1] =	wrdreg $0xFFFFFFFF  }
0xcf: {  	_ =	task.clear_ibuf [dreg:s11], $0x2FFFF;
	_ =	strace $0x9FFFFFFF  }
0xd0: {  	(tm) =	ssettm $0x7FFFFFFF  }
0xd1: {  	_ =	shalt  }
tec
execute0_lowered:
.L_overlay_start_1:
0x0: {  	(tag) =	ssettag $0x1  }
0x1: {  	s0 =	rddreg [dreg:$0x0]  }
0x2: {  	s1 =	rddreg [dreg:$0x1]  }
0x3: {  	s3 =	rddreg [dreg:$0x2]  }
0x4: {  	s2 =	rddreg [dreg:$0x3]  }
0x5: {  	s6 =	rddreg [dreg:$0x4]  }
0x6: {  	s11 =	rddreg [dreg:$0x5]  }
0x7: {  	s4 =	rddreg [dreg:$0x6]  }
0x8: {  	s5 =	rddreg [dreg:$0x7];
	s7 =	stileid.u32  }
0x9: {  	s25 =	simm.s32 $0x0;
	s8 =	srdreg.scid;
	s13 =	smul.u32 $0x280, s7  }
0xa: {  	[smem:$0x7FF] =	sst s25;
	s12 =	sand.u32 $0x1, s8;
	s15 =	smul.u32 $0x14000, s7  }
0xb: {  	s8 =	sadd.s32 $0x800, s2;
	s9 =	sadd.s32 $0x14800, s2;
	s16 =	smul.u32 $0x50000, s7  }
0xc: {  	s31 =	smul.u32 $0x500, s7;
	_ =	strace $0x80000047;
	s10 =	ssub.s32 $0x2, s12  }
0xd: {  	s14 =	smul.u32 $0x140000, s12;
	s30 =	sshll.u32 s12, $0x4;
	s12 =	sshll.u32 s12, $0x7  }
0xe: {  	s29 =	sshrl.u32 s10, $0x1;
	s16 =	sshrl.u32 s16, $0x2;
	s12 =	sor.u32 s12, s31  }
0xf: {  	s19 =	sor.u32 $0x50, s13;
	s21 =	sadd.s32 $0xA0, s13;
	s28 =	sadd.s32 $0xF0, s13  }
0x10: {  	s31 =	sadd.s32 $0x140, s13;
	s2 =	ssub.s32 s10, s29;
	s10 =	sor.u32 s7, s30  }
0x11: {  	s14 =	sadd.s32 s15, s14;
	s7 =	smul.u32 $0xA00, s7;
	s26 =	sadd.s32 s16, s4  }
0x12: {  	s17 =	sshrl.u32 s12, $0x3;
	s20 =	sshll.u32 s19, $0x7;
	s23 =	sshll.u32 s21, $0x7  }
0x13: {  	s24 =	sadd.s32 s19, s5;
	s29 =	sadd.s32 s21, s5;
	s30 =	sshll.u32 s28, $0x7  }
0x14: {  	s15 =	sadd.s32 $0x190, s13;
	s19 =	sadd.s32 $0x1E0, s13;
	s21 =	sadd.s32 $0x230, s13  }
0x15: {  	s10 =	smul.u32 $0x5000, s10;
	s14 =	sshrl.u32 s14, $0x3;
	[dreg:$0xf] =	wrdreg s24  }
0x16: {  	s2 =	smax.u32 s2, $0x1;
	s22 =	sadd.s32 s20, s4;
	[dreg:$0x11] =	wrdreg s29  }
0x17: {  	s20 =	sadd.s32 s13, s5;
	s13 =	simm.s32 $0x800;
	[dreg:$0xb] =	wrdreg s26  }
0x18: {  	s6 =	sadd.s32 s6, s14;
	s18 =	sshrl.u32 s7, $0x2;
	[dreg:$0xd] =	wrdreg s2  }
0x19: {  	[dreg:$0xe] =	wrdreg s22;
	s2 =	sadd.s32 s23, s4;
	s14 =	sshll.u32 s31, $0x7  }
0x1a: {  	[dreg:$0x17] =	wrdreg s20;
	s22 =	sshll.u32 s19, $0x7;
	s23 =	sadd.s32 s15, s5  }
0x1b: {  	s20 =	simm.s32 $0x1;
	[dreg:$0xa] =	wrdreg s6;
	s6 =	sadd.s32 s11, s17  }
0x1c: {  	[dreg:$0x10] =	wrdreg s2;
	s11 =	sadd.s32 s30, s4;
	s2 =	sadd.s32 s28, s5  }
0x1d: {  	s16 =	sadd.s32 s14, s4;
	s17 =	sshll.u32 s15, $0x7;
	[dreg:$0x18] =	wrdreg s23  }
0x1e: {  	s24 =	sadd.s32 s22, s4;
	s28 =	sshll.u32 s21, $0x7;
	[dreg:$0xc] =	wrdreg s6  }
0x1f: {  	s30 =	sadd.s32 s21, s5;
	s14 =	simm.s32 $0x64;
	[dreg:$0x12] =	wrdreg s11  }
0x20: {  	s15 =	simm.s32 $0x1000;
	s21 =	simm.s32 $0x2;
	[dreg:$0x13] =	wrdreg s2  }
0x21: {  	s22 =	simm.s32 $0x4680;
	s23 =	simm.s32 $0x3;
	[dreg:$0x14] =	wrdreg s16  }
0x22: {  	s6 =	sadd.s32 s18, s5;
	s18 =	sadd.s32 s31, s5;
	[dreg:$0x19] =	wrdreg s24  }
0x23: {  	s2 =	sadd.s32 s17, s4;
	s29 =	sadd.s32 s28, s4;
	[dreg:$0x1c] =	wrdreg s30  }
0x24: {  	s11 =	simm.s32 $0x1100;
	s16 =	simm.s32 $0x1080;
	[dreg:$0x15] =	wrdreg s18  }
0x25: {  	s17 =	simm.s32 $0x4580;
	s24 =	simm.s32 $0x4;
	[dreg:$0x16] =	wrdreg s2  }
0x26: {  	s2 =	sadd.s32 s19, s5;
	[dreg:$0x1b] =	wrdreg s29;
	s31 =	sshrl.u32 s6, $0x3  }
0x27: {  	s6 =	simm.s32 $0x5;
	s18 =	simm.s32 $0x4600;
	[dreg:$0x1a] =	wrdreg s2  }
0x28: {  	v0 =	vimm.f32 $0.0e+00;
	s19 =	simm.s32 $0x4700;
	[dreg:$0x1d] =	wrdreg s31;
	s2 =	simm.s32 $0x1180  }
.LBB2_1:
0x29: {  	[dreg:$0x9] =	wrdreg s25;
	s12 =	simm.s32 $0x0;
	s25 =	simm.s32 $0x200  }
.LBB2_2:
0x2a: {  	p0 =	sne.s32 s25, $0xC600;
	[tilespmem:s12+$0x11F0] =	vst v0  }
0x2b: {  	[tilespmem:s12+$0x1180] =	vst v0  }
0x2c: {  	[tilespmem:s12+$0x1190] =	vst v0  }
.Ltmp0:
0x2d: {  	[tilespmem:s12+$0x11A0] =	vst v0;
	(pc) =	sbr.rel @p0 .LBB2_2-.Ltmp0, $4  }
0x2e: {  	[tilespmem:s12+$0x11B0] =	vst v0  }
0x2f: {  	[tilespmem:s12+$0x11C0] =	vst v0  }
0x30: {  	[tilespmem:s12+$0x11D0] =	vst v0  }
0x31: {  	[tilespmem:s12+$0x11E0] =	vst v0;
	s12 =	sshra.s32 s25, $0x2;
	s25 =	sadd.s32 $0x200, s25  }
0x32: {  	[tilespmem:s12+$0x11F0] =	vst v0  }
0x33: {  	[tilespmem:s12+$0x1180] =	vst v0  }
0x34: {  	[tilespmem:s12+$0x1190] =	vst v0  }
0x35: {  	[tilespmem:s12+$0x11A0] =	vst v0  }
0x36: {  	[tilespmem:s12+$0x11B0] =	vst v0  }
0x37: {  	[tilespmem:s12+$0x11C0] =	vst v0  }
0x38: {  	[tilespmem:s12+$0x11D0] =	vst v0  }
0x39: {  	[tilespmem:s12+$0x11E0] =	vst v0  }
0x3a: {  	[tilespmem:$0x1100] =	vst v0  }
0x3b: {  	[tilespmem:$0x1110] =	vst v0  }
0x3c: {  	[tilespmem:$0x1120] =	vst v0  }
0x3d: {  	[tilespmem:$0x1130] =	vst v0  }
0x3e: {  	[tilespmem:$0x1140] =	vst v0  }
0x3f: {  	[tilespmem:$0x1150] =	vst v0  }
0x40: {  	[tilespmem:$0x1160] =	vst v0  }
0x41: {  	[spmem:s26] =	stream.linear.scatter [tilespmem:s2], [sflag:$0x5], $0x2800, $0x38;
	[tilespmem:$0x1BD80] =	vst v63  }
0x42: {  	_ =	swait.ge [sflag:s6], $0x2800  }
0x43: {  	[sflag:s6] =	ssyncset.done $0x0  }
0x44: {  	s7 =	rddreg [dreg:$0x17];
	[sflag:s6] =	ssyncadd.s32 $0xFFFFD800  }
0x45: {  	[spmem:s7] =	stream.linear.scatter [tilespmem:s11], [sflag:$0x5], $0x50, $0x38;
	[tilespmem:$0x1BD80] =	vst v63  }
0x46: {  	_ =	swait.ge [sflag:s6], $0x50  }
0x47: {  	[sflag:s6] =	ssyncset.done $0x0  }
0x48: {  	s12 =	rddreg [dreg:$0xe];
	[sflag:s6] =	ssyncadd.s32 $0xFFFFFFB0  }
0x49: {  	[spmem:s12] =	stream.linear.scatter [tilespmem:s2], [sflag:$0x5], $0x2800, $0x38;
	[tilespmem:$0x1BD80] =	vst v63  }
0x4a: {  	_ =	swait.ge [sflag:s6], $0x2800  }
0x4b: {  	[sflag:s6] =	ssyncset.done $0x0  }
0x4c: {  	s25 =	rddreg [dreg:$0xf];
	[sflag:s6] =	ssyncadd.s32 $0xFFFFD800  }
0x4d: {  	[spmem:s25] =	stream.linear.scatter [tilespmem:s11], [sflag:$0x5], $0x50, $0x38;
	[tilespmem:$0x1BD80] =	vst v63  }
0x4e: {  	_ =	swait.ge [sflag:s6], $0x50  }
0x4f: {  	[sflag:s6] =	ssyncset.done $0x0  }
0x50: {  	s26 =	rddreg [dreg:$0x10];
	[sflag:s6] =	ssyncadd.s32 $0xFFFFFFB0  }
0x51: {  	[spmem:s26] =	stream.linear.scatter [tilespmem:s2], [sflag:$0x5], $0x2800, $0x38;
	[tilespmem:$0x1BD80] =	vst v63  }
0x52: {  	_ =	swait.ge [sflag:s6], $0x2800  }
0x53: {  	[sflag:s6] =	ssyncset.done $0x0  }
0x54: {  	s28 =	rddreg [dreg:$0x11];
	[sflag:s6] =	ssyncadd.s32 $0xFFFFD800  }
0x55: {  	[spmem:s28] =	stream.linear.scatter [tilespmem:s11], [sflag:$0x5], $0x50, $0x38;
	[tilespmem:$0x1BD80] =	vst v63  }
0x56: {  	_ =	swait.ge [sflag:s6], $0x50  }
0x57: {  	[sflag:s6] =	ssyncset.done $0x0  }
0x58: {  	s29 =	rddreg [dreg:$0x12];
	[sflag:s6] =	ssyncadd.s32 $0xFFFFFFB0  }
0x59: {  	[spmem:s29] =	stream.linear.scatter [tilespmem:s2], [sflag:$0x5], $0x2800, $0x38;
	[tilespmem:$0x1BD80] =	vst v63  }
0x5a: {  	_ =	swait.ge [sflag:s6], $0x2800  }
0x5b: {  	[sflag:s6] =	ssyncset.done $0x0  }
0x5c: {  	s30 =	rddreg [dreg:$0x13];
	[sflag:s6] =	ssyncadd.s32 $0xFFFFD800  }
0x5d: {  	[spmem:s30] =	stream.linear.scatter [tilespmem:s11], [sflag:$0x5], $0x50, $0x38;
	[tilespmem:$0x1BD80] =	vst v63  }
0x5e: {  	_ =	swait.ge [sflag:s6], $0x50  }
0x5f: {  	[sflag:s6] =	ssyncset.done $0x0  }
0x60: {  	s31 =	rddreg [dreg:$0x14];
	[sflag:s6] =	ssyncadd.s32 $0xFFFFFFB0  }
0x61: {  	[spmem:s31] =	stream.linear.scatter [tilespmem:s2], [sflag:$0x5], $0x2800, $0x38;
	[tilespmem:$0x1BD80] =	vst v63  }
0x62: {  	_ =	swait.ge [sflag:s6], $0x2800  }
0x63: {  	[sflag:s6] =	ssyncset.done $0x0  }
0x64: {  	s12 =	rddreg [dreg:$0x15];
	[sflag:s6] =	ssyncadd.s32 $0xFFFFD800  }
0x65: {  	[spmem:s12] =	stream.linear.scatter [tilespmem:s11], [sflag:$0x5], $0x50, $0x38;
	[tilespmem:$0x1BD80] =	vst v63  }
0x66: {  	_ =	swait.ge [sflag:s6], $0x50  }
0x67: {  	[sflag:s6] =	ssyncset.done $0x0  }
0x68: {  	s25 =	rddreg [dreg:$0x16];
	[sflag:s6] =	ssyncadd.s32 $0xFFFFFFB0  }
0x69: {  	[spmem:s25] =	stream.linear.scatter [tilespmem:s2], [sflag:$0x5], $0x2800, $0x38;
	[tilespmem:$0x1BD80] =	vst v63  }
0x6a: {  	_ =	swait.ge [sflag:s6], $0x2800  }
0x6b: {  	[sflag:s6] =	ssyncset.done $0x0  }
0x6c: {  	s26 =	rddreg [dreg:$0x18];
	[sflag:s6] =	ssyncadd.s32 $0xFFFFD800  }
0x6d: {  	[spmem:s26] =	stream.linear.scatter [tilespmem:s11], [sflag:$0x5], $0x50, $0x38;
	[tilespmem:$0x1BD80] =	vst v63  }
0x6e: {  	_ =	swait.ge [sflag:s6], $0x50  }
0x6f: {  	[sflag:s6] =	ssyncset.done $0x0  }
0x70: {  	s28 =	rddreg [dreg:$0x19];
	[sflag:s6] =	ssyncadd.s32 $0xFFFFFFB0  }
0x71: {  	[spmem:s28] =	stream.linear.scatter [tilespmem:s2], [sflag:$0x5], $0x2800, $0x38;
	[tilespmem:$0x1BD80] =	vst v63  }
0x72: {  	_ =	swait.ge [sflag:s6], $0x2800  }
0x73: {  	[sflag:s6] =	ssyncset.done $0x0  }
0x74: {  	s29 =	rddreg [dreg:$0x1a];
	[sflag:s6] =	ssyncadd.s32 $0xFFFFD800  }
0x75: {  	[spmem:s29] =	stream.linear.scatter [tilespmem:s11], [sflag:$0x5], $0x50, $0x38;
	[tilespmem:$0x1BD80] =	vst v63  }
0x76: {  	_ =	swait.ge [sflag:s6], $0x50  }
0x77: {  	[sflag:s6] =	ssyncset.done $0x0  }
0x78: {  	s30 =	rddreg [dreg:$0x1b];
	[sflag:s6] =	ssyncadd.s32 $0xFFFFFFB0  }
0x79: {  	[spmem:s30] =	stream.linear.scatter [tilespmem:s2], [sflag:$0x5], $0x2800, $0x38;
	[tilespmem:$0x1BD80] =	vst v63  }
0x7a: {  	_ =	swait.ge [sflag:s6], $0x2800  }
0x7b: {  	[sflag:s6] =	ssyncset.done $0x0  }
0x7c: {  	s31 =	rddreg [dreg:$0x1c];
	[sflag:s6] =	ssyncadd.s32 $0xFFFFD800  }
0x7d: {  	[spmem:s31] =	stream.linear.scatter [tilespmem:s11], [sflag:$0x5], $0x50, $0x38;
	[tilespmem:$0x1BD80] =	vst v63  }
0x7e: {  	_ =	swait.ge [sflag:s6], $0x50  }
0x7f: {  	[sflag:s6] =	ssyncset.done $0x0  }
0x80: {  	[sflag:s6] =	ssyncadd.s32 $0xFFFFFFB0  }
0x81: {  	s25 =	simm.s32 $0x0;
	s26 =	simm.s32 $0x0;
	[bflag:$0x0] =	sbarrier.arrive $0xFFFF  }
.LBB2_4:
0x82: {  	s12 =	sshll.u32 s26, $0xB  }
0x83: {  	s12 =	sadd.s32 s10, s12  }
0x84: {  	s12 =	sshrl.u32 s12, $0x3  }
0x85: {  	s28 =	sadd.s32 s8, s12  }
0x86: {  	[tilespmem:s25], [sflag:$0x5] =	stream.linear.gather [hbm4b:s28+s25], $0x500, $0x38;
	[tilespmem:$0x1BD80] =	vst v63  }
0x87: {  	_ =	swait.ge [sflag:s6], $0x500  }
0x88: {  	[sflag:s6] =	ssyncset.done $0x0  }
0x89: {  	s12 =	sadd.s32 s9, s12;
	[sflag:s6] =	ssyncadd.s32 $0xFFFFFB00  }
0x8a: {  	[tilespmem:s13], [sflag:$0x5] =	stream.linear.gather [hbm4b:s12+s25], $0x500, $0x38;
	[tilespmem:$0x1BD80] =	vst v63  }
0x8b: {  	_ =	swait.ge [sflag:s6], $0x500  }
0x8c: {  	[sflag:s6] =	ssyncset.done $0x0  }
0x8d: {  	[sflag:s6] =	ssyncadd.s32 $0xFFFFFB00  }
0x8e: {  	[tilespmem:s15], [sflag:$0x1] =	stream.indirect.gather [hbm4b:s1+s14], $0x1, s25, s14, $0xb8;
	[tilespmem:$0x1BD80] =	vst v63  }
0x8f: {  	_ = 	snop  }
0x90: {  	[tilespmem:s16], [sflag:$0x1] =	stream.indirect.gather [hbm4b:s3+s14], $0x1, s13, s14, $0xb8;
	[tilespmem:$0x1BD80] =	vst v63  }
0x91: {  	s28 =	simm.s32 $0x0  }
0x92: {  	[tilespmem:s2], [sflag:$0x1] =	stream.indirect.gather [hbm4b:s0+s14], $0x80, s25, s14, $0xb8;
	[tilespmem:$0x1BD80] =	vst v63  }
.LBB2_5:
0x93: {  	s29 =	sshll.u32 s28, $0x8  }
0x94: {  	s12 =	sor.u32 $0x80, s29  }
0x95: {  	[tilespmem:s17], [sflag:$0x2] =	stream.indirect.gather [hbm4b:s1+s14], $0x1, s12, s14, $0xb8;
	[tilespmem:$0x1BD80] =	vst v63  }
0x96: {  	s30 =	sadd.s32 $0x880, s29  }
0x97: {  	[tilespmem:s18], [sflag:$0x2] =	stream.indirect.gather [hbm4b:s3+s14], $0x1, s30, s14, $0xb8;
	[tilespmem:$0x1BD80] =	vst v63  }
0x98: {  	_ = 	snop  }
0x99: {  	[tilespmem:s19], [sflag:$0x2] =	stream.indirect.gather [hbm4b:s0+s14], $0x80, s12, s14, $0xb8;
	[tilespmem:$0x1BD80] =	vst v63  }
0x9a: {  	_ =	swait.ge [sflag:s20], $0x64  }
0x9b: {  	[sflag:s20] =	ssyncset.done $0x0  }
0x9c: {  	[sflag:s20] =	ssyncadd.s32 $0xFFFFFF9C  }
0x9d: {  	_ =	swait.ge [sflag:s20], $0x64  }
0x9e: {  	[sflag:s20] =	ssyncset.done $0x0  }
0x9f: {  	[sflag:s20] =	ssyncadd.s32 $0xFFFFFF9C  }
0xa0: {  	_ =	swait.ge [sflag:s20], $0x3200  }
0xa1: {  	[sflag:s20] =	ssyncset.done $0x0  }
0xa2: {  	[sflag:s20] =	ssyncadd.s32 $0xFFFFCE00  }
0xa3: {  	v1 =	vld [tilespmem:$0x1000]  }
0xa4: {  	v2 =	vld [tilespmem:$0x1080]  }
0xa5: {  	v3 =	vld [tilespmem:$0x1010]  }
0xa6: {  	v4 =	vld [tilespmem:$0x1090]  }
0xa7: {  	v5 =	vld [tilespmem:$0x1020]  }
0xa8: {  	v6 =	vld [tilespmem:$0x10A0]  }
0xa9: {  	v7 =	vld [tilespmem:$0x1030]  }
0xaa: {  	v8 =	vld [tilespmem:$0x10B0]  }
0xab: {  	v9 =	vld [tilespmem:$0x1040]  }
0xac: {  	v54 =	vld [tilespmem:$0x1050];
	v1 =	vadd.f32 v2, v1  }
0xad: {  	v11 =	vld [tilespmem:$0x10D0];
	v3 =	vadd.f32 v4, v3  }
0xae: {  	v2 =	vld [tilespmem:$0x10C0];
	v10 =	vmul.f32 $2.000000030e-01, v1  }
0xaf: {  	v13 =	vld [tilespmem:$0x1060];
	v12 =	vmul.f32 $2.000000030e-01, v3  }
0xb0: {  	v55 =	vld [tilespmem:$0x10E0];
	v1 =	vmax.f32 v1, v10  }
0xb1: {  	v5 =	vadd.f32 v6, v5;
	v3 =	vmax.f32 v3, v12;
	v1 =	vmul.f32 $1.442695020e+00, v1  }
0xb2: {  	v56 =	vadd.f32 v8, v7;
	v3 =	vmul.f32 $1.442695020e+00, v3  }
0xb3: {  	v2 =	vadd.f32 v2, v9;
	(erf) = vpow2.f32 v1;
	v1 =	vmul.f32 $2.000000030e-01, v5  }
0xb4: {  	v4 =	vadd.f32 v11, v54;
	(erf) = vpow2.f32 v3;
	v3 =	vmul.f32 $2.000000030e-01, v56  }
0xb5: {  	v58 =	vadd.f32 v55, v13;
	v57 =	vmul.f32 $2.000000030e-01, v2;
	v1 =	vmax.f32 v5, v1  }
0xb6: {  	v59 =	vmul.f32 $2.000000030e-01, v4;
	v1 =	vmul.f32 $1.442695020e+00, v1;
	v3 =	vmax.f32 v56, v3  }
0xb7: {  	v60 =	vmul.f32 $2.000000030e-01, v58;
	v2 =	vmax.f32 v2, v57;
	v3 =	vmul.f32 $1.442695020e+00, v3  }
0xb8: {  	(erf) = vpow2.f32 v1;
	v1 =	vmul.f32 $1.442695020e+00, v2;
	v2 =	vmax.f32 v4, v59  }
0xb9: {  	(erf) = vpow2.f32 v3;
	v2 =	vmul.f32 $1.442695020e+00, v2;
	v3 =	vmax.f32 v58, v60  }
0xba: {  	(erf) = vpow2.f32 v1;
	v1 =	vmul.f32 $1.442695020e+00, v3  }
0xbb: {  	(erf) = vpow2.f32 v2  }
0xbc: {  	(erf) = vpow2.f32 v1;
	_ =	sdelay $0x2  }
0xbd: {  	v1 =	vpop (erf)  }
0xbe: {  	v2 =	vpop (erf);
	[tilespmem:$0x1100] =	vst v1  }
0xbf: {  	[tilespmem:$0x1110] =	vst v2;
	v1 =	vpop (erf)  }
0xc0: {  	v2 =	vpop (erf);
	[tilespmem:$0x1120] =	vst v1  }
0xc1: {  	v1 =	vpop (erf);
	[tilespmem:$0x1130] =	vst v2  }
0xc2: {  	v2 =	vpop (erf);
	[tilespmem:$0x1140] =	vst v1  }
0xc3: {  	s7 =	simm.s32 $0x0;
	[tilespmem:$0x1150] =	vst v2;
	v1 =	vpop (erf)  }
0xc4: {  	s12 =	sand.u32 $0x3FFFFFF0, s7;
	[tilespmem:$0x1160] =	vst v1  }
0xc5: {  	s31 =	simm.s32 $0x0;
	v1 =	vld [tilespmem:s12+$0x1100]  }
0xc6: {  	s31 =	sand.u32 $0x3FFFF800, s31  }
0xc7: {  	v3 =	vld [tilespmem:s31+$0x11A0]  }
0xc8: {  	v16 =	vld [tilespmem:s31+$0x11B0]  }
0xc9: {  	v18 =	vld [tilespmem:s31+$0x11E0]  }
0xca: {  	v19 =	vld [tilespmem:s31+$0x11F0];
	v2 =	vbroadcast v1, $0x0  }
0xcb: {  	v20 =	vld [tilespmem:s31+$0x1200]  }
0xcc: {  	v21 =	vld [tilespmem:s31+$0x1210];
	v3 =	vmul.f32 v3, v2  }
0xcd: {  	v14 =	vld [tilespmem:s31+$0x1220];
	v4 =	vmul.f32 v16, v2  }
0xce: {  	v63 =	vld [tilespmem:s31+$0x1230];
	v23 =	vbroadcast v1, $0x1;
	v22 =	vmul.f32 v18, v2;
	[tilespmem:s31+$0x11A0] =	vst v3  }
0xcf: {  	v61 =	vld [tilespmem:s31+$0x1240];
	v11 =	vmul.f32 v19, v2;
	[tilespmem:s31+$0x11B0] =	vst v4  }
0xd0: {  	v62 =	vld [tilespmem:s31+$0x1250];
	v12 =	vmul.f32 v20, v23;
	[tilespmem:s31+$0x11E0] =	vst v22  }
0xd1: {  	v25 =	vld [tilespmem:s31+$0x1270];
	v13 =	vmul.f32 v21, v23;
	[tilespmem:s31+$0x11F0] =	vst v11  }
0xd2: {  	v26 =	vld [tilespmem:s31+$0x1280];
	v14 =	vmul.f32 v14, v23;
	[tilespmem:s31+$0x1200] =	vst v12  }
0xd3: {  	v27 =	vld [tilespmem:s31+$0x1290];
	v9 =	vmul.f32 v63, v23;
	[tilespmem:s31+$0x1210] =	vst v13  }
0xd4: {  	v17 =	vld [tilespmem:s31+$0x16F0];
	v7 =	vmul.f32 v61, v23;
	[tilespmem:s31+$0x1220] =	vst v14  }
0xd5: {  	v24 =	vld [tilespmem:s31+$0x1260];
	v15 =	vbroadcast v1, $0x2;
	v8 =	vmul.f32 v62, v23;
	[tilespmem:s31+$0x1230] =	vst v9  }
0xd6: {  	v28 =	vld [tilespmem:s31+$0x12A0];
	v10 =	vmul.f32 v25, v23;
	[tilespmem:s31+$0x1240] =	vst v7  }
0xd7: {  	v29 =	vld [tilespmem:s31+$0x12B0];
	v5 =	vbroadcast v1, $0xA;
	v32 =	vmul.f32 v26, v15;
	[tilespmem:s31+$0x1250] =	vst v8  }
0xd8: {  	v30 =	vld [tilespmem:s31+$0x12C0];
	v34 =	vmul.f32 v27, v15;
	[tilespmem:s31+$0x1270] =	vst v10  }
0xd9: {  	v33 =	vld [tilespmem:s31+$0x12E0];
	v3 =	vmul.f32 v17, v5;
	[tilespmem:s31+$0x1280] =	vst v32  }
0xda: {  	v35 =	vld [tilespmem:s31+$0x12F0];
	v11 =	vmul.f32 v24, v23;
	[tilespmem:s31+$0x1290] =	vst v34  }
0xdb: {  	v36 =	vld [tilespmem:s31+$0x1300];
	v9 =	vmul.f32 v28, v15;
	[tilespmem:s31+$0x16F0] =	vst v3  }
0xdc: {  	v31 =	vld [tilespmem:s31+$0x12D0];
	v7 =	vmul.f32 v29, v15;
	[tilespmem:s31+$0x1260] =	vst v11  }
0xdd: {  	v37 =	vld [tilespmem:s31+$0x1310];
	v8 =	vmul.f32 v30, v15;
	[tilespmem:s31+$0x12A0] =	vst v9  }
0xde: {  	v38 =	vld [tilespmem:s31+$0x1320];
	v41 =	vbroadcast v1, $0x3;
	v10 =	vmul.f32 v33, v15;
	[tilespmem:s31+$0x12B0] =	vst v7  }
0xdf: {  	v39 =	vld [tilespmem:s31+$0x1330];
	v12 =	vmul.f32 v35, v15;
	[tilespmem:s31+$0x12C0] =	vst v8  }
0xe0: {  	v42 =	vld [tilespmem:s31+$0x1350];
	v13 =	vmul.f32 v36, v41;
	[tilespmem:s31+$0x12E0] =	vst v10  }
0xe1: {  	v43 =	vld [tilespmem:s31+$0x1360];
	v11 =	vmul.f32 v31, v15;
	[tilespmem:s31+$0x12F0] =	vst v12  }
0xe2: {  	v44 =	vld [tilespmem:s31+$0x1370];
	v9 =	vmul.f32 v37, v41;
	[tilespmem:s31+$0x1300] =	vst v13  }
0xe3: {  	v40 =	vld [tilespmem:s31+$0x1340];
	v7 =	vmul.f32 v38, v41;
	[tilespmem:s31+$0x12D0] =	vst v11  }
0xe4: {  	v45 =	vld [tilespmem:s31+$0x1380];
	v8 =	vmul.f32 v39, v41;
	[tilespmem:s31+$0x1310] =	vst v9  }
0xe5: {  	v46 =	vld [tilespmem:s31+$0x1390];
	v10 =	vmul.f32 v42, v41;
	[tilespmem:s31+$0x1320] =	vst v7  }
0xe6: {  	v47 =	vld [tilespmem:s31+$0x13A0];
	v12 =	vmul.f32 v43, v41;
	[tilespmem:s31+$0x1330] =	vst v8  }
0xe7: {  	v49 =	vld [tilespmem:s31+$0x13C0];
	v50 =	vbroadcast v1, $0x4;
	v13 =	vmul.f32 v44, v41;
	[tilespmem:s31+$0x1350] =	vst v10  }
0xe8: {  	v51 =	vld [tilespmem:s31+$0x13D0];
	v11 =	vmul.f32 v40, v41;
	[tilespmem:s31+$0x1360] =	vst v12  }
0xe9: {  	v52 =	vld [tilespmem:s31+$0x13E0];
	v9 =	vmul.f32 v45, v50;
	[tilespmem:s31+$0x1370] =	vst v13  }
0xea: {  	v48 =	vld [tilespmem:s31+$0x13B0];
	v7 =	vmul.f32 v46, v50;
	[tilespmem:s31+$0x1340] =	vst v11  }
0xeb: {  	v53 =	vld [tilespmem:s31+$0x13F0];
	v8 =	vmul.f32 v47, v50;
	[tilespmem:s31+$0x1380] =	vst v9  }
0xec: {  	v54 =	vld [tilespmem:s31+$0x1400];
	v10 =	vmul.f32 v49, v50;
	[tilespmem:s31+$0x1390] =	vst v7  }
0xed: {  	v55 =	vld [tilespmem:s31+$0x1410];
	v12 =	vmul.f32 v51, v50;
	[tilespmem:s31+$0x13A0] =	vst v8  }
0xee: {  	v57 =	vld [tilespmem:s31+$0x1430];
	v13 =	vmul.f32 v52, v50;
	[tilespmem:s31+$0x13C0] =	vst v10  }
0xef: {  	v58 =	vld [tilespmem:s31+$0x1440];
	v59 =	vbroadcast v1, $0x5;
	v11 =	vmul.f32 v48, v50;
	[tilespmem:s31+$0x13D0] =	vst v12  }
0xf0: {  	v60 =	vld [tilespmem:s31+$0x1450];
	v9 =	vmul.f32 v53, v50;
	[tilespmem:s31+$0x13E0] =	vst v13  }
0xf1: {  	v56 =	vld [tilespmem:s31+$0x1420];
	v7 =	vmul.f32 v54, v59;
	[tilespmem:s31+$0x13B0] =	vst v11  }
0xf2: {  	v61 =	vld [tilespmem:s31+$0x1460];
	v8 =	vmul.f32 v55, v59;
	[tilespmem:s31+$0x13F0] =	vst v9  }
0xf3: {  	v62 =	vld [tilespmem:s31+$0x1470];
	v10 =	vmul.f32 v57, v59;
	[tilespmem:s31+$0x1400] =	vst v7  }
0xf4: {  	v63 =	vld [tilespmem:s31+$0x1480];
	v12 =	vmul.f32 v58, v59;
	[tilespmem:s31+$0x1410] =	vst v8  }
0xf5: {  	v19 =	vld [tilespmem:s31+$0x14A0];
	v13 =	vmul.f32 v60, v59;
	[tilespmem:s31+$0x1430] =	vst v10  }
0xf6: {  	v20 =	vld [tilespmem:s31+$0x14B0];
	v11 =	vmul.f32 v56, v59;
	[tilespmem:s31+$0x1440] =	vst v12  }
0xf7: {  	v21 =	vld [tilespmem:s31+$0x14C0];
	v22 =	vbroadcast v1, $0x6;
	v9 =	vmul.f32 v61, v59;
	[tilespmem:s31+$0x1450] =	vst v13  }
0xf8: {  	v18 =	vld [tilespmem:s31+$0x1490];
	v7 =	vmul.f32 v62, v59;
	[tilespmem:s31+$0x1420] =	vst v11  }
0xf9: {  	v23 =	vld [tilespmem:s31+$0x14D0];
	v8 =	vmul.f32 v63, v22;
	[tilespmem:s31+$0x1460] =	vst v9  }
0xfa: {  	v24 =	vld [tilespmem:s31+$0x14E0];
	v10 =	vmul.f32 v19, v22;
	[tilespmem:s31+$0x1470] =	vst v7  }
0xfb: {  	v25 =	vld [tilespmem:s31+$0x14F0];
	v12 =	vmul.f32 v20, v22;
	[tilespmem:s31+$0x1480] =	vst v8  }
0xfc: {  	v27 =	vld [tilespmem:s31+$0x1510];
	v13 =	vmul.f32 v21, v22;
	[tilespmem:s31+$0x14A0] =	vst v10  }
0xfd: {  	v28 =	vld [tilespmem:s31+$0x1520];
	v11 =	vmul.f32 v18, v22;
	[tilespmem:s31+$0x14B0] =	vst v12  }
0xfe: {  	v29 =	vld [tilespmem:s31+$0x1530];
	v9 =	vmul.f32 v23, v22;
	[tilespmem:s31+$0x14C0] =	vst v13  }
0xff: {  	v31 =	vbroadcast v1, $0x7;
	v53 =	vld [tilespmem:s31+$0x1680];
	v7 =	vmul.f32 v24, v22;
	[tilespmem:s31+$0x1490] =	vst v11  }
0x100: {  	v57 =	vld [tilespmem:s31+$0x16C0];
	v8 =	vmul.f32 v25, v22;
	[tilespmem:s31+$0x14D0] =	vst v9  }
0x101: {  	v58 =	vld [tilespmem:s31+$0x16D0];
	v10 =	vmul.f32 v27, v31;
	[tilespmem:s31+$0x14E0] =	vst v7  }
0x102: {  	v26 =	vld [tilespmem:s31+$0x1500];
	v12 =	vmul.f32 v28, v31;
	[tilespmem:s31+$0x14F0] =	vst v8  }
0x103: {  	v30 =	vld [tilespmem:s31+$0x1540];
	v13 =	vmul.f32 v29, v31;
	[tilespmem:s31+$0x1510] =	vst v10  }
0x104: {  	v32 =	vld [tilespmem:s31+$0x1550];
	v59 =	vmul.f32 v53, v5;
	[tilespmem:s31+$0x1520] =	vst v12  }
0x105: {  	v33 =	vld [tilespmem:s31+$0x1560];
	v18 =	vmul.f32 v57, v5;
	[tilespmem:s31+$0x1530] =	vst v13  }
0x106: {  	v35 =	vld [tilespmem:s31+$0x1580];
	v20 =	vmul.f32 v58, v5;
	[tilespmem:s31+$0x1680] =	vst v59  }
0x107: {  	v36 =	vld [tilespmem:s31+$0x1590];
	v11 =	vmul.f32 v26, v31;
	[tilespmem:s31+$0x16C0] =	vst v18  }
0x108: {  	v37 =	vld [tilespmem:s31+$0x15A0];
	v9 =	vmul.f32 v30, v31;
	[tilespmem:s31+$0x16D0] =	vst v20  }
0x109: {  	v4 =	vld [tilespmem:s31+$0x1700];
	v40 =	vbroadcast v1, $0x8;
	v7 =	vmul.f32 v32, v31;
	[tilespmem:s31+$0x1500] =	vst v11  }
0x10a: {  	v6 =	vld [tilespmem:s31+$0x1710];
	v8 =	vmul.f32 v33, v31;
	[tilespmem:s31+$0x1540] =	vst v9  }
0x10b: {  	v3 =	vld [tilespmem:s31+$0x1950];
	v10 =	vmul.f32 v35, v40;
	[tilespmem:s31+$0x1550] =	vst v7  }
0x10c: {  	v61 =	vld [tilespmem:s31+$0x1180];
	v23 =	vbroadcast v1, $0xB;
	v12 =	vmul.f32 v36, v40;
	[tilespmem:s31+$0x1560] =	vst v8  }
0x10d: {  	v34 =	vld [tilespmem:s31+$0x1570];
	v13 =	vmul.f32 v37, v40;
	[tilespmem:s31+$0x1580] =	vst v10  }
0x10e: {  	v38 =	vld [tilespmem:s31+$0x15B0];
	v27 =	vbroadcast v1, $0xF;
	v4 =	vmul.f32 v4, v23;
	[tilespmem:s31+$0x1590] =	vst v12  }
0x10f: {  	v39 =	vld [tilespmem:s31+$0x15C0];
	v6 =	vmul.f32 v6, v23;
	[tilespmem:s31+$0x15A0] =	vst v13  }
0x110: {  	v41 =	vld [tilespmem:s31+$0x15D0];
	v3 =	vmul.f32 v3, v27;
	[tilespmem:s31+$0x1700] =	vst v4  }
0x111: {  	v43 =	vld [tilespmem:s31+$0x15F0];
	v24 =	vmul.f32 v2, v61;
	[tilespmem:s31+$0x1710] =	vst v6  }
0x112: {  	v44 =	vld [tilespmem:s31+$0x1600];
	v11 =	vmul.f32 v34, v31;
	[tilespmem:s31+$0x1950] =	vst v3  }
0x113: {  	v45 =	vld [tilespmem:s31+$0x1610];
	v9 =	vmul.f32 v38, v40;
	[tilespmem:s31+$0x1180] =	vst v24  }
0x114: {  	v63 =	vld [tilespmem:s31+$0x11C0];
	v7 =	vmul.f32 v39, v40;
	[tilespmem:s31+$0x1570] =	vst v11  }
0x115: {  	v49 =	vbroadcast v1, $0x9;
	v29 =	vld [tilespmem:s31+$0x1770];
	v8 =	vmul.f32 v41, v40;
	[tilespmem:s31+$0x15B0] =	vst v9  }
0x116: {  	v42 =	vld [tilespmem:s31+$0x15E0];
	v10 =	vmul.f32 v43, v40;
	[tilespmem:s31+$0x15C0] =	vst v7  }
0x117: {  	v46 =	vld [tilespmem:s31+$0x1620];
	v12 =	vmul.f32 v44, v49;
	[tilespmem:s31+$0x15D0] =	vst v8  }
0x118: {  	v47 =	vld [tilespmem:s31+$0x1630];
	v13 =	vmul.f32 v45, v49;
	[tilespmem:s31+$0x15F0] =	vst v10  }
0x119: {  	v48 =	vld [tilespmem:s31+$0x1640];
	v3 =	vmul.f32 v63, v2;
	[tilespmem:s31+$0x1600] =	vst v12  }
0x11a: {  	v51 =	vld [tilespmem:s31+$0x1660];
	v6 =	vmul.f32 v29, v23;
	[tilespmem:s31+$0x1610] =	vst v13  }
0x11b: {  	v52 =	vld [tilespmem:s31+$0x1670];
	v11 =	vmul.f32 v42, v40;
	[tilespmem:s31+$0x11C0] =	vst v3  }
0x11c: {  	v28 =	vld [tilespmem:s31+$0x1760];
	v9 =	vmul.f32 v46, v49;
	[tilespmem:s31+$0x1770] =	vst v6  }
0x11d: {  	v26 =	vld [tilespmem:s31+$0x1750];
	v7 =	vmul.f32 v47, v49;
	[tilespmem:s31+$0x15E0] =	vst v11  }
0x11e: {  	v30 =	vld [tilespmem:s31+$0x1780];
	v8 =	vmul.f32 v48, v49;
	[tilespmem:s31+$0x1620] =	vst v9  }
0x11f: {  	v50 =	vld [tilespmem:s31+$0x1650];
	v10 =	vmul.f32 v51, v49;
	[tilespmem:s31+$0x1630] =	vst v7  }
0x120: {  	v54 =	vld [tilespmem:s31+$0x1690];
	v12 =	vmul.f32 v52, v49;
	[tilespmem:s31+$0x1640] =	vst v8  }
0x121: {  	v55 =	vld [tilespmem:s31+$0x16A0];
	v35 =	vbroadcast v1, $0xC;
	v40 =	vmul.f32 v28, v23;
	[tilespmem:s31+$0x1660] =	vst v10  }
0x122: {  	v56 =	vld [tilespmem:s31+$0x16B0];
	v32 =	vmul.f32 v26, v23;
	[tilespmem:s31+$0x1670] =	vst v12  }
0x123: {  	v60 =	vld [tilespmem:s31+$0x16E0];
	v15 =	vmul.f32 v30, v35;
	[tilespmem:s31+$0x1760] =	vst v40  }
0x124: {  	v62 =	vld [tilespmem:s31+$0x1190];
	v11 =	vmul.f32 v50, v49;
	[tilespmem:s31+$0x1750] =	vst v32  }
0x125: {  	v19 =	vld [tilespmem:s31+$0x11D0];
	v9 =	vmul.f32 v54, v5;
	[tilespmem:s31+$0x1780] =	vst v15  }
0x126: {  	v33 =	vld [tilespmem:s31+$0x17B0];
	v7 =	vmul.f32 v55, v5;
	[tilespmem:s31+$0x1650] =	vst v11  }
0x127: {  	v61 =	vld [tilespmem:s31+$0x1970];
	v8 =	vmul.f32 v56, v5;
	[tilespmem:s31+$0x1690] =	vst v9  }
0x128: {  	v38 =	vld [tilespmem:s31+$0x17F0];
	v5 =	vmul.f32 v60, v5;
	[tilespmem:s31+$0x16A0] =	vst v7  }
0x129: {  	v21 =	vld [tilespmem:s31+$0x1720];
	v12 =	vmul.f32 v62, v2;
	[tilespmem:s31+$0x16B0] =	vst v8  }
0x12a: {  	v22 =	vld [tilespmem:s31+$0x1730];
	v2 =	vmul.f32 v19, v2;
	[tilespmem:s31+$0x16E0] =	vst v5  }
0x12b: {  	v25 =	vld [tilespmem:s31+$0x1740];
	v62 =	vmul.f32 v33, v35;
	[tilespmem:s31+$0x1190] =	vst v12  }
0x12c: {  	v31 =	vld [tilespmem:s31+$0x1790];
	v63 =	vmul.f32 v61, v27;
	[tilespmem:s31+$0x11D0] =	vst v2  }
0x12d: {  	v34 =	vld [tilespmem:s31+$0x17C0];
	v15 =	vmul.f32 v38, v35;
	[tilespmem:s31+$0x17B0] =	vst v62  }
0x12e: {  	v41 =	vld [tilespmem:s31+$0x1820];
	v7 =	vmul.f32 v21, v23;
	[tilespmem:s31+$0x1970] =	vst v63  }
0x12f: {  	v46 =	vld [tilespmem:s31+$0x1860];
	v8 =	vmul.f32 v22, v23;
	[tilespmem:s31+$0x17F0] =	vst v15  }
0x130: {  	v36 =	vld [tilespmem:s31+$0x17D0];
	v5 =	vmul.f32 v25, v23;
	[tilespmem:s31+$0x1720] =	vst v7  }
0x131: {  	v44 =	vbroadcast v1, $0xD;
	v9 =	vmul.f32 v31, v35;
	v2 =	vld [tilespmem:s31+$0x1810];
	[tilespmem:s31+$0x1730] =	vst v8  }
0x132: {  	v37 =	vld [tilespmem:s31+$0x17E0];
	v12 =	vmul.f32 v34, v35;
	[tilespmem:s31+$0x1740] =	vst v5  }
0x133: {  	v39 =	vld [tilespmem:s31+$0x1800];
	v11 =	vmul.f32 v41, v44;
	[tilespmem:s31+$0x1790] =	vst v9  }
0x134: {  	v42 =	vld [tilespmem:s31+$0x1830];
	v51 =	vmul.f32 v46, v44;
	[tilespmem:s31+$0x17C0] =	vst v12  }
0x135: {  	v48 =	vld [tilespmem:s31+$0x1890];
	v8 =	vmul.f32 v36, v35;
	[tilespmem:s31+$0x1820] =	vst v11  }
0x136: {  	v49 =	vld [tilespmem:s31+$0x18A0];
	[tilespmem:s31+$0x1860] =	vst v51;
	v2 =	vmul.f32 v2, v44  }
0x137: {  	v50 =	vld [tilespmem:s31+$0x18B0];
	v5 =	vmul.f32 v37, v35;
	[tilespmem:s31+$0x17D0] =	vst v8  }
0x138: {  	v1 =	vbroadcast v1, $0xE;
	v9 =	vmul.f32 v39, v44;
	[tilespmem:s31+$0x1810] =	vst v2;
	v2 =	vld [tilespmem:s31+$0x1880]  }
0x139: {  	v60 =	vld [tilespmem:s31+$0x1960];
	v12 =	vmul.f32 v42, v44;
	[tilespmem:s31+$0x17E0] =	vst v5  }
0x13a: {  	v45 =	vld [tilespmem:s31+$0x1850];
	v11 =	vmul.f32 v48, v1;
	[tilespmem:s31+$0x1800] =	vst v9  }
0x13b: {  	v47 =	vld [tilespmem:s31+$0x1870];
	v10 =	vmul.f32 v49, v1;
	[tilespmem:s31+$0x1830] =	vst v12  }
0x13c: {  	v43 =	vld [tilespmem:s31+$0x1840];
	v6 =	vmul.f32 v50, v1;
	[tilespmem:s31+$0x1890] =	vst v11  }
0x13d: {  	v55 =	vld [tilespmem:s31+$0x1900];
	[tilespmem:s31+$0x18A0] =	vst v10;
	v2 =	vmul.f32 v2, v1  }
0x13e: {  	v57 =	vld [tilespmem:s31+$0x1920];
	v4 =	vmul.f32 v60, v27;
	[tilespmem:s31+$0x18B0] =	vst v6  }
0x13f: {  	v5 =	vmul.f32 v45, v44;
	[tilespmem:s31+$0x1880] =	vst v2;
	v2 =	vld [tilespmem:s31+$0x18F0]  }
0x140: {  	v52 =	vld [tilespmem:s31+$0x18C0];
	v9 =	vmul.f32 v47, v44;
	[tilespmem:s31+$0x1960] =	vst v4  }
0x141: {  	v56 =	vld [tilespmem:s31+$0x1910];
	v8 =	vmul.f32 v43, v44;
	[tilespmem:s31+$0x1850] =	vst v5  }
0x142: {  	v54 =	vld [tilespmem:s31+$0x18E0];
	v11 =	vmul.f32 v55, v27;
	[tilespmem:s31+$0x1870] =	vst v9  }
0x143: {  	v58 =	vld [tilespmem:s31+$0x1930];
	v6 =	vmul.f32 v57, v27;
	[tilespmem:s31+$0x1840] =	vst v8  }
0x144: {  	v53 =	vld [tilespmem:s31+$0x18D0];
	[tilespmem:s31+$0x1900] =	vst v11;
	v2 =	vmul.f32 v2, v1  }
0x145: {  	v59 =	vld [tilespmem:s31+$0x1940];
	v5 =	vmul.f32 v52, v1;
	[tilespmem:s31+$0x1920] =	vst v6  }
0x146: {  	[tilespmem:s31+$0x18F0] =	vst v2;
	v2 =	vmul.f32 v56, v27  }
0x147: {  	v3 =	vld [tilespmem:s31+$0x17A0];
	v9 =	vmul.f32 v54, v1;
	[tilespmem:s31+$0x18C0] =	vst v5  }
0x148: {  	[tilespmem:s31+$0x1910] =	vst v2;
	v2 =	vmul.f32 v58, v27  }
0x149: {  	[tilespmem:s31+$0x18E0] =	vst v9;
	v1 =	vmul.f32 v53, v1  }
0x14a: {  	[tilespmem:s31+$0x1930] =	vst v2;
	v2 =	vmul.f32 v59, v27  }
0x14b: {  	[tilespmem:s31+$0x18D0] =	vst v1  }
0x14c: {  	s12 =	simm.s32 $0x1;
	[tilespmem:s31+$0x1940] =	vst v2;
	v2 =	vmul.f32 v3, v35  }
.LBB2_6:
0x14d: {  	s7 =	sshll.u32 s12, $0x4  }
0x14e: {  	p0 =	sne.s32 s12, $0x5;
	[tilespmem:s31+$0x17A0] =	vst v2;
	s31 =	smov.u32 s12;
	s12 =	sadd.s32 $0x1, s12  }
0x14f: {  	s7 =	sand.u32 $0x3FFFFFF0, s7  }
0x150: {  	v1 =	vld [tilespmem:s7+$0x1100];
	s7 =	sshll.u32 s31, $0xB  }
0x151: {  	s31 =	sand.u32 $0x3FFFF800, s7  }
0x152: {  	v8 =	vld [tilespmem:s31+$0x1240]  }
0x153: {  	v9 =	vld [tilespmem:s31+$0x1250]  }
0x154: {  	v10 =	vld [tilespmem:s31+$0x1230]  }
0x155: {  	v2 =	vbroadcast v1, $0x0;
	v3 =	vld [tilespmem:s31+$0x11A0];
	v7 =	vbroadcast v1, $0x4  }
0x156: {  	v5 =	vld [tilespmem:s31+$0x11B0]  }
0x157: {  	v6 =	vld [tilespmem:s31+$0x16F0]  }
0x158: {  	v11 =	vld [tilespmem:s31+$0x11E0]  }
0x159: {  	v12 =	vld [tilespmem:s31+$0x11F0]  }
0x15a: {  	v4 =	vbroadcast v1, $0xA;
	v3 =	vmul.f32 v3, v2;
	v13 =	vld [tilespmem:s31+$0x1200]  }
0x15b: {  	v5 =	vmul.f32 v5, v2;
	v14 =	vld [tilespmem:s31+$0x1210]  }
0x15c: {  	[tilespmem:s31+$0x11A0] =	vst v3;
	v15 =	vld [tilespmem:s31+$0x1220];
	v3 =	vmul.f32 v6, v4  }
0x15d: {  	[tilespmem:s31+$0x11B0] =	vst v5;
	v6 =	vmul.f32 v11, v2;
	v11 =	vbroadcast v1, $0x1;
	v5 =	vld [tilespmem:s31+$0x1700]  }
0x15e: {  	v12 =	vmul.f32 v12, v2;
	[tilespmem:s31+$0x16F0] =	vst v3;
	v3 =	vld [tilespmem:s31+$0x1950]  }
0x15f: {  	[tilespmem:s31+$0x11E0] =	vst v6;
	v13 =	vmul.f32 v13, v11;
	v6 =	vld [tilespmem:s31+$0x1710]  }
0x160: {  	[tilespmem:s31+$0x11F0] =	vst v12;
	v12 =	vmul.f32 v14, v11;
	v14 =	vld [tilespmem:s31+$0x1260]  }
0x161: {  	[tilespmem:s31+$0x1200] =	vst v13;
	v13 =	vmul.f32 v15, v11;
	v15 =	vld [tilespmem:s31+$0x1270]  }
0x162: {  	v10 =	vmul.f32 v10, v11;
	[tilespmem:s31+$0x1210] =	vst v12;
	v12 =	vld [tilespmem:s31+$0x1280]  }
0x163: {  	v8 =	vmul.f32 v8, v11;
	[tilespmem:s31+$0x1220] =	vst v13;
	v13 =	vld [tilespmem:s31+$0x1290]  }
0x164: {  	v9 =	vmul.f32 v9, v11;
	[tilespmem:s31+$0x1230] =	vst v10;
	v10 =	vld [tilespmem:s31+$0x12A0]  }
0x165: {  	[tilespmem:s31+$0x1240] =	vst v8;
	v8 =	vmul.f32 v14, v11;
	v14 =	vbroadcast v1, $0x2;
	v16 =	vld [tilespmem:s31+$0x12B0]  }
0x166: {  	[tilespmem:s31+$0x1250] =	vst v9;
	v9 =	vmul.f32 v15, v11;
	v11 =	vld [tilespmem:s31+$0x12C0]  }
0x167: {  	[tilespmem:s31+$0x1260] =	vst v8;
	v8 =	vmul.f32 v12, v14;
	v12 =	vld [tilespmem:s31+$0x12D0]  }
0x168: {  	[tilespmem:s31+$0x1270] =	vst v9;
	v9 =	vmul.f32 v13, v14;
	v13 =	vld [tilespmem:s31+$0x12E0]  }
0x169: {  	[tilespmem:s31+$0x1280] =	vst v8;
	v8 =	vmul.f32 v10, v14;
	v10 =	vld [tilespmem:s31+$0x12F0]  }
0x16a: {  	[tilespmem:s31+$0x1290] =	vst v9;
	v9 =	vmul.f32 v16, v14;
	v15 =	vld [tilespmem:s31+$0x1300]  }
0x16b: {  	[tilespmem:s31+$0x12A0] =	vst v8;
	v8 =	vmul.f32 v11, v14;
	v11 =	vld [tilespmem:s31+$0x1310]  }
0x16c: {  	[tilespmem:s31+$0x12B0] =	vst v9;
	v9 =	vmul.f32 v12, v14;
	v12 =	vld [tilespmem:s31+$0x1320]  }
0x16d: {  	[tilespmem:s31+$0x12C0] =	vst v8;
	v8 =	vmul.f32 v13, v14;
	v13 =	vbroadcast v1, $0x3;
	v16 =	vld [tilespmem:s31+$0x1330]  }
0x16e: {  	[tilespmem:s31+$0x12D0] =	vst v9;
	v9 =	vmul.f32 v10, v14;
	v10 =	vld [tilespmem:s31+$0x1340]  }
0x16f: {  	[tilespmem:s31+$0x12E0] =	vst v8;
	v8 =	vmul.f32 v15, v13;
	v14 =	vld [tilespmem:s31+$0x1350]  }
0x170: {  	[tilespmem:s31+$0x12F0] =	vst v9;
	v9 =	vmul.f32 v11, v13;
	v11 =	vld [tilespmem:s31+$0x1360]  }
0x171: {  	[tilespmem:s31+$0x1300] =	vst v8;
	v8 =	vmul.f32 v12, v13;
	v12 =	vld [tilespmem:s31+$0x1370]  }
0x172: {  	[tilespmem:s31+$0x1310] =	vst v9;
	v9 =	vmul.f32 v16, v13;
	v15 =	vld [tilespmem:s31+$0x1380]  }
0x173: {  	[tilespmem:s31+$0x1320] =	vst v8;
	v8 =	vmul.f32 v10, v13;
	v10 =	vld [tilespmem:s31+$0x1390]  }
0x174: {  	[tilespmem:s31+$0x1330] =	vst v9;
	v9 =	vmul.f32 v14, v13;
	v14 =	vld [tilespmem:s31+$0x13A0]  }
0x175: {  	[tilespmem:s31+$0x1340] =	vst v8;
	v8 =	vmul.f32 v11, v13;
	v11 =	vld [tilespmem:s31+$0x13B0]  }
0x176: {  	[tilespmem:s31+$0x1350] =	vst v9;
	v9 =	vmul.f32 v12, v13;
	v12 =	vld [tilespmem:s31+$0x13C0]  }
0x177: {  	[tilespmem:s31+$0x1360] =	vst v8;
	v8 =	vmul.f32 v15, v7;
	v13 =	vld [tilespmem:s31+$0x13D0]  }
0x178: {  	[tilespmem:s31+$0x1370] =	vst v9;
	v9 =	vmul.f32 v10, v7;
	v10 =	vld [tilespmem:s31+$0x13E0]  }
0x179: {  	[tilespmem:s31+$0x1380] =	vst v8;
	v8 =	vmul.f32 v14, v7;
	v14 =	vld [tilespmem:s31+$0x13F0]  }
0x17a: {  	[tilespmem:s31+$0x1390] =	vst v9;
	v9 =	vmul.f32 v11, v7;
	v11 =	vld [tilespmem:s31+$0x1400]  }
0x17b: {  	[tilespmem:s31+$0x13A0] =	vst v8;
	v8 =	vmul.f32 v12, v7;
	v12 =	vld [tilespmem:s31+$0x1410]  }
0x17c: {  	[tilespmem:s31+$0x13B0] =	vst v9;
	v9 =	vmul.f32 v13, v7;
	v13 =	vld [tilespmem:s31+$0x1420]  }
0x17d: {  	[tilespmem:s31+$0x13C0] =	vst v8;
	v8 =	vmul.f32 v10, v7;
	v10 =	vbroadcast v1, $0x5;
	v15 =	vld [tilespmem:s31+$0x1430]  }
0x17e: {  	[tilespmem:s31+$0x13D0] =	vst v9;
	v7 =	vmul.f32 v14, v7;
	v9 =	vld [tilespmem:s31+$0x1440]  }
0x17f: {  	[tilespmem:s31+$0x13E0] =	vst v8;
	v8 =	vmul.f32 v11, v10;
	v11 =	vld [tilespmem:s31+$0x1450]  }
0x180: {  	[tilespmem:s31+$0x13F0] =	vst v7;
	v7 =	vmul.f32 v12, v10;
	v12 =	vld [tilespmem:s31+$0x1460]  }
0x181: {  	[tilespmem:s31+$0x1400] =	vst v8;
	v8 =	vmul.f32 v13, v10;
	v13 =	vld [tilespmem:s31+$0x1470]  }
0x182: {  	[tilespmem:s31+$0x1410] =	vst v7;
	v7 =	vmul.f32 v15, v10;
	v14 =	vld [tilespmem:s31+$0x1480]  }
0x183: {  	[tilespmem:s31+$0x1420] =	vst v8;
	v8 =	vmul.f32 v9, v10;
	v9 =	vld [tilespmem:s31+$0x1490]  }
0x184: {  	[tilespmem:s31+$0x1430] =	vst v7;
	v7 =	vmul.f32 v11, v10;
	v11 =	vld [tilespmem:s31+$0x14A0]  }
0x185: {  	[tilespmem:s31+$0x1440] =	vst v8;
	v8 =	vmul.f32 v12, v10;
	v12 =	vbroadcast v1, $0x6;
	v15 =	vld [tilespmem:s31+$0x14B0]  }
0x186: {  	[tilespmem:s31+$0x1450] =	vst v7;
	v7 =	vmul.f32 v13, v10;
	v10 =	vld [tilespmem:s31+$0x14C0]  }
0x187: {  	[tilespmem:s31+$0x1460] =	vst v8;
	v8 =	vmul.f32 v14, v12;
	v13 =	vld [tilespmem:s31+$0x14D0]  }
0x188: {  	[tilespmem:s31+$0x1470] =	vst v7;
	v7 =	vmul.f32 v9, v12;
	v9 =	vld [tilespmem:s31+$0x14E0]  }
0x189: {  	[tilespmem:s31+$0x1480] =	vst v8;
	v8 =	vmul.f32 v11, v12;
	v11 =	vld [tilespmem:s31+$0x14F0]  }
0x18a: {  	[tilespmem:s31+$0x1490] =	vst v7;
	v7 =	vmul.f32 v15, v12;
	v14 =	vld [tilespmem:s31+$0x1500]  }
0x18b: {  	[tilespmem:s31+$0x14A0] =	vst v8;
	v8 =	vmul.f32 v10, v12;
	v10 =	vld [tilespmem:s31+$0x1510]  }
0x18c: {  	[tilespmem:s31+$0x14B0] =	vst v7;
	v7 =	vmul.f32 v13, v12;
	v13 =	vld [tilespmem:s31+$0x1520]  }
0x18d: {  	[tilespmem:s31+$0x14C0] =	vst v8;
	v8 =	vmul.f32 v9, v12;
	v9 =	vbroadcast v1, $0x7;
	v15 =	vld [tilespmem:s31+$0x1530]  }
0x18e: {  	[tilespmem:s31+$0x14D0] =	vst v7;
	v7 =	vmul.f32 v11, v12;
	v11 =	vld [tilespmem:s31+$0x1540]  }
0x18f: {  	[tilespmem:s31+$0x14E0] =	vst v8;
	v8 =	vmul.f32 v14, v9;
	v12 =	vld [tilespmem:s31+$0x1550]  }
0x190: {  	[tilespmem:s31+$0x14F0] =	vst v7;
	v7 =	vmul.f32 v10, v9;
	v10 =	vld [tilespmem:s31+$0x1560]  }
0x191: {  	[tilespmem:s31+$0x1500] =	vst v8;
	v8 =	vmul.f32 v13, v9;
	v13 =	vld [tilespmem:s31+$0x1570]  }
0x192: {  	[tilespmem:s31+$0x1510] =	vst v7;
	v7 =	vmul.f32 v15, v9;
	v14 =	vld [tilespmem:s31+$0x1580]  }
0x193: {  	[tilespmem:s31+$0x1520] =	vst v8;
	v8 =	vmul.f32 v11, v9;
	v11 =	vld [tilespmem:s31+$0x1590]  }
0x194: {  	[tilespmem:s31+$0x1530] =	vst v7;
	v7 =	vmul.f32 v12, v9;
	v12 =	vld [tilespmem:s31+$0x15A0]  }
0x195: {  	[tilespmem:s31+$0x1540] =	vst v8;
	v8 =	vmul.f32 v10, v9;
	v10 =	vbroadcast v1, $0x8;
	v15 =	vld [tilespmem:s31+$0x15B0]  }
0x196: {  	[tilespmem:s31+$0x1550] =	vst v7;
	v7 =	vmul.f32 v13, v9;
	v9 =	vld [tilespmem:s31+$0x15C0]  }
0x197: {  	[tilespmem:s31+$0x1560] =	vst v8;
	v8 =	vmul.f32 v14, v10;
	v13 =	vld [tilespmem:s31+$0x15D0]  }
0x198: {  	[tilespmem:s31+$0x1570] =	vst v7;
	v7 =	vmul.f32 v11, v10;
	v11 =	vld [tilespmem:s31+$0x15E0]  }
0x199: {  	[tilespmem:s31+$0x1580] =	vst v8;
	v8 =	vmul.f32 v12, v10;
	v12 =	vld [tilespmem:s31+$0x15F0]  }
0x19a: {  	[tilespmem:s31+$0x1590] =	vst v7;
	v7 =	vmul.f32 v15, v10;
	v14 =	vld [tilespmem:s31+$0x1600]  }
0x19b: {  	[tilespmem:s31+$0x15A0] =	vst v8;
	v8 =	vmul.f32 v9, v10;
	v9 =	vld [tilespmem:s31+$0x1610]  }
0x19c: {  	[tilespmem:s31+$0x15B0] =	vst v7;
	v7 =	vmul.f32 v13, v10;
	v13 =	vld [tilespmem:s31+$0x1620]  }
0x19d: {  	[tilespmem:s31+$0x15C0] =	vst v8;
	v8 =	vmul.f32 v11, v10;
	v11 =	vbroadcast v1, $0x9;
	v15 =	vld [tilespmem:s31+$0x1630]  }
0x19e: {  	[tilespmem:s31+$0x15D0] =	vst v7;
	v7 =	vmul.f32 v12, v10;
	v10 =	vld [tilespmem:s31+$0x1640]  }
0x19f: {  	[tilespmem:s31+$0x15E0] =	vst v8;
	v8 =	vmul.f32 v14, v11;
	v12 =	vld [tilespmem:s31+$0x1650]  }
0x1a0: {  	[tilespmem:s31+$0x15F0] =	vst v7;
	v7 =	vmul.f32 v9, v11;
	v9 =	vld [tilespmem:s31+$0x1660]  }
0x1a1: {  	[tilespmem:s31+$0x1600] =	vst v8;
	v8 =	vmul.f32 v13, v11;
	v13 =	vld [tilespmem:s31+$0x1670]  }
0x1a2: {  	[tilespmem:s31+$0x1610] =	vst v7;
	v7 =	vmul.f32 v15, v11;
	v14 =	vld [tilespmem:s31+$0x1680]  }
0x1a3: {  	[tilespmem:s31+$0x1620] =	vst v8;
	v8 =	vmul.f32 v10, v11;
	v10 =	vld [tilespmem:s31+$0x1690]  }
0x1a4: {  	[tilespmem:s31+$0x1630] =	vst v7;
	v7 =	vmul.f32 v12, v11;
	v12 =	vld [tilespmem:s31+$0x16A0]  }
0x1a5: {  	[tilespmem:s31+$0x1640] =	vst v8;
	v8 =	vmul.f32 v9, v11;
	v9 =	vld [tilespmem:s31+$0x16B0]  }
0x1a6: {  	[tilespmem:s31+$0x1650] =	vst v7;
	v7 =	vmul.f32 v13, v11;
	v11 =	vld [tilespmem:s31+$0x16C0]  }
0x1a7: {  	[tilespmem:s31+$0x1660] =	vst v8;
	v8 =	vmul.f32 v14, v4;
	v13 =	vld [tilespmem:s31+$0x16D0]  }
0x1a8: {  	[tilespmem:s31+$0x1670] =	vst v7;
	v7 =	vmul.f32 v10, v4;
	v10 =	vld [tilespmem:s31+$0x16E0]  }
0x1a9: {  	v14 =	vld [tilespmem:s31+$0x1180];
	[tilespmem:s31+$0x1680] =	vst v8;
	v8 =	vmul.f32 v12, v4  }
0x1aa: {  	v12 =	vld [tilespmem:s31+$0x1190];
	[tilespmem:s31+$0x1690] =	vst v7;
	v7 =	vmul.f32 v9, v4  }
0x1ab: {  	v9 =	vld [tilespmem:s31+$0x11C0];
	[tilespmem:s31+$0x16A0] =	vst v8;
	v8 =	vmul.f32 v11, v4  }
0x1ac: {  	v11 =	vld [tilespmem:s31+$0x11D0];
	[tilespmem:s31+$0x16B0] =	vst v7;
	v7 =	vmul.f32 v13, v4  }
0x1ad: {  	[tilespmem:s31+$0x16C0] =	vst v8;
	v8 =	vmul.f32 v10, v4;
	v10 =	vbroadcast v1, $0xB;
	v13 =	vld [tilespmem:s31+$0x1720]  }
0x1ae: {  	v4 =	vbroadcast v1, $0xF;
	v14 =	vmul.f32 v2, v14;
	[tilespmem:s31+$0x16D0] =	vst v7;
	v7 =	vld [tilespmem:s31+$0x1730]  }
0x1af: {  	v12 =	vmul.f32 v12, v2;
	[tilespmem:s31+$0x16E0] =	vst v8;
	v5 =	vmul.f32 v5, v10;
	v8 =	vld [tilespmem:s31+$0x1740]  }
0x1b0: {  	v6 =	vmul.f32 v6, v10;
	[tilespmem:s31+$0x1180] =	vst v14;
	v9 =	vmul.f32 v9, v2;
	v14 =	vld [tilespmem:s31+$0x1750]  }
0x1b1: {  	v3 =	vmul.f32 v3, v4;
	v11 =	vmul.f32 v11, v2;
	[tilespmem:s31+$0x1700] =	vst v5;
	v2 =	vld [tilespmem:s31+$0x1760]  }
0x1b2: {  	[tilespmem:s31+$0x1710] =	vst v6;
	v5 =	vmul.f32 v13, v10;
	v6 =	vld [tilespmem:s31+$0x1770]  }
0x1b3: {  	v7 =	vmul.f32 v7, v10;
	v13 =	vld [tilespmem:s31+$0x1780];
	[tilespmem:s31+$0x1950] =	vst v3  }
0x1b4: {  	[tilespmem:s31+$0x1190] =	vst v12;
	v3 =	vmul.f32 v8, v10;
	v8 =	vld [tilespmem:s31+$0x1790]  }
0x1b5: {  	[tilespmem:s31+$0x11C0] =	vst v9;
	v9 =	vmul.f32 v14, v10;
	v12 =	vld [tilespmem:s31+$0x17A0]  }
0x1b6: {  	v14 =	vbroadcast v1, $0xC;
	[tilespmem:s31+$0x1720] =	vst v5;
	v5 =	vmul.f32 v2, v10;
	v15 =	vld [tilespmem:s31+$0x17B0]  }
0x1b7: {  	[tilespmem:s31+$0x1750] =	vst v9;
	v6 =	vmul.f32 v6, v10;
	v9 =	vld [tilespmem:s31+$0x17C0]  }
0x1b8: {  	[tilespmem:s31+$0x1730] =	vst v7;
	v2 =	vmul.f32 v13, v14;
	v7 =	vld [tilespmem:s31+$0x17D0]  }
0x1b9: {  	[tilespmem:s31+$0x1740] =	vst v3;
	v3 =	vmul.f32 v8, v14;
	v8 =	vld [tilespmem:s31+$0x17E0]  }
0x1ba: {  	[tilespmem:s31+$0x1780] =	vst v2;
	v2 =	vmul.f32 v12, v14;
	v10 =	vld [tilespmem:s31+$0x17F0]  }
0x1bb: {  	[tilespmem:s31+$0x1790] =	vst v3;
	v3 =	vld [tilespmem:s31+$0x1800]  }
0x1bc: {  	[tilespmem:s31+$0x11D0] =	vst v11;
	v9 =	vmul.f32 v9, v14;
	v11 =	vld [tilespmem:s31+$0x1810]  }
0x1bd: {  	[tilespmem:s31+$0x1760] =	vst v5;
	v5 =	vmul.f32 v7, v14;
	v7 =	vld [tilespmem:s31+$0x1820]  }
0x1be: {  	[tilespmem:s31+$0x17C0] =	vst v9;
	v8 =	vmul.f32 v8, v14;
	v9 =	vbroadcast v1, $0xD;
	v12 =	vld [tilespmem:s31+$0x1830]  }
0x1bf: {  	[tilespmem:s31+$0x17D0] =	vst v5;
	v5 =	vmul.f32 v10, v14;
	v10 =	vld [tilespmem:s31+$0x1840]  }
0x1c0: {  	[tilespmem:s31+$0x17E0] =	vst v8;
	v3 =	vmul.f32 v3, v9;
	v8 =	vld [tilespmem:s31+$0x1850]  }
0x1c1: {  	[tilespmem:s31+$0x17F0] =	vst v5;
	v5 =	vmul.f32 v11, v9;
	v11 =	vld [tilespmem:s31+$0x1860]  }
0x1c2: {  	[tilespmem:s31+$0x1800] =	vst v3;
	v3 =	vmul.f32 v7, v9;
	v7 =	vld [tilespmem:s31+$0x1870]  }
0x1c3: {  	[tilespmem:s31+$0x1810] =	vst v5;
	v5 =	vmul.f32 v12, v9;
	v12 =	vld [tilespmem:s31+$0x1880]  }
0x1c4: {  	[tilespmem:s31+$0x1820] =	vst v3;
	v3 =	vmul.f32 v10, v9;
	v10 =	vld [tilespmem:s31+$0x1890]  }
0x1c5: {  	[tilespmem:s31+$0x1830] =	vst v5;
	v5 =	vmul.f32 v8, v9;
	v8 =	vld [tilespmem:s31+$0x18A0]  }
0x1c6: {  	v1 =	vbroadcast v1, $0xE;
	[tilespmem:s31+$0x1770] =	vst v6;
	v6 =	vmul.f32 v11, v9;
	v11 =	vld [tilespmem:s31+$0x18B0]  }
0x1c7: {  	[tilespmem:s31+$0x1850] =	vst v5;
	v5 =	vmul.f32 v7, v9;
	v7 =	vld [tilespmem:s31+$0x18C0]  }
0x1c8: {  	[tilespmem:s31+$0x1860] =	vst v6;
	v6 =	vmul.f32 v12, v1;
	v9 =	vld [tilespmem:s31+$0x18D0]  }
0x1c9: {  	[tilespmem:s31+$0x1870] =	vst v5;
	v5 =	vmul.f32 v10, v1;
	v10 =	vld [tilespmem:s31+$0x18E0]  }
0x1ca: {  	[tilespmem:s31+$0x1880] =	vst v6;
	v6 =	vmul.f32 v8, v1;
	v8 =	vld [tilespmem:s31+$0x18F0]  }
0x1cb: {  	[tilespmem:s31+$0x1890] =	vst v5;
	v5 =	vmul.f32 v11, v1;
	v11 =	vld [tilespmem:s31+$0x1900]  }
0x1cc: {  	[tilespmem:s31+$0x18A0] =	vst v6;
	v6 =	vmul.f32 v7, v1;
	v7 =	vld [tilespmem:s31+$0x1910]  }
0x1cd: {  	[tilespmem:s31+$0x18B0] =	vst v5;
	v5 =	vmul.f32 v9, v1;
	v9 =	vld [tilespmem:s31+$0x1920]  }
0x1ce: {  	[tilespmem:s31+$0x18C0] =	vst v6;
	v6 =	vmul.f32 v10, v1;
	v10 =	vld [tilespmem:s31+$0x1930]  }
0x1cf: {  	[tilespmem:s31+$0x1840] =	vst v3;
	v1 =	vmul.f32 v8, v1;
	v3 =	vld [tilespmem:s31+$0x1940]  }
0x1d0: {  	[tilespmem:s31+$0x18E0] =	vst v6;
	v6 =	vmul.f32 v11, v4;
	v8 =	vld [tilespmem:s31+$0x1960]  }
0x1d1: {  	[tilespmem:s31+$0x18F0] =	vst v1;
	v1 =	vmul.f32 v7, v4;
	v7 =	vld [tilespmem:s31+$0x1970]  }
0x1d2: {  	[tilespmem:s31+$0x1900] =	vst v6;
	v6 =	vmul.f32 v9, v4  }
0x1d3: {  	[tilespmem:s31+$0x1910] =	vst v1;
	v1 =	vmul.f32 v10, v4  }
0x1d4: {  	v9 =	vmul.f32 v15, v14;
	[tilespmem:s31+$0x1920] =	vst v6  }
0x1d5: {  	[tilespmem:s31+$0x1930] =	vst v1;
	v1 =	vmul.f32 v3, v4  }
.Ltmp1:
0x1d6: {  	[tilespmem:s31+$0x17B0] =	vst v9;
	v3 =	vmul.f32 v7, v4;
	(pc) =	sbr.rel @p0 .LBB2_6-.Ltmp1, $4  }
0x1d7: {  	[tilespmem:s31+$0x1940] =	vst v1  }
0x1d8: {  	v1 =	vmul.f32 v8, v4;
	[tilespmem:s31+$0x1970] =	vst v3  }
0x1d9: {  	[tilespmem:s31+$0x18D0] =	vst v5  }
0x1da: {  	[tilespmem:s31+$0x1960] =	vst v1  }
0x1db: {  	[tilespmem:s31+$0x17A0] =	vst v2  }
0x1dc: {  	v1 =	vld [tilespmem:$0x1160];
	_ =	sdelay $0x1  }
0x1dd: {  	v2 =	vld [tilespmem:$0x4180]  }
0x1de: {  	v3 =	vld [tilespmem:$0x4190]  }
0x1df: {  	v4 =	vld [tilespmem:$0x41A0]  }
0x1e0: {  	v6 =	vld [tilespmem:$0x41B0];
	v5 =	vbroadcast v1, $0x0  }
0x1e1: {  	v7 =	vld [tilespmem:$0x41C0]  }
0x1e2: {  	v8 =	vld [tilespmem:$0x41D0];
	v2 =	vmul.f32 v5, v2  }
0x1e3: {  	v9 =	vld [tilespmem:$0x41E0];
	v3 =	vmul.f32 v3, v5  }
0x1e4: {  	v21 =	vld [tilespmem:$0x41F0];
	[tilespmem:$0x4180] =	vst v2;
	v2 =	vmul.f32 v4, v5  }
0x1e5: {  	v22 =	vld [tilespmem:$0x4200];
	[tilespmem:$0x4190] =	vst v3;
	v3 =	vmul.f32 v6, v5  }
0x1e6: {  	v23 =	vld [tilespmem:$0x4210];
	[tilespmem:$0x41A0] =	vst v2;
	v2 =	vmul.f32 v7, v5  }
0x1e7: {  	v24 =	vld [tilespmem:$0x4220];
	[tilespmem:$0x41B0] =	vst v3;
	v3 =	vmul.f32 v8, v5  }
0x1e8: {  	v10 =	vld [tilespmem:$0x4230];
	v25 =	vbroadcast v1, $0x1;
	[tilespmem:$0x41C0] =	vst v2;
	v2 =	vmul.f32 v9, v5  }
0x1e9: {  	v26 =	vld [tilespmem:$0x4240];
	[tilespmem:$0x41D0] =	vst v3;
	v3 =	vmul.f32 v21, v5  }
0x1ea: {  	v27 =	vld [tilespmem:$0x4250];
	[tilespmem:$0x41E0] =	vst v2;
	v2 =	vmul.f32 v22, v25  }
0x1eb: {  	v28 =	vld [tilespmem:$0x4260];
	[tilespmem:$0x41F0] =	vst v3;
	v3 =	vmul.f32 v23, v25  }
0x1ec: {  	v29 =	vld [tilespmem:$0x4270];
	[tilespmem:$0x4200] =	vst v2;
	v2 =	vmul.f32 v24, v25  }
0x1ed: {  	v30 =	vld [tilespmem:$0x4280];
	[tilespmem:$0x4210] =	vst v3;
	v3 =	vmul.f32 v10, v25  }
0x1ee: {  	v31 =	vld [tilespmem:$0x4290];
	[tilespmem:$0x4220] =	vst v2;
	v2 =	vmul.f32 v26, v25  }
0x1ef: {  	v32 =	vld [tilespmem:$0x42A0];
	[tilespmem:$0x4230] =	vst v3;
	v3 =	vmul.f32 v27, v25  }
0x1f0: {  	v34 =	vld [tilespmem:$0x42B0];
	v33 =	vbroadcast v1, $0x2;
	[tilespmem:$0x4240] =	vst v2;
	v2 =	vmul.f32 v28, v25  }
0x1f1: {  	v35 =	vld [tilespmem:$0x42C0];
	[tilespmem:$0x4250] =	vst v3;
	v3 =	vmul.f32 v29, v25  }
0x1f2: {  	v36 =	vld [tilespmem:$0x42D0];
	[tilespmem:$0x4260] =	vst v2;
	v2 =	vmul.f32 v30, v33  }
0x1f3: {  	v37 =	vld [tilespmem:$0x42E0];
	[tilespmem:$0x4270] =	vst v3;
	v3 =	vmul.f32 v31, v33  }
0x1f4: {  	v38 =	vld [tilespmem:$0x42F0];
	[tilespmem:$0x4280] =	vst v2;
	v2 =	vmul.f32 v32, v33  }
0x1f5: {  	v39 =	vld [tilespmem:$0x4300];
	[tilespmem:$0x4290] =	vst v3;
	v3 =	vmul.f32 v34, v33  }
0x1f6: {  	v40 =	vld [tilespmem:$0x4310];
	[tilespmem:$0x42A0] =	vst v2;
	v2 =	vmul.f32 v35, v33  }
0x1f7: {  	v41 =	vld [tilespmem:$0x4320];
	[tilespmem:$0x42B0] =	vst v3;
	v3 =	vmul.f32 v36, v33  }
0x1f8: {  	v42 =	vld [tilespmem:$0x4330];
	v1 =	vbroadcast v1, $0x3;
	[tilespmem:$0x42C0] =	vst v2;
	v2 =	vmul.f32 v37, v33  }
0x1f9: {  	v43 =	vld [tilespmem:$0x4340];
	[tilespmem:$0x42D0] =	vst v3;
	v3 =	vmul.f32 v38, v33  }
0x1fa: {  	v44 =	vld [tilespmem:$0x4350];
	[tilespmem:$0x42E0] =	vst v2;
	v2 =	vmul.f32 v39, v1  }
0x1fb: {  	v45 =	vld [tilespmem:$0x4360];
	[tilespmem:$0x42F0] =	vst v3;
	v3 =	vmul.f32 v40, v1  }
0x1fc: {  	v46 =	vld [tilespmem:$0x4370];
	[tilespmem:$0x4300] =	vst v2;
	v2 =	vmul.f32 v41, v1  }
0x1fd: {  	[tilespmem:$0x4310] =	vst v3;
	v3 =	vmul.f32 v42, v1  }
0x1fe: {  	[tilespmem:$0x4320] =	vst v2;
	v2 =	vmul.f32 v43, v1  }
0x1ff: {  	[tilespmem:$0x4330] =	vst v3;
	v3 =	vmul.f32 v44, v1  }
0x200: {  	[tilespmem:$0x4340] =	vst v2;
	v2 =	vmul.f32 v45, v1  }
0x201: {  	[tilespmem:$0x4350] =	vst v3;
	v1 =	vmul.f32 v46, v1  }
0x202: {  	s7 =	sand.u32 $0x3FFFFF00, s29;
	[tilespmem:$0x4360] =	vst v2  }
0x203: {  	s7 =	sadd.s32 $0x800, s7;
	[tilespmem:$0x4370] =	vst v1  }
0x204: {  	[spmem:s4] =	stream.indirect.scatter.add.f32 [tilespmem:s2], [sflag:$0x3], $0x80, s7, s14, $0xb8;
	[tilespmem:$0x1BD80] =	vst v63  }
0x205: {  	_ = 	snop  }
0x206: {  	[spmem:s5] =	stream.indirect.scatter.add.f32 [tilespmem:s11], [sflag:$0x3], $0x1, s7, s14, $0xb8;
	[tilespmem:$0x1BD80] =	vst v63  }
0x207: {  	_ =	swait.ge [sflag:s21], $0x64  }
0x208: {  	[sflag:s21] =	ssyncset.done $0x0  }
0x209: {  	[sflag:s21] =	ssyncadd.s32 $0xFFFFFF9C  }
0x20a: {  	_ =	swait.ge [sflag:s21], $0x64  }
0x20b: {  	[sflag:s21] =	ssyncset.done $0x0  }
0x20c: {  	[sflag:s21] =	ssyncadd.s32 $0xFFFFFF9C  }
0x20d: {  	_ =	swait.ge [sflag:s21], $0x3200  }
0x20e: {  	[sflag:s21] =	ssyncset.done $0x0  }
0x20f: {  	[sflag:s21] =	ssyncadd.s32 $0xFFFFCE00  }
0x210: {  	v1 =	vld [tilespmem:$0x4580]  }
0x211: {  	v2 =	vld [tilespmem:$0x4600]  }
0x212: {  	v3 =	vld [tilespmem:$0x4590]  }
0x213: {  	v47 =	vld [tilespmem:$0x4610]  }
0x214: {  	v48 =	vld [tilespmem:$0x45A0]  }
0x215: {  	v49 =	vld [tilespmem:$0x4620]  }
0x216: {  	v50 =	vld [tilespmem:$0x45B0]  }
0x217: {  	v51 =	vld [tilespmem:$0x4630]  }
0x218: {  	v52 =	vld [tilespmem:$0x45C0]  }
0x219: {  	v53 =	vld [tilespmem:$0x45D0];
	v1 =	vadd.f32 v2, v1  }
0x21a: {  	v11 =	vld [tilespmem:$0x4650];
	v3 =	vadd.f32 v47, v3  }
0x21b: {  	v2 =	vld [tilespmem:$0x4640];
	v54 =	vmul.f32 $2.000000030e-01, v1  }
0x21c: {  	v13 =	vld [tilespmem:$0x45E0];
	v12 =	vmul.f32 $2.000000030e-01, v3  }
0x21d: {  	v55 =	vld [tilespmem:$0x4660];
	v1 =	vmax.f32 v1, v54  }
0x21e: {  	v5 =	vadd.f32 v49, v48;
	v3 =	vmax.f32 v3, v12;
	v1 =	vmul.f32 $1.442695020e+00, v1  }
0x21f: {  	v56 =	vadd.f32 v51, v50;
	v3 =	vmul.f32 $1.442695020e+00, v3  }
0x220: {  	v2 =	vadd.f32 v2, v52;
	(erf) = vpow2.f32 v1;
	v1 =	vmul.f32 $2.000000030e-01, v5  }
0x221: {  	v4 =	vadd.f32 v11, v53;
	(erf) = vpow2.f32 v3;
	v3 =	vmul.f32 $2.000000030e-01, v56  }
0x222: {  	v58 =	vadd.f32 v55, v13;
	v57 =	vmul.f32 $2.000000030e-01, v2;
	v1 =	vmax.f32 v5, v1  }
0x223: {  	v59 =	vmul.f32 $2.000000030e-01, v4;
	v1 =	vmul.f32 $1.442695020e+00, v1;
	v3 =	vmax.f32 v56, v3  }
0x224: {  	v60 =	vmul.f32 $2.000000030e-01, v58;
	v2 =	vmax.f32 v2, v57;
	v3 =	vmul.f32 $1.442695020e+00, v3  }
0x225: {  	(erf) = vpow2.f32 v1;
	v1 =	vmul.f32 $1.442695020e+00, v2;
	v2 =	vmax.f32 v4, v59  }
0x226: {  	(erf) = vpow2.f32 v3;
	v2 =	vmul.f32 $1.442695020e+00, v2;
	v3 =	vmax.f32 v58, v60  }
0x227: {  	(erf) = vpow2.f32 v1;
	v1 =	vmul.f32 $1.442695020e+00, v3  }
0x228: {  	(erf) = vpow2.f32 v2  }
0x229: {  	(erf) = vpow2.f32 v1;
	_ =	sdelay $0x2  }
0x22a: {  	v1 =	vpop (erf)  }
0x22b: {  	v2 =	vpop (erf);
	[tilespmem:$0x4680] =	vst v1  }
0x22c: {  	[tilespmem:$0x4690] =	vst v2;
	v1 =	vpop (erf)  }
0x22d: {  	v2 =	vpop (erf);
	[tilespmem:$0x46A0] =	vst v1  }
0x22e: {  	v1 =	vpop (erf);
	[tilespmem:$0x46B0] =	vst v2  }
0x22f: {  	v2 =	vpop (erf);
	[tilespmem:$0x46C0] =	vst v1  }
0x230: {  	s12 =	simm.s32 $0x0;
	[tilespmem:$0x46D0] =	vst v2;
	v1 =	vpop (erf)  }
0x231: {  	s7 =	sand.u32 $0x3FFFFFF0, s12;
	[tilespmem:$0x46E0] =	vst v1  }
0x232: {  	s12 =	simm.s32 $0x0;
	v1 =	vld [tilespmem:s7+$0x4680]  }
0x233: {  	s31 =	sand.u32 $0x3FFFF800, s12  }
0x234: {  	v3 =	vld [tilespmem:s31+$0x4720]  }
0x235: {  	v16 =	vld [tilespmem:s31+$0x4730]  }
0x236: {  	v18 =	vld [tilespmem:s31+$0x4760]  }
0x237: {  	v19 =	vld [tilespmem:s31+$0x4770];
	v2 =	vbroadcast v1, $0x0  }
0x238: {  	v20 =	vld [tilespmem:s31+$0x4780]  }
0x239: {  	v21 =	vld [tilespmem:s31+$0x4790];
	v3 =	vmul.f32 v3, v2  }
0x23a: {  	v14 =	vld [tilespmem:s31+$0x47A0];
	v4 =	vmul.f32 v16, v2  }
0x23b: {  	v63 =	vld [tilespmem:s31+$0x47B0];
	v23 =	vbroadcast v1, $0x1;
	v22 =	vmul.f32 v18, v2;
	[tilespmem:s31+$0x4720] =	vst v3  }
0x23c: {  	v61 =	vld [tilespmem:s31+$0x47C0];
	v11 =	vmul.f32 v19, v2;
	[tilespmem:s31+$0x4730] =	vst v4  }
0x23d: {  	v62 =	vld [tilespmem:s31+$0x47D0];
	v12 =	vmul.f32 v20, v23;
	[tilespmem:s31+$0x4760] =	vst v22  }
0x23e: {  	v25 =	vld [tilespmem:s31+$0x47F0];
	v13 =	vmul.f32 v21, v23;
	[tilespmem:s31+$0x4770] =	vst v11  }
0x23f: {  	v26 =	vld [tilespmem:s31+$0x4800];
	v14 =	vmul.f32 v14, v23;
	[tilespmem:s31+$0x4780] =	vst v12  }
0x240: {  	v27 =	vld [tilespmem:s31+$0x4810];
	v9 =	vmul.f32 v63, v23;
	[tilespmem:s31+$0x4790] =	vst v13  }
0x241: {  	v17 =	vld [tilespmem:s31+$0x4C70];
	v7 =	vmul.f32 v61, v23;
	[tilespmem:s31+$0x47A0] =	vst v14  }
0x242: {  	v24 =	vld [tilespmem:s31+$0x47E0];
	v15 =	vbroadcast v1, $0x2;
	v8 =	vmul.f32 v62, v23;
	[tilespmem:s31+$0x47B0] =	vst v9  }
0x243: {  	v28 =	vld [tilespmem:s31+$0x4820];
	v10 =	vmul.f32 v25, v23;
	[tilespmem:s31+$0x47C0] =	vst v7  }
0x244: {  	v29 =	vld [tilespmem:s31+$0x4830];
	v5 =	vbroadcast v1, $0xA;
	v32 =	vmul.f32 v26, v15;
	[tilespmem:s31+$0x47D0] =	vst v8  }
0x245: {  	v30 =	vld [tilespmem:s31+$0x4840];
	v34 =	vmul.f32 v27, v15;
	[tilespmem:s31+$0x47F0] =	vst v10  }
0x246: {  	v33 =	vld [tilespmem:s31+$0x4860];
	v3 =	vmul.f32 v17, v5;
	[tilespmem:s31+$0x4800] =	vst v32  }
0x247: {  	v35 =	vld [tilespmem:s31+$0x4870];
	v11 =	vmul.f32 v24, v23;
	[tilespmem:s31+$0x4810] =	vst v34  }
0x248: {  	v36 =	vld [tilespmem:s31+$0x4880];
	v9 =	vmul.f32 v28, v15;
	[tilespmem:s31+$0x4C70] =	vst v3  }
0x249: {  	v31 =	vld [tilespmem:s31+$0x4850];
	v7 =	vmul.f32 v29, v15;
	[tilespmem:s31+$0x47E0] =	vst v11  }
0x24a: {  	v37 =	vld [tilespmem:s31+$0x4890];
	v8 =	vmul.f32 v30, v15;
	[tilespmem:s31+$0x4820] =	vst v9  }
0x24b: {  	v38 =	vld [tilespmem:s31+$0x48A0];
	v41 =	vbroadcast v1, $0x3;
	v10 =	vmul.f32 v33, v15;
	[tilespmem:s31+$0x4830] =	vst v7  }
0x24c: {  	v39 =	vld [tilespmem:s31+$0x48B0];
	v12 =	vmul.f32 v35, v15;
	[tilespmem:s31+$0x4840] =	vst v8  }
0x24d: {  	v42 =	vld [tilespmem:s31+$0x48D0];
	v13 =	vmul.f32 v36, v41;
	[tilespmem:s31+$0x4860] =	vst v10  }
0x24e: {  	v43 =	vld [tilespmem:s31+$0x48E0];
	v11 =	vmul.f32 v31, v15;
	[tilespmem:s31+$0x4870] =	vst v12  }
0x24f: {  	v44 =	vld [tilespmem:s31+$0x48F0];
	v9 =	vmul.f32 v37, v41;
	[tilespmem:s31+$0x4880] =	vst v13  }
0x250: {  	v40 =	vld [tilespmem:s31+$0x48C0];
	v7 =	vmul.f32 v38, v41;
	[tilespmem:s31+$0x4850] =	vst v11  }
0x251: {  	v45 =	vld [tilespmem:s31+$0x4900];
	v8 =	vmul.f32 v39, v41;
	[tilespmem:s31+$0x4890] =	vst v9  }
0x252: {  	v46 =	vld [tilespmem:s31+$0x4910];
	v10 =	vmul.f32 v42, v41;
	[tilespmem:s31+$0x48A0] =	vst v7  }
0x253: {  	v47 =	vld [tilespmem:s31+$0x4920];
	v12 =	vmul.f32 v43, v41;
	[tilespmem:s31+$0x48B0] =	vst v8  }
0x254: {  	v49 =	vld [tilespmem:s31+$0x4940];
	v50 =	vbroadcast v1, $0x4;
	v13 =	vmul.f32 v44, v41;
	[tilespmem:s31+$0x48D0] =	vst v10  }
0x255: {  	v51 =	vld [tilespmem:s31+$0x4950];
	v11 =	vmul.f32 v40, v41;
	[tilespmem:s31+$0x48E0] =	vst v12  }
0x256: {  	v52 =	vld [tilespmem:s31+$0x4960];
	v9 =	vmul.f32 v45, v50;
	[tilespmem:s31+$0x48F0] =	vst v13  }
0x257: {  	v48 =	vld [tilespmem:s31+$0x4930];
	v7 =	vmul.f32 v46, v50;
	[tilespmem:s31+$0x48C0] =	vst v11  }
0x258: {  	v53 =	vld [tilespmem:s31+$0x4970];
	v8 =	vmul.f32 v47, v50;
	[tilespmem:s31+$0x4900] =	vst v9  }
0x259: {  	v54 =	vld [tilespmem:s31+$0x4980];
	v10 =	vmul.f32 v49, v50;
	[tilespmem:s31+$0x4910] =	vst v7  }
0x25a: {  	v55 =	vld [tilespmem:s31+$0x4990];
	v12 =	vmul.f32 v51, v50;
	[tilespmem:s31+$0x4920] =	vst v8  }
0x25b: {  	v57 =	vld [tilespmem:s31+$0x49B0];
	v13 =	vmul.f32 v52, v50;
	[tilespmem:s31+$0x4940] =	vst v10  }
0x25c: {  	v58 =	vld [tilespmem:s31+$0x49C0];
	v59 =	vbroadcast v1, $0x5;
	v11 =	vmul.f32 v48, v50;
	[tilespmem:s31+$0x4950] =	vst v12  }
0x25d: {  	v60 =	vld [tilespmem:s31+$0x49D0];
	v9 =	vmul.f32 v53, v50;
	[tilespmem:s31+$0x4960] =	vst v13  }
0x25e: {  	v56 =	vld [tilespmem:s31+$0x49A0];
	v7 =	vmul.f32 v54, v59;
	[tilespmem:s31+$0x4930] =	vst v11  }
0x25f: {  	v61 =	vld [tilespmem:s31+$0x49E0];
	v8 =	vmul.f32 v55, v59;
	[tilespmem:s31+$0x4970] =	vst v9  }
0x260: {  	v62 =	vld [tilespmem:s31+$0x49F0];
	v10 =	vmul.f32 v57, v59;
	[tilespmem:s31+$0x4980] =	vst v7  }
0x261: {  	v63 =	vld [tilespmem:s31+$0x4A00];
	v12 =	vmul.f32 v58, v59;
	[tilespmem:s31+$0x4990] =	vst v8  }
0x262: {  	v19 =	vld [tilespmem:s31+$0x4A20];
	v13 =	vmul.f32 v60, v59;
	[tilespmem:s31+$0x49B0] =	vst v10  }
0x263: {  	v20 =	vld [tilespmem:s31+$0x4A30];
	v11 =	vmul.f32 v56, v59;
	[tilespmem:s31+$0x49C0] =	vst v12  }
0x264: {  	v21 =	vld [tilespmem:s31+$0x4A40];
	v22 =	vbroadcast v1, $0x6;
	v9 =	vmul.f32 v61, v59;
	[tilespmem:s31+$0x49D0] =	vst v13  }
0x265: {  	v18 =	vld [tilespmem:s31+$0x4A10];
	v7 =	vmul.f32 v62, v59;
	[tilespmem:s31+$0x49A0] =	vst v11  }
0x266: {  	v23 =	vld [tilespmem:s31+$0x4A50];
	v8 =	vmul.f32 v63, v22;
	[tilespmem:s31+$0x49E0] =	vst v9  }
0x267: {  	v24 =	vld [tilespmem:s31+$0x4A60];
	v10 =	vmul.f32 v19, v22;
	[tilespmem:s31+$0x49F0] =	vst v7  }
0x268: {  	v25 =	vld [tilespmem:s31+$0x4A70];
	v12 =	vmul.f32 v20, v22;
	[tilespmem:s31+$0x4A00] =	vst v8  }
0x269: {  	v27 =	vld [tilespmem:s31+$0x4A90];
	v13 =	vmul.f32 v21, v22;
	[tilespmem:s31+$0x4A20] =	vst v10  }
0x26a: {  	v28 =	vld [tilespmem:s31+$0x4AA0];
	v11 =	vmul.f32 v18, v22;
	[tilespmem:s31+$0x4A30] =	vst v12  }
0x26b: {  	v29 =	vld [tilespmem:s31+$0x4AB0];
	v9 =	vmul.f32 v23, v22;
	[tilespmem:s31+$0x4A40] =	vst v13  }
0x26c: {  	v31 =	vbroadcast v1, $0x7;
	v53 =	vld [tilespmem:s31+$0x4C00];
	v7 =	vmul.f32 v24, v22;
	[tilespmem:s31+$0x4A10] =	vst v11  }
0x26d: {  	v57 =	vld [tilespmem:s31+$0x4C40];
	v8 =	vmul.f32 v25, v22;
	[tilespmem:s31+$0x4A50] =	vst v9  }
0x26e: {  	v58 =	vld [tilespmem:s31+$0x4C50];
	v10 =	vmul.f32 v27, v31;
	[tilespmem:s31+$0x4A60] =	vst v7  }
0x26f: {  	v26 =	vld [tilespmem:s31+$0x4A80];
	v12 =	vmul.f32 v28, v31;
	[tilespmem:s31+$0x4A70] =	vst v8  }
0x270: {  	v30 =	vld [tilespmem:s31+$0x4AC0];
	v13 =	vmul.f32 v29, v31;
	[tilespmem:s31+$0x4A90] =	vst v10  }
0x271: {  	v32 =	vld [tilespmem:s31+$0x4AD0];
	v59 =	vmul.f32 v53, v5;
	[tilespmem:s31+$0x4AA0] =	vst v12  }
0x272: {  	v33 =	vld [tilespmem:s31+$0x4AE0];
	v18 =	vmul.f32 v57, v5;
	[tilespmem:s31+$0x4AB0] =	vst v13  }
0x273: {  	v35 =	vld [tilespmem:s31+$0x4B00];
	v20 =	vmul.f32 v58, v5;
	[tilespmem:s31+$0x4C00] =	vst v59  }
0x274: {  	v36 =	vld [tilespmem:s31+$0x4B10];
	v11 =	vmul.f32 v26, v31;
	[tilespmem:s31+$0x4C40] =	vst v18  }
0x275: {  	v37 =	vld [tilespmem:s31+$0x4B20];
	v9 =	vmul.f32 v30, v31;
	[tilespmem:s31+$0x4C50] =	vst v20  }
0x276: {  	v4 =	vld [tilespmem:s31+$0x4C80];
	v40 =	vbroadcast v1, $0x8;
	v7 =	vmul.f32 v32, v31;
	[tilespmem:s31+$0x4A80] =	vst v11  }
0x277: {  	v6 =	vld [tilespmem:s31+$0x4C90];
	v8 =	vmul.f32 v33, v31;
	[tilespmem:s31+$0x4AC0] =	vst v9  }
0x278: {  	v3 =	vld [tilespmem:s31+$0x4ED0];
	v10 =	vmul.f32 v35, v40;
	[tilespmem:s31+$0x4AD0] =	vst v7  }
0x279: {  	v61 =	vld [tilespmem:s31+$0x4700];
	v23 =	vbroadcast v1, $0xB;
	v12 =	vmul.f32 v36, v40;
	[tilespmem:s31+$0x4AE0] =	vst v8  }
0x27a: {  	v34 =	vld [tilespmem:s31+$0x4AF0];
	v13 =	vmul.f32 v37, v40;
	[tilespmem:s31+$0x4B00] =	vst v10  }
0x27b: {  	v38 =	vld [tilespmem:s31+$0x4B30];
	v27 =	vbroadcast v1, $0xF;
	v4 =	vmul.f32 v4, v23;
	[tilespmem:s31+$0x4B10] =	vst v12  }
0x27c: {  	v39 =	vld [tilespmem:s31+$0x4B40];
	v6 =	vmul.f32 v6, v23;
	[tilespmem:s31+$0x4B20] =	vst v13  }
0x27d: {  	v41 =	vld [tilespmem:s31+$0x4B50];
	v3 =	vmul.f32 v3, v27;
	[tilespmem:s31+$0x4C80] =	vst v4  }
0x27e: {  	v43 =	vld [tilespmem:s31+$0x4B70];
	v24 =	vmul.f32 v2, v61;
	[tilespmem:s31+$0x4C90] =	vst v6  }
0x27f: {  	v44 =	vld [tilespmem:s31+$0x4B80];
	v11 =	vmul.f32 v34, v31;
	[tilespmem:s31+$0x4ED0] =	vst v3  }
0x280: {  	v45 =	vld [tilespmem:s31+$0x4B90];
	v9 =	vmul.f32 v38, v40;
	[tilespmem:s31+$0x4700] =	vst v24  }
0x281: {  	v63 =	vld [tilespmem:s31+$0x4740];
	v7 =	vmul.f32 v39, v40;
	[tilespmem:s31+$0x4AF0] =	vst v11  }
0x282: {  	v49 =	vbroadcast v1, $0x9;
	v29 =	vld [tilespmem:s31+$0x4CF0];
	v8 =	vmul.f32 v41, v40;
	[tilespmem:s31+$0x4B30] =	vst v9  }
0x283: {  	v42 =	vld [tilespmem:s31+$0x4B60];
	v10 =	vmul.f32 v43, v40;
	[tilespmem:s31+$0x4B40] =	vst v7  }
0x284: {  	v46 =	vld [tilespmem:s31+$0x4BA0];
	v12 =	vmul.f32 v44, v49;
	[tilespmem:s31+$0x4B50] =	vst v8  }
0x285: {  	v47 =	vld [tilespmem:s31+$0x4BB0];
	v13 =	vmul.f32 v45, v49;
	[tilespmem:s31+$0x4B70] =	vst v10  }
0x286: {  	v48 =	vld [tilespmem:s31+$0x4BC0];
	v3 =	vmul.f32 v63, v2;
	[tilespmem:s31+$0x4B80] =	vst v12  }
0x287: {  	v51 =	vld [tilespmem:s31+$0x4BE0];
	v6 =	vmul.f32 v29, v23;
	[tilespmem:s31+$0x4B90] =	vst v13  }
0x288: {  	v52 =	vld [tilespmem:s31+$0x4BF0];
	v11 =	vmul.f32 v42, v40;
	[tilespmem:s31+$0x4740] =	vst v3  }
0x289: {  	v28 =	vld [tilespmem:s31+$0x4CE0];
	v9 =	vmul.f32 v46, v49;
	[tilespmem:s31+$0x4CF0] =	vst v6  }
0x28a: {  	v26 =	vld [tilespmem:s31+$0x4CD0];
	v7 =	vmul.f32 v47, v49;
	[tilespmem:s31+$0x4B60] =	vst v11  }
0x28b: {  	v30 =	vld [tilespmem:s31+$0x4D00];
	v8 =	vmul.f32 v48, v49;
	[tilespmem:s31+$0x4BA0] =	vst v9  }
0x28c: {  	v50 =	vld [tilespmem:s31+$0x4BD0];
	v10 =	vmul.f32 v51, v49;
	[tilespmem:s31+$0x4BB0] =	vst v7  }
0x28d: {  	v54 =	vld [tilespmem:s31+$0x4C10];
	v12 =	vmul.f32 v52, v49;
	[tilespmem:s31+$0x4BC0] =	vst v8  }
0x28e: {  	v55 =	vld [tilespmem:s31+$0x4C20];
	v35 =	vbroadcast v1, $0xC;
	v40 =	vmul.f32 v28, v23;
	[tilespmem:s31+$0x4BE0] =	vst v10  }
0x28f: {  	v56 =	vld [tilespmem:s31+$0x4C30];
	v32 =	vmul.f32 v26, v23;
	[tilespmem:s31+$0x4BF0] =	vst v12  }
0x290: {  	v60 =	vld [tilespmem:s31+$0x4C60];
	v15 =	vmul.f32 v30, v35;
	[tilespmem:s31+$0x4CE0] =	vst v40  }
0x291: {  	v62 =	vld [tilespmem:s31+$0x4710];
	v11 =	vmul.f32 v50, v49;
	[tilespmem:s31+$0x4CD0] =	vst v32  }
0x292: {  	v19 =	vld [tilespmem:s31+$0x4750];
	v9 =	vmul.f32 v54, v5;
	[tilespmem:s31+$0x4D00] =	vst v15  }
0x293: {  	v33 =	vld [tilespmem:s31+$0x4D30];
	v7 =	vmul.f32 v55, v5;
	[tilespmem:s31+$0x4BD0] =	vst v11  }
0x294: {  	v61 =	vld [tilespmem:s31+$0x4EF0];
	v8 =	vmul.f32 v56, v5;
	[tilespmem:s31+$0x4C10] =	vst v9  }
0x295: {  	v38 =	vld [tilespmem:s31+$0x4D70];
	v5 =	vmul.f32 v60, v5;
	[tilespmem:s31+$0x4C20] =	vst v7  }
0x296: {  	v21 =	vld [tilespmem:s31+$0x4CA0];
	v12 =	vmul.f32 v62, v2;
	[tilespmem:s31+$0x4C30] =	vst v8  }
0x297: {  	v22 =	vld [tilespmem:s31+$0x4CB0];
	v2 =	vmul.f32 v19, v2;
	[tilespmem:s31+$0x4C60] =	vst v5  }
0x298: {  	v25 =	vld [tilespmem:s31+$0x4CC0];
	v62 =	vmul.f32 v33, v35;
	[tilespmem:s31+$0x4710] =	vst v12  }
0x299: {  	v31 =	vld [tilespmem:s31+$0x4D10];
	v63 =	vmul.f32 v61, v27;
	[tilespmem:s31+$0x4750] =	vst v2  }
0x29a: {  	v34 =	vld [tilespmem:s31+$0x4D40];
	v15 =	vmul.f32 v38, v35;
	[tilespmem:s31+$0x4D30] =	vst v62  }
0x29b: {  	v41 =	vld [tilespmem:s31+$0x4DA0];
	v7 =	vmul.f32 v21, v23;
	[tilespmem:s31+$0x4EF0] =	vst v63  }
0x29c: {  	v46 =	vld [tilespmem:s31+$0x4DE0];
	v8 =	vmul.f32 v22, v23;
	[tilespmem:s31+$0x4D70] =	vst v15  }
0x29d: {  	v36 =	vld [tilespmem:s31+$0x4D50];
	v5 =	vmul.f32 v25, v23;
	[tilespmem:s31+$0x4CA0] =	vst v7  }
0x29e: {  	v44 =	vbroadcast v1, $0xD;
	v9 =	vmul.f32 v31, v35;
	v2 =	vld [tilespmem:s31+$0x4D90];
	[tilespmem:s31+$0x4CB0] =	vst v8  }
0x29f: {  	v37 =	vld [tilespmem:s31+$0x4D60];
	v12 =	vmul.f32 v34, v35;
	[tilespmem:s31+$0x4CC0] =	vst v5  }
0x2a0: {  	v39 =	vld [tilespmem:s31+$0x4D80];
	v11 =	vmul.f32 v41, v44;
	[tilespmem:s31+$0x4D10] =	vst v9  }
0x2a1: {  	v42 =	vld [tilespmem:s31+$0x4DB0];
	v51 =	vmul.f32 v46, v44;
	[tilespmem:s31+$0x4D40] =	vst v12  }
0x2a2: {  	v48 =	vld [tilespmem:s31+$0x4E10];
	v8 =	vmul.f32 v36, v35;
	[tilespmem:s31+$0x4DA0] =	vst v11  }
0x2a3: {  	v49 =	vld [tilespmem:s31+$0x4E20];
	[tilespmem:s31+$0x4DE0] =	vst v51;
	v2 =	vmul.f32 v2, v44  }
0x2a4: {  	v50 =	vld [tilespmem:s31+$0x4E30];
	v5 =	vmul.f32 v37, v35;
	[tilespmem:s31+$0x4D50] =	vst v8  }
0x2a5: {  	v1 =	vbroadcast v1, $0xE;
	v9 =	vmul.f32 v39, v44;
	[tilespmem:s31+$0x4D90] =	vst v2;
	v2 =	vld [tilespmem:s31+$0x4E00]  }
0x2a6: {  	v60 =	vld [tilespmem:s31+$0x4EE0];
	v12 =	vmul.f32 v42, v44;
	[tilespmem:s31+$0x4D60] =	vst v5  }
0x2a7: {  	v45 =	vld [tilespmem:s31+$0x4DD0];
	v11 =	vmul.f32 v48, v1;
	[tilespmem:s31+$0x4D80] =	vst v9  }
0x2a8: {  	v47 =	vld [tilespmem:s31+$0x4DF0];
	v10 =	vmul.f32 v49, v1;
	[tilespmem:s31+$0x4DB0] =	vst v12  }
0x2a9: {  	v43 =	vld [tilespmem:s31+$0x4DC0];
	v6 =	vmul.f32 v50, v1;
	[tilespmem:s31+$0x4E10] =	vst v11  }
0x2aa: {  	v55 =	vld [tilespmem:s31+$0x4E80];
	[tilespmem:s31+$0x4E20] =	vst v10;
	v2 =	vmul.f32 v2, v1  }
0x2ab: {  	v57 =	vld [tilespmem:s31+$0x4EA0];
	v4 =	vmul.f32 v60, v27;
	[tilespmem:s31+$0x4E30] =	vst v6  }
0x2ac: {  	v5 =	vmul.f32 v45, v44;
	[tilespmem:s31+$0x4E00] =	vst v2;
	v2 =	vld [tilespmem:s31+$0x4E70]  }
0x2ad: {  	v52 =	vld [tilespmem:s31+$0x4E40];
	v9 =	vmul.f32 v47, v44;
	[tilespmem:s31+$0x4EE0] =	vst v4  }
0x2ae: {  	v56 =	vld [tilespmem:s31+$0x4E90];
	v8 =	vmul.f32 v43, v44;
	[tilespmem:s31+$0x4DD0] =	vst v5  }
0x2af: {  	v54 =	vld [tilespmem:s31+$0x4E60];
	v11 =	vmul.f32 v55, v27;
	[tilespmem:s31+$0x4DF0] =	vst v9  }
0x2b0: {  	v58 =	vld [tilespmem:s31+$0x4EB0];
	v6 =	vmul.f32 v57, v27;
	[tilespmem:s31+$0x4DC0] =	vst v8  }
0x2b1: {  	v53 =	vld [tilespmem:s31+$0x4E50];
	[tilespmem:s31+$0x4E80] =	vst v11;
	v2 =	vmul.f32 v2, v1  }
0x2b2: {  	v59 =	vld [tilespmem:s31+$0x4EC0];
	v5 =	vmul.f32 v52, v1;
	[tilespmem:s31+$0x4EA0] =	vst v6  }
0x2b3: {  	[tilespmem:s31+$0x4E70] =	vst v2;
	v2 =	vmul.f32 v56, v27  }
0x2b4: {  	v3 =	vld [tilespmem:s31+$0x4D20];
	v9 =	vmul.f32 v54, v1;
	[tilespmem:s31+$0x4E40] =	vst v5  }
0x2b5: {  	[tilespmem:s31+$0x4E90] =	vst v2;
	v2 =	vmul.f32 v58, v27  }
0x2b6: {  	[tilespmem:s31+$0x4E60] =	vst v9;
	v1 =	vmul.f32 v53, v1  }
0x2b7: {  	[tilespmem:s31+$0x4EB0] =	vst v2;
	v2 =	vmul.f32 v59, v27  }
0x2b8: {  	[tilespmem:s31+$0x4E50] =	vst v1  }
0x2b9: {  	s12 =	simm.s32 $0x1;
	[tilespmem:s31+$0x4EC0] =	vst v2;
	v2 =	vmul.f32 v3, v35  }
.LBB2_8:
0x2ba: {  	s7 =	sshll.u32 s12, $0x4  }
0x2bb: {  	p0 =	sne.s32 s12, $0x5;
	[tilespmem:s31+$0x4D20] =	vst v2;
	s31 =	smov.u32 s12;
	s12 =	sadd.s32 $0x1, s12  }
0x2bc: {  	s7 =	sand.u32 $0x3FFFFFF0, s7  }
0x2bd: {  	v1 =	vld [tilespmem:s7+$0x4680];
	s7 =	sshll.u32 s31, $0xB  }
0x2be: {  	s31 =	sand.u32 $0x3FFFF800, s7  }
0x2bf: {  	v8 =	vld [tilespmem:s31+$0x47C0]  }
0x2c0: {  	v9 =	vld [tilespmem:s31+$0x47D0]  }
0x2c1: {  	v10 =	vld [tilespmem:s31+$0x47B0]  }
0x2c2: {  	v2 =	vbroadcast v1, $0x0;
	v3 =	vld [tilespmem:s31+$0x4720];
	v7 =	vbroadcast v1, $0x4  }
0x2c3: {  	v5 =	vld [tilespmem:s31+$0x4730]  }
0x2c4: {  	v6 =	vld [tilespmem:s31+$0x4C70]  }
0x2c5: {  	v11 =	vld [tilespmem:s31+$0x4760]  }
0x2c6: {  	v12 =	vld [tilespmem:s31+$0x4770]  }
0x2c7: {  	v4 =	vbroadcast v1, $0xA;
	v3 =	vmul.f32 v3, v2;
	v13 =	vld [tilespmem:s31+$0x4780]  }
0x2c8: {  	v5 =	vmul.f32 v5, v2;
	v14 =	vld [tilespmem:s31+$0x4790]  }
0x2c9: {  	[tilespmem:s31+$0x4720] =	vst v3;
	v15 =	vld [tilespmem:s31+$0x47A0];
	v3 =	vmul.f32 v6, v4  }
0x2ca: {  	[tilespmem:s31+$0x4730] =	vst v5;
	v6 =	vmul.f32 v11, v2;
	v11 =	vbroadcast v1, $0x1;
	v5 =	vld [tilespmem:s31+$0x4C80]  }
0x2cb: {  	v12 =	vmul.f32 v12, v2;
	[tilespmem:s31+$0x4C70] =	vst v3;
	v3 =	vld [tilespmem:s31+$0x4ED0]  }
0x2cc: {  	[tilespmem:s31+$0x4760] =	vst v6;
	v13 =	vmul.f32 v13, v11;
	v6 =	vld [tilespmem:s31+$0x4C90]  }
0x2cd: {  	[tilespmem:s31+$0x4770] =	vst v12;
	v12 =	vmul.f32 v14, v11;
	v14 =	vld [tilespmem:s31+$0x47E0]  }
0x2ce: {  	[tilespmem:s31+$0x4780] =	vst v13;
	v13 =	vmul.f32 v15, v11;
	v15 =	vld [tilespmem:s31+$0x47F0]  }
0x2cf: {  	v10 =	vmul.f32 v10, v11;
	[tilespmem:s31+$0x4790] =	vst v12;
	v12 =	vld [tilespmem:s31+$0x4800]  }
0x2d0: {  	v8 =	vmul.f32 v8, v11;
	[tilespmem:s31+$0x47A0] =	vst v13;
	v13 =	vld [tilespmem:s31+$0x4810]  }
0x2d1: {  	v9 =	vmul.f32 v9, v11;
	[tilespmem:s31+$0x47B0] =	vst v10;
	v10 =	vld [tilespmem:s31+$0x4820]  }
0x2d2: {  	[tilespmem:s31+$0x47C0] =	vst v8;
	v8 =	vmul.f32 v14, v11;
	v14 =	vbroadcast v1, $0x2;
	v16 =	vld [tilespmem:s31+$0x4830]  }
0x2d3: {  	[tilespmem:s31+$0x47D0] =	vst v9;
	v9 =	vmul.f32 v15, v11;
	v11 =	vld [tilespmem:s31+$0x4840]  }
0x2d4: {  	[tilespmem:s31+$0x47E0] =	vst v8;
	v8 =	vmul.f32 v12, v14;
	v12 =	vld [tilespmem:s31+$0x4850]  }
0x2d5: {  	[tilespmem:s31+$0x47F0] =	vst v9;
	v9 =	vmul.f32 v13, v14;
	v13 =	vld [tilespmem:s31+$0x4860]  }
0x2d6: {  	[tilespmem:s31+$0x4800] =	vst v8;
	v8 =	vmul.f32 v10, v14;
	v10 =	vld [tilespmem:s31+$0x4870]  }
0x2d7: {  	[tilespmem:s31+$0x4810] =	vst v9;
	v9 =	vmul.f32 v16, v14;
	v15 =	vld [tilespmem:s31+$0x4880]  }
0x2d8: {  	[tilespmem:s31+$0x4820] =	vst v8;
	v8 =	vmul.f32 v11, v14;
	v11 =	vld [tilespmem:s31+$0x4890]  }
0x2d9: {  	[tilespmem:s31+$0x4830] =	vst v9;
	v9 =	vmul.f32 v12, v14;
	v12 =	vld [tilespmem:s31+$0x48A0]  }
0x2da: {  	[tilespmem:s31+$0x4840] =	vst v8;
	v8 =	vmul.f32 v13, v14;
	v13 =	vbroadcast v1, $0x3;
	v16 =	vld [tilespmem:s31+$0x48B0]  }
0x2db: {  	[tilespmem:s31+$0x4850] =	vst v9;
	v9 =	vmul.f32 v10, v14;
	v10 =	vld [tilespmem:s31+$0x48C0]  }
0x2dc: {  	[tilespmem:s31+$0x4860] =	vst v8;
	v8 =	vmul.f32 v15, v13;
	v14 =	vld [tilespmem:s31+$0x48D0]  }
0x2dd: {  	[tilespmem:s31+$0x4870] =	vst v9;
	v9 =	vmul.f32 v11, v13;
	v11 =	vld [tilespmem:s31+$0x48E0]  }
0x2de: {  	[tilespmem:s31+$0x4880] =	vst v8;
	v8 =	vmul.f32 v12, v13;
	v12 =	vld [tilespmem:s31+$0x48F0]  }
0x2df: {  	[tilespmem:s31+$0x4890] =	vst v9;
	v9 =	vmul.f32 v16, v13;
	v15 =	vld [tilespmem:s31+$0x4900]  }
0x2e0: {  	[tilespmem:s31+$0x48A0] =	vst v8;
	v8 =	vmul.f32 v10, v13;
	v10 =	vld [tilespmem:s31+$0x4910]  }
0x2e1: {  	[tilespmem:s31+$0x48B0] =	vst v9;
	v9 =	vmul.f32 v14, v13;
	v14 =	vld [tilespmem:s31+$0x4920]  }
0x2e2: {  	[tilespmem:s31+$0x48C0] =	vst v8;
	v8 =	vmul.f32 v11, v13;
	v11 =	vld [tilespmem:s31+$0x4930]  }
0x2e3: {  	[tilespmem:s31+$0x48D0] =	vst v9;
	v9 =	vmul.f32 v12, v13;
	v12 =	vld [tilespmem:s31+$0x4940]  }
0x2e4: {  	[tilespmem:s31+$0x48E0] =	vst v8;
	v8 =	vmul.f32 v15, v7;
	v13 =	vld [tilespmem:s31+$0x4950]  }
0x2e5: {  	[tilespmem:s31+$0x48F0] =	vst v9;
	v9 =	vmul.f32 v10, v7;
	v10 =	vld [tilespmem:s31+$0x4960]  }
0x2e6: {  	[tilespmem:s31+$0x4900] =	vst v8;
	v8 =	vmul.f32 v14, v7;
	v14 =	vld [tilespmem:s31+$0x4970]  }
0x2e7: {  	[tilespmem:s31+$0x4910] =	vst v9;
	v9 =	vmul.f32 v11, v7;
	v11 =	vld [tilespmem:s31+$0x4980]  }
0x2e8: {  	[tilespmem:s31+$0x4920] =	vst v8;
	v8 =	vmul.f32 v12, v7;
	v12 =	vld [tilespmem:s31+$0x4990]  }
0x2e9: {  	[tilespmem:s31+$0x4930] =	vst v9;
	v9 =	vmul.f32 v13, v7;
	v13 =	vld [tilespmem:s31+$0x49A0]  }
0x2ea: {  	[tilespmem:s31+$0x4940] =	vst v8;
	v8 =	vmul.f32 v10, v7;
	v10 =	vbroadcast v1, $0x5;
	v15 =	vld [tilespmem:s31+$0x49B0]  }
0x2eb: {  	[tilespmem:s31+$0x4950] =	vst v9;
	v7 =	vmul.f32 v14, v7;
	v9 =	vld [tilespmem:s31+$0x49C0]  }
0x2ec: {  	[tilespmem:s31+$0x4960] =	vst v8;
	v8 =	vmul.f32 v11, v10;
	v11 =	vld [tilespmem:s31+$0x49D0]  }
0x2ed: {  	[tilespmem:s31+$0x4970] =	vst v7;
	v7 =	vmul.f32 v12, v10;
	v12 =	vld [tilespmem:s31+$0x49E0]  }
0x2ee: {  	[tilespmem:s31+$0x4980] =	vst v8;
	v8 =	vmul.f32 v13, v10;
	v13 =	vld [tilespmem:s31+$0x49F0]  }
0x2ef: {  	[tilespmem:s31+$0x4990] =	vst v7;
	v7 =	vmul.f32 v15, v10;
	v14 =	vld [tilespmem:s31+$0x4A00]  }
0x2f0: {  	[tilespmem:s31+$0x49A0] =	vst v8;
	v8 =	vmul.f32 v9, v10;
	v9 =	vld [tilespmem:s31+$0x4A10]  }
0x2f1: {  	[tilespmem:s31+$0x49B0] =	vst v7;
	v7 =	vmul.f32 v11, v10;
	v11 =	vld [tilespmem:s31+$0x4A20]  }
0x2f2: {  	[tilespmem:s31+$0x49C0] =	vst v8;
	v8 =	vmul.f32 v12, v10;
	v12 =	vbroadcast v1, $0x6;
	v15 =	vld [tilespmem:s31+$0x4A30]  }
0x2f3: {  	[tilespmem:s31+$0x49D0] =	vst v7;
	v7 =	vmul.f32 v13, v10;
	v10 =	vld [tilespmem:s31+$0x4A40]  }
0x2f4: {  	[tilespmem:s31+$0x49E0] =	vst v8;
	v8 =	vmul.f32 v14, v12;
	v13 =	vld [tilespmem:s31+$0x4A50]  }
0x2f5: {  	[tilespmem:s31+$0x49F0] =	vst v7;
	v7 =	vmul.f32 v9, v12;
	v9 =	vld [tilespmem:s31+$0x4A60]  }
0x2f6: {  	[tilespmem:s31+$0x4A00] =	vst v8;
	v8 =	vmul.f32 v11, v12;
	v11 =	vld [tilespmem:s31+$0x4A70]  }
0x2f7: {  	[tilespmem:s31+$0x4A10] =	vst v7;
	v7 =	vmul.f32 v15, v12;
	v14 =	vld [tilespmem:s31+$0x4A80]  }
0x2f8: {  	[tilespmem:s31+$0x4A20] =	vst v8;
	v8 =	vmul.f32 v10, v12;
	v10 =	vld [tilespmem:s31+$0x4A90]  }
0x2f9: {  	[tilespmem:s31+$0x4A30] =	vst v7;
	v7 =	vmul.f32 v13, v12;
	v13 =	vld [tilespmem:s31+$0x4AA0]  }
0x2fa: {  	[tilespmem:s31+$0x4A40] =	vst v8;
	v8 =	vmul.f32 v9, v12;
	v9 =	vbroadcast v1, $0x7;
	v15 =	vld [tilespmem:s31+$0x4AB0]  }
0x2fb: {  	[tilespmem:s31+$0x4A50] =	vst v7;
	v7 =	vmul.f32 v11, v12;
	v11 =	vld [tilespmem:s31+$0x4AC0]  }
0x2fc: {  	[tilespmem:s31+$0x4A60] =	vst v8;
	v8 =	vmul.f32 v14, v9;
	v12 =	vld [tilespmem:s31+$0x4AD0]  }
0x2fd: {  	[tilespmem:s31+$0x4A70] =	vst v7;
	v7 =	vmul.f32 v10, v9;
	v10 =	vld [tilespmem:s31+$0x4AE0]  }
0x2fe: {  	[tilespmem:s31+$0x4A80] =	vst v8;
	v8 =	vmul.f32 v13, v9;
	v13 =	vld [tilespmem:s31+$0x4AF0]  }
0x2ff: {  	[tilespmem:s31+$0x4A90] =	vst v7;
	v7 =	vmul.f32 v15, v9;
	v14 =	vld [tilespmem:s31+$0x4B00]  }
0x300: {  	[tilespmem:s31+$0x4AA0] =	vst v8;
	v8 =	vmul.f32 v11, v9;
	v11 =	vld [tilespmem:s31+$0x4B10]  }
0x301: {  	[tilespmem:s31+$0x4AB0] =	vst v7;
	v7 =	vmul.f32 v12, v9;
	v12 =	vld [tilespmem:s31+$0x4B20]  }
0x302: {  	[tilespmem:s31+$0x4AC0] =	vst v8;
	v8 =	vmul.f32 v10, v9;
	v10 =	vbroadcast v1, $0x8;
	v15 =	vld [tilespmem:s31+$0x4B30]  }
0x303: {  	[tilespmem:s31+$0x4AD0] =	vst v7;
	v7 =	vmul.f32 v13, v9;
	v9 =	vld [tilespmem:s31+$0x4B40]  }
0x304: {  	[tilespmem:s31+$0x4AE0] =	vst v8;
	v8 =	vmul.f32 v14, v10;
	v13 =	vld [tilespmem:s31+$0x4B50]  }
0x305: {  	[tilespmem:s31+$0x4AF0] =	vst v7;
	v7 =	vmul.f32 v11, v10;
	v11 =	vld [tilespmem:s31+$0x4B60]  }
0x306: {  	[tilespmem:s31+$0x4B00] =	vst v8;
	v8 =	vmul.f32 v12, v10;
	v12 =	vld [tilespmem:s31+$0x4B70]  }
0x307: {  	[tilespmem:s31+$0x4B10] =	vst v7;
	v7 =	vmul.f32 v15, v10;
	v14 =	vld [tilespmem:s31+$0x4B80]  }
0x308: {  	[tilespmem:s31+$0x4B20] =	vst v8;
	v8 =	vmul.f32 v9, v10;
	v9 =	vld [tilespmem:s31+$0x4B90]  }
0x309: {  	[tilespmem:s31+$0x4B30] =	vst v7;
	v7 =	vmul.f32 v13, v10;
	v13 =	vld [tilespmem:s31+$0x4BA0]  }
0x30a: {  	[tilespmem:s31+$0x4B40] =	vst v8;
	v8 =	vmul.f32 v11, v10;
	v11 =	vbroadcast v1, $0x9;
	v15 =	vld [tilespmem:s31+$0x4BB0]  }
0x30b: {  	[tilespmem:s31+$0x4B50] =	vst v7;
	v7 =	vmul.f32 v12, v10;
	v10 =	vld [tilespmem:s31+$0x4BC0]  }
0x30c: {  	[tilespmem:s31+$0x4B60] =	vst v8;
	v8 =	vmul.f32 v14, v11;
	v12 =	vld [tilespmem:s31+$0x4BD0]  }
0x30d: {  	[tilespmem:s31+$0x4B70] =	vst v7;
	v7 =	vmul.f32 v9, v11;
	v9 =	vld [tilespmem:s31+$0x4BE0]  }
0x30e: {  	[tilespmem:s31+$0x4B80] =	vst v8;
	v8 =	vmul.f32 v13, v11;
	v13 =	vld [tilespmem:s31+$0x4BF0]  }
0x30f: {  	[tilespmem:s31+$0x4B90] =	vst v7;
	v7 =	vmul.f32 v15, v11;
	v14 =	vld [tilespmem:s31+$0x4C00]  }
0x310: {  	[tilespmem:s31+$0x4BA0] =	vst v8;
	v8 =	vmul.f32 v10, v11;
	v10 =	vld [tilespmem:s31+$0x4C10]  }
0x311: {  	[tilespmem:s31+$0x4BB0] =	vst v7;
	v7 =	vmul.f32 v12, v11;
	v12 =	vld [tilespmem:s31+$0x4C20]  }
0x312: {  	[tilespmem:s31+$0x4BC0] =	vst v8;
	v8 =	vmul.f32 v9, v11;
	v9 =	vld [tilespmem:s31+$0x4C30]  }
0x313: {  	[tilespmem:s31+$0x4BD0] =	vst v7;
	v7 =	vmul.f32 v13, v11;
	v11 =	vld [tilespmem:s31+$0x4C40]  }
0x314: {  	[tilespmem:s31+$0x4BE0] =	vst v8;
	v8 =	vmul.f32 v14, v4;
	v13 =	vld [tilespmem:s31+$0x4C50]  }
0x315: {  	[tilespmem:s31+$0x4BF0] =	vst v7;
	v7 =	vmul.f32 v10, v4;
	v10 =	vld [tilespmem:s31+$0x4C60]  }
0x316: {  	v14 =	vld [tilespmem:s31+$0x4700];
	[tilespmem:s31+$0x4C00] =	vst v8;
	v8 =	vmul.f32 v12, v4  }
0x317: {  	v12 =	vld [tilespmem:s31+$0x4710];
	[tilespmem:s31+$0x4C10] =	vst v7;
	v7 =	vmul.f32 v9, v4  }
0x318: {  	v9 =	vld [tilespmem:s31+$0x4740];
	[tilespmem:s31+$0x4C20] =	vst v8;
	v8 =	vmul.f32 v11, v4  }
0x319: {  	v11 =	vld [tilespmem:s31+$0x4750];
	[tilespmem:s31+$0x4C30] =	vst v7;
	v7 =	vmul.f32 v13, v4  }
0x31a: {  	[tilespmem:s31+$0x4C40] =	vst v8;
	v8 =	vmul.f32 v10, v4;
	v10 =	vbroadcast v1, $0xB;
	v13 =	vld [tilespmem:s31+$0x4CA0]  }
0x31b: {  	v4 =	vbroadcast v1, $0xF;
	v14 =	vmul.f32 v2, v14;
	[tilespmem:s31+$0x4C50] =	vst v7;
	v7 =	vld [tilespmem:s31+$0x4CB0]  }
0x31c: {  	v12 =	vmul.f32 v12, v2;
	[tilespmem:s31+$0x4C60] =	vst v8;
	v5 =	vmul.f32 v5, v10;
	v8 =	vld [tilespmem:s31+$0x4CC0]  }
0x31d: {  	v6 =	vmul.f32 v6, v10;
	[tilespmem:s31+$0x4700] =	vst v14;
	v9 =	vmul.f32 v9, v2;
	v14 =	vld [tilespmem:s31+$0x4CD0]  }
0x31e: {  	v3 =	vmul.f32 v3, v4;
	v11 =	vmul.f32 v11, v2;
	[tilespmem:s31+$0x4C80] =	vst v5;
	v2 =	vld [tilespmem:s31+$0x4CE0]  }
0x31f: {  	[tilespmem:s31+$0x4C90] =	vst v6;
	v5 =	vmul.f32 v13, v10;
	v6 =	vld [tilespmem:s31+$0x4CF0]  }
0x320: {  	v7 =	vmul.f32 v7, v10;
	v13 =	vld [tilespmem:s31+$0x4D00];
	[tilespmem:s31+$0x4ED0] =	vst v3  }
0x321: {  	[tilespmem:s31+$0x4710] =	vst v12;
	v3 =	vmul.f32 v8, v10;
	v8 =	vld [tilespmem:s31+$0x4D10]  }
0x322: {  	[tilespmem:s31+$0x4740] =	vst v9;
	v9 =	vmul.f32 v14, v10;
	v12 =	vld [tilespmem:s31+$0x4D20]  }
0x323: {  	v14 =	vbroadcast v1, $0xC;
	[tilespmem:s31+$0x4CA0] =	vst v5;
	v5 =	vmul.f32 v2, v10;
	v15 =	vld [tilespmem:s31+$0x4D30]  }
0x324: {  	[tilespmem:s31+$0x4CD0] =	vst v9;
	v6 =	vmul.f32 v6, v10;
	v9 =	vld [tilespmem:s31+$0x4D40]  }
0x325: {  	[tilespmem:s31+$0x4CB0] =	vst v7;
	v2 =	vmul.f32 v13, v14;
	v7 =	vld [tilespmem:s31+$0x4D50]  }
0x326: {  	[tilespmem:s31+$0x4CC0] =	vst v3;
	v3 =	vmul.f32 v8, v14;
	v8 =	vld [tilespmem:s31+$0x4D60]  }
0x327: {  	[tilespmem:s31+$0x4D00] =	vst v2;
	v2 =	vmul.f32 v12, v14;
	v10 =	vld [tilespmem:s31+$0x4D70]  }
0x328: {  	[tilespmem:s31+$0x4D10] =	vst v3;
	v3 =	vld [tilespmem:s31+$0x4D80]  }
0x329: {  	[tilespmem:s31+$0x4750] =	vst v11;
	v9 =	vmul.f32 v9, v14;
	v11 =	vld [tilespmem:s31+$0x4D90]  }
0x32a: {  	[tilespmem:s31+$0x4CE0] =	vst v5;
	v5 =	vmul.f32 v7, v14;
	v7 =	vld [tilespmem:s31+$0x4DA0]  }
0x32b: {  	[tilespmem:s31+$0x4D40] =	vst v9;
	v8 =	vmul.f32 v8, v14;
	v9 =	vbroadcast v1, $0xD;
	v12 =	vld [tilespmem:s31+$0x4DB0]  }
0x32c: {  	[tilespmem:s31+$0x4D50] =	vst v5;
	v5 =	vmul.f32 v10, v14;
	v10 =	vld [tilespmem:s31+$0x4DC0]  }
0x32d: {  	[tilespmem:s31+$0x4D60] =	vst v8;
	v3 =	vmul.f32 v3, v9;
	v8 =	vld [tilespmem:s31+$0x4DD0]  }
0x32e: {  	[tilespmem:s31+$0x4D70] =	vst v5;
	v5 =	vmul.f32 v11, v9;
	v11 =	vld [tilespmem:s31+$0x4DE0]  }
0x32f: {  	[tilespmem:s31+$0x4D80] =	vst v3;
	v3 =	vmul.f32 v7, v9;
	v7 =	vld [tilespmem:s31+$0x4DF0]  }
0x330: {  	[tilespmem:s31+$0x4D90] =	vst v5;
	v5 =	vmul.f32 v12, v9;
	v12 =	vld [tilespmem:s31+$0x4E00]  }
0x331: {  	[tilespmem:s31+$0x4DA0] =	vst v3;
	v3 =	vmul.f32 v10, v9;
	v10 =	vld [tilespmem:s31+$0x4E10]  }
0x332: {  	[tilespmem:s31+$0x4DB0] =	vst v5;
	v5 =	vmul.f32 v8, v9;
	v8 =	vld [tilespmem:s31+$0x4E20]  }
0x333: {  	v1 =	vbroadcast v1, $0xE;
	[tilespmem:s31+$0x4CF0] =	vst v6;
	v6 =	vmul.f32 v11, v9;
	v11 =	vld [tilespmem:s31+$0x4E30]  }
0x334: {  	[tilespmem:s31+$0x4DD0] =	vst v5;
	v5 =	vmul.f32 v7, v9;
	v7 =	vld [tilespmem:s31+$0x4E40]  }
0x335: {  	[tilespmem:s31+$0x4DE0] =	vst v6;
	v6 =	vmul.f32 v12, v1;
	v9 =	vld [tilespmem:s31+$0x4E50]  }
0x336: {  	[tilespmem:s31+$0x4DF0] =	vst v5;
	v5 =	vmul.f32 v10, v1;
	v10 =	vld [tilespmem:s31+$0x4E60]  }
0x337: {  	[tilespmem:s31+$0x4E00] =	vst v6;
	v6 =	vmul.f32 v8, v1;
	v8 =	vld [tilespmem:s31+$0x4E70]  }
0x338: {  	[tilespmem:s31+$0x4E10] =	vst v5;
	v5 =	vmul.f32 v11, v1;
	v11 =	vld [tilespmem:s31+$0x4E80]  }
0x339: {  	[tilespmem:s31+$0x4E20] =	vst v6;
	v6 =	vmul.f32 v7, v1;
	v7 =	vld [tilespmem:s31+$0x4E90]  }
0x33a: {  	[tilespmem:s31+$0x4E30] =	vst v5;
	v5 =	vmul.f32 v9, v1;
	v9 =	vld [tilespmem:s31+$0x4EA0]  }
0x33b: {  	[tilespmem:s31+$0x4E40] =	vst v6;
	v6 =	vmul.f32 v10, v1;
	v10 =	vld [tilespmem:s31+$0x4EB0]  }
0x33c: {  	[tilespmem:s31+$0x4DC0] =	vst v3;
	v1 =	vmul.f32 v8, v1;
	v3 =	vld [tilespmem:s31+$0x4EC0]  }
0x33d: {  	[tilespmem:s31+$0x4E60] =	vst v6;
	v6 =	vmul.f32 v11, v4;
	v8 =	vld [tilespmem:s31+$0x4EE0]  }
0x33e: {  	[tilespmem:s31+$0x4E70] =	vst v1;
	v1 =	vmul.f32 v7, v4;
	v7 =	vld [tilespmem:s31+$0x4EF0]  }
0x33f: {  	[tilespmem:s31+$0x4E80] =	vst v6;
	v6 =	vmul.f32 v9, v4  }
0x340: {  	[tilespmem:s31+$0x4E90] =	vst v1;
	v1 =	vmul.f32 v10, v4  }
0x341: {  	v9 =	vmul.f32 v15, v14;
	[tilespmem:s31+$0x4EA0] =	vst v6  }
0x342: {  	[tilespmem:s31+$0x4EB0] =	vst v1;
	v1 =	vmul.f32 v3, v4  }
.Ltmp2:
0x343: {  	[tilespmem:s31+$0x4D30] =	vst v9;
	v3 =	vmul.f32 v7, v4;
	(pc) =	sbr.rel @p0 .LBB2_8-.Ltmp2, $4  }
0x344: {  	[tilespmem:s31+$0x4EC0] =	vst v1  }
0x345: {  	v1 =	vmul.f32 v8, v4;
	[tilespmem:s31+$0x4EF0] =	vst v3  }
0x346: {  	[tilespmem:s31+$0x4E50] =	vst v5  }
0x347: {  	[tilespmem:s31+$0x4EE0] =	vst v1  }
0x348: {  	[tilespmem:s31+$0x4D20] =	vst v2  }
0x349: {  	v1 =	vld [tilespmem:$0x46E0];
	_ =	sdelay $0x1  }
0x34a: {  	v2 =	vld [tilespmem:$0x7700]  }
0x34b: {  	v3 =	vld [tilespmem:$0x7710]  }
0x34c: {  	v4 =	vld [tilespmem:$0x7720]  }
0x34d: {  	v6 =	vld [tilespmem:$0x7730];
	v5 =	vbroadcast v1, $0x0  }
0x34e: {  	v7 =	vld [tilespmem:$0x7740]  }
0x34f: {  	v8 =	vld [tilespmem:$0x7750];
	v2 =	vmul.f32 v5, v2  }
0x350: {  	v9 =	vld [tilespmem:$0x7760];
	v3 =	vmul.f32 v3, v5  }
0x351: {  	v38 =	vld [tilespmem:$0x7770];
	[tilespmem:$0x7700] =	vst v2;
	v2 =	vmul.f32 v4, v5  }
0x352: {  	v39 =	vld [tilespmem:$0x7780];
	[tilespmem:$0x7710] =	vst v3;
	v3 =	vmul.f32 v6, v5  }
0x353: {  	v40 =	vld [tilespmem:$0x7790];
	[tilespmem:$0x7720] =	vst v2;
	v2 =	vmul.f32 v7, v5  }
0x354: {  	v41 =	vld [tilespmem:$0x77A0];
	[tilespmem:$0x7730] =	vst v3;
	v3 =	vmul.f32 v8, v5  }
0x355: {  	v10 =	vld [tilespmem:$0x77B0];
	v42 =	vbroadcast v1, $0x1;
	[tilespmem:$0x7740] =	vst v2;
	v2 =	vmul.f32 v9, v5  }
0x356: {  	v43 =	vld [tilespmem:$0x77C0];
	[tilespmem:$0x7750] =	vst v3;
	v3 =	vmul.f32 v38, v5  }
0x357: {  	v44 =	vld [tilespmem:$0x77D0];
	[tilespmem:$0x7760] =	vst v2;
	v2 =	vmul.f32 v39, v42  }
0x358: {  	v45 =	vld [tilespmem:$0x77E0];
	[tilespmem:$0x7770] =	vst v3;
	v3 =	vmul.f32 v40, v42  }
0x359: {  	v46 =	vld [tilespmem:$0x77F0];
	[tilespmem:$0x7780] =	vst v2;
	v2 =	vmul.f32 v41, v42  }
0x35a: {  	v47 =	vld [tilespmem:$0x7800];
	[tilespmem:$0x7790] =	vst v3;
	v3 =	vmul.f32 v10, v42  }
0x35b: {  	v48 =	vld [tilespmem:$0x7810];
	[tilespmem:$0x77A0] =	vst v2;
	v2 =	vmul.f32 v43, v42  }
0x35c: {  	v49 =	vld [tilespmem:$0x7820];
	[tilespmem:$0x77B0] =	vst v3;
	v3 =	vmul.f32 v44, v42  }
0x35d: {  	v51 =	vld [tilespmem:$0x7830];
	v50 =	vbroadcast v1, $0x2;
	[tilespmem:$0x77C0] =	vst v2;
	v2 =	vmul.f32 v45, v42  }
0x35e: {  	v52 =	vld [tilespmem:$0x7840];
	[tilespmem:$0x77D0] =	vst v3;
	v3 =	vmul.f32 v46, v42  }
0x35f: {  	v53 =	vld [tilespmem:$0x7850];
	[tilespmem:$0x77E0] =	vst v2;
	v2 =	vmul.f32 v47, v50  }
0x360: {  	v54 =	vld [tilespmem:$0x7860];
	[tilespmem:$0x77F0] =	vst v3;
	v3 =	vmul.f32 v48, v50  }
0x361: {  	v55 =	vld [tilespmem:$0x7870];
	[tilespmem:$0x7800] =	vst v2;
	v2 =	vmul.f32 v49, v50  }
0x362: {  	v56 =	vld [tilespmem:$0x7880];
	[tilespmem:$0x7810] =	vst v3;
	v3 =	vmul.f32 v51, v50  }
0x363: {  	v57 =	vld [tilespmem:$0x7890];
	[tilespmem:$0x7820] =	vst v2;
	v2 =	vmul.f32 v52, v50  }
0x364: {  	v58 =	vld [tilespmem:$0x78A0];
	[tilespmem:$0x7830] =	vst v3;
	v3 =	vmul.f32 v53, v50  }
0x365: {  	v59 =	vld [tilespmem:$0x78B0];
	v1 =	vbroadcast v1, $0x3;
	[tilespmem:$0x7840] =	vst v2;
	v2 =	vmul.f32 v54, v50  }
0x366: {  	v60 =	vld [tilespmem:$0x78C0];
	[tilespmem:$0x7850] =	vst v3;
	v3 =	vmul.f32 v55, v50  }
0x367: {  	v61 =	vld [tilespmem:$0x78D0];
	[tilespmem:$0x7860] =	vst v2;
	v2 =	vmul.f32 v56, v1  }
0x368: {  	v62 =	vld [tilespmem:$0x78E0];
	[tilespmem:$0x7870] =	vst v3;
	v3 =	vmul.f32 v57, v1  }
0x369: {  	v63 =	vld [tilespmem:$0x78F0];
	[tilespmem:$0x7880] =	vst v2;
	v2 =	vmul.f32 v58, v1  }
0x36a: {  	[tilespmem:$0x7890] =	vst v3;
	v3 =	vmul.f32 v59, v1  }
0x36b: {  	[tilespmem:$0x78A0] =	vst v2;
	v2 =	vmul.f32 v60, v1  }
0x36c: {  	[tilespmem:$0x78B0] =	vst v3;
	v3 =	vmul.f32 v61, v1  }
0x36d: {  	[tilespmem:$0x78C0] =	vst v2;
	v2 =	vmul.f32 v62, v1  }
0x36e: {  	[tilespmem:$0x78D0] =	vst v3;
	v1 =	vmul.f32 v63, v1  }
0x36f: {  	[tilespmem:$0x78E0] =	vst v2  }
0x370: {  	[tilespmem:$0x78F0] =	vst v1  }
0x371: {  	[spmem:s4] =	stream.indirect.scatter.add.f32 [tilespmem:s19], [sflag:$0x4], $0x80, s30, s14, $0xb8;
	[tilespmem:$0x1BD80] =	vst v63  }
0x372: {  	_ = 	snop  }
0x373: {  	[spmem:s5] =	stream.indirect.scatter.add.f32 [tilespmem:s22], [sflag:$0x4], $0x1, s30, s14, $0xb8;
	[tilespmem:$0x1BD80] =	vst v63  }
0x374: {  	_ =	swait.ge [sflag:s23], $0x3200  }
0x375: {  	[sflag:s23] =	ssyncset.done $0x0  }
0x376: {  	[sflag:s23] =	ssyncadd.s32 $0xFFFFCE00  }
0x377: {  	p0 =	seq.s32 s28, $0x4;
	_ =	swait.ge [sflag:s23], $0x64  }
0x378: {  	s7 =	sadd.s32 @!p0 $0x100, s29;
	[sflag:s23] =	ssyncset.done $0x0  }
0x379: {  	s12 =	simm.s32 @!p0 $0x64;
	s30 =	simm.s32 @!p0 $0x1000;
	[sflag:s23] =	ssyncadd.s32 $0xFFFFFF9C  }
0x37a: {  	[tilespmem:s30], [sflag:$0x1] =	stream.indirect.gather @!p0 [hbm4b:s1+s12], $0x1, s7, s12, $0xb8;
	[tilespmem:$0x1BD80] =	vst v63  }
0x37b: {  	s29 =	sadd.s32 @!p0 $0x900, s29;
	s30 =	simm.s32 @!p0 $0x1080  }
0x37c: {  	[tilespmem:s30], [sflag:$0x1] =	stream.indirect.gather @!p0 [hbm4b:s3+s12], $0x1, s29, s12, $0xb8;
	[tilespmem:$0x1BD80] =	vst v63  }
0x37d: {  	s28 =	sadd.s32 $0x1, s28;
	s29 =	simm.s32 @!p0 $0x1180  }
0x37e: {  	[tilespmem:s29], [sflag:$0x1] =	stream.indirect.gather @!p0 [hbm4b:s0+s12], $0x80, s7, s12, $0xb8;
	[tilespmem:$0x1BD80] =	vst v63  }
0x37f: {  	p0 =	sne.s32 s28, $0x5;
	_ =	swait.ge [sflag:s24], $0x3200  }
.Ltmp3:
0x380: {  	[sflag:s24] =	ssyncset.done $0x0;
	(pc) =	sbr.rel @p0 .LBB2_5-.Ltmp3, $4  }
0x381: {  	[sflag:s24] =	ssyncadd.s32 $0xFFFFCE00  }
0x382: {  	_ =	swait.ge [sflag:s24], $0x64  }
0x383: {  	[sflag:s24] =	ssyncset.done $0x0  }
0x384: {  	[sflag:s24] =	ssyncadd.s32 $0xFFFFFF9C  }
0x385: {  	s26 =	sadd.s32 $0x1, s26  }
0x386: {  	p0 =	sne.s32 s26, $0xA  }
.Ltmp4:
0x387: {  	_ = 	snop;
	(pc) =	sbr.rel @p0 .LBB2_4-.Ltmp4, $1  }
0x388: {  	_ =	sdelay $0x3  }
0x389: {  	s7 =	stileid.u32;
	[bflag:$0x0] =	sbarrier.arrive $0xFFFF  }
0x38a: {  	s7 =	sshll.u32 s7, $0x6;
	s26 =	rddreg [dreg:$0xb]  }
0x38b: {  	s25 =	rddreg [dreg:$0xa];
	s7 =	sor.u32 $0x1C05, s7;
	s12 =	sshrl.u32 s26, $0x3  }
0x38c: {  	[hbm:s25], [sflag:s7] =	dma.local [spmem:s12], $0x2800  }
0x38d: {  	_ =	swait.ge [sflag:s6], $0x2800  }
0x38e: {  	s28 =	simm.s32 $0x20;
	[sflag:s6] =	ssyncset.done $0x0;
	s30 =	rddreg [dreg:$0xc]  }
0x38f: {  	s29 =	simm.s32 $0x10;
	s31 =	rddreg [dreg:$0x1d];
	[sflag:s6] =	ssyncadd.s32 $0xFFFFD800  }
0x390: {  	[hbm:s30@s28], [sflag:s7] =	dma.strided [spmem:s31@s29], $0x50, s20, $0x10   }
0x391: {  	_ =	swait.ge [sflag:s6], $0x50  }
0x392: {  	s30 =	rddreg [dreg:$0x9]  }
0x393: {  	s31 =	rddreg [dreg:$0xd];
	s25 =	sadd.s32 $0x1, s30  }
0x394: {  	p0 =	sne.s32 s25, s31  }
.Ltmp5:
0x395: {  	_ = 	snop;
	(pc) =	sbr.rel @p0 .LBB2_1-.Ltmp5, $3  }
0x396: {  	_ =	sdelay $0x1  }
0x397: {  	[sflag:s6] =	ssyncset.done $0x0  }
0x398: {  	[sflag:s6] =	ssyncadd.s32 $0xFFFFFFB0  }
0x399: {  	_ =	sfence.sel $0x180000  }
0x39a: {  	[bflag:$0x0] =	sbarrier.arrive $0xFFFF  }
0x39b: {  	_ =	strace $0x90000047  }
0x39c: {  	s0 =	stileid.u32;
	[bflag:$0x2] =	sbarrier.arrive $0xFFFF  }
0x39d: {  	p0 =	sne.s32 s0, $0x0;
	s0 =	rddreg [dreg:$0x8]  }
0x39e: {  	s0 =	sadd.s32 @!p0 $0x100000, s0  }
0x39f: {  	[sflag:s0] =	ssyncadd.tile.s32 @!p0 $0x1;
	_ =	shalt  }
.Lfunc_end2:
_tile_overlayer_lowered:
.L_overlay_start_2:
0x3a0: {  	(tag) =	ssettag $0x2  }
0x3a1: {  	s0 =	rddreg [dreg:$0x0];
	s2 =	stileid.u32  }
0x3a2: {  	s1 =	rddreg [dreg:$0x1];
	p0 =	sne.s32 s2, $0x0  }
0x3a3: {  	s3 =	rddreg [dreg:$0x2];
	[bflag:$0x3] =	sbarrier.arrive $0xFFFF;
	s2 =	simm.s32 @!p0 $0x1C05  }
0x3a4: {  	[timem:s3], [sflag:s2] =	dma.local @!p0 [hbm:s0], s1  }
0x3a5: {  	s0 =	simm.s32 @!p0 $0x5  }
0x3a6: {  	_ =	swait.ge @!p0 [sflag:s0], s1  }
0x3a7: {  	s1 =	ssub.s32 @!p0 $0x0, s1;
	[sflag:s0] =	ssyncset.done @!p0 $0x0  }
0x3a8: {  	[sflag:s0] =	ssyncadd.s32 @!p0 s1  }
0x3a9: {  	[bflag:$0x3] =	sbarrier.arrive $0xFFFF  }
0x3aa: {  	_ =	shalt  }

</sc_bundles>
